<compile_context>
chip_gen: v7x
topology: tpu7x:2x2x1
jax: 0.10.2.dev20260603
libtpu: 0.0.44.dev20260713+nightly
codegen_flags: <defaults>
</compile_context>

<pallas_src>
import jax
import jax.numpy as jnp
from jax import lax
from jax.experimental import pallas as pl
from jax.experimental.pallas import tpu as pltpu
from jax.experimental.pallas import tpu_sc as plsc

VOCAB = 1000000
MAXLEN = 200
EMBED = 32
BATCH = 4096

NC = 2
NS = 16
NW = NC * NS
LT = MAXLEN // 8
BT = BATCH // 128
ET = EMBED // 8
NQ = 8
LSPAN = MAXLEN // 4
LTSPAN = LSPAN // 8 + 2


def _body(x_hbm, tok_hbm, pos_hbm, out_hbm,
          idx_v, gbuf0, gbuf1, obuf0, obuf1, pos_v,
          sg0, sg1, ss0, ss1, si):
    gbuf = (gbuf0, gbuf1)
    obuf = (obuf0, obuf1)
    sg = (sg0, sg1)
    ss = (ss0, ss1)
    w = lax.axis_index("s") * NC + lax.axis_index("c")
    q = w // 4
    l0 = (w % 4) * LSPAN
    lt0 = l0 // 8

    pltpu.sync_copy(pos_hbm, pos_v)
    for t in range(LTSPAN):
        for j in range(4):
            pltpu.async_copy(x_hbm.at[lt0 + t, 4 * q + j], idx_v.at[t, j], si)
    for _ in range(LTSPAN * 4):
        pltpu.make_async_copy(x_hbm.at[0, 0], idx_v.at[0, 0], si).wait()

    iota = lax.iota(jnp.int32, 16)
    rows = (iota, iota + 16)
    zero16 = iota * 0

    def fire_gathers(l, b):
        t = l // 8 - lt0
        ls = l % 8
        for j in range(4):
            pltpu.async_copy(tok_hbm.at[idx_v.at[t, j, ls]], gbuf[b].at[j], sg[b])

    fire_gathers(l0, 0)

    @pl.loop(0, LSPAN, step=2)
    def _seq(g):
        for b in range(2):
            l = l0 + g + b
            o = 1 - b

            @pl.when(g + b + 1 < LSPAN)
            def _():
                fire_gathers(l + 1, o)

            for j in range(4):
                pltpu.make_async_copy(
                    tok_hbm.at[pl.ds(0, 128)], gbuf[b].at[j], sg[b]).wait()

            @pl.when(g + b >= 2)
            def _():
                for _ in range(ET):
                    pltpu.make_async_copy(
                        obuf[b].at[:, pl.ds(0, 8), pl.ds(0, 128)],
                        out_hbm.at[0, 0, 0], ss[b]).wait()

            ph = (pos_v.at[l, pl.ds(0, 16)][...], pos_v.at[l, pl.ds(16, 16)][...])

            for btj in range(4):
                @plsc.parallel_loop(0, 128, step=1, unroll=8)
                def _row(bs):
                    cols = zero16 + bs
                    for h in range(2):
                        v = gbuf[b].at[btj, bs, pl.ds(h * 16, 16)][...] + ph[h]
                        plsc.store_scatter(
                            obuf[b], [zero16 + btj, rows[h], cols], v)

            for et in range(ET):
                pltpu.async_copy(
                    obuf[b].at[:, pl.ds(et * 8, 8), pl.ds(0, 128)],
                    out_hbm.at[l, et, q], ss[b])

    for b in range(2):
        for _ in range(ET):
            pltpu.make_async_copy(
                obuf[b].at[:, pl.ds(0, 8), pl.ds(0, 128)],
                out_hbm.at[0, 0, 0], ss[b]).wait()


def kernel(x, token_table, pos_table):
    x4 = jnp.transpose(
        jnp.reshape(jnp.transpose(x), (LT, 8, BT, 128)), (0, 2, 1, 3))
    mesh = plsc.VectorSubcoreMesh(core_axis_name="c", subcore_axis_name="s")
    k = pl.kernel(
        _body,
        out_type=jax.ShapeDtypeStruct((MAXLEN, ET, NQ, 4, 8, 128), jnp.float32),
        mesh=mesh,
        compiler_params=pltpu.CompilerParams(
            use_tc_tiling_on_sc=False, needs_layout_passes=False),
        scratch_types=[
            pltpu.VMEM((LTSPAN, 4, 8, 128), jnp.int32),
            pltpu.VMEM((4, 128, EMBED), jnp.float32),
            pltpu.VMEM((4, 128, EMBED), jnp.float32),
            pltpu.VMEM((4, 32, 129), jnp.float32),
            pltpu.VMEM((4, 32, 129), jnp.float32),
            pltpu.VMEM((MAXLEN, EMBED), jnp.float32),
            pltpu.SemaphoreType.DMA,
            pltpu.SemaphoreType.DMA,
            pltpu.SemaphoreType.DMA,
            pltpu.SemaphoreType.DMA,
            pltpu.SemaphoreType.DMA,
        ],
    )
    out6 = k(x4, token_table, pos_table)
    return jnp.reshape(
        jnp.transpose(
            jnp.reshape(out6, (MAXLEN, ET, BT, 8, 128)), (2, 4, 0, 1, 3)),
        (BATCH, MAXLEN, EMBED))

# --- scband reference (transcript-rebuilt; emitter-appended) ---
"""Pipeline reference for scband-token-and-position-embedding-33638183862395 (READ-ONLY COPY).

The authoritative reference and input builder live on the scoring server;
editing this copy changes nothing except your own understanding.
"""

import jax, jax.numpy as jnp
import numpy as np

VOCAB = 1000000
MAXLEN = 200
EMBED = 32
BATCH = 4096

def setup_inputs(seed: int = 0) -> dict:
    key = jax.random.key(seed)
    k1, k2, k3 = jax.random.split(key, 3)
    x = jax.random.randint(k1, (BATCH, MAXLEN), 0, VOCAB, dtype=jnp.int64 if jax.config.jax_enable_x64 else jnp.int32)
    token_table = jax.random.normal(k2, (VOCAB, EMBED), dtype=jnp.float32) * 0.05
    pos_table = jax.random.normal(k3, (MAXLEN, EMBED), dtype=jnp.float32) * 0.05
    return {"x": x, "token_table": token_table, "pos_table": pos_table}

def reference(x, token_table, pos_table):
    seq_len = x.shape[-1]
    positions = jnp.arange(seq_len)
    pos_emb = jnp.take(pos_table, positions, axis=0)  # [L, E]
    tok_emb = jnp.take(token_table, x, axis=0)        # [B, L, E]
    return tok_emb + pos_emb[None, :, :]

if __name__ == "__main__":
    import jax
    _d = setup_inputs()
    print(jax.jit(kernel)(*tuple(_d.values())))

</pallas_src>

<mosaic_0001>
#map = affine_map<(d0, d1) -> (0, 0, 0, 0)>
#map1 = affine_map<(d0, d1) -> (0, 0)>
#map2 = affine_map<(d0, d1) -> (0, 0, 0, 0, 0, 0)>
module attributes {stable_mosaic.version = 14 : i64} {
  func.func @_body(%arg0: i32, %arg1: i32, %arg2: memref<25x32x8x128xi32, #tpu.memory_space<hbm>>, %arg3: memref<1000000x32xf32, #tpu.memory_space<hbm>>, %arg4: memref<200x32xf32, #tpu.memory_space<hbm>>, %arg5: memref<200x4x8x4x8x128xf32, #tpu.memory_space<hbm>>, %arg6: memref<8x4x8x128xi32, #tpu.memory_space<vmem>>, %arg7: memref<4x128x32xf32, #tpu.memory_space<vmem>>, %arg8: memref<4x128x32xf32, #tpu.memory_space<vmem>>, %arg9: memref<4x32x129xf32, #tpu.memory_space<vmem>>, %arg10: memref<4x32x129xf32, #tpu.memory_space<vmem>>, %arg11: memref<200x32xf32, #tpu.memory_space<vmem>>, %arg12: memref<!tpu.dma_semaphore, #tpu.memory_space<semaphore_mem>>, %arg13: memref<!tpu.dma_semaphore, #tpu.memory_space<semaphore_mem>>, %arg14: memref<!tpu.dma_semaphore, #tpu.memory_space<semaphore_mem>>, %arg15: memref<!tpu.dma_semaphore, #tpu.memory_space<semaphore_mem>>, %arg16: memref<!tpu.dma_semaphore, #tpu.memory_space<semaphore_mem>>) attributes {dimension_semantics = [#tpu.dimension_semantics<core_parallel>, #tpu.dimension_semantics<subcore_parallel>], iteration_bounds = array<i64: 2, 16>, scalar_prefetch = 0 : i64, scratch_operands = 11 : i64, tpu.core_type = #tpu.core_type<sc_vector_subcore>, window_params = [{transform_indices = #map}, {transform_indices = #map1}, {transform_indices = #map1}, {transform_indices = #map2}]} {
    %mul3A = arith.constant 2 : i32
    %mul3A_0 = arith.muli %arg1, %mul3A : i32
    %add3A = arith.addi %mul3A_0, %arg0 : i32
    %jit3A = arith.constant 4 : i32
    %div3A = arith.divsi %add3A, %jit3A : i32
    %sign3A = arith.constant 0 : i32
    %sign3A_1 = arith.cmpi sgt, %add3A, %sign3A : i32
    %sign3A_2 = arith.extui %sign3A_1 : i1 to i32
    %sign3A_3 = arith.constant 0 : i32
    %sign3A_4 = arith.cmpi slt, %add3A, %sign3A_3 : i32
    %sign3A_5 = arith.extui %sign3A_4 : i1 to i32
    %sign3A_6 = arith.subi %sign3A_2, %sign3A_5 : i32
    %sign3A_7 = arith.constant 0 : i32
    %sign3A_8 = arith.cmpi sgt, %jit3A, %sign3A_7 : i32
    %sign3A_9 = arith.extui %sign3A_8 : i1 to i32
    %sign3A_10 = arith.constant 0 : i32
    %sign3A_11 = arith.cmpi slt, %jit3A, %sign3A_10 : i32
    %sign3A_12 = arith.extui %sign3A_11 : i1 to i32
    %sign3A_13 = arith.subi %sign3A_9, %sign3A_12 : i32
    %ne3A = arith.cmpi ne, %sign3A_6, %sign3A_13 : i32
    %rem3A = arith.remsi %add3A, %jit3A : i32
    %ne3A_14 = arith.constant 0 : i32
    %ne3A_15 = arith.cmpi ne, %rem3A, %ne3A_14 : i32
    %and3A = arith.andi %ne3A, %ne3A_15 : i1
    %sub3A = arith.constant 1 : i32
    %sub3A_16 = arith.subi %div3A, %sub3A : i32
    %select_n3A = arith.select %and3A, %sub3A_16, %div3A : i32
    %jit3A_17 = arith.constant 4 : i32
    %eq3A = arith.constant 0 : i32
    %eq3A_18 = arith.cmpi eq, %jit3A_17, %eq3A : i32
    %jit3A_19 = arith.constant 1 : i32
    %select_n3A_20 = arith.select %eq3A_18, %jit3A_19, %jit3A_17 : i32
    %rem3A_21 = arith.remsi %add3A, %select_n3A_20 : i32
    %ne3A_22 = arith.constant 0 : i32
    %ne3A_23 = arith.cmpi ne, %rem3A_21, %ne3A_22 : i32
    %lt3A = arith.constant 0 : i32
    %lt3A_24 = arith.cmpi slt, %rem3A_21, %lt3A : i32
    %lt3A_25 = arith.constant 0 : i32
    %lt3A_26 = arith.cmpi slt, %select_n3A_20, %lt3A_25 : i32
    %ne3A_27 = arith.xori %lt3A_24, %lt3A_26 : i1
    %and3A_28 = arith.andi %ne3A_27, %ne3A_23 : i1
    %add3A_29 = arith.addi %rem3A_21, %select_n3A_20 : i32
    %select_n3A_30 = arith.select %and3A_28, %add3A_29, %rem3A_21 : i32
    %mul3A_31 = arith.constant 50 : i32
    %mul3A_32 = arith.muli %select_n3A_30, %mul3A_31 : i32
    %jit3A_33 = arith.constant 8 : i32
    %div3A_34 = arith.divsi %mul3A_32, %jit3A_33 : i32
    %sign3A_35 = arith.constant 0 : i32
    %sign3A_36 = arith.cmpi sgt, %mul3A_32, %sign3A_35 : i32
    %sign3A_37 = arith.extui %sign3A_36 : i1 to i32
    %sign3A_38 = arith.constant 0 : i32
    %sign3A_39 = arith.cmpi slt, %mul3A_32, %sign3A_38 : i32
    %sign3A_40 = arith.extui %sign3A_39 : i1 to i32
    %sign3A_41 = arith.subi %sign3A_37, %sign3A_40 : i32
    %sign3A_42 = arith.constant 0 : i32
    %sign3A_43 = arith.cmpi sgt, %jit3A_33, %sign3A_42 : i32
    %sign3A_44 = arith.extui %sign3A_43 : i1 to i32
    %sign3A_45 = arith.constant 0 : i32
    %sign3A_46 = arith.cmpi slt, %jit3A_33, %sign3A_45 : i32
    %sign3A_47 = arith.extui %sign3A_46 : i1 to i32
    %sign3A_48 = arith.subi %sign3A_44, %sign3A_47 : i32
    %ne3A_49 = arith.cmpi ne, %sign3A_41, %sign3A_48 : i32
    %rem3A_50 = arith.remsi %mul3A_32, %jit3A_33 : i32
    %ne3A_51 = arith.constant 0 : i32
    %ne3A_52 = arith.cmpi ne, %rem3A_50, %ne3A_51 : i32
    %and3A_53 = arith.andi %ne3A_49, %ne3A_52 : i1
    %sub3A_54 = arith.constant 1 : i32
    %sub3A_55 = arith.subi %div3A_34, %sub3A_54 : i32
    %select_n3A_56 = arith.select %and3A_53, %sub3A_55, %div3A_34 : i32
    "tpu.region"() ({
      %run_scoped3A = tpu.sem_alloc : memref<!tpu.dma_semaphore, #tpu.memory_space<semaphore_mem>>
      tpu.enqueue_dma source(%arg4 : memref<200x32xf32, #tpu.memory_space<hbm>>) target(%arg11 : memref<200x32xf32, #tpu.memory_space<vmem>>) target_semaphore(%run_scoped3A : memref<!tpu.dma_semaphore, #tpu.memory_space<semaphore_mem>>)
      tpu.wait_dma2 semaphore(%run_scoped3A : memref<!tpu.dma_semaphore, #tpu.memory_space<semaphore_mem>>) src(%arg4 : memref<200x32xf32, #tpu.memory_space<hbm>>) dst(%arg11 : memref<200x32xf32, #tpu.memory_space<vmem>>)
      tpu.yield
    }) : () -> ()
    %add3A_57 = arith.constant 0 : i32
    %add3A_58 = arith.addi %select_n3A_56, %add3A_57 : i32
    %mul3A_59 = arith.constant 4 : i32
    %mul3A_60 = arith.muli %mul3A_59, %select_n3A : i32
    %add3A_61 = arith.constant 0 : i32
    %add3A_62 = arith.addi %mul3A_60, %add3A_61 : i32
    %dma_start3A = arith.constant 0 : i32
    %dma_start3A_63 = arith.constant 0 : i32
    %dma_start3A_64 = arith.constant 0 : i32
    %dma_start3A_65 = arith.constant 0 : i32
    %dma_start3A_66 = tpu.memref_slice %arg6[%dma_start3A, %dma_start3A_63, %dma_start3A_64, %dma_start3A_65] : memref<8x4x8x128xi32, #tpu.memory_space<vmem>> -> memref<1x1x8x128xi32, #tpu.memory_space<vmem>>
    %dma_start3A_67 = tpu.memref_squeeze %dma_start3A_66 : memref<1x1x8x128xi32, #tpu.memory_space<vmem>> -> memref<8x128xi32, #tpu.memory_space<vmem>>
    %dma_start3A_68 = arith.constant 0 : i32
    %dma_start3A_69 = arith.constant 0 : i32
    %dma_start3A_70 = tpu.memref_slice %arg2[%add3A_58, %add3A_62, %dma_start3A_68, %dma_start3A_69] : memref<25x32x8x128xi32, #tpu.memory_space<hbm>> -> memref<1x1x8x128xi32, #tpu.memory_space<hbm>>
    %dma_start3A_71 = tpu.memref_squeeze %dma_start3A_70 : memref<1x1x8x128xi32, #tpu.memory_space<hbm>> -> memref<8x128xi32, #tpu.memory_space<hbm>>
    %dma_start3A_72 = arith.constant 0 : i32
    %dma_start3A_73 = arith.constant 0 : i32
    %dma_start3A_74 = tpu.memref_slice %arg6[%dma_start3A, %dma_start3A_63, %dma_start3A_72, %dma_start3A_73] : memref<8x4x8x128xi32, #tpu.memory_space<vmem>> -> memref<1x1x8x128xi32, #tpu.memory_space<vmem>>
    %dma_start3A_75 = tpu.memref_squeeze %dma_start3A_74 : memref<1x1x8x128xi32, #tpu.memory_space<vmem>> -> memref<8x128xi32, #tpu.memory_space<vmem>>
    %dma_start3A_76 = arith.constant 0 : i32
    %dma_start3A_77 = arith.constant 0 : i32
    %dma_start3A_78 = tpu.memref_slice %arg2[%add3A_58, %add3A_62, %dma_start3A_76, %dma_start3A_77] : memref<25x32x8x128xi32, #tpu.memory_space<hbm>> -> memref<1x1x8x128xi32, #tpu.memory_space<hbm>>
    %dma_start3A_79 = tpu.memref_squeeze %dma_start3A_78 : memref<1x1x8x128xi32, #tpu.memory_space<hbm>> -> memref<8x128xi32, #tpu.memory_space<hbm>>
    tpu.enqueue_dma source(%dma_start3A_79 : memref<8x128xi32, #tpu.memory_space<hbm>>) target(%dma_start3A_75 : memref<8x128xi32, #tpu.memory_space<vmem>>) target_semaphore(%arg16 : memref<!tpu.dma_semaphore, #tpu.memory_space<semaphore_mem>>)
    %add3A_80 = arith.constant 0 : i32
    %add3A_81 = arith.addi %select_n3A_56, %add3A_80 : i32
    %mul3A_82 = arith.constant 4 : i32
    %mul3A_83 = arith.muli %mul3A_82, %select_n3A : i32
    %add3A_84 = arith.constant 1 : i32
    %add3A_85 = arith.addi %mul3A_83, %add3A_84 : i32
    %dma_start3A_86 = arith.constant 0 : i32
    %dma_start3A_87 = arith.constant 1 : i32
    %dma_start3A_88 = arith.constant 0 : i32
    %dma_start3A_89 = arith.constant 0 : i32
    %dma_start3A_90 = tpu.memref_slice %arg6[%dma_start3A_86, %dma_start3A_87, %dma_start3A_88, %dma_start3A_89] : memref<8x4x8x128xi32, #tpu.memory_space<vmem>> -> memref<1x1x8x128xi32, #tpu.memory_space<vmem>>
    %dma_start3A_91 = tpu.memref_squeeze %dma_start3A_90 : memref<1x1x8x128xi32, #tpu.memory_space<vmem>> -> memref<8x128xi32, #tpu.memory_space<vmem>>
    %dma_start3A_92 = arith.constant 0 : i32
    %dma_start3A_93 = arith.constant 0 : i32
    %dma_start3A_94 = tpu.memref_slice %arg2[%add3A_81, %add3A_85, %dma_start3A_92, %dma_start3A_93] : memref<25x32x8x128xi32, #tpu.memory_space<hbm>> -> memref<1x1x8x128xi32, #tpu.memory_space<hbm>>
    %dma_start3A_95 = tpu.memref_squeeze %dma_start3A_94 : memref<1x1x8x128xi32, #tpu.memory_space<hbm>> -> memref<8x128xi32, #tpu.memory_space<hbm>>
    %dma_start3A_96 = arith.constant 0 : i32
    %dma_start3A_97 = arith.constant 0 : i32
    %dma_start3A_98 = tpu.memref_slice %arg6[%dma_start3A_86, %dma_start3A_87, %dma_start3A_96, %dma_start3A_97] : memref<8x4x8x128xi32, #tpu.memory_space<vmem>> -> memref<1x1x8x128xi32, #tpu.memory_space<vmem>>
    %dma_start3A_99 = tpu.memref_squeeze %dma_start3A_98 : memref<1x1x8x128xi32, #tpu.memory_space<vmem>> -> memref<8x128xi32, #tpu.memory_space<vmem>>
    %dma_start3A_100 = arith.constant 0 : i32
    %dma_start3A_101 = arith.constant 0 : i32
    %dma_start3A_102 = tpu.memref_slice %arg2[%add3A_81, %add3A_85, %dma_start3A_100, %dma_start3A_101] : memref<25x32x8x128xi32, #tpu.memory_space<hbm>> -> memref<1x1x8x128xi32, #tpu.memory_space<hbm>>
    %dma_start3A_103 = tpu.memref_squeeze %dma_start3A_102 : memref<1x1x8x128xi32, #tpu.memory_space<hbm>> -> memref<8x128xi32, #tpu.memory_space<hbm>>
    tpu.enqueue_dma source(%dma_start3A_103 : memref<8x128xi32, #tpu.memory_space<hbm>>) target(%dma_start3A_99 : memref<8x128xi32, #tpu.memory_space<vmem>>) target_semaphore(%arg16 : memref<!tpu.dma_semaphore, #tpu.memory_space<semaphore_mem>>)
    %add3A_104 = arith.constant 0 : i32
    %add3A_105 = arith.addi %select_n3A_56, %add3A_104 : i32
    %mul3A_106 = arith.constant 4 : i32
    %mul3A_107 = arith.muli %mul3A_106, %select_n3A : i32
    %add3A_108 = arith.constant 2 : i32
    %add3A_109 = arith.addi %mul3A_107, %add3A_108 : i32
    %dma_start3A_110 = arith.constant 0 : i32
    %dma_start3A_111 = arith.constant 2 : i32
    %dma_start3A_112 = arith.constant 0 : i32
    %dma_start3A_113 = arith.constant 0 : i32
    %dma_start3A_114 = tpu.memref_slice %arg6[%dma_start3A_110, %dma_start3A_111, %dma_start3A_112, %dma_start3A_113] : memref<8x4x8x128xi32, #tpu.memory_space<vmem>> -> memref<1x1x8x128xi32, #tpu.memory_space<vmem>>
    %dma_start3A_115 = tpu.memref_squeeze %dma_start3A_114 : memref<1x1x8x128xi32, #tpu.memory_space<vmem>> -> memref<8x128xi32, #tpu.memory_space<vmem>>
    %dma_start3A_116 = arith.constant 0 : i32
    %dma_start3A_117 = arith.constant 0 : i32
    %dma_start3A_118 = tpu.memref_slice %arg2[%add3A_105, %add3A_109, %dma_start3A_116, %dma_start3A_117] : memref<25x32x8x128xi32, #tpu.memory_space<hbm>> -> memref<1x1x8x128xi32, #tpu.memory_space<hbm>>
    %dma_start3A_119 = tpu.memref_squeeze %dma_start3A_118 : memref<1x1x8x128xi32, #tpu.memory_space<hbm>> -> memref<8x128xi32, #tpu.memory_space<hbm>>
    %dma_start3A_120 = arith.constant 0 : i32
    %dma_start3A_121 = arith.constant 0 : i32
    %dma_start3A_122 = tpu.memref_slice %arg6[%dma_start3A_110, %dma_start3A_111, %dma_start3A_120, %dma_start3A_121] : memref<8x4x8x128xi32, #tpu.memory_space<vmem>> -> memref<1x1x8x128xi32, #tpu.memory_space<vmem>>
    %dma_start3A_123 = tpu.memref_squeeze %dma_start3A_122 : memref<1x1x8x128xi32, #tpu.memory_space<vmem>> -> memref<8x128xi32, #tpu.memory_space<vmem>>
    %dma_start3A_124 = arith.constant 0 : i32
    %dma_start3A_125 = arith.constant 0 : i32
    %dma_start3A_126 = tpu.memref_slice %arg2[%add3A_105, %add3A_109, %dma_start3A_124, %dma_start3A_125] : memref<25x32x8x128xi32, #tpu.memory_space<hbm>> -> memref<1x1x8x128xi32, #tpu.memory_space<hbm>>
    %dma_start3A_127 = tpu.memref_squeeze %dma_start3A_126 : memref<1x1x8x128xi32, #tpu.memory_space<hbm>> -> memref<8x128xi32, #tpu.memory_space<hbm>>
    tpu.enqueue_dma source(%dma_start3A_127 : memref<8x128xi32, #tpu.memory_space<hbm>>) target(%dma_start3A_123 : memref<8x128xi32, #tpu.memory_space<vmem>>) target_semaphore(%arg16 : memref<!tpu.dma_semaphore, #tpu.memory_space<semaphore_mem>>)
    %add3A_128 = arith.constant 0 : i32
    %add3A_129 = arith.addi %select_n3A_56, %add3A_128 : i32
    %mul3A_130 = arith.constant 4 : i32
    %mul3A_131 = arith.muli %mul3A_130, %select_n3A : i32
    %add3A_132 = arith.constant 3 : i32
    %add3A_133 = arith.addi %mul3A_131, %add3A_132 : i32
    %dma_start3A_134 = arith.constant 0 : i32
    %dma_start3A_135 = arith.constant 3 : i32
    %dma_start3A_136 = arith.constant 0 : i32
    %dma_start3A_137 = arith.constant 0 : i32
    %dma_start3A_138 = tpu.memref_slice %arg6[%dma_start3A_134, %dma_start3A_135, %dma_start3A_136, %dma_start3A_137] : memref<8x4x8x128xi32, #tpu.memory_space<vmem>> -> memref<1x1x8x128xi32, #tpu.memory_space<vmem>>
    %dma_start3A_139 = tpu.memref_squeeze %dma_start3A_138 : memref<1x1x8x128xi32, #tpu.memory_space<vmem>> -> memref<8x128xi32, #tpu.memory_space<vmem>>
    %dma_start3A_140 = arith.constant 0 : i32
    %dma_start3A_141 = arith.constant 0 : i32
    %dma_start3A_142 = tpu.memref_slice %arg2[%add3A_129, %add3A_133, %dma_start3A_140, %dma_start3A_141] : memref<25x32x8x128xi32, #tpu.memory_space<hbm>> -> memref<1x1x8x128xi32, #tpu.memory_space<hbm>>
    %dma_start3A_143 = tpu.memref_squeeze %dma_start3A_142 : memref<1x1x8x128xi32, #tpu.memory_space<hbm>> -> memref<8x128xi32, #tpu.memory_space<hbm>>
    %dma_start3A_144 = arith.constant 0 : i32
    %dma_start3A_145 = arith.constant 0 : i32
    %dma_start3A_146 = tpu.memref_slice %arg6[%dma_start3A_134, %dma_start3A_135, %dma_start3A_144, %dma_start3A_145] : memref<8x4x8x128xi32, #tpu.memory_space<vmem>> -> memref<1x1x8x128xi32, #tpu.memory_space<vmem>>
    %dma_start3A_147 = tpu.memref_squeeze %dma_start3A_146 : memref<1x1x8x128xi32, #tpu.memory_space<vmem>> -> memref<8x128xi32, #tpu.memory_space<vmem>>
    %dma_start3A_148 = arith.constant 0 : i32
    %dma_start3A_149 = arith.constant 0 : i32
    %dma_start3A_150 = tpu.memref_slice %arg2[%add3A_129, %add3A_133, %dma_start3A_148, %dma_start3A_149] : memref<25x32x8x128xi32, #tpu.memory_space<hbm>> -> memref<1x1x8x128xi32, #tpu.memory_space<hbm>>
    %dma_start3A_151 = tpu.memref_squeeze %dma_start3A_150 : memref<1x1x8x128xi32, #tpu.memory_space<hbm>> -> memref<8x128xi32, #tpu.memory_space<hbm>>
    tpu.enqueue_dma source(%dma_start3A_151 : memref<8x128xi32, #tpu.memory_space<hbm>>) target(%dma_start3A_147 : memref<8x128xi32, #tpu.memory_space<vmem>>) target_semaphore(%arg16 : memref<!tpu.dma_semaphore, #tpu.memory_space<semaphore_mem>>)
    %add3A_152 = arith.constant 1 : i32
    %add3A_153 = arith.addi %select_n3A_56, %add3A_152 : i32
    %mul3A_154 = arith.constant 4 : i32
    %mul3A_155 = arith.muli %mul3A_154, %select_n3A : i32
    %add3A_156 = arith.constant 0 : i32
    %add3A_157 = arith.addi %mul3A_155, %add3A_156 : i32
    %dma_start3A_158 = arith.constant 1 : i32
    %dma_start3A_159 = arith.constant 0 : i32
    %dma_start3A_160 = arith.constant 0 : i32
    %dma_start3A_161 = arith.constant 0 : i32
    %dma_start3A_162 = tpu.memref_slice %arg6[%dma_start3A_158, %dma_start3A_159, %dma_start3A_160, %dma_start3A_161] : memref<8x4x8x128xi32, #tpu.memory_space<vmem>> -> memref<1x1x8x128xi32, #tpu.memory_space<vmem>>
    %dma_start3A_163 = tpu.memref_squeeze %dma_start3A_162 : memref<1x1x8x128xi32, #tpu.memory_space<vmem>> -> memref<8x128xi32, #tpu.memory_space<vmem>>
    %dma_start3A_164 = arith.constant 0 : i32
    %dma_start3A_165 = arith.constant 0 : i32
    %dma_start3A_166 = tpu.memref_slice %arg2[%add3A_153, %add3A_157, %dma_start3A_164, %dma_start3A_165] : memref<25x32x8x128xi32, #tpu.memory_space<hbm>> -> memref<1x1x8x128xi32, #tpu.memory_space<hbm>>
    %dma_start3A_167 = tpu.memref_squeeze %dma_start3A_166 : memref<1x1x8x128xi32, #tpu.memory_space<hbm>> -> memref<8x128xi32, #tpu.memory_space<hbm>>
    %dma_start3A_168 = arith.constant 0 : i32
    %dma_start3A_169 = arith.constant 0 : i32
    %dma_start3A_170 = tpu.memref_slice %arg6[%dma_start3A_158, %dma_start3A_159, %dma_start3A_168, %dma_start3A_169] : memref<8x4x8x128xi32, #tpu.memory_space<vmem>> -> memref<1x1x8x128xi32, #tpu.memory_space<vmem>>
    %dma_start3A_171 = tpu.memref_squeeze %dma_start3A_170 : memref<1x1x8x128xi32, #tpu.memory_space<vmem>> -> memref<8x128xi32, #tpu.memory_space<vmem>>
    %dma_start3A_172 = arith.constant 0 : i32
    %dma_start3A_173 = arith.constant 0 : i32
    %dma_start3A_174 = tpu.memref_slice %arg2[%add3A_153, %add3A_157, %dma_start3A_172, %dma_start3A_173] : memref<25x32x8x128xi32, #tpu.memory_space<hbm>> -> memref<1x1x8x128xi32, #tpu.memory_space<hbm>>
    %dma_start3A_175 = tpu.memref_squeeze %dma_start3A_174 : memref<1x1x8x128xi32, #tpu.memory_space<hbm>> -> memref<8x128xi32, #tpu.memory_space<hbm>>
    tpu.enqueue_dma source(%dma_start3A_175 : memref<8x128xi32, #tpu.memory_space<hbm>>) target(%dma_start3A_171 : memref<8x128xi32, #tpu.memory_space<vmem>>) target_semaphore(%arg16 : memref<!tpu.dma_semaphore, #tpu.memory_space<semaphore_mem>>)
    %add3A_176 = arith.constant 1 : i32
    %add3A_177 = arith.addi %select_n3A_56, %add3A_176 : i32
    %mul3A_178 = arith.constant 4 : i32
    %mul3A_179 = arith.muli %mul3A_178, %select_n3A : i32
    %add3A_180 = arith.constant 1 : i32
    %add3A_181 = arith.addi %mul3A_179, %add3A_180 : i32
    %dma_start3A_182 = arith.constant 1 : i32
    %dma_start3A_183 = arith.constant 1 : i32
    %dma_start3A_184 = arith.constant 0 : i32
    %dma_start3A_185 = arith.constant 0 : i32
    %dma_start3A_186 = tpu.memref_slice %arg6[%dma_start3A_182, %dma_start3A_183, %dma_start3A_184, %dma_start3A_185] : memref<8x4x8x128xi32, #tpu.memory_space<vmem>> -> memref<1x1x8x128xi32, #tpu.memory_space<vmem>>
    %dma_start3A_187 = tpu.memref_squeeze %dma_start3A_186 : memref<1x1x8x128xi32, #tpu.memory_space<vmem>> -> memref<8x128xi32, #tpu.memory_space<vmem>>
    %dma_start3A_188 = arith.constant 0 : i32
    %dma_start3A_189 = arith.constant 0 : i32
    %dma_start3A_190 = tpu.memref_slice %arg2[%add3A_177, %add3A_181, %dma_start3A_188, %dma_start3A_189] : memref<25x32x8x128xi32, #tpu.memory_space<hbm>> -> memref<1x1x8x128xi32, #tpu.memory_space<hbm>>
    %dma_start3A_191 = tpu.memref_squeeze %dma_start3A_190 : memref<1x1x8x128xi32, #tpu.memory_space<hbm>> -> memref<8x128xi32, #tpu.memory_space<hbm>>
    %dma_start3A_192 = arith.constant 0 : i32
    %dma_start3A_193 = arith.constant 0 : i32
    %dma_start3A_194 = tpu.memref_slice %arg6[%dma_start3A_182, %dma_start3A_183, %dma_start3A_192, %dma_start3A_193] : memref<8x4x8x128xi32, #tpu.memory_space<vmem>> -> memref<1x1x8x128xi32, #tpu.memory_space<vmem>>
    %dma_start3A_195 = tpu.memref_squeeze %dma_start3A_194 : memref<1x1x8x128xi32, #tpu.memory_space<vmem>> -> memref<8x128xi32, #tpu.memory_space<vmem>>
    %dma_start3A_196 = arith.constant 0 : i32
    %dma_start3A_197 = arith.constant 0 : i32
    %dma_start3A_198 = tpu.memref_slice %arg2[%add3A_177, %add3A_181, %dma_start3A_196, %dma_start3A_197] : memref<25x32x8x128xi32, #tpu.memory_space<hbm>> -> memref<1x1x8x128xi32, #tpu.memory_space<hbm>>
    %dma_start3A_199 = tpu.memref_squeeze %dma_start3A_198 : memref<1x1x8x128xi32, #tpu.memory_space<hbm>> -> memref<8x128xi32, #tpu.memory_space<hbm>>
    tpu.enqueue_dma source(%dma_start3A_199 : memref<8x128xi32, #tpu.memory_space<hbm>>) target(%dma_start3A_195 : memref<8x128xi32, #tpu.memory_space<vmem>>) target_semaphore(%arg16 : memref<!tpu.dma_semaphore, #tpu.memory_space<semaphore_mem>>)
    %add3A_200 = arith.constant 1 : i32
    %add3A_201 = arith.addi %select_n3A_56, %add3A_200 : i32
    %mul3A_202 = arith.constant 4 : i32
    %mul3A_203 = arith.muli %mul3A_202, %select_n3A : i32
    %add3A_204 = arith.constant 2 : i32
    %add3A_205 = arith.addi %mul3A_203, %add3A_204 : i32
    %dma_start3A_206 = arith.constant 1 : i32
    %dma_start3A_207 = arith.constant 2 : i32
    %dma_start3A_208 = arith.constant 0 : i32
    %dma_start3A_209 = arith.constant 0 : i32
    %dma_start3A_210 = tpu.memref_slice %arg6[%dma_start3A_206, %dma_start3A_207, %dma_start3A_208, %dma_start3A_209] : memref<8x4x8x128xi32, #tpu.memory_space<vmem>> -> memref<1x1x8x128xi32, #tpu.memory_space<vmem>>
    %dma_start3A_211 = tpu.memref_squeeze %dma_start3A_210 : memref<1x1x8x128xi32, #tpu.memory_space<vmem>> -> memref<8x128xi32, #tpu.memory_space<vmem>>
    %dma_start3A_212 = arith.constant 0 : i32
    %dma_start3A_213 = arith.constant 0 : i32
    %dma_start3A_214 = tpu.memref_slice %arg2[%add3A_201, %add3A_205, %dma_start3A_212, %dma_start3A_213] : memref<25x32x8x128xi32, #tpu.memory_space<hbm>> -> memref<1x1x8x128xi32, #tpu.memory_space<hbm>>
    %dma_start3A_215 = tpu.memref_squeeze %dma_start3A_214 : memref<1x1x8x128xi32, #tpu.memory_space<hbm>> -> memref<8x128xi32, #tpu.memory_space<hbm>>
    %dma_start3A_216 = arith.constant 0 : i32
    %dma_start3A_217 = arith.constant 0 : i32
    %dma_start3A_218 = tpu.memref_slice %arg6[%dma_start3A_206, %dma_start3A_207, %dma_start3A_216, %dma_start3A_217] : memref<8x4x8x128xi32, #tpu.memory_space<vmem>> -> memref<1x1x8x128xi32, #tpu.memory_space<vmem>>
    %dma_start3A_219 = tpu.memref_squeeze %dma_start3A_218 : memref<1x1x8x128xi32, #tpu.memory_space<vmem>> -> memref<8x128xi32, #tpu.memory_space<vmem>>
    %dma_start3A_220 = arith.constant 0 : i32
    %dma_start3A_221 = arith.constant 0 : i32
    %dma_start3A_222 = tpu.memref_slice %arg2[%add3A_201, %add3A_205, %dma_start3A_220, %dma_start3A_221] : memref<25x32x8x128xi32, #tpu.memory_space<hbm>> -> memref<1x1x8x128xi32, #tpu.memory_space<hbm>>
    %dma_start3A_223 = tpu.memref_squeeze %dma_start3A_222 : memref<1x1x8x128xi32, #tpu.memory_space<hbm>> -> memref<8x128xi32, #tpu.memory_space<hbm>>
    tpu.enqueue_dma source(%dma_start3A_223 : memref<8x128xi32, #tpu.memory_space<hbm>>) target(%dma_start3A_219 : memref<8x128xi32, #tpu.memory_space<vmem>>) target_semaphore(%arg16 : memref<!tpu.dma_semaphore, #tpu.memory_space<semaphore_mem>>)
    %add3A_224 = arith.constant 1 : i32
    %add3A_225 = arith.addi %select_n3A_56, %add3A_224 : i32
    %mul3A_226 = arith.constant 4 : i32
    %mul3A_227 = arith.muli %mul3A_226, %select_n3A : i32
    %add3A_228 = arith.constant 3 : i32
    %add3A_229 = arith.addi %mul3A_227, %add3A_228 : i32
    %dma_start3A_230 = arith.constant 1 : i32
    %dma_start3A_231 = arith.constant 3 : i32
    %dma_start3A_232 = arith.constant 0 : i32
    %dma_start3A_233 = arith.constant 0 : i32
    %dma_start3A_234 = tpu.memref_slice %arg6[%dma_start3A_230, %dma_start3A_231, %dma_start3A_232, %dma_start3A_233] : memref<8x4x8x128xi32, #tpu.memory_space<vmem>> -> memref<1x1x8x128xi32, #tpu.memory_space<vmem>>
    %dma_start3A_235 = tpu.memref_squeeze %dma_start3A_234 : memref<1x1x8x128xi32, #tpu.memory_space<vmem>> -> memref<8x128xi32, #tpu.memory_space<vmem>>
    %dma_start3A_236 = arith.constant 0 : i32
    %dma_start3A_237 = arith.constant 0 : i32
    %dma_start3A_238 = tpu.memref_slice %arg2[%add3A_225, %add3A_229, %dma_start3A_236, %dma_start3A_237] : memref<25x32x8x128xi32, #tpu.memory_space<hbm>> -> memref<1x1x8x128xi32, #tpu.memory_space<hbm>>
    %dma_start3A_239 = tpu.memref_squeeze %dma_start3A_238 : memref<1x1x8x128xi32, #tpu.memory_space<hbm>> -> memref<8x128xi32, #tpu.memory_space<hbm>>
    %dma_start3A_240 = arith.constant 0 : i32
    %dma_start3A_241 = arith.constant 0 : i32
    %dma_start3A_242 = tpu.memref_slice %arg6[%dma_start3A_230, %dma_start3A_231, %dma_start3A_240, %dma_start3A_241] : memref<8x4x8x128xi32, #tpu.memory_space<vmem>> -> memref<1x1x8x128xi32, #tpu.memory_space<vmem>>
    %dma_start3A_243 = tpu.memref_squeeze %dma_start3A_242 : memref<1x1x8x128xi32, #tpu.memory_space<vmem>> -> memref<8x128xi32, #tpu.memory_space<vmem>>
    %dma_start3A_244 = arith.constant 0 : i32
    %dma_start3A_245 = arith.constant 0 : i32
    %dma_start3A_246 = tpu.memref_slice %arg2[%add3A_225, %add3A_229, %dma_start3A_244, %dma_start3A_245] : memref<25x32x8x128xi32, #tpu.memory_space<hbm>> -> memref<1x1x8x128xi32, #tpu.memory_space<hbm>>
    %dma_start3A_247 = tpu.memref_squeeze %dma_start3A_246 : memref<1x1x8x128xi32, #tpu.memory_space<hbm>> -> memref<8x128xi32, #tpu.memory_space<hbm>>
    tpu.enqueue_dma source(%dma_start3A_247 : memref<8x128xi32, #tpu.memory_space<hbm>>) target(%dma_start3A_243 : memref<8x128xi32, #tpu.memory_space<vmem>>) target_semaphore(%arg16 : memref<!tpu.dma_semaphore, #tpu.memory_space<semaphore_mem>>)
    %add3A_248 = arith.constant 2 : i32
    %add3A_249 = arith.addi %select_n3A_56, %add3A_248 : i32
    %mul3A_250 = arith.constant 4 : i32
    %mul3A_251 = arith.muli %mul3A_250, %select_n3A : i32
    %add3A_252 = arith.constant 0 : i32
    %add3A_253 = arith.addi %mul3A_251, %add3A_252 : i32
    %dma_start3A_254 = arith.constant 2 : i32
    %dma_start3A_255 = arith.constant 0 : i32
    %dma_start3A_256 = arith.constant 0 : i32
    %dma_start3A_257 = arith.constant 0 : i32
    %dma_start3A_258 = tpu.memref_slice %arg6[%dma_start3A_254, %dma_start3A_255, %dma_start3A_256, %dma_start3A_257] : memref<8x4x8x128xi32, #tpu.memory_space<vmem>> -> memref<1x1x8x128xi32, #tpu.memory_space<vmem>>
    %dma_start3A_259 = tpu.memref_squeeze %dma_start3A_258 : memref<1x1x8x128xi32, #tpu.memory_space<vmem>> -> memref<8x128xi32, #tpu.memory_space<vmem>>
    %dma_start3A_260 = arith.constant 0 : i32
    %dma_start3A_261 = arith.constant 0 : i32
    %dma_start3A_262 = tpu.memref_slice %arg2[%add3A_249, %add3A_253, %dma_start3A_260, %dma_start3A_261] : memref<25x32x8x128xi32, #tpu.memory_space<hbm>> -> memref<1x1x8x128xi32, #tpu.memory_space<hbm>>
    %dma_start3A_263 = tpu.memref_squeeze %dma_start3A_262 : memref<1x1x8x128xi32, #tpu.memory_space<hbm>> -> memref<8x128xi32, #tpu.memory_space<hbm>>
    %dma_start3A_264 = arith.constant 0 : i32
    %dma_start3A_265 = arith.constant 0 : i32
    %dma_start3A_266 = tpu.memref_slice %arg6[%dma_start3A_254, %dma_start3A_255, %dma_start3A_264, %dma_start3A_265] : memref<8x4x8x128xi32, #tpu.memory_space<vmem>> -> memref<1x1x8x128xi32, #tpu.memory_space<vmem>>
    %dma_start3A_267 = tpu.memref_squeeze %dma_start3A_266 : memref<1x1x8x128xi32, #tpu.memory_space<vmem>> -> memref<8x128xi32, #tpu.memory_space<vmem>>
    %dma_start3A_268 = arith.constant 0 : i32
    %dma_start3A_269 = arith.constant 0 : i32
    %dma_start3A_270 = tpu.memref_slice %arg2[%add3A_249, %add3A_253, %dma_start3A_268, %dma_start3A_269] : memref<25x32x8x128xi32, #tpu.memory_space<hbm>> -> memref<1x1x8x128xi32, #tpu.memory_space<hbm>>
    %dma_start3A_271 = tpu.memref_squeeze %dma_start3A_270 : memref<1x1x8x128xi32, #tpu.memory_space<hbm>> -> memref<8x128xi32, #tpu.memory_space<hbm>>
    tpu.enqueue_dma source(%dma_start3A_271 : memref<8x128xi32, #tpu.memory_space<hbm>>) target(%dma_start3A_267 : memref<8x128xi32, #tpu.memory_space<vmem>>) target_semaphore(%arg16 : memref<!tpu.dma_semaphore, #tpu.memory_space<semaphore_mem>>)
    %add3A_272 = arith.constant 2 : i32
    %add3A_273 = arith.addi %select_n3A_56, %add3A_272 : i32
    %mul3A_274 = arith.constant 4 : i32
    %mul3A_275 = arith.muli %mul3A_274, %select_n3A : i32
    %add3A_276 = arith.constant 1 : i32
    %add3A_277 = arith.addi %mul3A_275, %add3A_276 : i32
    %dma_start3A_278 = arith.constant 2 : i32
    %dma_start3A_279 = arith.constant 1 : i32
    %dma_start3A_280 = arith.constant 0 : i32
    %dma_start3A_281 = arith.constant 0 : i32
    %dma_start3A_282 = tpu.memref_slice %arg6[%dma_start3A_278, %dma_start3A_279, %dma_start3A_280, %dma_start3A_281] : memref<8x4x8x128xi32, #tpu.memory_space<vmem>> -> memref<1x1x8x128xi32, #tpu.memory_space<vmem>>
    %dma_start3A_283 = tpu.memref_squeeze %dma_start3A_282 : memref<1x1x8x128xi32, #tpu.memory_space<vmem>> -> memref<8x128xi32, #tpu.memory_space<vmem>>
    %dma_start3A_284 = arith.constant 0 : i32
    %dma_start3A_285 = arith.constant 0 : i32
    %dma_start3A_286 = tpu.memref_slice %arg2[%add3A_273, %add3A_277, %dma_start3A_284, %dma_start3A_285] : memref<25x32x8x128xi32, #tpu.memory_space<hbm>> -> memref<1x1x8x128xi32, #tpu.memory_space<hbm>>
    %dma_start3A_287 = tpu.memref_squeeze %dma_start3A_286 : memref<1x1x8x128xi32, #tpu.memory_space<hbm>> -> memref<8x128xi32, #tpu.memory_space<hbm>>
    %dma_start3A_288 = arith.constant 0 : i32
    %dma_start3A_289 = arith.constant 0 : i32
    %dma_start3A_290 = tpu.memref_slice %arg6[%dma_start3A_278, %dma_start3A_279, %dma_start3A_288, %dma_start3A_289] : memref<8x4x8x128xi32, #tpu.memory_space<vmem>> -> memref<1x1x8x128xi32, #tpu.memory_space<vmem>>
    %dma_start3A_291 = tpu.memref_squeeze %dma_start3A_290 : memref<1x1x8x128xi32, #tpu.memory_space<vmem>> -> memref<8x128xi32, #tpu.memory_space<vmem>>
    %dma_start3A_292 = arith.constant 0 : i32
    %dma_start3A_293 = arith.constant 0 : i32
    %dma_start3A_294 = tpu.memref_slice %arg2[%add3A_273, %add3A_277, %dma_start3A_292, %dma_start3A_293] : memref<25x32x8x128xi32, #tpu.memory_space<hbm>> -> memref<1x1x8x128xi32, #tpu.memory_space<hbm>>
    %dma_start3A_295 = tpu.memref_squeeze %dma_start3A_294 : memref<1x1x8x128xi32, #tpu.memory_space<hbm>> -> memref<8x128xi32, #tpu.memory_space<hbm>>
    tpu.enqueue_dma source(%dma_start3A_295 : memref<8x128xi32, #tpu.memory_space<hbm>>) target(%dma_start3A_291 : memref<8x128xi32, #tpu.memory_space<vmem>>) target_semaphore(%arg16 : memref<!tpu.dma_semaphore, #tpu.memory_space<semaphore_mem>>)
    %add3A_296 = arith.constant 2 : i32
    %add3A_297 = arith.addi %select_n3A_56, %add3A_296 : i32
    %mul3A_298 = arith.constant 4 : i32
    %mul3A_299 = arith.muli %mul3A_298, %select_n3A : i32
    %add3A_300 = arith.constant 2 : i32
    %add3A_301 = arith.addi %mul3A_299, %add3A_300 : i32
    %dma_start3A_302 = arith.constant 2 : i32
    %dma_start3A_303 = arith.constant 2 : i32
    %dma_start3A_304 = arith.constant 0 : i32
    %dma_start3A_305 = arith.constant 0 : i32
    %dma_start3A_306 = tpu.memref_slice %arg6[%dma_start3A_302, %dma_start3A_303, %dma_start3A_304, %dma_start3A_305] : memref<8x4x8x128xi32, #tpu.memory_space<vmem>> -> memref<1x1x8x128xi32, #tpu.memory_space<vmem>>
    %dma_start3A_307 = tpu.memref_squeeze %dma_start3A_306 : memref<1x1x8x128xi32, #tpu.memory_space<vmem>> -> memref<8x128xi32, #tpu.memory_space<vmem>>
    %dma_start3A_308 = arith.constant 0 : i32
    %dma_start3A_309 = arith.constant 0 : i32
    %dma_start3A_310 = tpu.memref_slice %arg2[%add3A_297, %add3A_301, %dma_start3A_308, %dma_start3A_309] : memref<25x32x8x128xi32, #tpu.memory_space<hbm>> -> memref<1x1x8x128xi32, #tpu.memory_space<hbm>>
    %dma_start3A_311 = tpu.memref_squeeze %dma_start3A_310 : memref<1x1x8x128xi32, #tpu.memory_space<hbm>> -> memref<8x128xi32, #tpu.memory_space<hbm>>
    %dma_start3A_312 = arith.constant 0 : i32
    %dma_start3A_313 = arith.constant 0 : i32
    %dma_start3A_314 = tpu.memref_slice %arg6[%dma_start3A_302, %dma_start3A_303, %dma_start3A_312, %dma_start3A_313] : memref<8x4x8x128xi32, #tpu.memory_space<vmem>> -> memref<1x1x8x128xi32, #tpu.memory_space<vmem>>
    %dma_start3A_315 = tpu.memref_squeeze %dma_start3A_314 : memref<1x1x8x128xi32, #tpu.memory_space<vmem>> -> memref<8x128xi32, #tpu.memory_space<vmem>>
    %dma_start3A_316 = arith.constant 0 : i32
    %dma_start3A_317 = arith.constant 0 : i32
    %dma_start3A_318 = tpu.memref_slice %arg2[%add3A_297, %add3A_301, %dma_start3A_316, %dma_start3A_317] : memref<25x32x8x128xi32, #tpu.memory_space<hbm>> -> memref<1x1x8x128xi32, #tpu.memory_space<hbm>>
    %dma_start3A_319 = tpu.memref_squeeze %dma_start3A_318 : memref<1x1x8x128xi32, #tpu.memory_space<hbm>> -> memref<8x128xi32, #tpu.memory_space<hbm>>
    tpu.enqueue_dma source(%dma_start3A_319 : memref<8x128xi32, #tpu.memory_space<hbm>>) target(%dma_start3A_315 : memref<8x128xi32, #tpu.memory_space<vmem>>) target_semaphore(%arg16 : memref<!tpu.dma_semaphore, #tpu.memory_space<semaphore_mem>>)
    %add3A_320 = arith.constant 2 : i32
    %add3A_321 = arith.addi %select_n3A_56, %add3A_320 : i32
    %mul3A_322 = arith.constant 4 : i32
    %mul3A_323 = arith.muli %mul3A_322, %select_n3A : i32
    %add3A_324 = arith.constant 3 : i32
    %add3A_325 = arith.addi %mul3A_323, %add3A_324 : i32
    %dma_start3A_326 = arith.constant 2 : i32
    %dma_start3A_327 = arith.constant 3 : i32
    %dma_start3A_328 = arith.constant 0 : i32
    %dma_start3A_329 = arith.constant 0 : i32
    %dma_start3A_330 = tpu.memref_slice %arg6[%dma_start3A_326, %dma_start3A_327, %dma_start3A_328, %dma_start3A_329] : memref<8x4x8x128xi32, #tpu.memory_space<vmem>> -> memref<1x1x8x128xi32, #tpu.memory_space<vmem>>
    %dma_start3A_331 = tpu.memref_squeeze %dma_start3A_330 : memref<1x1x8x128xi32, #tpu.memory_space<vmem>> -> memref<8x128xi32, #tpu.memory_space<vmem>>
    %dma_start3A_332 = arith.constant 0 : i32
    %dma_start3A_333 = arith.constant 0 : i32
    %dma_start3A_334 = tpu.memref_slice %arg2[%add3A_321, %add3A_325, %dma_start3A_332, %dma_start3A_333] : memref<25x32x8x128xi32, #tpu.memory_space<hbm>> -> memref<1x1x8x128xi32, #tpu.memory_space<hbm>>
    %dma_start3A_335 = tpu.memref_squeeze %dma_start3A_334 : memref<1x1x8x128xi32, #tpu.memory_space<hbm>> -> memref<8x128xi32, #tpu.memory_space<hbm>>
    %dma_start3A_336 = arith.constant 0 : i32
    %dma_start3A_337 = arith.constant 0 : i32
    %dma_start3A_338 = tpu.memref_slice %arg6[%dma_start3A_326, %dma_start3A_327, %dma_start3A_336, %dma_start3A_337] : memref<8x4x8x128xi32, #tpu.memory_space<vmem>> -> memref<1x1x8x128xi32, #tpu.memory_space<vmem>>
    %dma_start3A_339 = tpu.memref_squeeze %dma_start3A_338 : memref<1x1x8x128xi32, #tpu.memory_space<vmem>> -> memref<8x128xi32, #tpu.memory_space<vmem>>
    %dma_start3A_340 = arith.constant 0 : i32
    %dma_start3A_341 = arith.constant 0 : i32
    %dma_start3A_342 = tpu.memref_slice %arg2[%add3A_321, %add3A_325, %dma_start3A_340, %dma_start3A_341] : memref<25x32x8x128xi32, #tpu.memory_space<hbm>> -> memref<1x1x8x128xi32, #tpu.memory_space<hbm>>
    %dma_start3A_343 = tpu.memref_squeeze %dma_start3A_342 : memref<1x1x8x128xi32, #tpu.memory_space<hbm>> -> memref<8x128xi32, #tpu.memory_space<hbm>>
    tpu.enqueue_dma source(%dma_start3A_343 : memref<8x128xi32, #tpu.memory_space<hbm>>) target(%dma_start3A_339 : memref<8x128xi32, #tpu.memory_space<vmem>>) target_semaphore(%arg16 : memref<!tpu.dma_semaphore, #tpu.memory_space<semaphore_mem>>)
    %add3A_344 = arith.constant 3 : i32
    %add3A_345 = arith.addi %select_n3A_56, %add3A_344 : i32
    %mul3A_346 = arith.constant 4 : i32
    %mul3A_347 = arith.muli %mul3A_346, %select_n3A : i32
    %add3A_348 = arith.constant 0 : i32
    %add3A_349 = arith.addi %mul3A_347, %add3A_348 : i32
    %dma_start3A_350 = arith.constant 3 : i32
    %dma_start3A_351 = arith.constant 0 : i32
    %dma_start3A_352 = arith.constant 0 : i32
    %dma_start3A_353 = arith.constant 0 : i32
    %dma_start3A_354 = tpu.memref_slice %arg6[%dma_start3A_350, %dma_start3A_351, %dma_start3A_352, %dma_start3A_353] : memref<8x4x8x128xi32, #tpu.memory_space<vmem>> -> memref<1x1x8x128xi32, #tpu.memory_space<vmem>>
    %dma_start3A_355 = tpu.memref_squeeze %dma_start3A_354 : memref<1x1x8x128xi32, #tpu.memory_space<vmem>> -> memref<8x128xi32, #tpu.memory_space<vmem>>
    %dma_start3A_356 = arith.constant 0 : i32
    %dma_start3A_357 = arith.constant 0 : i32
    %dma_start3A_358 = tpu.memref_slice %arg2[%add3A_345, %add3A_349, %dma_start3A_356, %dma_start3A_357] : memref<25x32x8x128xi32, #tpu.memory_space<hbm>> -> memref<1x1x8x128xi32, #tpu.memory_space<hbm>>
    %dma_start3A_359 = tpu.memref_squeeze %dma_start3A_358 : memref<1x1x8x128xi32, #tpu.memory_space<hbm>> -> memref<8x128xi32, #tpu.memory_space<hbm>>
    %dma_start3A_360 = arith.constant 0 : i32
    %dma_start3A_361 = arith.constant 0 : i32
    %dma_start3A_362 = tpu.memref_slice %arg6[%dma_start3A_350, %dma_start3A_351, %dma_start3A_360, %dma_start3A_361] : memref<8x4x8x128xi32, #tpu.memory_space<vmem>> -> memref<1x1x8x128xi32, #tpu.memory_space<vmem>>
    %dma_start3A_363 = tpu.memref_squeeze %dma_start3A_362 : memref<1x1x8x128xi32, #tpu.memory_space<vmem>> -> memref<8x128xi32, #tpu.memory_space<vmem>>
    %dma_start3A_364 = arith.constant 0 : i32
    %dma_start3A_365 = arith.constant 0 : i32
    %dma_start3A_366 = tpu.memref_slice %arg2[%add3A_345, %add3A_349, %dma_start3A_364, %dma_start3A_365] : memref<25x32x8x128xi32, #tpu.memory_space<hbm>> -> memref<1x1x8x128xi32, #tpu.memory_space<hbm>>
    %dma_start3A_367 = tpu.memref_squeeze %dma_start3A_366 : memref<1x1x8x128xi32, #tpu.memory_space<hbm>> -> memref<8x128xi32, #tpu.memory_space<hbm>>
    tpu.enqueue_dma source(%dma_start3A_367 : memref<8x128xi32, #tpu.memory_space<hbm>>) target(%dma_start3A_363 : memref<8x128xi32, #tpu.memory_space<vmem>>) target_semaphore(%arg16 : memref<!tpu.dma_semaphore, #tpu.memory_space<semaphore_mem>>)
    %add3A_368 = arith.constant 3 : i32
    %add3A_369 = arith.addi %select_n3A_56, %add3A_368 : i32
    %mul3A_370 = arith.constant 4 : i32
    %mul3A_371 = arith.muli %mul3A_370, %select_n3A : i32
    %add3A_372 = arith.constant 1 : i32
    %add3A_373 = arith.addi %mul3A_371, %add3A_372 : i32
    %dma_start3A_374 = arith.constant 3 : i32
    %dma_start3A_375 = arith.constant 1 : i32
    %dma_start3A_376 = arith.constant 0 : i32
    %dma_start3A_377 = arith.constant 0 : i32
    %dma_start3A_378 = tpu.memref_slice %arg6[%dma_start3A_374, %dma_start3A_375, %dma_start3A_376, %dma_start3A_377] : memref<8x4x8x128xi32, #tpu.memory_space<vmem>> -> memref<1x1x8x128xi32, #tpu.memory_space<vmem>>
    %dma_start3A_379 = tpu.memref_squeeze %dma_start3A_378 : memref<1x1x8x128xi32, #tpu.memory_space<vmem>> -> memref<8x128xi32, #tpu.memory_space<vmem>>
    %dma_start3A_380 = arith.constant 0 : i32
    %dma_start3A_381 = arith.constant 0 : i32
    %dma_start3A_382 = tpu.memref_slice %arg2[%add3A_369, %add3A_373, %dma_start3A_380, %dma_start3A_381] : memref<25x32x8x128xi32, #tpu.memory_space<hbm>> -> memref<1x1x8x128xi32, #tpu.memory_space<hbm>>
    %dma_start3A_383 = tpu.memref_squeeze %dma_start3A_382 : memref<1x1x8x128xi32, #tpu.memory_space<hbm>> -> memref<8x128xi32, #tpu.memory_space<hbm>>
    %dma_start3A_384 = arith.constant 0 : i32
    %dma_start3A_385 = arith.constant 0 : i32
    %dma_start3A_386 = tpu.memref_slice %arg6[%dma_start3A_374, %dma_start3A_375, %dma_start3A_384, %dma_start3A_385] : memref<8x4x8x128xi32, #tpu.memory_space<vmem>> -> memref<1x1x8x128xi32, #tpu.memory_space<vmem>>
    %dma_start3A_387 = tpu.memref_squeeze %dma_start3A_386 : memref<1x1x8x128xi32, #tpu.memory_space<vmem>> -> memref<8x128xi32, #tpu.memory_space<vmem>>
    %dma_start3A_388 = arith.constant 0 : i32
    %dma_start3A_389 = arith.constant 0 : i32
    %dma_start3A_390 = tpu.memref_slice %arg2[%add3A_369, %add3A_373, %dma_start3A_388, %dma_start3A_389] : memref<25x32x8x128xi32, #tpu.memory_space<hbm>> -> memref<1x1x8x128xi32, #tpu.memory_space<hbm>>
    %dma_start3A_391 = tpu.memref_squeeze %dma_start3A_390 : memref<1x1x8x128xi32, #tpu.memory_space<hbm>> -> memref<8x128xi32, #tpu.memory_space<hbm>>
    tpu.enqueue_dma source(%dma_start3A_391 : memref<8x128xi32, #tpu.memory_space<hbm>>) target(%dma_start3A_387 : memref<8x128xi32, #tpu.memory_space<vmem>>) target_semaphore(%arg16 : memref<!tpu.dma_semaphore, #tpu.memory_space<semaphore_mem>>)
    %add3A_392 = arith.constant 3 : i32
    %add3A_393 = arith.addi %select_n3A_56, %add3A_392 : i32
    %mul3A_394 = arith.constant 4 : i32
    %mul3A_395 = arith.muli %mul3A_394, %select_n3A : i32
    %add3A_396 = arith.constant 2 : i32
    %add3A_397 = arith.addi %mul3A_395, %add3A_396 : i32
    %dma_start3A_398 = arith.constant 3 : i32
    %dma_start3A_399 = arith.constant 2 : i32
    %dma_start3A_400 = arith.constant 0 : i32
    %dma_start3A_401 = arith.constant 0 : i32
    %dma_start3A_402 = tpu.memref_slice %arg6[%dma_start3A_398, %dma_start3A_399, %dma_start3A_400, %dma_start3A_401] : memref<8x4x8x128xi32, #tpu.memory_space<vmem>> -> memref<1x1x8x128xi32, #tpu.memory_space<vmem>>
    %dma_start3A_403 = tpu.memref_squeeze %dma_start3A_402 : memref<1x1x8x128xi32, #tpu.memory_space<vmem>> -> memref<8x128xi32, #tpu.memory_space<vmem>>
    %dma_start3A_404 = arith.constant 0 : i32
    %dma_start3A_405 = arith.constant 0 : i32
    %dma_start3A_406 = tpu.memref_slice %arg2[%add3A_393, %add3A_397, %dma_start3A_404, %dma_start3A_405] : memref<25x32x8x128xi32, #tpu.memory_space<hbm>> -> memref<1x1x8x128xi32, #tpu.memory_space<hbm>>
    %dma_start3A_407 = tpu.memref_squeeze %dma_start3A_406 : memref<1x1x8x128xi32, #tpu.memory_space<hbm>> -> memref<8x128xi32, #tpu.memory_space<hbm>>
    %dma_start3A_408 = arith.constant 0 : i32
    %dma_start3A_409 = arith.constant 0 : i32
    %dma_start3A_410 = tpu.memref_slice %arg6[%dma_start3A_398, %dma_start3A_399, %dma_start3A_408, %dma_start3A_409] : memref<8x4x8x128xi32, #tpu.memory_space<vmem>> -> memref<1x1x8x128xi32, #tpu.memory_space<vmem>>
    %dma_start3A_411 = tpu.memref_squeeze %dma_start3A_410 : memref<1x1x8x128xi32, #tpu.memory_space<vmem>> -> memref<8x128xi32, #tpu.memory_space<vmem>>
    %dma_start3A_412 = arith.constant 0 : i32
    %dma_start3A_413 = arith.constant 0 : i32
    %dma_start3A_414 = tpu.memref_slice %arg2[%add3A_393, %add3A_397, %dma_start3A_412, %dma_start3A_413] : memref<25x32x8x128xi32, #tpu.memory_space<hbm>> -> memref<1x1x8x128xi32, #tpu.memory_space<hbm>>
    %dma_start3A_415 = tpu.memref_squeeze %dma_start3A_414 : memref<1x1x8x128xi32, #tpu.memory_space<hbm>> -> memref<8x128xi32, #tpu.memory_space<hbm>>
    tpu.enqueue_dma source(%dma_start3A_415 : memref<8x128xi32, #tpu.memory_space<hbm>>) target(%dma_start3A_411 : memref<8x128xi32, #tpu.memory_space<vmem>>) target_semaphore(%arg16 : memref<!tpu.dma_semaphore, #tpu.memory_space<semaphore_mem>>)
    %add3A_416 = arith.constant 3 : i32
    %add3A_417 = arith.addi %select_n3A_56, %add3A_416 : i32
    %mul3A_418 = arith.constant 4 : i32
    %mul3A_419 = arith.muli %mul3A_418, %select_n3A : i32
    %add3A_420 = arith.constant 3 : i32
    %add3A_421 = arith.addi %mul3A_419, %add3A_420 : i32
    %dma_start3A_422 = arith.constant 3 : i32
    %dma_start3A_423 = arith.constant 3 : i32
    %dma_start3A_424 = arith.constant 0 : i32
    %dma_start3A_425 = arith.constant 0 : i32
    %dma_start3A_426 = tpu.memref_slice %arg6[%dma_start3A_422, %dma_start3A_423, %dma_start3A_424, %dma_start3A_425] : memref<8x4x8x128xi32, #tpu.memory_space<vmem>> -> memref<1x1x8x128xi32, #tpu.memory_space<vmem>>
    %dma_start3A_427 = tpu.memref_squeeze %dma_start3A_426 : memref<1x1x8x128xi32, #tpu.memory_space<vmem>> -> memref<8x128xi32, #tpu.memory_space<vmem>>
    %dma_start3A_428 = arith.constant 0 : i32
    %dma_start3A_429 = arith.constant 0 : i32
    %dma_start3A_430 = tpu.memref_slice %arg2[%add3A_417, %add3A_421, %dma_start3A_428, %dma_start3A_429] : memref<25x32x8x128xi32, #tpu.memory_space<hbm>> -> memref<1x1x8x128xi32, #tpu.memory_space<hbm>>
    %dma_start3A_431 = tpu.memref_squeeze %dma_start3A_430 : memref<1x1x8x128xi32, #tpu.memory_space<hbm>> -> memref<8x128xi32, #tpu.memory_space<hbm>>
    %dma_start3A_432 = arith.constant 0 : i32
    %dma_start3A_433 = arith.constant 0 : i32
    %dma_start3A_434 = tpu.memref_slice %arg6[%dma_start3A_422, %dma_start3A_423, %dma_start3A_432, %dma_start3A_433] : memref<8x4x8x128xi32, #tpu.memory_space<vmem>> -> memref<1x1x8x128xi32, #tpu.memory_space<vmem>>
    %dma_start3A_435 = tpu.memref_squeeze %dma_start3A_434 : memref<1x1x8x128xi32, #tpu.memory_space<vmem>> -> memref<8x128xi32, #tpu.memory_space<vmem>>
    %dma_start3A_436 = arith.constant 0 : i32
    %dma_start3A_437 = arith.constant 0 : i32
    %dma_start3A_438 = tpu.memref_slice %arg2[%add3A_417, %add3A_421, %dma_start3A_436, %dma_start3A_437] : memref<25x32x8x128xi32, #tpu.memory_space<hbm>> -> memref<1x1x8x128xi32, #tpu.memory_space<hbm>>
    %dma_start3A_439 = tpu.memref_squeeze %dma_start3A_438 : memref<1x1x8x128xi32, #tpu.memory_space<hbm>> -> memref<8x128xi32, #tpu.memory_space<hbm>>
    tpu.enqueue_dma source(%dma_start3A_439 : memref<8x128xi32, #tpu.memory_space<hbm>>) target(%dma_start3A_435 : memref<8x128xi32, #tpu.memory_space<vmem>>) target_semaphore(%arg16 : memref<!tpu.dma_semaphore, #tpu.memory_space<semaphore_mem>>)
    %add3A_440 = arith.constant 4 : i32
    %add3A_441 = arith.addi %select_n3A_56, %add3A_440 : i32
    %mul3A_442 = arith.constant 4 : i32
    %mul3A_443 = arith.muli %mul3A_442, %select_n3A : i32
    %add3A_444 = arith.constant 0 : i32
    %add3A_445 = arith.addi %mul3A_443, %add3A_444 : i32
    %dma_start3A_446 = arith.constant 4 : i32
    %dma_start3A_447 = arith.constant 0 : i32
    %dma_start3A_448 = arith.constant 0 : i32
    %dma_start3A_449 = arith.constant 0 : i32
    %dma_start3A_450 = tpu.memref_slice %arg6[%dma_start3A_446, %dma_start3A_447, %dma_start3A_448, %dma_start3A_449] : memref<8x4x8x128xi32, #tpu.memory_space<vmem>> -> memref<1x1x8x128xi32, #tpu.memory_space<vmem>>
    %dma_start3A_451 = tpu.memref_squeeze %dma_start3A_450 : memref<1x1x8x128xi32, #tpu.memory_space<vmem>> -> memref<8x128xi32, #tpu.memory_space<vmem>>
    %dma_start3A_452 = arith.constant 0 : i32
    %dma_start3A_453 = arith.constant 0 : i32
    %dma_start3A_454 = tpu.memref_slice %arg2[%add3A_441, %add3A_445, %dma_start3A_452, %dma_start3A_453] : memref<25x32x8x128xi32, #tpu.memory_space<hbm>> -> memref<1x1x8x128xi32, #tpu.memory_space<hbm>>
    %dma_start3A_455 = tpu.memref_squeeze %dma_start3A_454 : memref<1x1x8x128xi32, #tpu.memory_space<hbm>> -> memref<8x128xi32, #tpu.memory_space<hbm>>
    %dma_start3A_456 = arith.constant 0 : i32
    %dma_start3A_457 = arith.constant 0 : i32
    %dma_start3A_458 = tpu.memref_slice %arg6[%dma_start3A_446, %dma_start3A_447, %dma_start3A_456, %dma_start3A_457] : memref<8x4x8x128xi32, #tpu.memory_space<vmem>> -> memref<1x1x8x128xi32, #tpu.memory_space<vmem>>
    %dma_start3A_459 = tpu.memref_squeeze %dma_start3A_458 : memref<1x1x8x128xi32, #tpu.memory_space<vmem>> -> memref<8x128xi32, #tpu.memory_space<vmem>>
    %dma_start3A_460 = arith.constant 0 : i32
    %dma_start3A_461 = arith.constant 0 : i32
    %dma_start3A_462 = tpu.memref_slice %arg2[%add3A_441, %add3A_445, %dma_start3A_460, %dma_start3A_461] : memref<25x32x8x128xi32, #tpu.memory_space<hbm>> -> memref<1x1x8x128xi32, #tpu.memory_space<hbm>>
    %dma_start3A_463 = tpu.memref_squeeze %dma_start3A_462 : memref<1x1x8x128xi32, #tpu.memory_space<hbm>> -> memref<8x128xi32, #tpu.memory_space<hbm>>
    tpu.enqueue_dma source(%dma_start3A_463 : memref<8x128xi32, #tpu.memory_space<hbm>>) target(%dma_start3A_459 : memref<8x128xi32, #tpu.memory_space<vmem>>) target_semaphore(%arg16 : memref<!tpu.dma_semaphore, #tpu.memory_space<semaphore_mem>>)
    %add3A_464 = arith.constant 4 : i32
    %add3A_465 = arith.addi %select_n3A_56, %add3A_464 : i32
    %mul3A_466 = arith.constant 4 : i32
    %mul3A_467 = arith.muli %mul3A_466, %select_n3A : i32
    %add3A_468 = arith.constant 1 : i32
    %add3A_469 = arith.addi %mul3A_467, %add3A_468 : i32
    %dma_start3A_470 = arith.constant 4 : i32
    %dma_start3A_471 = arith.constant 1 : i32
    %dma_start3A_472 = arith.constant 0 : i32
    %dma_start3A_473 = arith.constant 0 : i32
    %dma_start3A_474 = tpu.memref_slice %arg6[%dma_start3A_470, %dma_start3A_471, %dma_start3A_472, %dma_start3A_473] : memref<8x4x8x128xi32, #tpu.memory_space<vmem>> -> memref<1x1x8x128xi32, #tpu.memory_space<vmem>>
    %dma_start3A_475 = tpu.memref_squeeze %dma_start3A_474 : memref<1x1x8x128xi32, #tpu.memory_space<vmem>> -> memref<8x128xi32, #tpu.memory_space<vmem>>
    %dma_start3A_476 = arith.constant 0 : i32
    %dma_start3A_477 = arith.constant 0 : i32
    %dma_start3A_478 = tpu.memref_slice %arg2[%add3A_465, %add3A_469, %dma_start3A_476, %dma_start3A_477] : memref<25x32x8x128xi32, #tpu.memory_space<hbm>> -> memref<1x1x8x128xi32, #tpu.memory_space<hbm>>
    %dma_start3A_479 = tpu.memref_squeeze %dma_start3A_478 : memref<1x1x8x128xi32, #tpu.memory_space<hbm>> -> memref<8x128xi32, #tpu.memory_space<hbm>>
    %dma_start3A_480 = arith.constant 0 : i32
    %dma_start3A_481 = arith.constant 0 : i32
    %dma_start3A_482 = tpu.memref_slice %arg6[%dma_start3A_470, %dma_start3A_471, %dma_start3A_480, %dma_start3A_481] : memref<8x4x8x128xi32, #tpu.memory_space<vmem>> -> memref<1x1x8x128xi32, #tpu.memory_space<vmem>>
    %dma_start3A_483 = tpu.memref_squeeze %dma_start3A_482 : memref<1x1x8x128xi32, #tpu.memory_space<vmem>> -> memref<8x128xi32, #tpu.memory_space<vmem>>
    %dma_start3A_484 = arith.constant 0 : i32
    %dma_start3A_485 = arith.constant 0 : i32
    %dma_start3A_486 = tpu.memref_slice %arg2[%add3A_465, %add3A_469, %dma_start3A_484, %dma_start3A_485] : memref<25x32x8x128xi32, #tpu.memory_space<hbm>> -> memref<1x1x8x128xi32, #tpu.memory_space<hbm>>
    %dma_start3A_487 = tpu.memref_squeeze %dma_start3A_486 : memref<1x1x8x128xi32, #tpu.memory_space<hbm>> -> memref<8x128xi32, #tpu.memory_space<hbm>>
    tpu.enqueue_dma source(%dma_start3A_487 : memref<8x128xi32, #tpu.memory_space<hbm>>) target(%dma_start3A_483 : memref<8x128xi32, #tpu.memory_space<vmem>>) target_semaphore(%arg16 : memref<!tpu.dma_semaphore, #tpu.memory_space<semaphore_mem>>)
    %add3A_488 = arith.constant 4 : i32
    %add3A_489 = arith.addi %select_n3A_56, %add3A_488 : i32
    %mul3A_490 = arith.constant 4 : i32
    %mul3A_491 = arith.muli %mul3A_490, %select_n3A : i32
    %add3A_492 = arith.constant 2 : i32
    %add3A_493 = arith.addi %mul3A_491, %add3A_492 : i32
    %dma_start3A_494 = arith.constant 4 : i32
    %dma_start3A_495 = arith.constant 2 : i32
    %dma_start3A_496 = arith.constant 0 : i32
    %dma_start3A_497 = arith.constant 0 : i32
    %dma_start3A_498 = tpu.memref_slice %arg6[%dma_start3A_494, %dma_start3A_495, %dma_start3A_496, %dma_start3A_497] : memref<8x4x8x128xi32, #tpu.memory_space<vmem>> -> memref<1x1x8x128xi32, #tpu.memory_space<vmem>>
    %dma_start3A_499 = tpu.memref_squeeze %dma_start3A_498 : memref<1x1x8x128xi32, #tpu.memory_space<vmem>> -> memref<8x128xi32, #tpu.memory_space<vmem>>
    %dma_start3A_500 = arith.constant 0 : i32
    %dma_start3A_501 = arith.constant 0 : i32
    %dma_start3A_502 = tpu.memref_slice %arg2[%add3A_489, %add3A_493, %dma_start3A_500, %dma_start3A_501] : memref<25x32x8x128xi32, #tpu.memory_space<hbm>> -> memref<1x1x8x128xi32, #tpu.memory_space<hbm>>
    %dma_start3A_503 = tpu.memref_squeeze %dma_start3A_502 : memref<1x1x8x128xi32, #tpu.memory_space<hbm>> -> memref<8x128xi32, #tpu.memory_space<hbm>>
    %dma_start3A_504 = arith.constant 0 : i32
    %dma_start3A_505 = arith.constant 0 : i32
    %dma_start3A_506 = tpu.memref_slice %arg6[%dma_start3A_494, %dma_start3A_495, %dma_start3A_504, %dma_start3A_505] : memref<8x4x8x128xi32, #tpu.memory_space<vmem>> -> memref<1x1x8x128xi32, #tpu.memory_space<vmem>>
    %dma_start3A_507 = tpu.memref_squeeze %dma_start3A_506 : memref<1x1x8x128xi32, #tpu.memory_space<vmem>> -> memref<8x128xi32, #tpu.memory_space<vmem>>
    %dma_start3A_508 = arith.constant 0 : i32
    %dma_start3A_509 = arith.constant 0 : i32
    %dma_start3A_510 = tpu.memref_slice %arg2[%add3A_489, %add3A_493, %dma_start3A_508, %dma_start3A_509] : memref<25x32x8x128xi32, #tpu.memory_space<hbm>> -> memref<1x1x8x128xi32, #tpu.memory_space<hbm>>
    %dma_start3A_511 = tpu.memref_squeeze %dma_start3A_510 : memref<1x1x8x128xi32, #tpu.memory_space<hbm>> -> memref<8x128xi32, #tpu.memory_space<hbm>>
    tpu.enqueue_dma source(%dma_start3A_511 : memref<8x128xi32, #tpu.memory_space<hbm>>) target(%dma_start3A_507 : memref<8x128xi32, #tpu.memory_space<vmem>>) target_semaphore(%arg16 : memref<!tpu.dma_semaphore, #tpu.memory_space<semaphore_mem>>)
    %add3A_512 = arith.constant 4 : i32
    %add3A_513 = arith.addi %select_n3A_56, %add3A_512 : i32
    %mul3A_514 = arith.constant 4 : i32
    %mul3A_515 = arith.muli %mul3A_514, %select_n3A : i32
    %add3A_516 = arith.constant 3 : i32
    %add3A_517 = arith.addi %mul3A_515, %add3A_516 : i32
    %dma_start3A_518 = arith.constant 4 : i32
    %dma_start3A_519 = arith.constant 3 : i32
    %dma_start3A_520 = arith.constant 0 : i32
    %dma_start3A_521 = arith.constant 0 : i32
    %dma_start3A_522 = tpu.memref_slice %arg6[%dma_start3A_518, %dma_start3A_519, %dma_start3A_520, %dma_start3A_521] : memref<8x4x8x128xi32, #tpu.memory_space<vmem>> -> memref<1x1x8x128xi32, #tpu.memory_space<vmem>>
    %dma_start3A_523 = tpu.memref_squeeze %dma_start3A_522 : memref<1x1x8x128xi32, #tpu.memory_space<vmem>> -> memref<8x128xi32, #tpu.memory_space<vmem>>
    %dma_start3A_524 = arith.constant 0 : i32
    %dma_start3A_525 = arith.constant 0 : i32
    %dma_start3A_526 = tpu.memref_slice %arg2[%add3A_513, %add3A_517, %dma_start3A_524, %dma_start3A_525] : memref<25x32x8x128xi32, #tpu.memory_space<hbm>> -> memref<1x1x8x128xi32, #tpu.memory_space<hbm>>
    %dma_start3A_527 = tpu.memref_squeeze %dma_start3A_526 : memref<1x1x8x128xi32, #tpu.memory_space<hbm>> -> memref<8x128xi32, #tpu.memory_space<hbm>>
    %dma_start3A_528 = arith.constant 0 : i32
    %dma_start3A_529 = arith.constant 0 : i32
    %dma_start3A_530 = tpu.memref_slice %arg6[%dma_start3A_518, %dma_start3A_519, %dma_start3A_528, %dma_start3A_529] : memref<8x4x8x128xi32, #tpu.memory_space<vmem>> -> memref<1x1x8x128xi32, #tpu.memory_space<vmem>>
    %dma_start3A_531 = tpu.memref_squeeze %dma_start3A_530 : memref<1x1x8x128xi32, #tpu.memory_space<vmem>> -> memref<8x128xi32, #tpu.memory_space<vmem>>
    %dma_start3A_532 = arith.constant 0 : i32
    %dma_start3A_533 = arith.constant 0 : i32
    %dma_start3A_534 = tpu.memref_slice %arg2[%add3A_513, %add3A_517, %dma_start3A_532, %dma_start3A_533] : memref<25x32x8x128xi32, #tpu.memory_space<hbm>> -> memref<1x1x8x128xi32, #tpu.memory_space<hbm>>
    %dma_start3A_535 = tpu.memref_squeeze %dma_start3A_534 : memref<1x1x8x128xi32, #tpu.memory_space<hbm>> -> memref<8x128xi32, #tpu.memory_space<hbm>>
    tpu.enqueue_dma source(%dma_start3A_535 : memref<8x128xi32, #tpu.memory_space<hbm>>) target(%dma_start3A_531 : memref<8x128xi32, #tpu.memory_space<vmem>>) target_semaphore(%arg16 : memref<!tpu.dma_semaphore, #tpu.memory_space<semaphore_mem>>)
    %add3A_536 = arith.constant 5 : i32
    %add3A_537 = arith.addi %select_n3A_56, %add3A_536 : i32
    %mul3A_538 = arith.constant 4 : i32
    %mul3A_539 = arith.muli %mul3A_538, %select_n3A : i32
    %add3A_540 = arith.constant 0 : i32
    %add3A_541 = arith.addi %mul3A_539, %add3A_540 : i32
    %dma_start3A_542 = arith.constant 5 : i32
    %dma_start3A_543 = arith.constant 0 : i32
    %dma_start3A_544 = arith.constant 0 : i32
    %dma_start3A_545 = arith.constant 0 : i32
    %dma_start3A_546 = tpu.memref_slice %arg6[%dma_start3A_542, %dma_start3A_543, %dma_start3A_544, %dma_start3A_545] : memref<8x4x8x128xi32, #tpu.memory_space<vmem>> -> memref<1x1x8x128xi32, #tpu.memory_space<vmem>>
    %dma_start3A_547 = tpu.memref_squeeze %dma_start3A_546 : memref<1x1x8x128xi32, #tpu.memory_space<vmem>> -> memref<8x128xi32, #tpu.memory_space<vmem>>
    %dma_start3A_548 = arith.constant 0 : i32
    %dma_start3A_549 = arith.constant 0 : i32
    %dma_start3A_550 = tpu.memref_slice %arg2[%add3A_537, %add3A_541, %dma_start3A_548, %dma_start3A_549] : memref<25x32x8x128xi32, #tpu.memory_space<hbm>> -> memref<1x1x8x128xi32, #tpu.memory_space<hbm>>
    %dma_start3A_551 = tpu.memref_squeeze %dma_start3A_550 : memref<1x1x8x128xi32, #tpu.memory_space<hbm>> -> memref<8x128xi32, #tpu.memory_space<hbm>>
    %dma_start3A_552 = arith.constant 0 : i32
    %dma_start3A_553 = arith.constant 0 : i32
    %dma_start3A_554 = tpu.memref_slice %arg6[%dma_start3A_542, %dma_start3A_543, %dma_start3A_552, %dma_start3A_553] : memref<8x4x8x128xi32, #tpu.memory_space<vmem>> -> memref<1x1x8x128xi32, #tpu.memory_space<vmem>>
    %dma_start3A_555 = tpu.memref_squeeze %dma_start3A_554 : memref<1x1x8x128xi32, #tpu.memory_space<vmem>> -> memref<8x128xi32, #tpu.memory_space<vmem>>
    %dma_start3A_556 = arith.constant 0 : i32
    %dma_start3A_557 = arith.constant 0 : i32
    %dma_start3A_558 = tpu.memref_slice %arg2[%add3A_537, %add3A_541, %dma_start3A_556, %dma_start3A_557] : memref<25x32x8x128xi32, #tpu.memory_space<hbm>> -> memref<1x1x8x128xi32, #tpu.memory_space<hbm>>
    %dma_start3A_559 = tpu.memref_squeeze %dma_start3A_558 : memref<1x1x8x128xi32, #tpu.memory_space<hbm>> -> memref<8x128xi32, #tpu.memory_space<hbm>>
    tpu.enqueue_dma source(%dma_start3A_559 : memref<8x128xi32, #tpu.memory_space<hbm>>) target(%dma_start3A_555 : memref<8x128xi32, #tpu.memory_space<vmem>>) target_semaphore(%arg16 : memref<!tpu.dma_semaphore, #tpu.memory_space<semaphore_mem>>)
    %add3A_560 = arith.constant 5 : i32
    %add3A_561 = arith.addi %select_n3A_56, %add3A_560 : i32
    %mul3A_562 = arith.constant 4 : i32
    %mul3A_563 = arith.muli %mul3A_562, %select_n3A : i32
    %add3A_564 = arith.constant 1 : i32
    %add3A_565 = arith.addi %mul3A_563, %add3A_564 : i32
    %dma_start3A_566 = arith.constant 5 : i32
    %dma_start3A_567 = arith.constant 1 : i32
    %dma_start3A_568 = arith.constant 0 : i32
    %dma_start3A_569 = arith.constant 0 : i32
    %dma_start3A_570 = tpu.memref_slice %arg6[%dma_start3A_566, %dma_start3A_567, %dma_start3A_568, %dma_start3A_569] : memref<8x4x8x128xi32, #tpu.memory_space<vmem>> -> memref<1x1x8x128xi32, #tpu.memory_space<vmem>>
    %dma_start3A_571 = tpu.memref_squeeze %dma_start3A_570 : memref<1x1x8x128xi32, #tpu.memory_space<vmem>> -> memref<8x128xi32, #tpu.memory_space<vmem>>
    %dma_start3A_572 = arith.constant 0 : i32
    %dma_start3A_573 = arith.constant 0 : i32
    %dma_start3A_574 = tpu.memref_slice %arg2[%add3A_561, %add3A_565, %dma_start3A_572, %dma_start3A_573] : memref<25x32x8x128xi32, #tpu.memory_space<hbm>> -> memref<1x1x8x128xi32, #tpu.memory_space<hbm>>
    %dma_start3A_575 = tpu.memref_squeeze %dma_start3A_574 : memref<1x1x8x128xi32, #tpu.memory_space<hbm>> -> memref<8x128xi32, #tpu.memory_space<hbm>>
    %dma_start3A_576 = arith.constant 0 : i32
    %dma_start3A_577 = arith.constant 0 : i32
    %dma_start3A_578 = tpu.memref_slice %arg6[%dma_start3A_566, %dma_start3A_567, %dma_start3A_576, %dma_start3A_577] : memref<8x4x8x128xi32, #tpu.memory_space<vmem>> -> memref<1x1x8x128xi32, #tpu.memory_space<vmem>>
    %dma_start3A_579 = tpu.memref_squeeze %dma_start3A_578 : memref<1x1x8x128xi32, #tpu.memory_space<vmem>> -> memref<8x128xi32, #tpu.memory_space<vmem>>
    %dma_start3A_580 = arith.constant 0 : i32
    %dma_start3A_581 = arith.constant 0 : i32
    %dma_start3A_582 = tpu.memref_slice %arg2[%add3A_561, %add3A_565, %dma_start3A_580, %dma_start3A_581] : memref<25x32x8x128xi32, #tpu.memory_space<hbm>> -> memref<1x1x8x128xi32, #tpu.memory_space<hbm>>
    %dma_start3A_583 = tpu.memref_squeeze %dma_start3A_582 : memref<1x1x8x128xi32, #tpu.memory_space<hbm>> -> memref<8x128xi32, #tpu.memory_space<hbm>>
    tpu.enqueue_dma source(%dma_start3A_583 : memref<8x128xi32, #tpu.memory_space<hbm>>) target(%dma_start3A_579 : memref<8x128xi32, #tpu.memory_space<vmem>>) target_semaphore(%arg16 : memref<!tpu.dma_semaphore, #tpu.memory_space<semaphore_mem>>)
    %add3A_584 = arith.constant 5 : i32
    %add3A_585 = arith.addi %select_n3A_56, %add3A_584 : i32
    %mul3A_586 = arith.constant 4 : i32
    %mul3A_587 = arith.muli %mul3A_586, %select_n3A : i32
    %add3A_588 = arith.constant 2 : i32
    %add3A_589 = arith.addi %mul3A_587, %add3A_588 : i32
    %dma_start3A_590 = arith.constant 5 : i32
    %dma_start3A_591 = arith.constant 2 : i32
    %dma_start3A_592 = arith.constant 0 : i32
    %dma_start3A_593 = arith.constant 0 : i32
    %dma_start3A_594 = tpu.memref_slice %arg6[%dma_start3A_590, %dma_start3A_591, %dma_start3A_592, %dma_start3A_593] : memref<8x4x8x128xi32, #tpu.memory_space<vmem>> -> memref<1x1x8x128xi32, #tpu.memory_space<vmem>>
    %dma_start3A_595 = tpu.memref_squeeze %dma_start3A_594 : memref<1x1x8x128xi32, #tpu.memory_space<vmem>> -> memref<8x128xi32, #tpu.memory_space<vmem>>
    %dma_start3A_596 = arith.constant 0 : i32
    %dma_start3A_597 = arith.constant 0 : i32
    %dma_start3A_598 = tpu.memref_slice %arg2[%add3A_585, %add3A_589, %dma_start3A_596, %dma_start3A_597] : memref<25x32x8x128xi32, #tpu.memory_space<hbm>> -> memref<1x1x8x128xi32, #tpu.memory_space<hbm>>
    %dma_start3A_599 = tpu.memref_squeeze %dma_start3A_598 : memref<1x1x8x128xi32, #tpu.memory_space<hbm>> -> memref<8x128xi32, #tpu.memory_space<hbm>>
    %dma_start3A_600 = arith.constant 0 : i32
    %dma_start3A_601 = arith.constant 0 : i32
    %dma_start3A_602 = tpu.memref_slice %arg6[%dma_start3A_590, %dma_start3A_591, %dma_start3A_600, %dma_start3A_601] : memref<8x4x8x128xi32, #tpu.memory_space<vmem>> -> memref<1x1x8x128xi32, #tpu.memory_space<vmem>>
    %dma_start3A_603 = tpu.memref_squeeze %dma_start3A_602 : memref<1x1x8x128xi32, #tpu.memory_space<vmem>> -> memref<8x128xi32, #tpu.memory_space<vmem>>
    %dma_start3A_604 = arith.constant 0 : i32
    %dma_start3A_605 = arith.constant 0 : i32
    %dma_start3A_606 = tpu.memref_slice %arg2[%add3A_585, %add3A_589, %dma_start3A_604, %dma_start3A_605] : memref<25x32x8x128xi32, #tpu.memory_space<hbm>> -> memref<1x1x8x128xi32, #tpu.memory_space<hbm>>
    %dma_start3A_607 = tpu.memref_squeeze %dma_start3A_606 : memref<1x1x8x128xi32, #tpu.memory_space<hbm>> -> memref<8x128xi32, #tpu.memory_space<hbm>>
    tpu.enqueue_dma source(%dma_start3A_607 : memref<8x128xi32, #tpu.memory_space<hbm>>) target(%dma_start3A_603 : memref<8x128xi32, #tpu.memory_space<vmem>>) target_semaphore(%arg16 : memref<!tpu.dma_semaphore, #tpu.memory_space<semaphore_mem>>)
    %add3A_608 = arith.constant 5 : i32
    %add3A_609 = arith.addi %select_n3A_56, %add3A_608 : i32
    %mul3A_610 = arith.constant 4 : i32
    %mul3A_611 = arith.muli %mul3A_610, %select_n3A : i32
    %add3A_612 = arith.constant 3 : i32
    %add3A_613 = arith.addi %mul3A_611, %add3A_612 : i32
    %dma_start3A_614 = arith.constant 5 : i32
    %dma_start3A_615 = arith.constant 3 : i32
    %dma_start3A_616 = arith.constant 0 : i32
    %dma_start3A_617 = arith.constant 0 : i32
    %dma_start3A_618 = tpu.memref_slice %arg6[%dma_start3A_614, %dma_start3A_615, %dma_start3A_616, %dma_start3A_617] : memref<8x4x8x128xi32, #tpu.memory_space<vmem>> -> memref<1x1x8x128xi32, #tpu.memory_space<vmem>>
    %dma_start3A_619 = tpu.memref_squeeze %dma_start3A_618 : memref<1x1x8x128xi32, #tpu.memory_space<vmem>> -> memref<8x128xi32, #tpu.memory_space<vmem>>
    %dma_start3A_620 = arith.constant 0 : i32
    %dma_start3A_621 = arith.constant 0 : i32
    %dma_start3A_622 = tpu.memref_slice %arg2[%add3A_609, %add3A_613, %dma_start3A_620, %dma_start3A_621] : memref<25x32x8x128xi32, #tpu.memory_space<hbm>> -> memref<1x1x8x128xi32, #tpu.memory_space<hbm>>
    %dma_start3A_623 = tpu.memref_squeeze %dma_start3A_622 : memref<1x1x8x128xi32, #tpu.memory_space<hbm>> -> memref<8x128xi32, #tpu.memory_space<hbm>>
    %dma_start3A_624 = arith.constant 0 : i32
    %dma_start3A_625 = arith.constant 0 : i32
    %dma_start3A_626 = tpu.memref_slice %arg6[%dma_start3A_614, %dma_start3A_615, %dma_start3A_624, %dma_start3A_625] : memref<8x4x8x128xi32, #tpu.memory_space<vmem>> -> memref<1x1x8x128xi32, #tpu.memory_space<vmem>>
    %dma_start3A_627 = tpu.memref_squeeze %dma_start3A_626 : memref<1x1x8x128xi32, #tpu.memory_space<vmem>> -> memref<8x128xi32, #tpu.memory_space<vmem>>
    %dma_start3A_628 = arith.constant 0 : i32
    %dma_start3A_629 = arith.constant 0 : i32
    %dma_start3A_630 = tpu.memref_slice %arg2[%add3A_609, %add3A_613, %dma_start3A_628, %dma_start3A_629] : memref<25x32x8x128xi32, #tpu.memory_space<hbm>> -> memref<1x1x8x128xi32, #tpu.memory_space<hbm>>
    %dma_start3A_631 = tpu.memref_squeeze %dma_start3A_630 : memref<1x1x8x128xi32, #tpu.memory_space<hbm>> -> memref<8x128xi32, #tpu.memory_space<hbm>>
    tpu.enqueue_dma source(%dma_start3A_631 : memref<8x128xi32, #tpu.memory_space<hbm>>) target(%dma_start3A_627 : memref<8x128xi32, #tpu.memory_space<vmem>>) target_semaphore(%arg16 : memref<!tpu.dma_semaphore, #tpu.memory_space<semaphore_mem>>)
    %add3A_632 = arith.constant 6 : i32
    %add3A_633 = arith.addi %select_n3A_56, %add3A_632 : i32
    %mul3A_634 = arith.constant 4 : i32
    %mul3A_635 = arith.muli %mul3A_634, %select_n3A : i32
    %add3A_636 = arith.constant 0 : i32
    %add3A_637 = arith.addi %mul3A_635, %add3A_636 : i32
    %dma_start3A_638 = arith.constant 6 : i32
    %dma_start3A_639 = arith.constant 0 : i32
    %dma_start3A_640 = arith.constant 0 : i32
    %dma_start3A_641 = arith.constant 0 : i32
    %dma_start3A_642 = tpu.memref_slice %arg6[%dma_start3A_638, %dma_start3A_639, %dma_start3A_640, %dma_start3A_641] : memref<8x4x8x128xi32, #tpu.memory_space<vmem>> -> memref<1x1x8x128xi32, #tpu.memory_space<vmem>>
    %dma_start3A_643 = tpu.memref_squeeze %dma_start3A_642 : memref<1x1x8x128xi32, #tpu.memory_space<vmem>> -> memref<8x128xi32, #tpu.memory_space<vmem>>
    %dma_start3A_644 = arith.constant 0 : i32
    %dma_start3A_645 = arith.constant 0 : i32
    %dma_start3A_646 = tpu.memref_slice %arg2[%add3A_633, %add3A_637, %dma_start3A_644, %dma_start3A_645] : memref<25x32x8x128xi32, #tpu.memory_space<hbm>> -> memref<1x1x8x128xi32, #tpu.memory_space<hbm>>
    %dma_start3A_647 = tpu.memref_squeeze %dma_start3A_646 : memref<1x1x8x128xi32, #tpu.memory_space<hbm>> -> memref<8x128xi32, #tpu.memory_space<hbm>>
    %dma_start3A_648 = arith.constant 0 : i32
    %dma_start3A_649 = arith.constant 0 : i32
    %dma_start3A_650 = tpu.memref_slice %arg6[%dma_start3A_638, %dma_start3A_639, %dma_start3A_648, %dma_start3A_649] : memref<8x4x8x128xi32, #tpu.memory_space<vmem>> -> memref<1x1x8x128xi32, #tpu.memory_space<vmem>>
    %dma_start3A_651 = tpu.memref_squeeze %dma_start3A_650 : memref<1x1x8x128xi32, #tpu.memory_space<vmem>> -> memref<8x128xi32, #tpu.memory_space<vmem>>
    %dma_start3A_652 = arith.constant 0 : i32
    %dma_start3A_653 = arith.constant 0 : i32
    %dma_start3A_654 = tpu.memref_slice %arg2[%add3A_633, %add3A_637, %dma_start3A_652, %dma_start3A_653] : memref<25x32x8x128xi32, #tpu.memory_space<hbm>> -> memref<1x1x8x128xi32, #tpu.memory_space<hbm>>
    %dma_start3A_655 = tpu.memref_squeeze %dma_start3A_654 : memref<1x1x8x128xi32, #tpu.memory_space<hbm>> -> memref<8x128xi32, #tpu.memory_space<hbm>>
    tpu.enqueue_dma source(%dma_start3A_655 : memref<8x128xi32, #tpu.memory_space<hbm>>) target(%dma_start3A_651 : memref<8x128xi32, #tpu.memory_space<vmem>>) target_semaphore(%arg16 : memref<!tpu.dma_semaphore, #tpu.memory_space<semaphore_mem>>)
    %add3A_656 = arith.constant 6 : i32
    %add3A_657 = arith.addi %select_n3A_56, %add3A_656 : i32
    %mul3A_658 = arith.constant 4 : i32
    %mul3A_659 = arith.muli %mul3A_658, %select_n3A : i32
    %add3A_660 = arith.constant 1 : i32
    %add3A_661 = arith.addi %mul3A_659, %add3A_660 : i32
    %dma_start3A_662 = arith.constant 6 : i32
    %dma_start3A_663 = arith.constant 1 : i32
    %dma_start3A_664 = arith.constant 0 : i32
    %dma_start3A_665 = arith.constant 0 : i32
    %dma_start3A_666 = tpu.memref_slice %arg6[%dma_start3A_662, %dma_start3A_663, %dma_start3A_664, %dma_start3A_665] : memref<8x4x8x128xi32, #tpu.memory_space<vmem>> -> memref<1x1x8x128xi32, #tpu.memory_space<vmem>>
    %dma_start3A_667 = tpu.memref_squeeze %dma_start3A_666 : memref<1x1x8x128xi32, #tpu.memory_space<vmem>> -> memref<8x128xi32, #tpu.memory_space<vmem>>
    %dma_start3A_668 = arith.constant 0 : i32
    %dma_start3A_669 = arith.constant 0 : i32
    %dma_start3A_670 = tpu.memref_slice %arg2[%add3A_657, %add3A_661, %dma_start3A_668, %dma_start3A_669] : memref<25x32x8x128xi32, #tpu.memory_space<hbm>> -> memref<1x1x8x128xi32, #tpu.memory_space<hbm>>
    %dma_start3A_671 = tpu.memref_squeeze %dma_start3A_670 : memref<1x1x8x128xi32, #tpu.memory_space<hbm>> -> memref<8x128xi32, #tpu.memory_space<hbm>>
    %dma_start3A_672 = arith.constant 0 : i32
    %dma_start3A_673 = arith.constant 0 : i32
    %dma_start3A_674 = tpu.memref_slice %arg6[%dma_start3A_662, %dma_start3A_663, %dma_start3A_672, %dma_start3A_673] : memref<8x4x8x128xi32, #tpu.memory_space<vmem>> -> memref<1x1x8x128xi32, #tpu.memory_space<vmem>>
    %dma_start3A_675 = tpu.memref_squeeze %dma_start3A_674 : memref<1x1x8x128xi32, #tpu.memory_space<vmem>> -> memref<8x128xi32, #tpu.memory_space<vmem>>
    %dma_start3A_676 = arith.constant 0 : i32
    %dma_start3A_677 = arith.constant 0 : i32
    %dma_start3A_678 = tpu.memref_slice %arg2[%add3A_657, %add3A_661, %dma_start3A_676, %dma_start3A_677] : memref<25x32x8x128xi32, #tpu.memory_space<hbm>> -> memref<1x1x8x128xi32, #tpu.memory_space<hbm>>
    %dma_start3A_679 = tpu.memref_squeeze %dma_start3A_678 : memref<1x1x8x128xi32, #tpu.memory_space<hbm>> -> memref<8x128xi32, #tpu.memory_space<hbm>>
    tpu.enqueue_dma source(%dma_start3A_679 : memref<8x128xi32, #tpu.memory_space<hbm>>) target(%dma_start3A_675 : memref<8x128xi32, #tpu.memory_space<vmem>>) target_semaphore(%arg16 : memref<!tpu.dma_semaphore, #tpu.memory_space<semaphore_mem>>)
    %add3A_680 = arith.constant 6 : i32
    %add3A_681 = arith.addi %select_n3A_56, %add3A_680 : i32
    %mul3A_682 = arith.constant 4 : i32
    %mul3A_683 = arith.muli %mul3A_682, %select_n3A : i32
    %add3A_684 = arith.constant 2 : i32
    %add3A_685 = arith.addi %mul3A_683, %add3A_684 : i32
    %dma_start3A_686 = arith.constant 6 : i32
    %dma_start3A_687 = arith.constant 2 : i32
    %dma_start3A_688 = arith.constant 0 : i32
    %dma_start3A_689 = arith.constant 0 : i32
    %dma_start3A_690 = tpu.memref_slice %arg6[%dma_start3A_686, %dma_start3A_687, %dma_start3A_688, %dma_start3A_689] : memref<8x4x8x128xi32, #tpu.memory_space<vmem>> -> memref<1x1x8x128xi32, #tpu.memory_space<vmem>>
    %dma_start3A_691 = tpu.memref_squeeze %dma_start3A_690 : memref<1x1x8x128xi32, #tpu.memory_space<vmem>> -> memref<8x128xi32, #tpu.memory_space<vmem>>
    %dma_start3A_692 = arith.constant 0 : i32
    %dma_start3A_693 = arith.constant 0 : i32
    %dma_start3A_694 = tpu.memref_slice %arg2[%add3A_681, %add3A_685, %dma_start3A_692, %dma_start3A_693] : memref<25x32x8x128xi32, #tpu.memory_space<hbm>> -> memref<1x1x8x128xi32, #tpu.memory_space<hbm>>
    %dma_start3A_695 = tpu.memref_squeeze %dma_start3A_694 : memref<1x1x8x128xi32, #tpu.memory_space<hbm>> -> memref<8x128xi32, #tpu.memory_space<hbm>>
    %dma_start3A_696 = arith.constant 0 : i32
    %dma_start3A_697 = arith.constant 0 : i32
    %dma_start3A_698 = tpu.memref_slice %arg6[%dma_start3A_686, %dma_start3A_687, %dma_start3A_696, %dma_start3A_697] : memref<8x4x8x128xi32, #tpu.memory_space<vmem>> -> memref<1x1x8x128xi32, #tpu.memory_space<vmem>>
    %dma_start3A_699 = tpu.memref_squeeze %dma_start3A_698 : memref<1x1x8x128xi32, #tpu.memory_space<vmem>> -> memref<8x128xi32, #tpu.memory_space<vmem>>
    %dma_start3A_700 = arith.constant 0 : i32
    %dma_start3A_701 = arith.constant 0 : i32
    %dma_start3A_702 = tpu.memref_slice %arg2[%add3A_681, %add3A_685, %dma_start3A_700, %dma_start3A_701] : memref<25x32x8x128xi32, #tpu.memory_space<hbm>> -> memref<1x1x8x128xi32, #tpu.memory_space<hbm>>
    %dma_start3A_703 = tpu.memref_squeeze %dma_start3A_702 : memref<1x1x8x128xi32, #tpu.memory_space<hbm>> -> memref<8x128xi32, #tpu.memory_space<hbm>>
    tpu.enqueue_dma source(%dma_start3A_703 : memref<8x128xi32, #tpu.memory_space<hbm>>) target(%dma_start3A_699 : memref<8x128xi32, #tpu.memory_space<vmem>>) target_semaphore(%arg16 : memref<!tpu.dma_semaphore, #tpu.memory_space<semaphore_mem>>)
    %add3A_704 = arith.constant 6 : i32
    %add3A_705 = arith.addi %select_n3A_56, %add3A_704 : i32
    %mul3A_706 = arith.constant 4 : i32
    %mul3A_707 = arith.muli %mul3A_706, %select_n3A : i32
    %add3A_708 = arith.constant 3 : i32
    %add3A_709 = arith.addi %mul3A_707, %add3A_708 : i32
    %dma_start3A_710 = arith.constant 6 : i32
    %dma_start3A_711 = arith.constant 3 : i32
    %dma_start3A_712 = arith.constant 0 : i32
    %dma_start3A_713 = arith.constant 0 : i32
    %dma_start3A_714 = tpu.memref_slice %arg6[%dma_start3A_710, %dma_start3A_711, %dma_start3A_712, %dma_start3A_713] : memref<8x4x8x128xi32, #tpu.memory_space<vmem>> -> memref<1x1x8x128xi32, #tpu.memory_space<vmem>>
    %dma_start3A_715 = tpu.memref_squeeze %dma_start3A_714 : memref<1x1x8x128xi32, #tpu.memory_space<vmem>> -> memref<8x128xi32, #tpu.memory_space<vmem>>
    %dma_start3A_716 = arith.constant 0 : i32
    %dma_start3A_717 = arith.constant 0 : i32
    %dma_start3A_718 = tpu.memref_slice %arg2[%add3A_705, %add3A_709, %dma_start3A_716, %dma_start3A_717] : memref<25x32x8x128xi32, #tpu.memory_space<hbm>> -> memref<1x1x8x128xi32, #tpu.memory_space<hbm>>
    %dma_start3A_719 = tpu.memref_squeeze %dma_start3A_718 : memref<1x1x8x128xi32, #tpu.memory_space<hbm>> -> memref<8x128xi32, #tpu.memory_space<hbm>>
    %dma_start3A_720 = arith.constant 0 : i32
    %dma_start3A_721 = arith.constant 0 : i32
    %dma_start3A_722 = tpu.memref_slice %arg6[%dma_start3A_710, %dma_start3A_711, %dma_start3A_720, %dma_start3A_721] : memref<8x4x8x128xi32, #tpu.memory_space<vmem>> -> memref<1x1x8x128xi32, #tpu.memory_space<vmem>>
    %dma_start3A_723 = tpu.memref_squeeze %dma_start3A_722 : memref<1x1x8x128xi32, #tpu.memory_space<vmem>> -> memref<8x128xi32, #tpu.memory_space<vmem>>
    %dma_start3A_724 = arith.constant 0 : i32
    %dma_start3A_725 = arith.constant 0 : i32
    %dma_start3A_726 = tpu.memref_slice %arg2[%add3A_705, %add3A_709, %dma_start3A_724, %dma_start3A_725] : memref<25x32x8x128xi32, #tpu.memory_space<hbm>> -> memref<1x1x8x128xi32, #tpu.memory_space<hbm>>
    %dma_start3A_727 = tpu.memref_squeeze %dma_start3A_726 : memref<1x1x8x128xi32, #tpu.memory_space<hbm>> -> memref<8x128xi32, #tpu.memory_space<hbm>>
    tpu.enqueue_dma source(%dma_start3A_727 : memref<8x128xi32, #tpu.memory_space<hbm>>) target(%dma_start3A_723 : memref<8x128xi32, #tpu.memory_space<vmem>>) target_semaphore(%arg16 : memref<!tpu.dma_semaphore, #tpu.memory_space<semaphore_mem>>)
    %add3A_728 = arith.constant 7 : i32
    %add3A_729 = arith.addi %select_n3A_56, %add3A_728 : i32
    %mul3A_730 = arith.constant 4 : i32
    %mul3A_731 = arith.muli %mul3A_730, %select_n3A : i32
    %add3A_732 = arith.constant 0 : i32
    %add3A_733 = arith.addi %mul3A_731, %add3A_732 : i32
    %dma_start3A_734 = arith.constant 7 : i32
    %dma_start3A_735 = arith.constant 0 : i32
    %dma_start3A_736 = arith.constant 0 : i32
    %dma_start3A_737 = arith.constant 0 : i32
    %dma_start3A_738 = tpu.memref_slice %arg6[%dma_start3A_734, %dma_start3A_735, %dma_start3A_736, %dma_start3A_737] : memref<8x4x8x128xi32, #tpu.memory_space<vmem>> -> memref<1x1x8x128xi32, #tpu.memory_space<vmem>>
    %dma_start3A_739 = tpu.memref_squeeze %dma_start3A_738 : memref<1x1x8x128xi32, #tpu.memory_space<vmem>> -> memref<8x128xi32, #tpu.memory_space<vmem>>
    %dma_start3A_740 = arith.constant 0 : i32
    %dma_start3A_741 = arith.constant 0 : i32
    %dma_start3A_742 = tpu.memref_slice %arg2[%add3A_729, %add3A_733, %dma_start3A_740, %dma_start3A_741] : memref<25x32x8x128xi32, #tpu.memory_space<hbm>> -> memref<1x1x8x128xi32, #tpu.memory_space<hbm>>
    %dma_start3A_743 = tpu.memref_squeeze %dma_start3A_742 : memref<1x1x8x128xi32, #tpu.memory_space<hbm>> -> memref<8x128xi32, #tpu.memory_space<hbm>>
    %dma_start3A_744 = arith.constant 0 : i32
    %dma_start3A_745 = arith.constant 0 : i32
    %dma_start3A_746 = tpu.memref_slice %arg6[%dma_start3A_734, %dma_start3A_735, %dma_start3A_744, %dma_start3A_745] : memref<8x4x8x128xi32, #tpu.memory_space<vmem>> -> memref<1x1x8x128xi32, #tpu.memory_space<vmem>>
    %dma_start3A_747 = tpu.memref_squeeze %dma_start3A_746 : memref<1x1x8x128xi32, #tpu.memory_space<vmem>> -> memref<8x128xi32, #tpu.memory_space<vmem>>
    %dma_start3A_748 = arith.constant 0 : i32
    %dma_start3A_749 = arith.constant 0 : i32
    %dma_start3A_750 = tpu.memref_slice %arg2[%add3A_729, %add3A_733, %dma_start3A_748, %dma_start3A_749] : memref<25x32x8x128xi32, #tpu.memory_space<hbm>> -> memref<1x1x8x128xi32, #tpu.memory_space<hbm>>
    %dma_start3A_751 = tpu.memref_squeeze %dma_start3A_750 : memref<1x1x8x128xi32, #tpu.memory_space<hbm>> -> memref<8x128xi32, #tpu.memory_space<hbm>>
    tpu.enqueue_dma source(%dma_start3A_751 : memref<8x128xi32, #tpu.memory_space<hbm>>) target(%dma_start3A_747 : memref<8x128xi32, #tpu.memory_space<vmem>>) target_semaphore(%arg16 : memref<!tpu.dma_semaphore, #tpu.memory_space<semaphore_mem>>)
    %add3A_752 = arith.constant 7 : i32
    %add3A_753 = arith.addi %select_n3A_56, %add3A_752 : i32
    %mul3A_754 = arith.constant 4 : i32
    %mul3A_755 = arith.muli %mul3A_754, %select_n3A : i32
    %add3A_756 = arith.constant 1 : i32
    %add3A_757 = arith.addi %mul3A_755, %add3A_756 : i32
    %dma_start3A_758 = arith.constant 7 : i32
    %dma_start3A_759 = arith.constant 1 : i32
    %dma_start3A_760 = arith.constant 0 : i32
    %dma_start3A_761 = arith.constant 0 : i32
    %dma_start3A_762 = tpu.memref_slice %arg6[%dma_start3A_758, %dma_start3A_759, %dma_start3A_760, %dma_start3A_761] : memref<8x4x8x128xi32, #tpu.memory_space<vmem>> -> memref<1x1x8x128xi32, #tpu.memory_space<vmem>>
    %dma_start3A_763 = tpu.memref_squeeze %dma_start3A_762 : memref<1x1x8x128xi32, #tpu.memory_space<vmem>> -> memref<8x128xi32, #tpu.memory_space<vmem>>
    %dma_start3A_764 = arith.constant 0 : i32
    %dma_start3A_765 = arith.constant 0 : i32
    %dma_start3A_766 = tpu.memref_slice %arg2[%add3A_753, %add3A_757, %dma_start3A_764, %dma_start3A_765] : memref<25x32x8x128xi32, #tpu.memory_space<hbm>> -> memref<1x1x8x128xi32, #tpu.memory_space<hbm>>
    %dma_start3A_767 = tpu.memref_squeeze %dma_start3A_766 : memref<1x1x8x128xi32, #tpu.memory_space<hbm>> -> memref<8x128xi32, #tpu.memory_space<hbm>>
    %dma_start3A_768 = arith.constant 0 : i32
    %dma_start3A_769 = arith.constant 0 : i32
    %dma_start3A_770 = tpu.memref_slice %arg6[%dma_start3A_758, %dma_start3A_759, %dma_start3A_768, %dma_start3A_769] : memref<8x4x8x128xi32, #tpu.memory_space<vmem>> -> memref<1x1x8x128xi32, #tpu.memory_space<vmem>>
    %dma_start3A_771 = tpu.memref_squeeze %dma_start3A_770 : memref<1x1x8x128xi32, #tpu.memory_space<vmem>> -> memref<8x128xi32, #tpu.memory_space<vmem>>
    %dma_start3A_772 = arith.constant 0 : i32
    %dma_start3A_773 = arith.constant 0 : i32
    %dma_start3A_774 = tpu.memref_slice %arg2[%add3A_753, %add3A_757, %dma_start3A_772, %dma_start3A_773] : memref<25x32x8x128xi32, #tpu.memory_space<hbm>> -> memref<1x1x8x128xi32, #tpu.memory_space<hbm>>
    %dma_start3A_775 = tpu.memref_squeeze %dma_start3A_774 : memref<1x1x8x128xi32, #tpu.memory_space<hbm>> -> memref<8x128xi32, #tpu.memory_space<hbm>>
    tpu.enqueue_dma source(%dma_start3A_775 : memref<8x128xi32, #tpu.memory_space<hbm>>) target(%dma_start3A_771 : memref<8x128xi32, #tpu.memory_space<vmem>>) target_semaphore(%arg16 : memref<!tpu.dma_semaphore, #tpu.memory_space<semaphore_mem>>)
    %add3A_776 = arith.constant 7 : i32
    %add3A_777 = arith.addi %select_n3A_56, %add3A_776 : i32
    %mul3A_778 = arith.constant 4 : i32
    %mul3A_779 = arith.muli %mul3A_778, %select_n3A : i32
    %add3A_780 = arith.constant 2 : i32
    %add3A_781 = arith.addi %mul3A_779, %add3A_780 : i32
    %dma_start3A_782 = arith.constant 7 : i32
    %dma_start3A_783 = arith.constant 2 : i32
    %dma_start3A_784 = arith.constant 0 : i32
    %dma_start3A_785 = arith.constant 0 : i32
    %dma_start3A_786 = tpu.memref_slice %arg6[%dma_start3A_782, %dma_start3A_783, %dma_start3A_784, %dma_start3A_785] : memref<8x4x8x128xi32, #tpu.memory_space<vmem>> -> memref<1x1x8x128xi32, #tpu.memory_space<vmem>>
    %dma_start3A_787 = tpu.memref_squeeze %dma_start3A_786 : memref<1x1x8x128xi32, #tpu.memory_space<vmem>> -> memref<8x128xi32, #tpu.memory_space<vmem>>
    %dma_start3A_788 = arith.constant 0 : i32
    %dma_start3A_789 = arith.constant 0 : i32
    %dma_start3A_790 = tpu.memref_slice %arg2[%add3A_777, %add3A_781, %dma_start3A_788, %dma_start3A_789] : memref<25x32x8x128xi32, #tpu.memory_space<hbm>> -> memref<1x1x8x128xi32, #tpu.memory_space<hbm>>
    %dma_start3A_791 = tpu.memref_squeeze %dma_start3A_790 : memref<1x1x8x128xi32, #tpu.memory_space<hbm>> -> memref<8x128xi32, #tpu.memory_space<hbm>>
    %dma_start3A_792 = arith.constant 0 : i32
    %dma_start3A_793 = arith.constant 0 : i32
    %dma_start3A_794 = tpu.memref_slice %arg6[%dma_start3A_782, %dma_start3A_783, %dma_start3A_792, %dma_start3A_793] : memref<8x4x8x128xi32, #tpu.memory_space<vmem>> -> memref<1x1x8x128xi32, #tpu.memory_space<vmem>>
    %dma_start3A_795 = tpu.memref_squeeze %dma_start3A_794 : memref<1x1x8x128xi32, #tpu.memory_space<vmem>> -> memref<8x128xi32, #tpu.memory_space<vmem>>
    %dma_start3A_796 = arith.constant 0 : i32
    %dma_start3A_797 = arith.constant 0 : i32
    %dma_start3A_798 = tpu.memref_slice %arg2[%add3A_777, %add3A_781, %dma_start3A_796, %dma_start3A_797] : memref<25x32x8x128xi32, #tpu.memory_space<hbm>> -> memref<1x1x8x128xi32, #tpu.memory_space<hbm>>
    %dma_start3A_799 = tpu.memref_squeeze %dma_start3A_798 : memref<1x1x8x128xi32, #tpu.memory_space<hbm>> -> memref<8x128xi32, #tpu.memory_space<hbm>>
    tpu.enqueue_dma source(%dma_start3A_799 : memref<8x128xi32, #tpu.memory_space<hbm>>) target(%dma_start3A_795 : memref<8x128xi32, #tpu.memory_space<vmem>>) target_semaphore(%arg16 : memref<!tpu.dma_semaphore, #tpu.memory_space<semaphore_mem>>)
    %add3A_800 = arith.constant 7 : i32
    %add3A_801 = arith.addi %select_n3A_56, %add3A_800 : i32
    %mul3A_802 = arith.constant 4 : i32
    %mul3A_803 = arith.muli %mul3A_802, %select_n3A : i32
    %add3A_804 = arith.constant 3 : i32
    %add3A_805 = arith.addi %mul3A_803, %add3A_804 : i32
    %dma_start3A_806 = arith.constant 7 : i32
    %dma_start3A_807 = arith.constant 3 : i32
    %dma_start3A_808 = arith.constant 0 : i32
    %dma_start3A_809 = arith.constant 0 : i32
    %dma_start3A_810 = tpu.memref_slice %arg6[%dma_start3A_806, %dma_start3A_807, %dma_start3A_808, %dma_start3A_809] : memref<8x4x8x128xi32, #tpu.memory_space<vmem>> -> memref<1x1x8x128xi32, #tpu.memory_space<vmem>>
    %dma_start3A_811 = tpu.memref_squeeze %dma_start3A_810 : memref<1x1x8x128xi32, #tpu.memory_space<vmem>> -> memref<8x128xi32, #tpu.memory_space<vmem>>
    %dma_start3A_812 = arith.constant 0 : i32
    %dma_start3A_813 = arith.constant 0 : i32
    %dma_start3A_814 = tpu.memref_slice %arg2[%add3A_801, %add3A_805, %dma_start3A_812, %dma_start3A_813] : memref<25x32x8x128xi32, #tpu.memory_space<hbm>> -> memref<1x1x8x128xi32, #tpu.memory_space<hbm>>
    %dma_start3A_815 = tpu.memref_squeeze %dma_start3A_814 : memref<1x1x8x128xi32, #tpu.memory_space<hbm>> -> memref<8x128xi32, #tpu.memory_space<hbm>>
    %dma_start3A_816 = arith.constant 0 : i32
    %dma_start3A_817 = arith.constant 0 : i32
    %dma_start3A_818 = tpu.memref_slice %arg6[%dma_start3A_806, %dma_start3A_807, %dma_start3A_816, %dma_start3A_817] : memref<8x4x8x128xi32, #tpu.memory_space<vmem>> -> memref<1x1x8x128xi32, #tpu.memory_space<vmem>>
    %dma_start3A_819 = tpu.memref_squeeze %dma_start3A_818 : memref<1x1x8x128xi32, #tpu.memory_space<vmem>> -> memref<8x128xi32, #tpu.memory_space<vmem>>
    %dma_start3A_820 = arith.constant 0 : i32
    %dma_start3A_821 = arith.constant 0 : i32
    %dma_start3A_822 = tpu.memref_slice %arg2[%add3A_801, %add3A_805, %dma_start3A_820, %dma_start3A_821] : memref<25x32x8x128xi32, #tpu.memory_space<hbm>> -> memref<1x1x8x128xi32, #tpu.memory_space<hbm>>
    %dma_start3A_823 = tpu.memref_squeeze %dma_start3A_822 : memref<1x1x8x128xi32, #tpu.memory_space<hbm>> -> memref<8x128xi32, #tpu.memory_space<hbm>>
    tpu.enqueue_dma source(%dma_start3A_823 : memref<8x128xi32, #tpu.memory_space<hbm>>) target(%dma_start3A_819 : memref<8x128xi32, #tpu.memory_space<vmem>>) target_semaphore(%arg16 : memref<!tpu.dma_semaphore, #tpu.memory_space<semaphore_mem>>)
    %dma_wait3A = arith.constant 0 : i32
    %dma_wait3A_824 = arith.constant 0 : i32
    %dma_wait3A_825 = arith.constant 0 : i32
    %dma_wait3A_826 = arith.constant 0 : i32
    %dma_wait3A_827 = arith.constant 0 : i32
    %dma_wait3A_828 = arith.constant 0 : i32
    %dma_wait3A_829 = tpu.memref_slice %arg6[%dma_wait3A_825, %dma_wait3A_826, %dma_wait3A_827, %dma_wait3A_828] : memref<8x4x8x128xi32, #tpu.memory_space<vmem>> -> memref<1x1x8x128xi32, #tpu.memory_space<vmem>>
    %dma_wait3A_830 = tpu.memref_squeeze %dma_wait3A_829 : memref<1x1x8x128xi32, #tpu.memory_space<vmem>> -> memref<8x128xi32, #tpu.memory_space<vmem>>
    %dma_wait3A_831 = arith.constant 0 : i32
    %dma_wait3A_832 = arith.constant 0 : i32
    %dma_wait3A_833 = tpu.memref_slice %arg2[%dma_wait3A, %dma_wait3A_824, %dma_wait3A_831, %dma_wait3A_832] : memref<25x32x8x128xi32, #tpu.memory_space<hbm>> -> memref<1x1x8x128xi32, #tpu.memory_space<hbm>>
    %dma_wait3A_834 = tpu.memref_squeeze %dma_wait3A_833 : memref<1x1x8x128xi32, #tpu.memory_space<hbm>> -> memref<8x128xi32, #tpu.memory_space<hbm>>
    %dma_wait3A_835 = arith.constant 0 : i32
    %dma_wait3A_836 = arith.constant 0 : i32
    %dma_wait3A_837 = tpu.memref_slice %arg6[%dma_wait3A_825, %dma_wait3A_826, %dma_wait3A_835, %dma_wait3A_836] : memref<8x4x8x128xi32, #tpu.memory_space<vmem>> -> memref<1x1x8x128xi32, #tpu.memory_space<vmem>>
    %dma_wait3A_838 = tpu.memref_squeeze %dma_wait3A_837 : memref<1x1x8x128xi32, #tpu.memory_space<vmem>> -> memref<8x128xi32, #tpu.memory_space<vmem>>
    %dma_wait3A_839 = arith.constant 0 : i32
    %dma_wait3A_840 = arith.constant 0 : i32
    %dma_wait3A_841 = tpu.memref_slice %arg2[%dma_wait3A, %dma_wait3A_824, %dma_wait3A_839, %dma_wait3A_840] : memref<25x32x8x128xi32, #tpu.memory_space<hbm>> -> memref<1x1x8x128xi32, #tpu.memory_space<hbm>>
    %dma_wait3A_842 = tpu.memref_squeeze %dma_wait3A_841 : memref<1x1x8x128xi32, #tpu.memory_space<hbm>> -> memref<8x128xi32, #tpu.memory_space<hbm>>
    tpu.wait_dma2 semaphore(%arg16 : memref<!tpu.dma_semaphore, #tpu.memory_space<semaphore_mem>>) src(%dma_wait3A_842 : memref<8x128xi32, #tpu.memory_space<hbm>>) dst(%dma_wait3A_838 : memref<8x128xi32, #tpu.memory_space<vmem>>)
    %dma_wait3A_843 = arith.constant 0 : i32
    %dma_wait3A_844 = arith.constant 0 : i32
    %dma_wait3A_845 = arith.constant 0 : i32
    %dma_wait3A_846 = arith.constant 0 : i32
    %dma_wait3A_847 = arith.constant 0 : i32
    %dma_wait3A_848 = arith.constant 0 : i32
    %dma_wait3A_849 = tpu.memref_slice %arg6[%dma_wait3A_845, %dma_wait3A_846, %dma_wait3A_847, %dma_wait3A_848] : memref<8x4x8x128xi32, #tpu.memory_space<vmem>> -> memref<1x1x8x128xi32, #tpu.memory_space<vmem>>
    %dma_wait3A_850 = tpu.memref_squeeze %dma_wait3A_849 : memref<1x1x8x128xi32, #tpu.memory_space<vmem>> -> memref<8x128xi32, #tpu.memory_space<vmem>>
    %dma_wait3A_851 = arith.constant 0 : i32
    %dma_wait3A_852 = arith.constant 0 : i32
    %dma_wait3A_853 = tpu.memref_slice %arg2[%dma_wait3A_843, %dma_wait3A_844, %dma_wait3A_851, %dma_wait3A_852] : memref<25x32x8x128xi32, #tpu.memory_space<hbm>> -> memref<1x1x8x128xi32, #tpu.memory_space<hbm>>
    %dma_wait3A_854 = tpu.memref_squeeze %dma_wait3A_853 : memref<1x1x8x128xi32, #tpu.memory_space<hbm>> -> memref<8x128xi32, #tpu.memory_space<hbm>>
    %dma_wait3A_855 = arith.constant 0 : i32
    %dma_wait3A_856 = arith.constant 0 : i32
    %dma_wait3A_857 = tpu.memref_slice %arg6[%dma_wait3A_845, %dma_wait3A_846, %dma_wait3A_855, %dma_wait3A_856] : memref<8x4x8x128xi32, #tpu.memory_space<vmem>> -> memref<1x1x8x128xi32, #tpu.memory_space<vmem>>
    %dma_wait3A_858 = tpu.memref_squeeze %dma_wait3A_857 : memref<1x1x8x128xi32, #tpu.memory_space<vmem>> -> memref<8x128xi32, #tpu.memory_space<vmem>>
    %dma_wait3A_859 = arith.constant 0 : i32
    %dma_wait3A_860 = arith.constant 0 : i32
    %dma_wait3A_861 = tpu.memref_slice %arg2[%dma_wait3A_843, %dma_wait3A_844, %dma_wait3A_859, %dma_wait3A_860] : memref<25x32x8x128xi32, #tpu.memory_space<hbm>> -> memref<1x1x8x128xi32, #tpu.memory_space<hbm>>
    %dma_wait3A_862 = tpu.memref_squeeze %dma_wait3A_861 : memref<1x1x8x128xi32, #tpu.memory_space<hbm>> -> memref<8x128xi32, #tpu.memory_space<hbm>>
    tpu.wait_dma2 semaphore(%arg16 : memref<!tpu.dma_semaphore, #tpu.memory_space<semaphore_mem>>) src(%dma_wait3A_862 : memref<8x128xi32, #tpu.memory_space<hbm>>) dst(%dma_wait3A_858 : memref<8x128xi32, #tpu.memory_space<vmem>>)
    %dma_wait3A_863 = arith.constant 0 : i32
    %dma_wait3A_864 = arith.constant 0 : i32
    %dma_wait3A_865 = arith.constant 0 : i32
    %dma_wait3A_866 = arith.constant 0 : i32
    %dma_wait3A_867 = arith.constant 0 : i32
    %dma_wait3A_868 = arith.constant 0 : i32
    %dma_wait3A_869 = tpu.memref_slice %arg6[%dma_wait3A_865, %dma_wait3A_866, %dma_wait3A_867, %dma_wait3A_868] : memref<8x4x8x128xi32, #tpu.memory_space<vmem>> -> memref<1x1x8x128xi32, #tpu.memory_space<vmem>>
    %dma_wait3A_870 = tpu.memref_squeeze %dma_wait3A_869 : memref<1x1x8x128xi32, #tpu.memory_space<vmem>> -> memref<8x128xi32, #tpu.memory_space<vmem>>
    %dma_wait3A_871 = arith.constant 0 : i32
    %dma_wait3A_872 = arith.constant 0 : i32
    %dma_wait3A_873 = tpu.memref_slice %arg2[%dma_wait3A_863, %dma_wait3A_864, %dma_wait3A_871, %dma_wait3A_872] : memref<25x32x8x128xi32, #tpu.memory_space<hbm>> -> memref<1x1x8x128xi32, #tpu.memory_space<hbm>>
    %dma_wait3A_874 = tpu.memref_squeeze %dma_wait3A_873 : memref<1x1x8x128xi32, #tpu.memory_space<hbm>> -> memref<8x128xi32, #tpu.memory_space<hbm>>
    %dma_wait3A_875 = arith.constant 0 : i32
    %dma_wait3A_876 = arith.constant 0 : i32
    %dma_wait3A_877 = tpu.memref_slice %arg6[%dma_wait3A_865, %dma_wait3A_866, %dma_wait3A_875, %dma_wait3A_876] : memref<8x4x8x128xi32, #tpu.memory_space<vmem>> -> memref<1x1x8x128xi32, #tpu.memory_space<vmem>>
    %dma_wait3A_878 = tpu.memref_squeeze %dma_wait3A_877 : memref<1x1x8x128xi32, #tpu.memory_space<vmem>> -> memref<8x128xi32, #tpu.memory_space<vmem>>
    %dma_wait3A_879 = arith.constant 0 : i32
    %dma_wait3A_880 = arith.constant 0 : i32
    %dma_wait3A_881 = tpu.memref_slice %arg2[%dma_wait3A_863, %dma_wait3A_864, %dma_wait3A_879, %dma_wait3A_880] : memref<25x32x8x128xi32, #tpu.memory_space<hbm>> -> memref<1x1x8x128xi32, #tpu.memory_space<hbm>>
    %dma_wait3A_882 = tpu.memref_squeeze %dma_wait3A_881 : memref<1x1x8x128xi32, #tpu.memory_space<hbm>> -> memref<8x128xi32, #tpu.memory_space<hbm>>
    tpu.wait_dma2 semaphore(%arg16 : memref<!tpu.dma_semaphore, #tpu.memory_space<semaphore_mem>>) src(%dma_wait3A_882 : memref<8x128xi32, #tpu.memory_space<hbm>>) dst(%dma_wait3A_878 : memref<8x128xi32, #tpu.memory_space<vmem>>)
    %dma_wait3A_883 = arith.constant 0 : i32
    %dma_wait3A_884 = arith.constant 0 : i32
    %dma_wait3A_885 = arith.constant 0 : i32
    %dma_wait3A_886 = arith.constant 0 : i32
    %dma_wait3A_887 = arith.constant 0 : i32
    %dma_wait3A_888 = arith.constant 0 : i32
    %dma_wait3A_889 = tpu.memref_slice %arg6[%dma_wait3A_885, %dma_wait3A_886, %dma_wait3A_887, %dma_wait3A_888] : memref<8x4x8x128xi32, #tpu.memory_space<vmem>> -> memref<1x1x8x128xi32, #tpu.memory_space<vmem>>
    %dma_wait3A_890 = tpu.memref_squeeze %dma_wait3A_889 : memref<1x1x8x128xi32, #tpu.memory_space<vmem>> -> memref<8x128xi32, #tpu.memory_space<vmem>>
    %dma_wait3A_891 = arith.constant 0 : i32
    %dma_wait3A_892 = arith.constant 0 : i32
    %dma_wait3A_893 = tpu.memref_slice %arg2[%dma_wait3A_883, %dma_wait3A_884, %dma_wait3A_891, %dma_wait3A_892] : memref<25x32x8x128xi32, #tpu.memory_space<hbm>> -> memref<1x1x8x128xi32, #tpu.memory_space<hbm>>
    %dma_wait3A_894 = tpu.memref_squeeze %dma_wait3A_893 : memref<1x1x8x128xi32, #tpu.memory_space<hbm>> -> memref<8x128xi32, #tpu.memory_space<hbm>>
    %dma_wait3A_895 = arith.constant 0 : i32
    %dma_wait3A_896 = arith.constant 0 : i32
    %dma_wait3A_897 = tpu.memref_slice %arg6[%dma_wait3A_885, %dma_wait3A_886, %dma_wait3A_895, %dma_wait3A_896] : memref<8x4x8x128xi32, #tpu.memory_space<vmem>> -> memref<1x1x8x128xi32, #tpu.memory_space<vmem>>
    %dma_wait3A_898 = tpu.memref_squeeze %dma_wait3A_897 : memref<1x1x8x128xi32, #tpu.memory_space<vmem>> -> memref<8x128xi32, #tpu.memory_space<vmem>>
    %dma_wait3A_899 = arith.constant 0 : i32
    %dma_wait3A_900 = arith.constant 0 : i32
    %dma_wait3A_901 = tpu.memref_slice %arg2[%dma_wait3A_883, %dma_wait3A_884, %dma_wait3A_899, %dma_wait3A_900] : memref<25x32x8x128xi32, #tpu.memory_space<hbm>> -> memref<1x1x8x128xi32, #tpu.memory_space<hbm>>
    %dma_wait3A_902 = tpu.memref_squeeze %dma_wait3A_901 : memref<1x1x8x128xi32, #tpu.memory_space<hbm>> -> memref<8x128xi32, #tpu.memory_space<hbm>>
    tpu.wait_dma2 semaphore(%arg16 : memref<!tpu.dma_semaphore, #tpu.memory_space<semaphore_mem>>) src(%dma_wait3A_902 : memref<8x128xi32, #tpu.memory_space<hbm>>) dst(%dma_wait3A_898 : memref<8x128xi32, #tpu.memory_space<vmem>>)
    %dma_wait3A_903 = arith.constant 0 : i32
    %dma_wait3A_904 = arith.constant 0 : i32
    %dma_wait3A_905 = arith.constant 0 : i32
    %dma_wait3A_906 = arith.constant 0 : i32
    %dma_wait3A_907 = arith.constant 0 : i32
    %dma_wait3A_908 = arith.constant 0 : i32
    %dma_wait3A_909 = tpu.memref_slice %arg6[%dma_wait3A_905, %dma_wait3A_906, %dma_wait3A_907, %dma_wait3A_908] : memref<8x4x8x128xi32, #tpu.memory_space<vmem>> -> memref<1x1x8x128xi32, #tpu.memory_space<vmem>>
    %dma_wait3A_910 = tpu.memref_squeeze %dma_wait3A_909 : memref<1x1x8x128xi32, #tpu.memory_space<vmem>> -> memref<8x128xi32, #tpu.memory_space<vmem>>
    %dma_wait3A_911 = arith.constant 0 : i32
    %dma_wait3A_912 = arith.constant 0 : i32
    %dma_wait3A_913 = tpu.memref_slice %arg2[%dma_wait3A_903, %dma_wait3A_904, %dma_wait3A_911, %dma_wait3A_912] : memref<25x32x8x128xi32, #tpu.memory_space<hbm>> -> memref<1x1x8x128xi32, #tpu.memory_space<hbm>>
    %dma_wait3A_914 = tpu.memref_squeeze %dma_wait3A_913 : memref<1x1x8x128xi32, #tpu.memory_space<hbm>> -> memref<8x128xi32, #tpu.memory_space<hbm>>
    %dma_wait3A_915 = arith.constant 0 : i32
    %dma_wait3A_916 = arith.constant 0 : i32
    %dma_wait3A_917 = tpu.memref_slice %arg6[%dma_wait3A_905, %dma_wait3A_906, %dma_wait3A_915, %dma_wait3A_916] : memref<8x4x8x128xi32, #tpu.memory_space<vmem>> -> memref<1x1x8x128xi32, #tpu.memory_space<vmem>>
    %dma_wait3A_918 = tpu.memref_squeeze %dma_wait3A_917 : memref<1x1x8x128xi32, #tpu.memory_space<vmem>> -> memref<8x128xi32, #tpu.memory_space<vmem>>
    %dma_wait3A_919 = arith.constant 0 : i32
    %dma_wait3A_920 = arith.constant 0 : i32
    %dma_wait3A_921 = tpu.memref_slice %arg2[%dma_wait3A_903, %dma_wait3A_904, %dma_wait3A_919, %dma_wait3A_920] : memref<25x32x8x128xi32, #tpu.memory_space<hbm>> -> memref<1x1x8x128xi32, #tpu.memory_space<hbm>>
    %dma_wait3A_922 = tpu.memref_squeeze %dma_wait3A_921 : memref<1x1x8x128xi32, #tpu.memory_space<hbm>> -> memref<8x128xi32, #tpu.memory_space<hbm>>
    tpu.wait_dma2 semaphore(%arg16 : memref<!tpu.dma_semaphore, #tpu.memory_space<semaphore_mem>>) src(%dma_wait3A_922 : memref<8x128xi32, #tpu.memory_space<hbm>>) dst(%dma_wait3A_918 : memref<8x128xi32, #tpu.memory_space<vmem>>)
    %dma_wait3A_923 = arith.constant 0 : i32
    %dma_wait3A_924 = arith.constant 0 : i32
    %dma_wait3A_925 = arith.constant 0 : i32
    %dma_wait3A_926 = arith.constant 0 : i32
    %dma_wait3A_927 = arith.constant 0 : i32
    %dma_wait3A_928 = arith.constant 0 : i32
    %dma_wait3A_929 = tpu.memref_slice %arg6[%dma_wait3A_925, %dma_wait3A_926, %dma_wait3A_927, %dma_wait3A_928] : memref<8x4x8x128xi32, #tpu.memory_space<vmem>> -> memref<1x1x8x128xi32, #tpu.memory_space<vmem>>
    %dma_wait3A_930 = tpu.memref_squeeze %dma_wait3A_929 : memref<1x1x8x128xi32, #tpu.memory_space<vmem>> -> memref<8x128xi32, #tpu.memory_space<vmem>>
    %dma_wait3A_931 = arith.constant 0 : i32
    %dma_wait3A_932 = arith.constant 0 : i32
    %dma_wait3A_933 = tpu.memref_slice %arg2[%dma_wait3A_923, %dma_wait3A_924, %dma_wait3A_931, %dma_wait3A_932] : memref<25x32x8x128xi32, #tpu.memory_space<hbm>> -> memref<1x1x8x128xi32, #tpu.memory_space<hbm>>
    %dma_wait3A_934 = tpu.memref_squeeze %dma_wait3A_933 : memref<1x1x8x128xi32, #tpu.memory_space<hbm>> -> memref<8x128xi32, #tpu.memory_space<hbm>>
    %dma_wait3A_935 = arith.constant 0 : i32
    %dma_wait3A_936 = arith.constant 0 : i32
    %dma_wait3A_937 = tpu.memref_slice %arg6[%dma_wait3A_925, %dma_wait3A_926, %dma_wait3A_935, %dma_wait3A_936] : memref<8x4x8x128xi32, #tpu.memory_space<vmem>> -> memref<1x1x8x128xi32, #tpu.memory_space<vmem>>
    %dma_wait3A_938 = tpu.memref_squeeze %dma_wait3A_937 : memref<1x1x8x128xi32, #tpu.memory_space<vmem>> -> memref<8x128xi32, #tpu.memory_space<vmem>>
    %dma_wait3A_939 = arith.constant 0 : i32
    %dma_wait3A_940 = arith.constant 0 : i32
    %dma_wait3A_941 = tpu.memref_slice %arg2[%dma_wait3A_923, %dma_wait3A_924, %dma_wait3A_939, %dma_wait3A_940] : memref<25x32x8x128xi32, #tpu.memory_space<hbm>> -> memref<1x1x8x128xi32, #tpu.memory_space<hbm>>
    %dma_wait3A_942 = tpu.memref_squeeze %dma_wait3A_941 : memref<1x1x8x128xi32, #tpu.memory_space<hbm>> -> memref<8x128xi32, #tpu.memory_space<hbm>>
    tpu.wait_dma2 semaphore(%arg16 : memref<!tpu.dma_semaphore, #tpu.memory_space<semaphore_mem>>) src(%dma_wait3A_942 : memref<8x128xi32, #tpu.memory_space<hbm>>) dst(%dma_wait3A_938 : memref<8x128xi32, #tpu.memory_space<vmem>>)
    %dma_wait3A_943 = arith.constant 0 : i32
    %dma_wait3A_944 = arith.constant 0 : i32
    %dma_wait3A_945 = arith.constant 0 : i32
    %dma_wait3A_946 = arith.constant 0 : i32
    %dma_wait3A_947 = arith.constant 0 : i32
    %dma_wait3A_948 = arith.constant 0 : i32
    %dma_wait3A_949 = tpu.memref_slice %arg6[%dma_wait3A_945, %dma_wait3A_946, %dma_wait3A_947, %dma_wait3A_948] : memref<8x4x8x128xi32, #tpu.memory_space<vmem>> -> memref<1x1x8x128xi32, #tpu.memory_space<vmem>>
    %dma_wait3A_950 = tpu.memref_squeeze %dma_wait3A_949 : memref<1x1x8x128xi32, #tpu.memory_space<vmem>> -> memref<8x128xi32, #tpu.memory_space<vmem>>
    %dma_wait3A_951 = arith.constant 0 : i32
    %dma_wait3A_952 = arith.constant 0 : i32
    %dma_wait3A_953 = tpu.memref_slice %arg2[%dma_wait3A_943, %dma_wait3A_944, %dma_wait3A_951, %dma_wait3A_952] : memref<25x32x8x128xi32, #tpu.memory_space<hbm>> -> memref<1x1x8x128xi32, #tpu.memory_space<hbm>>
    %dma_wait3A_954 = tpu.memref_squeeze %dma_wait3A_953 : memref<1x1x8x128xi32, #tpu.memory_space<hbm>> -> memref<8x128xi32, #tpu.memory_space<hbm>>
    %dma_wait3A_955 = arith.constant 0 : i32
    %dma_wait3A_956 = arith.constant 0 : i32
    %dma_wait3A_957 = tpu.memref_slice %arg6[%dma_wait3A_945, %dma_wait3A_946, %dma_wait3A_955, %dma_wait3A_956] : memref<8x4x8x128xi32, #tpu.memory_space<vmem>> -> memref<1x1x8x128xi32, #tpu.memory_space<vmem>>
    %dma_wait3A_958 = tpu.memref_squeeze %dma_wait3A_957 : memref<1x1x8x128xi32, #tpu.memory_space<vmem>> -> memref<8x128xi32, #tpu.memory_space<vmem>>
    %dma_wait3A_959 = arith.constant 0 : i32
    %dma_wait3A_960 = arith.constant 0 : i32
    %dma_wait3A_961 = tpu.memref_slice %arg2[%dma_wait3A_943, %dma_wait3A_944, %dma_wait3A_959, %dma_wait3A_960] : memref<25x32x8x128xi32, #tpu.memory_space<hbm>> -> memref<1x1x8x128xi32, #tpu.memory_space<hbm>>
    %dma_wait3A_962 = tpu.memref_squeeze %dma_wait3A_961 : memref<1x1x8x128xi32, #tpu.memory_space<hbm>> -> memref<8x128xi32, #tpu.memory_space<hbm>>
    tpu.wait_dma2 semaphore(%arg16 : memref<!tpu.dma_semaphore, #tpu.memory_space<semaphore_mem>>) src(%dma_wait3A_962 : memref<8x128xi32, #tpu.memory_space<hbm>>) dst(%dma_wait3A_958 : memref<8x128xi32, #tpu.memory_space<vmem>>)
    %dma_wait3A_963 = arith.constant 0 : i32
    %dma_wait3A_964 = arith.constant 0 : i32
    %dma_wait3A_965 = arith.constant 0 : i32
    %dma_wait3A_966 = arith.constant 0 : i32
    %dma_wait3A_967 = arith.constant 0 : i32
    %dma_wait3A_968 = arith.constant 0 : i32
    %dma_wait3A_969 = tpu.memref_slice %arg6[%dma_wait3A_965, %dma_wait3A_966, %dma_wait3A_967, %dma_wait3A_968] : memref<8x4x8x128xi32, #tpu.memory_space<vmem>> -> memref<1x1x8x128xi32, #tpu.memory_space<vmem>>
    %dma_wait3A_970 = tpu.memref_squeeze %dma_wait3A_969 : memref<1x1x8x128xi32, #tpu.memory_space<vmem>> -> memref<8x128xi32, #tpu.memory_space<vmem>>
    %dma_wait3A_971 = arith.constant 0 : i32
    %dma_wait3A_972 = arith.constant 0 : i32
    %dma_wait3A_973 = tpu.memref_slice %arg2[%dma_wait3A_963, %dma_wait3A_964, %dma_wait3A_971, %dma_wait3A_972] : memref<25x32x8x128xi32, #tpu.memory_space<hbm>> -> memref<1x1x8x128xi32, #tpu.memory_space<hbm>>
    %dma_wait3A_974 = tpu.memref_squeeze %dma_wait3A_973 : memref<1x1x8x128xi32, #tpu.memory_space<hbm>> -> memref<8x128xi32, #tpu.memory_space<hbm>>
    %dma_wait3A_975 = arith.constant 0 : i32
    %dma_wait3A_976 = arith.constant 0 : i32
    %dma_wait3A_977 = tpu.memref_slice %arg6[%dma_wait3A_965, %dma_wait3A_966, %dma_wait3A_975, %dma_wait3A_976] : memref<8x4x8x128xi32, #tpu.memory_space<vmem>> -> memref<1x1x8x128xi32, #tpu.memory_space<vmem>>
    %dma_wait3A_978 = tpu.memref_squeeze %dma_wait3A_977 : memref<1x1x8x128xi32, #tpu.memory_space<vmem>> -> memref<8x128xi32, #tpu.memory_space<vmem>>
    %dma_wait3A_979 = arith.constant 0 : i32
    %dma_wait3A_980 = arith.constant 0 : i32
    %dma_wait3A_981 = tpu.memref_slice %arg2[%dma_wait3A_963, %dma_wait3A_964, %dma_wait3A_979, %dma_wait3A_980] : memref<25x32x8x128xi32, #tpu.memory_space<hbm>> -> memref<1x1x8x128xi32, #tpu.memory_space<hbm>>
    %dma_wait3A_982 = tpu.memref_squeeze %dma_wait3A_981 : memref<1x1x8x128xi32, #tpu.memory_space<hbm>> -> memref<8x128xi32, #tpu.memory_space<hbm>>
    tpu.wait_dma2 semaphore(%arg16 : memref<!tpu.dma_semaphore, #tpu.memory_space<semaphore_mem>>) src(%dma_wait3A_982 : memref<8x128xi32, #tpu.memory_space<hbm>>) dst(%dma_wait3A_978 : memref<8x128xi32, #tpu.memory_space<vmem>>)
    %dma_wait3A_983 = arith.constant 0 : i32
    %dma_wait3A_984 = arith.constant 0 : i32
    %dma_wait3A_985 = arith.constant 0 : i32
    %dma_wait3A_986 = arith.constant 0 : i32
    %dma_wait3A_987 = arith.constant 0 : i32
    %dma_wait3A_988 = arith.constant 0 : i32
    %dma_wait3A_989 = tpu.memref_slice %arg6[%dma_wait3A_985, %dma_wait3A_986, %dma_wait3A_987, %dma_wait3A_988] : memref<8x4x8x128xi32, #tpu.memory_space<vmem>> -> memref<1x1x8x128xi32, #tpu.memory_space<vmem>>
    %dma_wait3A_990 = tpu.memref_squeeze %dma_wait3A_989 : memref<1x1x8x128xi32, #tpu.memory_space<vmem>> -> memref<8x128xi32, #tpu.memory_space<vmem>>
    %dma_wait3A_991 = arith.constant 0 : i32
    %dma_wait3A_992 = arith.constant 0 : i32
    %dma_wait3A_993 = tpu.memref_slice %arg2[%dma_wait3A_983, %dma_wait3A_984, %dma_wait3A_991, %dma_wait3A_992] : memref<25x32x8x128xi32, #tpu.memory_space<hbm>> -> memref<1x1x8x128xi32, #tpu.memory_space<hbm>>
    %dma_wait3A_994 = tpu.memref_squeeze %dma_wait3A_993 : memref<1x1x8x128xi32, #tpu.memory_space<hbm>> -> memref<8x128xi32, #tpu.memory_space<hbm>>
    %dma_wait3A_995 = arith.constant 0 : i32
    %dma_wait3A_996 = arith.constant 0 : i32
    %dma_wait3A_997 = tpu.memref_slice %arg6[%dma_wait3A_985, %dma_wait3A_986, %dma_wait3A_995, %dma_wait3A_996] : memref<8x4x8x128xi32, #tpu.memory_space<vmem>> -> memref<1x1x8x128xi32, #tpu.memory_space<vmem>>
    %dma_wait3A_998 = tpu.memref_squeeze %dma_wait3A_997 : memref<1x1x8x128xi32, #tpu.memory_space<vmem>> -> memref<8x128xi32, #tpu.memory_space<vmem>>
    %dma_wait3A_999 = arith.constant 0 : i32
    %dma_wait3A_1000 = arith.constant 0 : i32
    %dma_wait3A_1001 = tpu.memref_slice %arg2[%dma_wait3A_983, %dma_wait3A_984, %dma_wait3A_999, %dma_wait3A_1000] : memref<25x32x8x128xi32, #tpu.memory_space<hbm>> -> memref<1x1x8x128xi32, #tpu.memory_space<hbm>>
    %dma_wait3A_1002 = tpu.memref_squeeze %dma_wait3A_1001 : memref<1x1x8x128xi32, #tpu.memory_space<hbm>> -> memref<8x128xi32, #tpu.memory_space<hbm>>
    tpu.wait_dma2 semaphore(%arg16 : memref<!tpu.dma_semaphore, #tpu.memory_space<semaphore_mem>>) src(%dma_wait3A_1002 : memref<8x128xi32, #tpu.memory_space<hbm>>) dst(%dma_wait3A_998 : memref<8x128xi32, #tpu.memory_space<vmem>>)
    %dma_wait3A_1003 = arith.constant 0 : i32
    %dma_wait3A_1004 = arith.constant 0 : i32
    %dma_wait3A_1005 = arith.constant 0 : i32
    %dma_wait3A_1006 = arith.constant 0 : i32
    %dma_wait3A_1007 = arith.constant 0 : i32
    %dma_wait3A_1008 = arith.constant 0 : i32
    %dma_wait3A_1009 = tpu.memref_slice %arg6[%dma_wait3A_1005, %dma_wait3A_1006, %dma_wait3A_1007, %dma_wait3A_1008] : memref<8x4x8x128xi32, #tpu.memory_space<vmem>> -> memref<1x1x8x128xi32, #tpu.memory_space<vmem>>
    %dma_wait3A_1010 = tpu.memref_squeeze %dma_wait3A_1009 : memref<1x1x8x128xi32, #tpu.memory_space<vmem>> -> memref<8x128xi32, #tpu.memory_space<vmem>>
    %dma_wait3A_1011 = arith.constant 0 : i32
    %dma_wait3A_1012 = arith.constant 0 : i32
    %dma_wait3A_1013 = tpu.memref_slice %arg2[%dma_wait3A_1003, %dma_wait3A_1004, %dma_wait3A_1011, %dma_wait3A_1012] : memref<25x32x8x128xi32, #tpu.memory_space<hbm>> -> memref<1x1x8x128xi32, #tpu.memory_space<hbm>>
    %dma_wait3A_1014 = tpu.memref_squeeze %dma_wait3A_1013 : memref<1x1x8x128xi32, #tpu.memory_space<hbm>> -> memref<8x128xi32, #tpu.memory_space<hbm>>
    %dma_wait3A_1015 = arith.constant 0 : i32
    %dma_wait3A_1016 = arith.constant 0 : i32
    %dma_wait3A_1017 = tpu.memref_slice %arg6[%dma_wait3A_1005, %dma_wait3A_1006, %dma_wait3A_1015, %dma_wait3A_1016] : memref<8x4x8x128xi32, #tpu.memory_space<vmem>> -> memref<1x1x8x128xi32, #tpu.memory_space<vmem>>
    %dma_wait3A_1018 = tpu.memref_squeeze %dma_wait3A_1017 : memref<1x1x8x128xi32, #tpu.memory_space<vmem>> -> memref<8x128xi32, #tpu.memory_space<vmem>>
    %dma_wait3A_1019 = arith.constant 0 : i32
    %dma_wait3A_1020 = arith.constant 0 : i32
    %dma_wait3A_1021 = tpu.memref_slice %arg2[%dma_wait3A_1003, %dma_wait3A_1004, %dma_wait3A_1019, %dma_wait3A_1020] : memref<25x32x8x128xi32, #tpu.memory_space<hbm>> -> memref<1x1x8x128xi32, #tpu.memory_space<hbm>>
    %dma_wait3A_1022 = tpu.memref_squeeze %dma_wait3A_1021 : memref<1x1x8x128xi32, #tpu.memory_space<hbm>> -> memref<8x128xi32, #tpu.memory_space<hbm>>
    tpu.wait_dma2 semaphore(%arg16 : memref<!tpu.dma_semaphore, #tpu.memory_space<semaphore_mem>>) src(%dma_wait3A_1022 : memref<8x128xi32, #tpu.memory_space<hbm>>) dst(%dma_wait3A_1018 : memref<8x128xi32, #tpu.memory_space<vmem>>)
    %dma_wait3A_1023 = arith.constant 0 : i32
    %dma_wait3A_1024 = arith.constant 0 : i32
    %dma_wait3A_1025 = arith.constant 0 : i32
    %dma_wait3A_1026 = arith.constant 0 : i32
    %dma_wait3A_1027 = arith.constant 0 : i32
    %dma_wait3A_1028 = arith.constant 0 : i32
    %dma_wait3A_1029 = tpu.memref_slice %arg6[%dma_wait3A_1025, %dma_wait3A_1026, %dma_wait3A_1027, %dma_wait3A_1028] : memref<8x4x8x128xi32, #tpu.memory_space<vmem>> -> memref<1x1x8x128xi32, #tpu.memory_space<vmem>>
    %dma_wait3A_1030 = tpu.memref_squeeze %dma_wait3A_1029 : memref<1x1x8x128xi32, #tpu.memory_space<vmem>> -> memref<8x128xi32, #tpu.memory_space<vmem>>
    %dma_wait3A_1031 = arith.constant 0 : i32
    %dma_wait3A_1032 = arith.constant 0 : i32
    %dma_wait3A_1033 = tpu.memref_slice %arg2[%dma_wait3A_1023, %dma_wait3A_1024, %dma_wait3A_1031, %dma_wait3A_1032] : memref<25x32x8x128xi32, #tpu.memory_space<hbm>> -> memref<1x1x8x128xi32, #tpu.memory_space<hbm>>
    %dma_wait3A_1034 = tpu.memref_squeeze %dma_wait3A_1033 : memref<1x1x8x128xi32, #tpu.memory_space<hbm>> -> memref<8x128xi32, #tpu.memory_space<hbm>>
    %dma_wait3A_1035 = arith.constant 0 : i32
    %dma_wait3A_1036 = arith.constant 0 : i32
    %dma_wait3A_1037 = tpu.memref_slice %arg6[%dma_wait3A_1025, %dma_wait3A_1026, %dma_wait3A_1035, %dma_wait3A_1036] : memref<8x4x8x128xi32, #tpu.memory_space<vmem>> -> memref<1x1x8x128xi32, #tpu.memory_space<vmem>>
    %dma_wait3A_1038 = tpu.memref_squeeze %dma_wait3A_1037 : memref<1x1x8x128xi32, #tpu.memory_space<vmem>> -> memref<8x128xi32, #tpu.memory_space<vmem>>
    %dma_wait3A_1039 = arith.constant 0 : i32
    %dma_wait3A_1040 = arith.constant 0 : i32
    %dma_wait3A_1041 = tpu.memref_slice %arg2[%dma_wait3A_1023, %dma_wait3A_1024, %dma_wait3A_1039, %dma_wait3A_1040] : memref<25x32x8x128xi32, #tpu.memory_space<hbm>> -> memref<1x1x8x128xi32, #tpu.memory_space<hbm>>
    %dma_wait3A_1042 = tpu.memref_squeeze %dma_wait3A_1041 : memref<1x1x8x128xi32, #tpu.memory_space<hbm>> -> memref<8x128xi32, #tpu.memory_space<hbm>>
    tpu.wait_dma2 semaphore(%arg16 : memref<!tpu.dma_semaphore, #tpu.memory_space<semaphore_mem>>) src(%dma_wait3A_1042 : memref<8x128xi32, #tpu.memory_space<hbm>>) dst(%dma_wait3A_1038 : memref<8x128xi32, #tpu.memory_space<vmem>>)
    %dma_wait3A_1043 = arith.constant 0 : i32
    %dma_wait3A_1044 = arith.constant 0 : i32
    %dma_wait3A_1045 = arith.constant 0 : i32
    %dma_wait3A_1046 = arith.constant 0 : i32
    %dma_wait3A_1047 = arith.constant 0 : i32
    %dma_wait3A_1048 = arith.constant 0 : i32
    %dma_wait3A_1049 = tpu.memref_slice %arg6[%dma_wait3A_1045, %dma_wait3A_1046, %dma_wait3A_1047, %dma_wait3A_1048] : memref<8x4x8x128xi32, #tpu.memory_space<vmem>> -> memref<1x1x8x128xi32, #tpu.memory_space<vmem>>
    %dma_wait3A_1050 = tpu.memref_squeeze %dma_wait3A_1049 : memref<1x1x8x128xi32, #tpu.memory_space<vmem>> -> memref<8x128xi32, #tpu.memory_space<vmem>>
    %dma_wait3A_1051 = arith.constant 0 : i32
    %dma_wait3A_1052 = arith.constant 0 : i32
    %dma_wait3A_1053 = tpu.memref_slice %arg2[%dma_wait3A_1043, %dma_wait3A_1044, %dma_wait3A_1051, %dma_wait3A_1052] : memref<25x32x8x128xi32, #tpu.memory_space<hbm>> -> memref<1x1x8x128xi32, #tpu.memory_space<hbm>>
    %dma_wait3A_1054 = tpu.memref_squeeze %dma_wait3A_1053 : memref<1x1x8x128xi32, #tpu.memory_space<hbm>> -> memref<8x128xi32, #tpu.memory_space<hbm>>
    %dma_wait3A_1055 = arith.constant 0 : i32
    %dma_wait3A_1056 = arith.constant 0 : i32
    %dma_wait3A_1057 = tpu.memref_slice %arg6[%dma_wait3A_1045, %dma_wait3A_1046, %dma_wait3A_1055, %dma_wait3A_1056] : memref<8x4x8x128xi32, #tpu.memory_space<vmem>> -> memref<1x1x8x128xi32, #tpu.memory_space<vmem>>
    %dma_wait3A_1058 = tpu.memref_squeeze %dma_wait3A_1057 : memref<1x1x8x128xi32, #tpu.memory_space<vmem>> -> memref<8x128xi32, #tpu.memory_space<vmem>>
    %dma_wait3A_1059 = arith.constant 0 : i32
    %dma_wait3A_1060 = arith.constant 0 : i32
    %dma_wait3A_1061 = tpu.memref_slice %arg2[%dma_wait3A_1043, %dma_wait3A_1044, %dma_wait3A_1059, %dma_wait3A_1060] : memref<25x32x8x128xi32, #tpu.memory_space<hbm>> -> memref<1x1x8x128xi32, #tpu.memory_space<hbm>>
    %dma_wait3A_1062 = tpu.memref_squeeze %dma_wait3A_1061 : memref<1x1x8x128xi32, #tpu.memory_space<hbm>> -> memref<8x128xi32, #tpu.memory_space<hbm>>
    tpu.wait_dma2 semaphore(%arg16 : memref<!tpu.dma_semaphore, #tpu.memory_space<semaphore_mem>>) src(%dma_wait3A_1062 : memref<8x128xi32, #tpu.memory_space<hbm>>) dst(%dma_wait3A_1058 : memref<8x128xi32, #tpu.memory_space<vmem>>)
    %dma_wait3A_1063 = arith.constant 0 : i32
    %dma_wait3A_1064 = arith.constant 0 : i32
    %dma_wait3A_1065 = arith.constant 0 : i32
    %dma_wait3A_1066 = arith.constant 0 : i32
    %dma_wait3A_1067 = arith.constant 0 : i32
    %dma_wait3A_1068 = arith.constant 0 : i32
    %dma_wait3A_1069 = tpu.memref_slice %arg6[%dma_wait3A_1065, %dma_wait3A_1066, %dma_wait3A_1067, %dma_wait3A_1068] : memref<8x4x8x128xi32, #tpu.memory_space<vmem>> -> memref<1x1x8x128xi32, #tpu.memory_space<vmem>>
    %dma_wait3A_1070 = tpu.memref_squeeze %dma_wait3A_1069 : memref<1x1x8x128xi32, #tpu.memory_space<vmem>> -> memref<8x128xi32, #tpu.memory_space<vmem>>
    %dma_wait3A_1071 = arith.constant 0 : i32
    %dma_wait3A_1072 = arith.constant 0 : i32
    %dma_wait3A_1073 = tpu.memref_slice %arg2[%dma_wait3A_1063, %dma_wait3A_1064, %dma_wait3A_1071, %dma_wait3A_1072] : memref<25x32x8x128xi32, #tpu.memory_space<hbm>> -> memref<1x1x8x128xi32, #tpu.memory_space<hbm>>
    %dma_wait3A_1074 = tpu.memref_squeeze %dma_wait3A_1073 : memref<1x1x8x128xi32, #tpu.memory_space<hbm>> -> memref<8x128xi32, #tpu.memory_space<hbm>>
    %dma_wait3A_1075 = arith.constant 0 : i32
    %dma_wait3A_1076 = arith.constant 0 : i32
    %dma_wait3A_1077 = tpu.memref_slice %arg6[%dma_wait3A_1065, %dma_wait3A_1066, %dma_wait3A_1075, %dma_wait3A_1076] : memref<8x4x8x128xi32, #tpu.memory_space<vmem>> -> memref<1x1x8x128xi32, #tpu.memory_space<vmem>>
    %dma_wait3A_1078 = tpu.memref_squeeze %dma_wait3A_1077 : memref<1x1x8x128xi32, #tpu.memory_space<vmem>> -> memref<8x128xi32, #tpu.memory_space<vmem>>
    %dma_wait3A_1079 = arith.constant 0 : i32
    %dma_wait3A_1080 = arith.constant 0 : i32
    %dma_wait3A_1081 = tpu.memref_slice %arg2[%dma_wait3A_1063, %dma_wait3A_1064, %dma_wait3A_1079, %dma_wait3A_1080] : memref<25x32x8x128xi32, #tpu.memory_space<hbm>> -> memref<1x1x8x128xi32, #tpu.memory_space<hbm>>
    %dma_wait3A_1082 = tpu.memref_squeeze %dma_wait3A_1081 : memref<1x1x8x128xi32, #tpu.memory_space<hbm>> -> memref<8x128xi32, #tpu.memory_space<hbm>>
    tpu.wait_dma2 semaphore(%arg16 : memref<!tpu.dma_semaphore, #tpu.memory_space<semaphore_mem>>) src(%dma_wait3A_1082 : memref<8x128xi32, #tpu.memory_space<hbm>>) dst(%dma_wait3A_1078 : memref<8x128xi32, #tpu.memory_space<vmem>>)
    %dma_wait3A_1083 = arith.constant 0 : i32
    %dma_wait3A_1084 = arith.constant 0 : i32
    %dma_wait3A_1085 = arith.constant 0 : i32
    %dma_wait3A_1086 = arith.constant 0 : i32
    %dma_wait3A_1087 = arith.constant 0 : i32
    %dma_wait3A_1088 = arith.constant 0 : i32
    %dma_wait3A_1089 = tpu.memref_slice %arg6[%dma_wait3A_1085, %dma_wait3A_1086, %dma_wait3A_1087, %dma_wait3A_1088] : memref<8x4x8x128xi32, #tpu.memory_space<vmem>> -> memref<1x1x8x128xi32, #tpu.memory_space<vmem>>
    %dma_wait3A_1090 = tpu.memref_squeeze %dma_wait3A_1089 : memref<1x1x8x128xi32, #tpu.memory_space<vmem>> -> memref<8x128xi32, #tpu.memory_space<vmem>>
    %dma_wait3A_1091 = arith.constant 0 : i32
    %dma_wait3A_1092 = arith.constant 0 : i32
    %dma_wait3A_1093 = tpu.memref_slice %arg2[%dma_wait3A_1083, %dma_wait3A_1084, %dma_wait3A_1091, %dma_wait3A_1092] : memref<25x32x8x128xi32, #tpu.memory_space<hbm>> -> memref<1x1x8x128xi32, #tpu.memory_space<hbm>>
    %dma_wait3A_1094 = tpu.memref_squeeze %dma_wait3A_1093 : memref<1x1x8x128xi32, #tpu.memory_space<hbm>> -> memref<8x128xi32, #tpu.memory_space<hbm>>
    %dma_wait3A_1095 = arith.constant 0 : i32
    %dma_wait3A_1096 = arith.constant 0 : i32
    %dma_wait3A_1097 = tpu.memref_slice %arg6[%dma_wait3A_1085, %dma_wait3A_1086, %dma_wait3A_1095, %dma_wait3A_1096] : memref<8x4x8x128xi32, #tpu.memory_space<vmem>> -> memref<1x1x8x128xi32, #tpu.memory_space<vmem>>
    %dma_wait3A_1098 = tpu.memref_squeeze %dma_wait3A_1097 : memref<1x1x8x128xi32, #tpu.memory_space<vmem>> -> memref<8x128xi32, #tpu.memory_space<vmem>>
    %dma_wait3A_1099 = arith.constant 0 : i32
    %dma_wait3A_1100 = arith.constant 0 : i32
    %dma_wait3A_1101 = tpu.memref_slice %arg2[%dma_wait3A_1083, %dma_wait3A_1084, %dma_wait3A_1099, %dma_wait3A_1100] : memref<25x32x8x128xi32, #tpu.memory_space<hbm>> -> memref<1x1x8x128xi32, #tpu.memory_space<hbm>>
    %dma_wait3A_1102 = tpu.memref_squeeze %dma_wait3A_1101 : memref<1x1x8x128xi32, #tpu.memory_space<hbm>> -> memref<8x128xi32, #tpu.memory_space<hbm>>
    tpu.wait_dma2 semaphore(%arg16 : memref<!tpu.dma_semaphore, #tpu.memory_space<semaphore_mem>>) src(%dma_wait3A_1102 : memref<8x128xi32, #tpu.memory_space<hbm>>) dst(%dma_wait3A_1098 : memref<8x128xi32, #tpu.memory_space<vmem>>)
    %dma_wait3A_1103 = arith.constant 0 : i32
    %dma_wait3A_1104 = arith.constant 0 : i32
    %dma_wait3A_1105 = arith.constant 0 : i32
    %dma_wait3A_1106 = arith.constant 0 : i32
    %dma_wait3A_1107 = arith.constant 0 : i32
    %dma_wait3A_1108 = arith.constant 0 : i32
    %dma_wait3A_1109 = tpu.memref_slice %arg6[%dma_wait3A_1105, %dma_wait3A_1106, %dma_wait3A_1107, %dma_wait3A_1108] : memref<8x4x8x128xi32, #tpu.memory_space<vmem>> -> memref<1x1x8x128xi32, #tpu.memory_space<vmem>>
    %dma_wait3A_1110 = tpu.memref_squeeze %dma_wait3A_1109 : memref<1x1x8x128xi32, #tpu.memory_space<vmem>> -> memref<8x128xi32, #tpu.memory_space<vmem>>
    %dma_wait3A_1111 = arith.constant 0 : i32
    %dma_wait3A_1112 = arith.constant 0 : i32
    %dma_wait3A_1113 = tpu.memref_slice %arg2[%dma_wait3A_1103, %dma_wait3A_1104, %dma_wait3A_1111, %dma_wait3A_1112] : memref<25x32x8x128xi32, #tpu.memory_space<hbm>> -> memref<1x1x8x128xi32, #tpu.memory_space<hbm>>
    %dma_wait3A_1114 = tpu.memref_squeeze %dma_wait3A_1113 : memref<1x1x8x128xi32, #tpu.memory_space<hbm>> -> memref<8x128xi32, #tpu.memory_space<hbm>>
    %dma_wait3A_1115 = arith.constant 0 : i32
    %dma_wait3A_1116 = arith.constant 0 : i32
    %dma_wait3A_1117 = tpu.memref_slice %arg6[%dma_wait3A_1105, %dma_wait3A_1106, %dma_wait3A_1115, %dma_wait3A_1116] : memref<8x4x8x128xi32, #tpu.memory_space<vmem>> -> memref<1x1x8x128xi32, #tpu.memory_space<vmem>>
    %dma_wait3A_1118 = tpu.memref_squeeze %dma_wait3A_1117 : memref<1x1x8x128xi32, #tpu.memory_space<vmem>> -> memref<8x128xi32, #tpu.memory_space<vmem>>
    %dma_wait3A_1119 = arith.constant 0 : i32
    %dma_wait3A_1120 = arith.constant 0 : i32
    %dma_wait3A_1121 = tpu.memref_slice %arg2[%dma_wait3A_1103, %dma_wait3A_1104, %dma_wait3A_1119, %dma_wait3A_1120] : memref<25x32x8x128xi32, #tpu.memory_space<hbm>> -> memref<1x1x8x128xi32, #tpu.memory_space<hbm>>
    %dma_wait3A_1122 = tpu.memref_squeeze %dma_wait3A_1121 : memref<1x1x8x128xi32, #tpu.memory_space<hbm>> -> memref<8x128xi32, #tpu.memory_space<hbm>>
    tpu.wait_dma2 semaphore(%arg16 : memref<!tpu.dma_semaphore, #tpu.memory_space<semaphore_mem>>) src(%dma_wait3A_1122 : memref<8x128xi32, #tpu.memory_space<hbm>>) dst(%dma_wait3A_1118 : memref<8x128xi32, #tpu.memory_space<vmem>>)
    %dma_wait3A_1123 = arith.constant 0 : i32
    %dma_wait3A_1124 = arith.constant 0 : i32
    %dma_wait3A_1125 = arith.constant 0 : i32
    %dma_wait3A_1126 = arith.constant 0 : i32
    %dma_wait3A_1127 = arith.constant 0 : i32
    %dma_wait3A_1128 = arith.constant 0 : i32
    %dma_wait3A_1129 = tpu.memref_slice %arg6[%dma_wait3A_1125, %dma_wait3A_1126, %dma_wait3A_1127, %dma_wait3A_1128] : memref<8x4x8x128xi32, #tpu.memory_space<vmem>> -> memref<1x1x8x128xi32, #tpu.memory_space<vmem>>
    %dma_wait3A_1130 = tpu.memref_squeeze %dma_wait3A_1129 : memref<1x1x8x128xi32, #tpu.memory_space<vmem>> -> memref<8x128xi32, #tpu.memory_space<vmem>>
    %dma_wait3A_1131 = arith.constant 0 : i32
    %dma_wait3A_1132 = arith.constant 0 : i32
    %dma_wait3A_1133 = tpu.memref_slice %arg2[%dma_wait3A_1123, %dma_wait3A_1124, %dma_wait3A_1131, %dma_wait3A_1132] : memref<25x32x8x128xi32, #tpu.memory_space<hbm>> -> memref<1x1x8x128xi32, #tpu.memory_space<hbm>>
    %dma_wait3A_1134 = tpu.memref_squeeze %dma_wait3A_1133 : memref<1x1x8x128xi32, #tpu.memory_space<hbm>> -> memref<8x128xi32, #tpu.memory_space<hbm>>
    %dma_wait3A_1135 = arith.constant 0 : i32
    %dma_wait3A_1136 = arith.constant 0 : i32
    %dma_wait3A_1137 = tpu.memref_slice %arg6[%dma_wait3A_1125, %dma_wait3A_1126, %dma_wait3A_1135, %dma_wait3A_1136] : memref<8x4x8x128xi32, #tpu.memory_space<vmem>> -> memref<1x1x8x128xi32, #tpu.memory_space<vmem>>
    %dma_wait3A_1138 = tpu.memref_squeeze %dma_wait3A_1137 : memref<1x1x8x128xi32, #tpu.memory_space<vmem>> -> memref<8x128xi32, #tpu.memory_space<vmem>>
    %dma_wait3A_1139 = arith.constant 0 : i32
    %dma_wait3A_1140 = arith.constant 0 : i32
    %dma_wait3A_1141 = tpu.memref_slice %arg2[%dma_wait3A_1123, %dma_wait3A_1124, %dma_wait3A_1139, %dma_wait3A_1140] : memref<25x32x8x128xi32, #tpu.memory_space<hbm>> -> memref<1x1x8x128xi32, #tpu.memory_space<hbm>>
    %dma_wait3A_1142 = tpu.memref_squeeze %dma_wait3A_1141 : memref<1x1x8x128xi32, #tpu.memory_space<hbm>> -> memref<8x128xi32, #tpu.memory_space<hbm>>
    tpu.wait_dma2 semaphore(%arg16 : memref<!tpu.dma_semaphore, #tpu.memory_space<semaphore_mem>>) src(%dma_wait3A_1142 : memref<8x128xi32, #tpu.memory_space<hbm>>) dst(%dma_wait3A_1138 : memref<8x128xi32, #tpu.memory_space<vmem>>)
    %dma_wait3A_1143 = arith.constant 0 : i32
    %dma_wait3A_1144 = arith.constant 0 : i32
    %dma_wait3A_1145 = arith.constant 0 : i32
    %dma_wait3A_1146 = arith.constant 0 : i32
    %dma_wait3A_1147 = arith.constant 0 : i32
    %dma_wait3A_1148 = arith.constant 0 : i32
    %dma_wait3A_1149 = tpu.memref_slice %arg6[%dma_wait3A_1145, %dma_wait3A_1146, %dma_wait3A_1147, %dma_wait3A_1148] : memref<8x4x8x128xi32, #tpu.memory_space<vmem>> -> memref<1x1x8x128xi32, #tpu.memory_space<vmem>>
    %dma_wait3A_1150 = tpu.memref_squeeze %dma_wait3A_1149 : memref<1x1x8x128xi32, #tpu.memory_space<vmem>> -> memref<8x128xi32, #tpu.memory_space<vmem>>
    %dma_wait3A_1151 = arith.constant 0 : i32
    %dma_wait3A_1152 = arith.constant 0 : i32
    %dma_wait3A_1153 = tpu.memref_slice %arg2[%dma_wait3A_1143, %dma_wait3A_1144, %dma_wait3A_1151, %dma_wait3A_1152] : memref<25x32x8x128xi32, #tpu.memory_space<hbm>> -> memref<1x1x8x128xi32, #tpu.memory_space<hbm>>
    %dma_wait3A_1154 = tpu.memref_squeeze %dma_wait3A_1153 : memref<1x1x8x128xi32, #tpu.memory_space<hbm>> -> memref<8x128xi32, #tpu.memory_space<hbm>>
    %dma_wait3A_1155 = arith.constant 0 : i32
    %dma_wait3A_1156 = arith.constant 0 : i32
    %dma_wait3A_1157 = tpu.memref_slice %arg6[%dma_wait3A_1145, %dma_wait3A_1146, %dma_wait3A_1155, %dma_wait3A_1156] : memref<8x4x8x128xi32, #tpu.memory_space<vmem>> -> memref<1x1x8x128xi32, #tpu.memory_space<vmem>>
    %dma_wait3A_1158 = tpu.memref_squeeze %dma_wait3A_1157 : memref<1x1x8x128xi32, #tpu.memory_space<vmem>> -> memref<8x128xi32, #tpu.memory_space<vmem>>
    %dma_wait3A_1159 = arith.constant 0 : i32
    %dma_wait3A_1160 = arith.constant 0 : i32
    %dma_wait3A_1161 = tpu.memref_slice %arg2[%dma_wait3A_1143, %dma_wait3A_1144, %dma_wait3A_1159, %dma_wait3A_1160] : memref<25x32x8x128xi32, #tpu.memory_space<hbm>> -> memref<1x1x8x128xi32, #tpu.memory_space<hbm>>
    %dma_wait3A_1162 = tpu.memref_squeeze %dma_wait3A_1161 : memref<1x1x8x128xi32, #tpu.memory_space<hbm>> -> memref<8x128xi32, #tpu.memory_space<hbm>>
    tpu.wait_dma2 semaphore(%arg16 : memref<!tpu.dma_semaphore, #tpu.memory_space<semaphore_mem>>) src(%dma_wait3A_1162 : memref<8x128xi32, #tpu.memory_space<hbm>>) dst(%dma_wait3A_1158 : memref<8x128xi32, #tpu.memory_space<vmem>>)
    %dma_wait3A_1163 = arith.constant 0 : i32
    %dma_wait3A_1164 = arith.constant 0 : i32
    %dma_wait3A_1165 = arith.constant 0 : i32
    %dma_wait3A_1166 = arith.constant 0 : i32
    %dma_wait3A_1167 = arith.constant 0 : i32
    %dma_wait3A_1168 = arith.constant 0 : i32
    %dma_wait3A_1169 = tpu.memref_slice %arg6[%dma_wait3A_1165, %dma_wait3A_1166, %dma_wait3A_1167, %dma_wait3A_1168] : memref<8x4x8x128xi32, #tpu.memory_space<vmem>> -> memref<1x1x8x128xi32, #tpu.memory_space<vmem>>
    %dma_wait3A_1170 = tpu.memref_squeeze %dma_wait3A_1169 : memref<1x1x8x128xi32, #tpu.memory_space<vmem>> -> memref<8x128xi32, #tpu.memory_space<vmem>>
    %dma_wait3A_1171 = arith.constant 0 : i32
    %dma_wait3A_1172 = arith.constant 0 : i32
    %dma_wait3A_1173 = tpu.memref_slice %arg2[%dma_wait3A_1163, %dma_wait3A_1164, %dma_wait3A_1171, %dma_wait3A_1172] : memref<25x32x8x128xi32, #tpu.memory_space<hbm>> -> memref<1x1x8x128xi32, #tpu.memory_space<hbm>>
    %dma_wait3A_1174 = tpu.memref_squeeze %dma_wait3A_1173 : memref<1x1x8x128xi32, #tpu.memory_space<hbm>> -> memref<8x128xi32, #tpu.memory_space<hbm>>
    %dma_wait3A_1175 = arith.constant 0 : i32
    %dma_wait3A_1176 = arith.constant 0 : i32
    %dma_wait3A_1177 = tpu.memref_slice %arg6[%dma_wait3A_1165, %dma_wait3A_1166, %dma_wait3A_1175, %dma_wait3A_1176] : memref<8x4x8x128xi32, #tpu.memory_space<vmem>> -> memref<1x1x8x128xi32, #tpu.memory_space<vmem>>
    %dma_wait3A_1178 = tpu.memref_squeeze %dma_wait3A_1177 : memref<1x1x8x128xi32, #tpu.memory_space<vmem>> -> memref<8x128xi32, #tpu.memory_space<vmem>>
    %dma_wait3A_1179 = arith.constant 0 : i32
    %dma_wait3A_1180 = arith.constant 0 : i32
    %dma_wait3A_1181 = tpu.memref_slice %arg2[%dma_wait3A_1163, %dma_wait3A_1164, %dma_wait3A_1179, %dma_wait3A_1180] : memref<25x32x8x128xi32, #tpu.memory_space<hbm>> -> memref<1x1x8x128xi32, #tpu.memory_space<hbm>>
    %dma_wait3A_1182 = tpu.memref_squeeze %dma_wait3A_1181 : memref<1x1x8x128xi32, #tpu.memory_space<hbm>> -> memref<8x128xi32, #tpu.memory_space<hbm>>
    tpu.wait_dma2 semaphore(%arg16 : memref<!tpu.dma_semaphore, #tpu.memory_space<semaphore_mem>>) src(%dma_wait3A_1182 : memref<8x128xi32, #tpu.memory_space<hbm>>) dst(%dma_wait3A_1178 : memref<8x128xi32, #tpu.memory_space<vmem>>)
    %dma_wait3A_1183 = arith.constant 0 : i32
    %dma_wait3A_1184 = arith.constant 0 : i32
    %dma_wait3A_1185 = arith.constant 0 : i32
    %dma_wait3A_1186 = arith.constant 0 : i32
    %dma_wait3A_1187 = arith.constant 0 : i32
    %dma_wait3A_1188 = arith.constant 0 : i32
    %dma_wait3A_1189 = tpu.memref_slice %arg6[%dma_wait3A_1185, %dma_wait3A_1186, %dma_wait3A_1187, %dma_wait3A_1188] : memref<8x4x8x128xi32, #tpu.memory_space<vmem>> -> memref<1x1x8x128xi32, #tpu.memory_space<vmem>>
    %dma_wait3A_1190 = tpu.memref_squeeze %dma_wait3A_1189 : memref<1x1x8x128xi32, #tpu.memory_space<vmem>> -> memref<8x128xi32, #tpu.memory_space<vmem>>
    %dma_wait3A_1191 = arith.constant 0 : i32
    %dma_wait3A_1192 = arith.constant 0 : i32
    %dma_wait3A_1193 = tpu.memref_slice %arg2[%dma_wait3A_1183, %dma_wait3A_1184, %dma_wait3A_1191, %dma_wait3A_1192] : memref<25x32x8x128xi32, #tpu.memory_space<hbm>> -> memref<1x1x8x128xi32, #tpu.memory_space<hbm>>
    %dma_wait3A_1194 = tpu.memref_squeeze %dma_wait3A_1193 : memref<1x1x8x128xi32, #tpu.memory_space<hbm>> -> memref<8x128xi32, #tpu.memory_space<hbm>>
    %dma_wait3A_1195 = arith.constant 0 : i32
    %dma_wait3A_1196 = arith.constant 0 : i32
    %dma_wait3A_1197 = tpu.memref_slice %arg6[%dma_wait3A_1185, %dma_wait3A_1186, %dma_wait3A_1195, %dma_wait3A_1196] : memref<8x4x8x128xi32, #tpu.memory_space<vmem>> -> memref<1x1x8x128xi32, #tpu.memory_space<vmem>>
    %dma_wait3A_1198 = tpu.memref_squeeze %dma_wait3A_1197 : memref<1x1x8x128xi32, #tpu.memory_space<vmem>> -> memref<8x128xi32, #tpu.memory_space<vmem>>
    %dma_wait3A_1199 = arith.constant 0 : i32
    %dma_wait3A_1200 = arith.constant 0 : i32
    %dma_wait3A_1201 = tpu.memref_slice %arg2[%dma_wait3A_1183, %dma_wait3A_1184, %dma_wait3A_1199, %dma_wait3A_1200] : memref<25x32x8x128xi32, #tpu.memory_space<hbm>> -> memref<1x1x8x128xi32, #tpu.memory_space<hbm>>
    %dma_wait3A_1202 = tpu.memref_squeeze %dma_wait3A_1201 : memref<1x1x8x128xi32, #tpu.memory_space<hbm>> -> memref<8x128xi32, #tpu.memory_space<hbm>>
    tpu.wait_dma2 semaphore(%arg16 : memref<!tpu.dma_semaphore, #tpu.memory_space<semaphore_mem>>) src(%dma_wait3A_1202 : memref<8x128xi32, #tpu.memory_space<hbm>>) dst(%dma_wait3A_1198 : memref<8x128xi32, #tpu.memory_space<vmem>>)
    %dma_wait3A_1203 = arith.constant 0 : i32
    %dma_wait3A_1204 = arith.constant 0 : i32
    %dma_wait3A_1205 = arith.constant 0 : i32
    %dma_wait3A_1206 = arith.constant 0 : i32
    %dma_wait3A_1207 = arith.constant 0 : i32
    %dma_wait3A_1208 = arith.constant 0 : i32
    %dma_wait3A_1209 = tpu.memref_slice %arg6[%dma_wait3A_1205, %dma_wait3A_1206, %dma_wait3A_1207, %dma_wait3A_1208] : memref<8x4x8x128xi32, #tpu.memory_space<vmem>> -> memref<1x1x8x128xi32, #tpu.memory_space<vmem>>
    %dma_wait3A_1210 = tpu.memref_squeeze %dma_wait3A_1209 : memref<1x1x8x128xi32, #tpu.memory_space<vmem>> -> memref<8x128xi32, #tpu.memory_space<vmem>>
    %dma_wait3A_1211 = arith.constant 0 : i32
    %dma_wait3A_1212 = arith.constant 0 : i32
    %dma_wait3A_1213 = tpu.memref_slice %arg2[%dma_wait3A_1203, %dma_wait3A_1204, %dma_wait3A_1211, %dma_wait3A_1212] : memref<25x32x8x128xi32, #tpu.memory_space<hbm>> -> memref<1x1x8x128xi32, #tpu.memory_space<hbm>>
    %dma_wait3A_1214 = tpu.memref_squeeze %dma_wait3A_1213 : memref<1x1x8x128xi32, #tpu.memory_space<hbm>> -> memref<8x128xi32, #tpu.memory_space<hbm>>
    %dma_wait3A_1215 = arith.constant 0 : i32
    %dma_wait3A_1216 = arith.constant 0 : i32
    %dma_wait3A_1217 = tpu.memref_slice %arg6[%dma_wait3A_1205, %dma_wait3A_1206, %dma_wait3A_1215, %dma_wait3A_1216] : memref<8x4x8x128xi32, #tpu.memory_space<vmem>> -> memref<1x1x8x128xi32, #tpu.memory_space<vmem>>
    %dma_wait3A_1218 = tpu.memref_squeeze %dma_wait3A_1217 : memref<1x1x8x128xi32, #tpu.memory_space<vmem>> -> memref<8x128xi32, #tpu.memory_space<vmem>>
    %dma_wait3A_1219 = arith.constant 0 : i32
    %dma_wait3A_1220 = arith.constant 0 : i32
    %dma_wait3A_1221 = tpu.memref_slice %arg2[%dma_wait3A_1203, %dma_wait3A_1204, %dma_wait3A_1219, %dma_wait3A_1220] : memref<25x32x8x128xi32, #tpu.memory_space<hbm>> -> memref<1x1x8x128xi32, #tpu.memory_space<hbm>>
    %dma_wait3A_1222 = tpu.memref_squeeze %dma_wait3A_1221 : memref<1x1x8x128xi32, #tpu.memory_space<hbm>> -> memref<8x128xi32, #tpu.memory_space<hbm>>
    tpu.wait_dma2 semaphore(%arg16 : memref<!tpu.dma_semaphore, #tpu.memory_space<semaphore_mem>>) src(%dma_wait3A_1222 : memref<8x128xi32, #tpu.memory_space<hbm>>) dst(%dma_wait3A_1218 : memref<8x128xi32, #tpu.memory_space<vmem>>)
    %dma_wait3A_1223 = arith.constant 0 : i32
    %dma_wait3A_1224 = arith.constant 0 : i32
    %dma_wait3A_1225 = arith.constant 0 : i32
    %dma_wait3A_1226 = arith.constant 0 : i32
    %dma_wait3A_1227 = arith.constant 0 : i32
    %dma_wait3A_1228 = arith.constant 0 : i32
    %dma_wait3A_1229 = tpu.memref_slice %arg6[%dma_wait3A_1225, %dma_wait3A_1226, %dma_wait3A_1227, %dma_wait3A_1228] : memref<8x4x8x128xi32, #tpu.memory_space<vmem>> -> memref<1x1x8x128xi32, #tpu.memory_space<vmem>>
    %dma_wait3A_1230 = tpu.memref_squeeze %dma_wait3A_1229 : memref<1x1x8x128xi32, #tpu.memory_space<vmem>> -> memref<8x128xi32, #tpu.memory_space<vmem>>
    %dma_wait3A_1231 = arith.constant 0 : i32
    %dma_wait3A_1232 = arith.constant 0 : i32
    %dma_wait3A_1233 = tpu.memref_slice %arg2[%dma_wait3A_1223, %dma_wait3A_1224, %dma_wait3A_1231, %dma_wait3A_1232] : memref<25x32x8x128xi32, #tpu.memory_space<hbm>> -> memref<1x1x8x128xi32, #tpu.memory_space<hbm>>
    %dma_wait3A_1234 = tpu.memref_squeeze %dma_wait3A_1233 : memref<1x1x8x128xi32, #tpu.memory_space<hbm>> -> memref<8x128xi32, #tpu.memory_space<hbm>>
    %dma_wait3A_1235 = arith.constant 0 : i32
    %dma_wait3A_1236 = arith.constant 0 : i32
    %dma_wait3A_1237 = tpu.memref_slice %arg6[%dma_wait3A_1225, %dma_wait3A_1226, %dma_wait3A_1235, %dma_wait3A_1236] : memref<8x4x8x128xi32, #tpu.memory_space<vmem>> -> memref<1x1x8x128xi32, #tpu.memory_space<vmem>>
    %dma_wait3A_1238 = tpu.memref_squeeze %dma_wait3A_1237 : memref<1x1x8x128xi32, #tpu.memory_space<vmem>> -> memref<8x128xi32, #tpu.memory_space<vmem>>
    %dma_wait3A_1239 = arith.constant 0 : i32
    %dma_wait3A_1240 = arith.constant 0 : i32
    %dma_wait3A_1241 = tpu.memref_slice %arg2[%dma_wait3A_1223, %dma_wait3A_1224, %dma_wait3A_1239, %dma_wait3A_1240] : memref<25x32x8x128xi32, #tpu.memory_space<hbm>> -> memref<1x1x8x128xi32, #tpu.memory_space<hbm>>
    %dma_wait3A_1242 = tpu.memref_squeeze %dma_wait3A_1241 : memref<1x1x8x128xi32, #tpu.memory_space<hbm>> -> memref<8x128xi32, #tpu.memory_space<hbm>>
    tpu.wait_dma2 semaphore(%arg16 : memref<!tpu.dma_semaphore, #tpu.memory_space<semaphore_mem>>) src(%dma_wait3A_1242 : memref<8x128xi32, #tpu.memory_space<hbm>>) dst(%dma_wait3A_1238 : memref<8x128xi32, #tpu.memory_space<vmem>>)
    %dma_wait3A_1243 = arith.constant 0 : i32
    %dma_wait3A_1244 = arith.constant 0 : i32
    %dma_wait3A_1245 = arith.constant 0 : i32
    %dma_wait3A_1246 = arith.constant 0 : i32
    %dma_wait3A_1247 = arith.constant 0 : i32
    %dma_wait3A_1248 = arith.constant 0 : i32
    %dma_wait3A_1249 = tpu.memref_slice %arg6[%dma_wait3A_1245, %dma_wait3A_1246, %dma_wait3A_1247, %dma_wait3A_1248] : memref<8x4x8x128xi32, #tpu.memory_space<vmem>> -> memref<1x1x8x128xi32, #tpu.memory_space<vmem>>
    %dma_wait3A_1250 = tpu.memref_squeeze %dma_wait3A_1249 : memref<1x1x8x128xi32, #tpu.memory_space<vmem>> -> memref<8x128xi32, #tpu.memory_space<vmem>>
    %dma_wait3A_1251 = arith.constant 0 : i32
    %dma_wait3A_1252 = arith.constant 0 : i32
    %dma_wait3A_1253 = tpu.memref_slice %arg2[%dma_wait3A_1243, %dma_wait3A_1244, %dma_wait3A_1251, %dma_wait3A_1252] : memref<25x32x8x128xi32, #tpu.memory_space<hbm>> -> memref<1x1x8x128xi32, #tpu.memory_space<hbm>>
    %dma_wait3A_1254 = tpu.memref_squeeze %dma_wait3A_1253 : memref<1x1x8x128xi32, #tpu.memory_space<hbm>> -> memref<8x128xi32, #tpu.memory_space<hbm>>
    %dma_wait3A_1255 = arith.constant 0 : i32
    %dma_wait3A_1256 = arith.constant 0 : i32
    %dma_wait3A_1257 = tpu.memref_slice %arg6[%dma_wait3A_1245, %dma_wait3A_1246, %dma_wait3A_1255, %dma_wait3A_1256] : memref<8x4x8x128xi32, #tpu.memory_space<vmem>> -> memref<1x1x8x128xi32, #tpu.memory_space<vmem>>
    %dma_wait3A_1258 = tpu.memref_squeeze %dma_wait3A_1257 : memref<1x1x8x128xi32, #tpu.memory_space<vmem>> -> memref<8x128xi32, #tpu.memory_space<vmem>>
    %dma_wait3A_1259 = arith.constant 0 : i32
    %dma_wait3A_1260 = arith.constant 0 : i32
    %dma_wait3A_1261 = tpu.memref_slice %arg2[%dma_wait3A_1243, %dma_wait3A_1244, %dma_wait3A_1259, %dma_wait3A_1260] : memref<25x32x8x128xi32, #tpu.memory_space<hbm>> -> memref<1x1x8x128xi32, #tpu.memory_space<hbm>>
    %dma_wait3A_1262 = tpu.memref_squeeze %dma_wait3A_1261 : memref<1x1x8x128xi32, #tpu.memory_space<hbm>> -> memref<8x128xi32, #tpu.memory_space<hbm>>
    tpu.wait_dma2 semaphore(%arg16 : memref<!tpu.dma_semaphore, #tpu.memory_space<semaphore_mem>>) src(%dma_wait3A_1262 : memref<8x128xi32, #tpu.memory_space<hbm>>) dst(%dma_wait3A_1258 : memref<8x128xi32, #tpu.memory_space<vmem>>)
    %dma_wait3A_1263 = arith.constant 0 : i32
    %dma_wait3A_1264 = arith.constant 0 : i32
    %dma_wait3A_1265 = arith.constant 0 : i32
    %dma_wait3A_1266 = arith.constant 0 : i32
    %dma_wait3A_1267 = arith.constant 0 : i32
    %dma_wait3A_1268 = arith.constant 0 : i32
    %dma_wait3A_1269 = tpu.memref_slice %arg6[%dma_wait3A_1265, %dma_wait3A_1266, %dma_wait3A_1267, %dma_wait3A_1268] : memref<8x4x8x128xi32, #tpu.memory_space<vmem>> -> memref<1x1x8x128xi32, #tpu.memory_space<vmem>>
    %dma_wait3A_1270 = tpu.memref_squeeze %dma_wait3A_1269 : memref<1x1x8x128xi32, #tpu.memory_space<vmem>> -> memref<8x128xi32, #tpu.memory_space<vmem>>
    %dma_wait3A_1271 = arith.constant 0 : i32
    %dma_wait3A_1272 = arith.constant 0 : i32
    %dma_wait3A_1273 = tpu.memref_slice %arg2[%dma_wait3A_1263, %dma_wait3A_1264, %dma_wait3A_1271, %dma_wait3A_1272] : memref<25x32x8x128xi32, #tpu.memory_space<hbm>> -> memref<1x1x8x128xi32, #tpu.memory_space<hbm>>
    %dma_wait3A_1274 = tpu.memref_squeeze %dma_wait3A_1273 : memref<1x1x8x128xi32, #tpu.memory_space<hbm>> -> memref<8x128xi32, #tpu.memory_space<hbm>>
    %dma_wait3A_1275 = arith.constant 0 : i32
    %dma_wait3A_1276 = arith.constant 0 : i32
    %dma_wait3A_1277 = tpu.memref_slice %arg6[%dma_wait3A_1265, %dma_wait3A_1266, %dma_wait3A_1275, %dma_wait3A_1276] : memref<8x4x8x128xi32, #tpu.memory_space<vmem>> -> memref<1x1x8x128xi32, #tpu.memory_space<vmem>>
    %dma_wait3A_1278 = tpu.memref_squeeze %dma_wait3A_1277 : memref<1x1x8x128xi32, #tpu.memory_space<vmem>> -> memref<8x128xi32, #tpu.memory_space<vmem>>
    %dma_wait3A_1279 = arith.constant 0 : i32
    %dma_wait3A_1280 = arith.constant 0 : i32
    %dma_wait3A_1281 = tpu.memref_slice %arg2[%dma_wait3A_1263, %dma_wait3A_1264, %dma_wait3A_1279, %dma_wait3A_1280] : memref<25x32x8x128xi32, #tpu.memory_space<hbm>> -> memref<1x1x8x128xi32, #tpu.memory_space<hbm>>
    %dma_wait3A_1282 = tpu.memref_squeeze %dma_wait3A_1281 : memref<1x1x8x128xi32, #tpu.memory_space<hbm>> -> memref<8x128xi32, #tpu.memory_space<hbm>>
    tpu.wait_dma2 semaphore(%arg16 : memref<!tpu.dma_semaphore, #tpu.memory_space<semaphore_mem>>) src(%dma_wait3A_1282 : memref<8x128xi32, #tpu.memory_space<hbm>>) dst(%dma_wait3A_1278 : memref<8x128xi32, #tpu.memory_space<vmem>>)
    %dma_wait3A_1283 = arith.constant 0 : i32
    %dma_wait3A_1284 = arith.constant 0 : i32
    %dma_wait3A_1285 = arith.constant 0 : i32
    %dma_wait3A_1286 = arith.constant 0 : i32
    %dma_wait3A_1287 = arith.constant 0 : i32
    %dma_wait3A_1288 = arith.constant 0 : i32
    %dma_wait3A_1289 = tpu.memref_slice %arg6[%dma_wait3A_1285, %dma_wait3A_1286, %dma_wait3A_1287, %dma_wait3A_1288] : memref<8x4x8x128xi32, #tpu.memory_space<vmem>> -> memref<1x1x8x128xi32, #tpu.memory_space<vmem>>
    %dma_wait3A_1290 = tpu.memref_squeeze %dma_wait3A_1289 : memref<1x1x8x128xi32, #tpu.memory_space<vmem>> -> memref<8x128xi32, #tpu.memory_space<vmem>>
    %dma_wait3A_1291 = arith.constant 0 : i32
    %dma_wait3A_1292 = arith.constant 0 : i32
    %dma_wait3A_1293 = tpu.memref_slice %arg2[%dma_wait3A_1283, %dma_wait3A_1284, %dma_wait3A_1291, %dma_wait3A_1292] : memref<25x32x8x128xi32, #tpu.memory_space<hbm>> -> memref<1x1x8x128xi32, #tpu.memory_space<hbm>>
    %dma_wait3A_1294 = tpu.memref_squeeze %dma_wait3A_1293 : memref<1x1x8x128xi32, #tpu.memory_space<hbm>> -> memref<8x128xi32, #tpu.memory_space<hbm>>
    %dma_wait3A_1295 = arith.constant 0 : i32
    %dma_wait3A_1296 = arith.constant 0 : i32
    %dma_wait3A_1297 = tpu.memref_slice %arg6[%dma_wait3A_1285, %dma_wait3A_1286, %dma_wait3A_1295, %dma_wait3A_1296] : memref<8x4x8x128xi32, #tpu.memory_space<vmem>> -> memref<1x1x8x128xi32, #tpu.memory_space<vmem>>
    %dma_wait3A_1298 = tpu.memref_squeeze %dma_wait3A_1297 : memref<1x1x8x128xi32, #tpu.memory_space<vmem>> -> memref<8x128xi32, #tpu.memory_space<vmem>>
    %dma_wait3A_1299 = arith.constant 0 : i32
    %dma_wait3A_1300 = arith.constant 0 : i32
    %dma_wait3A_1301 = tpu.memref_slice %arg2[%dma_wait3A_1283, %dma_wait3A_1284, %dma_wait3A_1299, %dma_wait3A_1300] : memref<25x32x8x128xi32, #tpu.memory_space<hbm>> -> memref<1x1x8x128xi32, #tpu.memory_space<hbm>>
    %dma_wait3A_1302 = tpu.memref_squeeze %dma_wait3A_1301 : memref<1x1x8x128xi32, #tpu.memory_space<hbm>> -> memref<8x128xi32, #tpu.memory_space<hbm>>
    tpu.wait_dma2 semaphore(%arg16 : memref<!tpu.dma_semaphore, #tpu.memory_space<semaphore_mem>>) src(%dma_wait3A_1302 : memref<8x128xi32, #tpu.memory_space<hbm>>) dst(%dma_wait3A_1298 : memref<8x128xi32, #tpu.memory_space<vmem>>)
    %dma_wait3A_1303 = arith.constant 0 : i32
    %dma_wait3A_1304 = arith.constant 0 : i32
    %dma_wait3A_1305 = arith.constant 0 : i32
    %dma_wait3A_1306 = arith.constant 0 : i32
    %dma_wait3A_1307 = arith.constant 0 : i32
    %dma_wait3A_1308 = arith.constant 0 : i32
    %dma_wait3A_1309 = tpu.memref_slice %arg6[%dma_wait3A_1305, %dma_wait3A_1306, %dma_wait3A_1307, %dma_wait3A_1308] : memref<8x4x8x128xi32, #tpu.memory_space<vmem>> -> memref<1x1x8x128xi32, #tpu.memory_space<vmem>>
    %dma_wait3A_1310 = tpu.memref_squeeze %dma_wait3A_1309 : memref<1x1x8x128xi32, #tpu.memory_space<vmem>> -> memref<8x128xi32, #tpu.memory_space<vmem>>
    %dma_wait3A_1311 = arith.constant 0 : i32
    %dma_wait3A_1312 = arith.constant 0 : i32
    %dma_wait3A_1313 = tpu.memref_slice %arg2[%dma_wait3A_1303, %dma_wait3A_1304, %dma_wait3A_1311, %dma_wait3A_1312] : memref<25x32x8x128xi32, #tpu.memory_space<hbm>> -> memref<1x1x8x128xi32, #tpu.memory_space<hbm>>
    %dma_wait3A_1314 = tpu.memref_squeeze %dma_wait3A_1313 : memref<1x1x8x128xi32, #tpu.memory_space<hbm>> -> memref<8x128xi32, #tpu.memory_space<hbm>>
    %dma_wait3A_1315 = arith.constant 0 : i32
    %dma_wait3A_1316 = arith.constant 0 : i32
    %dma_wait3A_1317 = tpu.memref_slice %arg6[%dma_wait3A_1305, %dma_wait3A_1306, %dma_wait3A_1315, %dma_wait3A_1316] : memref<8x4x8x128xi32, #tpu.memory_space<vmem>> -> memref<1x1x8x128xi32, #tpu.memory_space<vmem>>
    %dma_wait3A_1318 = tpu.memref_squeeze %dma_wait3A_1317 : memref<1x1x8x128xi32, #tpu.memory_space<vmem>> -> memref<8x128xi32, #tpu.memory_space<vmem>>
    %dma_wait3A_1319 = arith.constant 0 : i32
    %dma_wait3A_1320 = arith.constant 0 : i32
    %dma_wait3A_1321 = tpu.memref_slice %arg2[%dma_wait3A_1303, %dma_wait3A_1304, %dma_wait3A_1319, %dma_wait3A_1320] : memref<25x32x8x128xi32, #tpu.memory_space<hbm>> -> memref<1x1x8x128xi32, #tpu.memory_space<hbm>>
    %dma_wait3A_1322 = tpu.memref_squeeze %dma_wait3A_1321 : memref<1x1x8x128xi32, #tpu.memory_space<hbm>> -> memref<8x128xi32, #tpu.memory_space<hbm>>
    tpu.wait_dma2 semaphore(%arg16 : memref<!tpu.dma_semaphore, #tpu.memory_space<semaphore_mem>>) src(%dma_wait3A_1322 : memref<8x128xi32, #tpu.memory_space<hbm>>) dst(%dma_wait3A_1318 : memref<8x128xi32, #tpu.memory_space<vmem>>)
    %dma_wait3A_1323 = arith.constant 0 : i32
    %dma_wait3A_1324 = arith.constant 0 : i32
    %dma_wait3A_1325 = arith.constant 0 : i32
    %dma_wait3A_1326 = arith.constant 0 : i32
    %dma_wait3A_1327 = arith.constant 0 : i32
    %dma_wait3A_1328 = arith.constant 0 : i32
    %dma_wait3A_1329 = tpu.memref_slice %arg6[%dma_wait3A_1325, %dma_wait3A_1326, %dma_wait3A_1327, %dma_wait3A_1328] : memref<8x4x8x128xi32, #tpu.memory_space<vmem>> -> memref<1x1x8x128xi32, #tpu.memory_space<vmem>>
    %dma_wait3A_1330 = tpu.memref_squeeze %dma_wait3A_1329 : memref<1x1x8x128xi32, #tpu.memory_space<vmem>> -> memref<8x128xi32, #tpu.memory_space<vmem>>
    %dma_wait3A_1331 = arith.constant 0 : i32
    %dma_wait3A_1332 = arith.constant 0 : i32
    %dma_wait3A_1333 = tpu.memref_slice %arg2[%dma_wait3A_1323, %dma_wait3A_1324, %dma_wait3A_1331, %dma_wait3A_1332] : memref<25x32x8x128xi32, #tpu.memory_space<hbm>> -> memref<1x1x8x128xi32, #tpu.memory_space<hbm>>
    %dma_wait3A_1334 = tpu.memref_squeeze %dma_wait3A_1333 : memref<1x1x8x128xi32, #tpu.memory_space<hbm>> -> memref<8x128xi32, #tpu.memory_space<hbm>>
    %dma_wait3A_1335 = arith.constant 0 : i32
    %dma_wait3A_1336 = arith.constant 0 : i32
    %dma_wait3A_1337 = tpu.memref_slice %arg6[%dma_wait3A_1325, %dma_wait3A_1326, %dma_wait3A_1335, %dma_wait3A_1336] : memref<8x4x8x128xi32, #tpu.memory_space<vmem>> -> memref<1x1x8x128xi32, #tpu.memory_space<vmem>>
    %dma_wait3A_1338 = tpu.memref_squeeze %dma_wait3A_1337 : memref<1x1x8x128xi32, #tpu.memory_space<vmem>> -> memref<8x128xi32, #tpu.memory_space<vmem>>
    %dma_wait3A_1339 = arith.constant 0 : i32
    %dma_wait3A_1340 = arith.constant 0 : i32
    %dma_wait3A_1341 = tpu.memref_slice %arg2[%dma_wait3A_1323, %dma_wait3A_1324, %dma_wait3A_1339, %dma_wait3A_1340] : memref<25x32x8x128xi32, #tpu.memory_space<hbm>> -> memref<1x1x8x128xi32, #tpu.memory_space<hbm>>
    %dma_wait3A_1342 = tpu.memref_squeeze %dma_wait3A_1341 : memref<1x1x8x128xi32, #tpu.memory_space<hbm>> -> memref<8x128xi32, #tpu.memory_space<hbm>>
    tpu.wait_dma2 semaphore(%arg16 : memref<!tpu.dma_semaphore, #tpu.memory_space<semaphore_mem>>) src(%dma_wait3A_1342 : memref<8x128xi32, #tpu.memory_space<hbm>>) dst(%dma_wait3A_1338 : memref<8x128xi32, #tpu.memory_space<vmem>>)
    %dma_wait3A_1343 = arith.constant 0 : i32
    %dma_wait3A_1344 = arith.constant 0 : i32
    %dma_wait3A_1345 = arith.constant 0 : i32
    %dma_wait3A_1346 = arith.constant 0 : i32
    %dma_wait3A_1347 = arith.constant 0 : i32
    %dma_wait3A_1348 = arith.constant 0 : i32
    %dma_wait3A_1349 = tpu.memref_slice %arg6[%dma_wait3A_1345, %dma_wait3A_1346, %dma_wait3A_1347, %dma_wait3A_1348] : memref<8x4x8x128xi32, #tpu.memory_space<vmem>> -> memref<1x1x8x128xi32, #tpu.memory_space<vmem>>
    %dma_wait3A_1350 = tpu.memref_squeeze %dma_wait3A_1349 : memref<1x1x8x128xi32, #tpu.memory_space<vmem>> -> memref<8x128xi32, #tpu.memory_space<vmem>>
    %dma_wait3A_1351 = arith.constant 0 : i32
    %dma_wait3A_1352 = arith.constant 0 : i32
    %dma_wait3A_1353 = tpu.memref_slice %arg2[%dma_wait3A_1343, %dma_wait3A_1344, %dma_wait3A_1351, %dma_wait3A_1352] : memref<25x32x8x128xi32, #tpu.memory_space<hbm>> -> memref<1x1x8x128xi32, #tpu.memory_space<hbm>>
    %dma_wait3A_1354 = tpu.memref_squeeze %dma_wait3A_1353 : memref<1x1x8x128xi32, #tpu.memory_space<hbm>> -> memref<8x128xi32, #tpu.memory_space<hbm>>
    %dma_wait3A_1355 = arith.constant 0 : i32
    %dma_wait3A_1356 = arith.constant 0 : i32
    %dma_wait3A_1357 = tpu.memref_slice %arg6[%dma_wait3A_1345, %dma_wait3A_1346, %dma_wait3A_1355, %dma_wait3A_1356] : memref<8x4x8x128xi32, #tpu.memory_space<vmem>> -> memref<1x1x8x128xi32, #tpu.memory_space<vmem>>
    %dma_wait3A_1358 = tpu.memref_squeeze %dma_wait3A_1357 : memref<1x1x8x128xi32, #tpu.memory_space<vmem>> -> memref<8x128xi32, #tpu.memory_space<vmem>>
    %dma_wait3A_1359 = arith.constant 0 : i32
    %dma_wait3A_1360 = arith.constant 0 : i32
    %dma_wait3A_1361 = tpu.memref_slice %arg2[%dma_wait3A_1343, %dma_wait3A_1344, %dma_wait3A_1359, %dma_wait3A_1360] : memref<25x32x8x128xi32, #tpu.memory_space<hbm>> -> memref<1x1x8x128xi32, #tpu.memory_space<hbm>>
    %dma_wait3A_1362 = tpu.memref_squeeze %dma_wait3A_1361 : memref<1x1x8x128xi32, #tpu.memory_space<hbm>> -> memref<8x128xi32, #tpu.memory_space<hbm>>
    tpu.wait_dma2 semaphore(%arg16 : memref<!tpu.dma_semaphore, #tpu.memory_space<semaphore_mem>>) src(%dma_wait3A_1362 : memref<8x128xi32, #tpu.memory_space<hbm>>) dst(%dma_wait3A_1358 : memref<8x128xi32, #tpu.memory_space<vmem>>)
    %dma_wait3A_1363 = arith.constant 0 : i32
    %dma_wait3A_1364 = arith.constant 0 : i32
    %dma_wait3A_1365 = arith.constant 0 : i32
    %dma_wait3A_1366 = arith.constant 0 : i32
    %dma_wait3A_1367 = arith.constant 0 : i32
    %dma_wait3A_1368 = arith.constant 0 : i32
    %dma_wait3A_1369 = tpu.memref_slice %arg6[%dma_wait3A_1365, %dma_wait3A_1366, %dma_wait3A_1367, %dma_wait3A_1368] : memref<8x4x8x128xi32, #tpu.memory_space<vmem>> -> memref<1x1x8x128xi32, #tpu.memory_space<vmem>>
    %dma_wait3A_1370 = tpu.memref_squeeze %dma_wait3A_1369 : memref<1x1x8x128xi32, #tpu.memory_space<vmem>> -> memref<8x128xi32, #tpu.memory_space<vmem>>
    %dma_wait3A_1371 = arith.constant 0 : i32
    %dma_wait3A_1372 = arith.constant 0 : i32
    %dma_wait3A_1373 = tpu.memref_slice %arg2[%dma_wait3A_1363, %dma_wait3A_1364, %dma_wait3A_1371, %dma_wait3A_1372] : memref<25x32x8x128xi32, #tpu.memory_space<hbm>> -> memref<1x1x8x128xi32, #tpu.memory_space<hbm>>
    %dma_wait3A_1374 = tpu.memref_squeeze %dma_wait3A_1373 : memref<1x1x8x128xi32, #tpu.memory_space<hbm>> -> memref<8x128xi32, #tpu.memory_space<hbm>>
    %dma_wait3A_1375 = arith.constant 0 : i32
    %dma_wait3A_1376 = arith.constant 0 : i32
    %dma_wait3A_1377 = tpu.memref_slice %arg6[%dma_wait3A_1365, %dma_wait3A_1366, %dma_wait3A_1375, %dma_wait3A_1376] : memref<8x4x8x128xi32, #tpu.memory_space<vmem>> -> memref<1x1x8x128xi32, #tpu.memory_space<vmem>>
    %dma_wait3A_1378 = tpu.memref_squeeze %dma_wait3A_1377 : memref<1x1x8x128xi32, #tpu.memory_space<vmem>> -> memref<8x128xi32, #tpu.memory_space<vmem>>
    %dma_wait3A_1379 = arith.constant 0 : i32
    %dma_wait3A_1380 = arith.constant 0 : i32
    %dma_wait3A_1381 = tpu.memref_slice %arg2[%dma_wait3A_1363, %dma_wait3A_1364, %dma_wait3A_1379, %dma_wait3A_1380] : memref<25x32x8x128xi32, #tpu.memory_space<hbm>> -> memref<1x1x8x128xi32, #tpu.memory_space<hbm>>
    %dma_wait3A_1382 = tpu.memref_squeeze %dma_wait3A_1381 : memref<1x1x8x128xi32, #tpu.memory_space<hbm>> -> memref<8x128xi32, #tpu.memory_space<hbm>>
    tpu.wait_dma2 semaphore(%arg16 : memref<!tpu.dma_semaphore, #tpu.memory_space<semaphore_mem>>) src(%dma_wait3A_1382 : memref<8x128xi32, #tpu.memory_space<hbm>>) dst(%dma_wait3A_1378 : memref<8x128xi32, #tpu.memory_space<vmem>>)
    %dma_wait3A_1383 = arith.constant 0 : i32
    %dma_wait3A_1384 = arith.constant 0 : i32
    %dma_wait3A_1385 = arith.constant 0 : i32
    %dma_wait3A_1386 = arith.constant 0 : i32
    %dma_wait3A_1387 = arith.constant 0 : i32
    %dma_wait3A_1388 = arith.constant 0 : i32
    %dma_wait3A_1389 = tpu.memref_slice %arg6[%dma_wait3A_1385, %dma_wait3A_1386, %dma_wait3A_1387, %dma_wait3A_1388] : memref<8x4x8x128xi32, #tpu.memory_space<vmem>> -> memref<1x1x8x128xi32, #tpu.memory_space<vmem>>
    %dma_wait3A_1390 = tpu.memref_squeeze %dma_wait3A_1389 : memref<1x1x8x128xi32, #tpu.memory_space<vmem>> -> memref<8x128xi32, #tpu.memory_space<vmem>>
    %dma_wait3A_1391 = arith.constant 0 : i32
    %dma_wait3A_1392 = arith.constant 0 : i32
    %dma_wait3A_1393 = tpu.memref_slice %arg2[%dma_wait3A_1383, %dma_wait3A_1384, %dma_wait3A_1391, %dma_wait3A_1392] : memref<25x32x8x128xi32, #tpu.memory_space<hbm>> -> memref<1x1x8x128xi32, #tpu.memory_space<hbm>>
    %dma_wait3A_1394 = tpu.memref_squeeze %dma_wait3A_1393 : memref<1x1x8x128xi32, #tpu.memory_space<hbm>> -> memref<8x128xi32, #tpu.memory_space<hbm>>
    %dma_wait3A_1395 = arith.constant 0 : i32
    %dma_wait3A_1396 = arith.constant 0 : i32
    %dma_wait3A_1397 = tpu.memref_slice %arg6[%dma_wait3A_1385, %dma_wait3A_1386, %dma_wait3A_1395, %dma_wait3A_1396] : memref<8x4x8x128xi32, #tpu.memory_space<vmem>> -> memref<1x1x8x128xi32, #tpu.memory_space<vmem>>
    %dma_wait3A_1398 = tpu.memref_squeeze %dma_wait3A_1397 : memref<1x1x8x128xi32, #tpu.memory_space<vmem>> -> memref<8x128xi32, #tpu.memory_space<vmem>>
    %dma_wait3A_1399 = arith.constant 0 : i32
    %dma_wait3A_1400 = arith.constant 0 : i32
    %dma_wait3A_1401 = tpu.memref_slice %arg2[%dma_wait3A_1383, %dma_wait3A_1384, %dma_wait3A_1399, %dma_wait3A_1400] : memref<25x32x8x128xi32, #tpu.memory_space<hbm>> -> memref<1x1x8x128xi32, #tpu.memory_space<hbm>>
    %dma_wait3A_1402 = tpu.memref_squeeze %dma_wait3A_1401 : memref<1x1x8x128xi32, #tpu.memory_space<hbm>> -> memref<8x128xi32, #tpu.memory_space<hbm>>
    tpu.wait_dma2 semaphore(%arg16 : memref<!tpu.dma_semaphore, #tpu.memory_space<semaphore_mem>>) src(%dma_wait3A_1402 : memref<8x128xi32, #tpu.memory_space<hbm>>) dst(%dma_wait3A_1398 : memref<8x128xi32, #tpu.memory_space<vmem>>)
    %dma_wait3A_1403 = arith.constant 0 : i32
    %dma_wait3A_1404 = arith.constant 0 : i32
    %dma_wait3A_1405 = arith.constant 0 : i32
    %dma_wait3A_1406 = arith.constant 0 : i32
    %dma_wait3A_1407 = arith.constant 0 : i32
    %dma_wait3A_1408 = arith.constant 0 : i32
    %dma_wait3A_1409 = tpu.memref_slice %arg6[%dma_wait3A_1405, %dma_wait3A_1406, %dma_wait3A_1407, %dma_wait3A_1408] : memref<8x4x8x128xi32, #tpu.memory_space<vmem>> -> memref<1x1x8x128xi32, #tpu.memory_space<vmem>>
    %dma_wait3A_1410 = tpu.memref_squeeze %dma_wait3A_1409 : memref<1x1x8x128xi32, #tpu.memory_space<vmem>> -> memref<8x128xi32, #tpu.memory_space<vmem>>
    %dma_wait3A_1411 = arith.constant 0 : i32
    %dma_wait3A_1412 = arith.constant 0 : i32
    %dma_wait3A_1413 = tpu.memref_slice %arg2[%dma_wait3A_1403, %dma_wait3A_1404, %dma_wait3A_1411, %dma_wait3A_1412] : memref<25x32x8x128xi32, #tpu.memory_space<hbm>> -> memref<1x1x8x128xi32, #tpu.memory_space<hbm>>
    %dma_wait3A_1414 = tpu.memref_squeeze %dma_wait3A_1413 : memref<1x1x8x128xi32, #tpu.memory_space<hbm>> -> memref<8x128xi32, #tpu.memory_space<hbm>>
    %dma_wait3A_1415 = arith.constant 0 : i32
    %dma_wait3A_1416 = arith.constant 0 : i32
    %dma_wait3A_1417 = tpu.memref_slice %arg6[%dma_wait3A_1405, %dma_wait3A_1406, %dma_wait3A_1415, %dma_wait3A_1416] : memref<8x4x8x128xi32, #tpu.memory_space<vmem>> -> memref<1x1x8x128xi32, #tpu.memory_space<vmem>>
    %dma_wait3A_1418 = tpu.memref_squeeze %dma_wait3A_1417 : memref<1x1x8x128xi32, #tpu.memory_space<vmem>> -> memref<8x128xi32, #tpu.memory_space<vmem>>
    %dma_wait3A_1419 = arith.constant 0 : i32
    %dma_wait3A_1420 = arith.constant 0 : i32
    %dma_wait3A_1421 = tpu.memref_slice %arg2[%dma_wait3A_1403, %dma_wait3A_1404, %dma_wait3A_1419, %dma_wait3A_1420] : memref<25x32x8x128xi32, #tpu.memory_space<hbm>> -> memref<1x1x8x128xi32, #tpu.memory_space<hbm>>
    %dma_wait3A_1422 = tpu.memref_squeeze %dma_wait3A_1421 : memref<1x1x8x128xi32, #tpu.memory_space<hbm>> -> memref<8x128xi32, #tpu.memory_space<hbm>>
    tpu.wait_dma2 semaphore(%arg16 : memref<!tpu.dma_semaphore, #tpu.memory_space<semaphore_mem>>) src(%dma_wait3A_1422 : memref<8x128xi32, #tpu.memory_space<hbm>>) dst(%dma_wait3A_1418 : memref<8x128xi32, #tpu.memory_space<vmem>>)
    %dma_wait3A_1423 = arith.constant 0 : i32
    %dma_wait3A_1424 = arith.constant 0 : i32
    %dma_wait3A_1425 = arith.constant 0 : i32
    %dma_wait3A_1426 = arith.constant 0 : i32
    %dma_wait3A_1427 = arith.constant 0 : i32
    %dma_wait3A_1428 = arith.constant 0 : i32
    %dma_wait3A_1429 = tpu.memref_slice %arg6[%dma_wait3A_1425, %dma_wait3A_1426, %dma_wait3A_1427, %dma_wait3A_1428] : memref<8x4x8x128xi32, #tpu.memory_space<vmem>> -> memref<1x1x8x128xi32, #tpu.memory_space<vmem>>
    %dma_wait3A_1430 = tpu.memref_squeeze %dma_wait3A_1429 : memref<1x1x8x128xi32, #tpu.memory_space<vmem>> -> memref<8x128xi32, #tpu.memory_space<vmem>>
    %dma_wait3A_1431 = arith.constant 0 : i32
    %dma_wait3A_1432 = arith.constant 0 : i32
    %dma_wait3A_1433 = tpu.memref_slice %arg2[%dma_wait3A_1423, %dma_wait3A_1424, %dma_wait3A_1431, %dma_wait3A_1432] : memref<25x32x8x128xi32, #tpu.memory_space<hbm>> -> memref<1x1x8x128xi32, #tpu.memory_space<hbm>>
    %dma_wait3A_1434 = tpu.memref_squeeze %dma_wait3A_1433 : memref<1x1x8x128xi32, #tpu.memory_space<hbm>> -> memref<8x128xi32, #tpu.memory_space<hbm>>
    %dma_wait3A_1435 = arith.constant 0 : i32
    %dma_wait3A_1436 = arith.constant 0 : i32
    %dma_wait3A_1437 = tpu.memref_slice %arg6[%dma_wait3A_1425, %dma_wait3A_1426, %dma_wait3A_1435, %dma_wait3A_1436] : memref<8x4x8x128xi32, #tpu.memory_space<vmem>> -> memref<1x1x8x128xi32, #tpu.memory_space<vmem>>
    %dma_wait3A_1438 = tpu.memref_squeeze %dma_wait3A_1437 : memref<1x1x8x128xi32, #tpu.memory_space<vmem>> -> memref<8x128xi32, #tpu.memory_space<vmem>>
    %dma_wait3A_1439 = arith.constant 0 : i32
    %dma_wait3A_1440 = arith.constant 0 : i32
    %dma_wait3A_1441 = tpu.memref_slice %arg2[%dma_wait3A_1423, %dma_wait3A_1424, %dma_wait3A_1439, %dma_wait3A_1440] : memref<25x32x8x128xi32, #tpu.memory_space<hbm>> -> memref<1x1x8x128xi32, #tpu.memory_space<hbm>>
    %dma_wait3A_1442 = tpu.memref_squeeze %dma_wait3A_1441 : memref<1x1x8x128xi32, #tpu.memory_space<hbm>> -> memref<8x128xi32, #tpu.memory_space<hbm>>
    tpu.wait_dma2 semaphore(%arg16 : memref<!tpu.dma_semaphore, #tpu.memory_space<semaphore_mem>>) src(%dma_wait3A_1442 : memref<8x128xi32, #tpu.memory_space<hbm>>) dst(%dma_wait3A_1438 : memref<8x128xi32, #tpu.memory_space<vmem>>)
    %dma_wait3A_1443 = arith.constant 0 : i32
    %dma_wait3A_1444 = arith.constant 0 : i32
    %dma_wait3A_1445 = arith.constant 0 : i32
    %dma_wait3A_1446 = arith.constant 0 : i32
    %dma_wait3A_1447 = arith.constant 0 : i32
    %dma_wait3A_1448 = arith.constant 0 : i32
    %dma_wait3A_1449 = tpu.memref_slice %arg6[%dma_wait3A_1445, %dma_wait3A_1446, %dma_wait3A_1447, %dma_wait3A_1448] : memref<8x4x8x128xi32, #tpu.memory_space<vmem>> -> memref<1x1x8x128xi32, #tpu.memory_space<vmem>>
    %dma_wait3A_1450 = tpu.memref_squeeze %dma_wait3A_1449 : memref<1x1x8x128xi32, #tpu.memory_space<vmem>> -> memref<8x128xi32, #tpu.memory_space<vmem>>
    %dma_wait3A_1451 = arith.constant 0 : i32
    %dma_wait3A_1452 = arith.constant 0 : i32
    %dma_wait3A_1453 = tpu.memref_slice %arg2[%dma_wait3A_1443, %dma_wait3A_1444, %dma_wait3A_1451, %dma_wait3A_1452] : memref<25x32x8x128xi32, #tpu.memory_space<hbm>> -> memref<1x1x8x128xi32, #tpu.memory_space<hbm>>
    %dma_wait3A_1454 = tpu.memref_squeeze %dma_wait3A_1453 : memref<1x1x8x128xi32, #tpu.memory_space<hbm>> -> memref<8x128xi32, #tpu.memory_space<hbm>>
    %dma_wait3A_1455 = arith.constant 0 : i32
    %dma_wait3A_1456 = arith.constant 0 : i32
    %dma_wait3A_1457 = tpu.memref_slice %arg6[%dma_wait3A_1445, %dma_wait3A_1446, %dma_wait3A_1455, %dma_wait3A_1456] : memref<8x4x8x128xi32, #tpu.memory_space<vmem>> -> memref<1x1x8x128xi32, #tpu.memory_space<vmem>>
    %dma_wait3A_1458 = tpu.memref_squeeze %dma_wait3A_1457 : memref<1x1x8x128xi32, #tpu.memory_space<vmem>> -> memref<8x128xi32, #tpu.memory_space<vmem>>
    %dma_wait3A_1459 = arith.constant 0 : i32
    %dma_wait3A_1460 = arith.constant 0 : i32
    %dma_wait3A_1461 = tpu.memref_slice %arg2[%dma_wait3A_1443, %dma_wait3A_1444, %dma_wait3A_1459, %dma_wait3A_1460] : memref<25x32x8x128xi32, #tpu.memory_space<hbm>> -> memref<1x1x8x128xi32, #tpu.memory_space<hbm>>
    %dma_wait3A_1462 = tpu.memref_squeeze %dma_wait3A_1461 : memref<1x1x8x128xi32, #tpu.memory_space<hbm>> -> memref<8x128xi32, #tpu.memory_space<hbm>>
    tpu.wait_dma2 semaphore(%arg16 : memref<!tpu.dma_semaphore, #tpu.memory_space<semaphore_mem>>) src(%dma_wait3A_1462 : memref<8x128xi32, #tpu.memory_space<hbm>>) dst(%dma_wait3A_1458 : memref<8x128xi32, #tpu.memory_space<vmem>>)
    %iota3A = tpu.iota {dimensions = array<i32: 0>} : vector<16xi32>
    %add3A_1463 = arith.constant 16 : i32
    %add3A_1464 = vector.broadcast %add3A_1463 : i32 to vector<16xi32>
    %add3A_1465 = arith.addi %iota3A, %add3A_1464 : vector<16xi32>
    %mul3A_1466 = arith.constant 0 : i32
    %mul3A_1467 = vector.broadcast %mul3A_1466 : i32 to vector<16xi32>
    %mul3A_1468 = arith.muli %iota3A, %mul3A_1467 : vector<16xi32>
    %jit3A_1469 = arith.constant 8 : i32
    %div3A_1470 = arith.divsi %mul3A_32, %jit3A_1469 : i32
    %sign3A_1471 = arith.constant 0 : i32
    %sign3A_1472 = arith.cmpi sgt, %mul3A_32, %sign3A_1471 : i32
    %sign3A_1473 = arith.extui %sign3A_1472 : i1 to i32
    %sign3A_1474 = arith.constant 0 : i32
    %sign3A_1475 = arith.cmpi slt, %mul3A_32, %sign3A_1474 : i32
    %sign3A_1476 = arith.extui %sign3A_1475 : i1 to i32
    %sign3A_1477 = arith.subi %sign3A_1473, %sign3A_1476 : i32
    %sign3A_1478 = arith.constant 0 : i32
    %sign3A_1479 = arith.cmpi sgt, %jit3A_1469, %sign3A_1478 : i32
    %sign3A_1480 = arith.extui %sign3A_1479 : i1 to i32
    %sign3A_1481 = arith.constant 0 : i32
    %sign3A_1482 = arith.cmpi slt, %jit3A_1469, %sign3A_1481 : i32
    %sign3A_1483 = arith.extui %sign3A_1482 : i1 to i32
    %sign3A_1484 = arith.subi %sign3A_1480, %sign3A_1483 : i32
    %ne3A_1485 = arith.cmpi ne, %sign3A_1477, %sign3A_1484 : i32
    %rem3A_1486 = arith.remsi %mul3A_32, %jit3A_1469 : i32
    %ne3A_1487 = arith.constant 0 : i32
    %ne3A_1488 = arith.cmpi ne, %rem3A_1486, %ne3A_1487 : i32
    %and3A_1489 = arith.andi %ne3A_1485, %ne3A_1488 : i1
    %sub3A_1490 = arith.constant 1 : i32
    %sub3A_1491 = arith.subi %div3A_1470, %sub3A_1490 : i32
    %select_n3A_1492 = arith.select %and3A_1489, %sub3A_1491, %div3A_1470 : i32
    %sub3A_1493 = arith.subi %select_n3A_1492, %select_n3A_56 : i32
    %jit3A_1494 = arith.constant 8 : i32
    %eq3A_1495 = arith.constant 0 : i32
    %eq3A_1496 = arith.cmpi eq, %jit3A_1494, %eq3A_1495 : i32
    %jit3A_1497 = arith.constant 1 : i32
    %select_n3A_1498 = arith.select %eq3A_1496, %jit3A_1497, %jit3A_1494 : i32
    %rem3A_1499 = arith.remsi %mul3A_32, %select_n3A_1498 : i32
    %ne3A_1500 = arith.constant 0 : i32
    %ne3A_1501 = arith.cmpi ne, %rem3A_1499, %ne3A_1500 : i32
    %lt3A_1502 = arith.constant 0 : i32
    %lt3A_1503 = arith.cmpi slt, %rem3A_1499, %lt3A_1502 : i32
    %lt3A_1504 = arith.constant 0 : i32
    %lt3A_1505 = arith.cmpi slt, %select_n3A_1498, %lt3A_1504 : i32
    %ne3A_1506 = arith.xori %lt3A_1503, %lt3A_1505 : i1
    %and3A_1507 = arith.andi %ne3A_1506, %ne3A_1501 : i1
    %add3A_1508 = arith.addi %rem3A_1499, %select_n3A_1498 : i32
    %select_n3A_1509 = arith.select %and3A_1507, %add3A_1508, %rem3A_1499 : i32
    %dma_start3A_1510 = arith.constant 0 : i32
    %dma_start3A_1511 = arith.constant 0 : i32
    %dma_start3A_1512 = arith.constant 0 : i32
    %dma_start3A_1513 = arith.constant 0 : i32
    %dma_start3A_1514 = tpu.memref_slice %arg7[%dma_start3A_1511, %dma_start3A_1512, %dma_start3A_1513] : memref<4x128x32xf32, #tpu.memory_space<vmem>> -> memref<1x128x32xf32, #tpu.memory_space<vmem>>
    %dma_start3A_1515 = tpu.memref_squeeze %dma_start3A_1514 : memref<1x128x32xf32, #tpu.memory_space<vmem>> -> memref<128x32xf32, #tpu.memory_space<vmem>>
    %dma_start3A_1516 = arith.constant 0 : i32
    %dma_start3A_1517 = tpu.memref_slice %arg6[%sub3A_1493, %dma_start3A_1510, %select_n3A_1509, %dma_start3A_1516] : memref<8x4x8x128xi32, #tpu.memory_space<vmem>> -> memref<1x1x1x128xi32, #tpu.memory_space<vmem>>
    %dma_start3A_1518 = tpu.memref_squeeze %dma_start3A_1517 : memref<1x1x1x128xi32, #tpu.memory_space<vmem>> -> memref<128xi32, #tpu.memory_space<vmem>>
    %dma_start3A_1519 = arith.constant 0 : i32
    %dma_start3A_1520 = arith.constant 0 : i32
    %dma_start3A_1521 = tpu.memref_slice %arg3[%dma_start3A_1519, %dma_start3A_1520] : memref<1000000x32xf32, #tpu.memory_space<hbm>> -> memref<1000000x32xf32, #tpu.memory_space<hbm>>
    tpu.enqueue_indirect_dma source(%dma_start3A_1521 : memref<1000000x32xf32, #tpu.memory_space<hbm>>) target(%dma_start3A_1515 : memref<128x32xf32, #tpu.memory_space<vmem>>) offsets(%dma_start3A_1518 : memref<128xi32, #tpu.memory_space<vmem>>) semaphore(%arg12 : memref<!tpu.dma_semaphore, #tpu.memory_space<semaphore_mem>>)
    %dma_start3A_1522 = arith.constant 1 : i32
    %dma_start3A_1523 = arith.constant 1 : i32
    %dma_start3A_1524 = arith.constant 0 : i32
    %dma_start3A_1525 = arith.constant 0 : i32
    %dma_start3A_1526 = tpu.memref_slice %arg7[%dma_start3A_1523, %dma_start3A_1524, %dma_start3A_1525] : memref<4x128x32xf32, #tpu.memory_space<vmem>> -> memref<1x128x32xf32, #tpu.memory_space<vmem>>
    %dma_start3A_1527 = tpu.memref_squeeze %dma_start3A_1526 : memref<1x128x32xf32, #tpu.memory_space<vmem>> -> memref<128x32xf32, #tpu.memory_space<vmem>>
    %dma_start3A_1528 = arith.constant 0 : i32
    %dma_start3A_1529 = tpu.memref_slice %arg6[%sub3A_1493, %dma_start3A_1522, %select_n3A_1509, %dma_start3A_1528] : memref<8x4x8x128xi32, #tpu.memory_space<vmem>> -> memref<1x1x1x128xi32, #tpu.memory_space<vmem>>
    %dma_start3A_1530 = tpu.memref_squeeze %dma_start3A_1529 : memref<1x1x1x128xi32, #tpu.memory_space<vmem>> -> memref<128xi32, #tpu.memory_space<vmem>>
    %dma_start3A_1531 = arith.constant 0 : i32
    %dma_start3A_1532 = arith.constant 0 : i32
    %dma_start3A_1533 = tpu.memref_slice %arg3[%dma_start3A_1531, %dma_start3A_1532] : memref<1000000x32xf32, #tpu.memory_space<hbm>> -> memref<1000000x32xf32, #tpu.memory_space<hbm>>
    tpu.enqueue_indirect_dma source(%dma_start3A_1533 : memref<1000000x32xf32, #tpu.memory_space<hbm>>) target(%dma_start3A_1527 : memref<128x32xf32, #tpu.memory_space<vmem>>) offsets(%dma_start3A_1530 : memref<128xi32, #tpu.memory_space<vmem>>) semaphore(%arg12 : memref<!tpu.dma_semaphore, #tpu.memory_space<semaphore_mem>>)
    %dma_start3A_1534 = arith.constant 2 : i32
    %dma_start3A_1535 = arith.constant 2 : i32
    %dma_start3A_1536 = arith.constant 0 : i32
    %dma_start3A_1537 = arith.constant 0 : i32
    %dma_start3A_1538 = tpu.memref_slice %arg7[%dma_start3A_1535, %dma_start3A_1536, %dma_start3A_1537] : memref<4x128x32xf32, #tpu.memory_space<vmem>> -> memref<1x128x32xf32, #tpu.memory_space<vmem>>
    %dma_start3A_1539 = tpu.memref_squeeze %dma_start3A_1538 : memref<1x128x32xf32, #tpu.memory_space<vmem>> -> memref<128x32xf32, #tpu.memory_space<vmem>>
    %dma_start3A_1540 = arith.constant 0 : i32
    %dma_start3A_1541 = tpu.memref_slice %arg6[%sub3A_1493, %dma_start3A_1534, %select_n3A_1509, %dma_start3A_1540] : memref<8x4x8x128xi32, #tpu.memory_space<vmem>> -> memref<1x1x1x128xi32, #tpu.memory_space<vmem>>
    %dma_start3A_1542 = tpu.memref_squeeze %dma_start3A_1541 : memref<1x1x1x128xi32, #tpu.memory_space<vmem>> -> memref<128xi32, #tpu.memory_space<vmem>>
    %dma_start3A_1543 = arith.constant 0 : i32
    %dma_start3A_1544 = arith.constant 0 : i32
    %dma_start3A_1545 = tpu.memref_slice %arg3[%dma_start3A_1543, %dma_start3A_1544] : memref<1000000x32xf32, #tpu.memory_space<hbm>> -> memref<1000000x32xf32, #tpu.memory_space<hbm>>
    tpu.enqueue_indirect_dma source(%dma_start3A_1545 : memref<1000000x32xf32, #tpu.memory_space<hbm>>) target(%dma_start3A_1539 : memref<128x32xf32, #tpu.memory_space<vmem>>) offsets(%dma_start3A_1542 : memref<128xi32, #tpu.memory_space<vmem>>) semaphore(%arg12 : memref<!tpu.dma_semaphore, #tpu.memory_space<semaphore_mem>>)
    %dma_start3A_1546 = arith.constant 3 : i32
    %dma_start3A_1547 = arith.constant 3 : i32
    %dma_start3A_1548 = arith.constant 0 : i32
    %dma_start3A_1549 = arith.constant 0 : i32
    %dma_start3A_1550 = tpu.memref_slice %arg7[%dma_start3A_1547, %dma_start3A_1548, %dma_start3A_1549] : memref<4x128x32xf32, #tpu.memory_space<vmem>> -> memref<1x128x32xf32, #tpu.memory_space<vmem>>
    %dma_start3A_1551 = tpu.memref_squeeze %dma_start3A_1550 : memref<1x128x32xf32, #tpu.memory_space<vmem>> -> memref<128x32xf32, #tpu.memory_space<vmem>>
    %dma_start3A_1552 = arith.constant 0 : i32
    %dma_start3A_1553 = tpu.memref_slice %arg6[%sub3A_1493, %dma_start3A_1546, %select_n3A_1509, %dma_start3A_1552] : memref<8x4x8x128xi32, #tpu.memory_space<vmem>> -> memref<1x1x1x128xi32, #tpu.memory_space<vmem>>
    %dma_start3A_1554 = tpu.memref_squeeze %dma_start3A_1553 : memref<1x1x1x128xi32, #tpu.memory_space<vmem>> -> memref<128xi32, #tpu.memory_space<vmem>>
    %dma_start3A_1555 = arith.constant 0 : i32
    %dma_start3A_1556 = arith.constant 0 : i32
    %dma_start3A_1557 = tpu.memref_slice %arg3[%dma_start3A_1555, %dma_start3A_1556] : memref<1000000x32xf32, #tpu.memory_space<hbm>> -> memref<1000000x32xf32, #tpu.memory_space<hbm>>
    tpu.enqueue_indirect_dma source(%dma_start3A_1557 : memref<1000000x32xf32, #tpu.memory_space<hbm>>) target(%dma_start3A_1551 : memref<128x32xf32, #tpu.memory_space<vmem>>) offsets(%dma_start3A_1554 : memref<128xi32, #tpu.memory_space<vmem>>) semaphore(%arg12 : memref<!tpu.dma_semaphore, #tpu.memory_space<semaphore_mem>>)
    %scan3A = arith.constant 0 : i32
    %scan3A_1558 = arith.constant 25 : i32
    %scan3A_1559 = arith.addi %scan3A, %scan3A_1558 : i32
    %scan3A_1560 = arith.constant 1 : i32
    scf.for %scan3A_1730 = %scan3A to %scan3A_1559 step %scan3A_1560  : i32 {
      %mul3A_1731 = arith.constant 2 : i32
      %mul3A_1732 = arith.muli %scan3A_1730, %mul3A_1731 : i32
      %add3A_1733 = arith.constant 0 : i32
      %add3A_1734 = arith.addi %add3A_1733, %mul3A_1732 : i32
      %add3A_1735 = arith.addi %mul3A_32, %add3A_1734 : i32
      %add3A_1736 = arith.constant 0 : i32
      %add3A_1737 = arith.addi %add3A_1735, %add3A_1736 : i32
      %add3A_1738 = arith.constant 0 : i32
      %add3A_1739 = arith.addi %add3A_1734, %add3A_1738 : i32
      %add3A_1740 = arith.constant 1 : i32
      %add3A_1741 = arith.addi %add3A_1739, %add3A_1740 : i32
      %lt3A_1742 = arith.constant 50 : i32
      %lt3A_1743 = arith.cmpi slt, %add3A_1741, %lt3A_1742 : i32
      %convert_element_type3A = arith.extui %lt3A_1743 : i1 to i32
      %cond3A = arith.constant 0 : i32
      %cond3A_1744 = arith.cmpi ne, %convert_element_type3A, %cond3A : i32
      scf.if %cond3A_1744 {
        %add3A_2076 = arith.constant 1 : i32
        %add3A_2077 = arith.addi %add3A_1737, %add3A_2076 : i32
        %jit3A_2078 = arith.constant 8 : i32
        %div3A_2079 = arith.divsi %add3A_2077, %jit3A_2078 : i32
        %sign3A_2080 = arith.constant 0 : i32
        %sign3A_2081 = arith.cmpi sgt, %add3A_2077, %sign3A_2080 : i32
        %sign3A_2082 = arith.extui %sign3A_2081 : i1 to i32
        %sign3A_2083 = arith.constant 0 : i32
        %sign3A_2084 = arith.cmpi slt, %add3A_2077, %sign3A_2083 : i32
        %sign3A_2085 = arith.extui %sign3A_2084 : i1 to i32
        %sign3A_2086 = arith.subi %sign3A_2082, %sign3A_2085 : i32
        %sign3A_2087 = arith.constant 0 : i32
        %sign3A_2088 = arith.cmpi sgt, %jit3A_2078, %sign3A_2087 : i32
        %sign3A_2089 = arith.extui %sign3A_2088 : i1 to i32
        %sign3A_2090 = arith.constant 0 : i32
        %sign3A_2091 = arith.cmpi slt, %jit3A_2078, %sign3A_2090 : i32
        %sign3A_2092 = arith.extui %sign3A_2091 : i1 to i32
        %sign3A_2093 = arith.subi %sign3A_2089, %sign3A_2092 : i32
        %ne3A_2094 = arith.cmpi ne, %sign3A_2086, %sign3A_2093 : i32
        %rem3A_2095 = arith.remsi %add3A_2077, %jit3A_2078 : i32
        %ne3A_2096 = arith.constant 0 : i32
        %ne3A_2097 = arith.cmpi ne, %rem3A_2095, %ne3A_2096 : i32
        %and3A_2098 = arith.andi %ne3A_2094, %ne3A_2097 : i1
        %sub3A_2099 = arith.constant 1 : i32
        %sub3A_2100 = arith.subi %div3A_2079, %sub3A_2099 : i32
        %select_n3A_2101 = arith.select %and3A_2098, %sub3A_2100, %div3A_2079 : i32
        %sub3A_2102 = arith.subi %select_n3A_2101, %select_n3A_56 : i32
        %jit3A_2103 = arith.constant 8 : i32
        %eq3A_2104 = arith.constant 0 : i32
        %eq3A_2105 = arith.cmpi eq, %jit3A_2103, %eq3A_2104 : i32
        %jit3A_2106 = arith.constant 1 : i32
        %select_n3A_2107 = arith.select %eq3A_2105, %jit3A_2106, %jit3A_2103 : i32
        %rem3A_2108 = arith.remsi %add3A_2077, %select_n3A_2107 : i32
        %ne3A_2109 = arith.constant 0 : i32
        %ne3A_2110 = arith.cmpi ne, %rem3A_2108, %ne3A_2109 : i32
        %lt3A_2111 = arith.constant 0 : i32
        %lt3A_2112 = arith.cmpi slt, %rem3A_2108, %lt3A_2111 : i32
        %lt3A_2113 = arith.constant 0 : i32
        %lt3A_2114 = arith.cmpi slt, %select_n3A_2107, %lt3A_2113 : i32
        %ne3A_2115 = arith.xori %lt3A_2112, %lt3A_2114 : i1
        %and3A_2116 = arith.andi %ne3A_2115, %ne3A_2110 : i1
        %add3A_2117 = arith.addi %rem3A_2108, %select_n3A_2107 : i32
        %select_n3A_2118 = arith.select %and3A_2116, %add3A_2117, %rem3A_2108 : i32
        %dma_start3A_2119 = arith.constant 0 : i32
        %dma_start3A_2120 = arith.constant 0 : i32
        %dma_start3A_2121 = arith.constant 0 : i32
        %dma_start3A_2122 = arith.constant 0 : i32
        %dma_start3A_2123 = tpu.memref_slice %arg8[%dma_start3A_2120, %dma_start3A_2121, %dma_start3A_2122] : memref<4x128x32xf32, #tpu.memory_space<vmem>> -> memref<1x128x32xf32, #tpu.memory_space<vmem>>
        %dma_start3A_2124 = tpu.memref_squeeze %dma_start3A_2123 : memref<1x128x32xf32, #tpu.memory_space<vmem>> -> memref<128x32xf32, #tpu.memory_space<vmem>>
        %dma_start3A_2125 = arith.constant 0 : i32
        %dma_start3A_2126 = tpu.memref_slice %arg6[%sub3A_2102, %dma_start3A_2119, %select_n3A_2118, %dma_start3A_2125] : memref<8x4x8x128xi32, #tpu.memory_space<vmem>> -> memref<1x1x1x128xi32, #tpu.memory_space<vmem>>
        %dma_start3A_2127 = tpu.memref_squeeze %dma_start3A_2126 : memref<1x1x1x128xi32, #tpu.memory_space<vmem>> -> memref<128xi32, #tpu.memory_space<vmem>>
        %dma_start3A_2128 = arith.constant 0 : i32
        %dma_start3A_2129 = arith.constant 0 : i32
        %dma_start3A_2130 = tpu.memref_slice %arg3[%dma_start3A_2128, %dma_start3A_2129] : memref<1000000x32xf32, #tpu.memory_space<hbm>> -> memref<1000000x32xf32, #tpu.memory_space<hbm>>
        tpu.enqueue_indirect_dma source(%dma_start3A_2130 : memref<1000000x32xf32, #tpu.memory_space<hbm>>) target(%dma_start3A_2124 : memref<128x32xf32, #tpu.memory_space<vmem>>) offsets(%dma_start3A_2127 : memref<128xi32, #tpu.memory_space<vmem>>) semaphore(%arg13 : memref<!tpu.dma_semaphore, #tpu.memory_space<semaphore_mem>>)
        %dma_start3A_2131 = arith.constant 1 : i32
        %dma_start3A_2132 = arith.constant 1 : i32
        %dma_start3A_2133 = arith.constant 0 : i32
        %dma_start3A_2134 = arith.constant 0 : i32
        %dma_start3A_2135 = tpu.memref_slice %arg8[%dma_start3A_2132, %dma_start3A_2133, %dma_start3A_2134] : memref<4x128x32xf32, #tpu.memory_space<vmem>> -> memref<1x128x32xf32, #tpu.memory_space<vmem>>
        %dma_start3A_2136 = tpu.memref_squeeze %dma_start3A_2135 : memref<1x128x32xf32, #tpu.memory_space<vmem>> -> memref<128x32xf32, #tpu.memory_space<vmem>>
        %dma_start3A_2137 = arith.constant 0 : i32
        %dma_start3A_2138 = tpu.memref_slice %arg6[%sub3A_2102, %dma_start3A_2131, %select_n3A_2118, %dma_start3A_2137] : memref<8x4x8x128xi32, #tpu.memory_space<vmem>> -> memref<1x1x1x128xi32, #tpu.memory_space<vmem>>
        %dma_start3A_2139 = tpu.memref_squeeze %dma_start3A_2138 : memref<1x1x1x128xi32, #tpu.memory_space<vmem>> -> memref<128xi32, #tpu.memory_space<vmem>>
        %dma_start3A_2140 = arith.constant 0 : i32
        %dma_start3A_2141 = arith.constant 0 : i32
        %dma_start3A_2142 = tpu.memref_slice %arg3[%dma_start3A_2140, %dma_start3A_2141] : memref<1000000x32xf32, #tpu.memory_space<hbm>> -> memref<1000000x32xf32, #tpu.memory_space<hbm>>
        tpu.enqueue_indirect_dma source(%dma_start3A_2142 : memref<1000000x32xf32, #tpu.memory_space<hbm>>) target(%dma_start3A_2136 : memref<128x32xf32, #tpu.memory_space<vmem>>) offsets(%dma_start3A_2139 : memref<128xi32, #tpu.memory_space<vmem>>) semaphore(%arg13 : memref<!tpu.dma_semaphore, #tpu.memory_space<semaphore_mem>>)
        %dma_start3A_2143 = arith.constant 2 : i32
        %dma_start3A_2144 = arith.constant 2 : i32
        %dma_start3A_2145 = arith.constant 0 : i32
        %dma_start3A_2146 = arith.constant 0 : i32
        %dma_start3A_2147 = tpu.memref_slice %arg8[%dma_start3A_2144, %dma_start3A_2145, %dma_start3A_2146] : memref<4x128x32xf32, #tpu.memory_space<vmem>> -> memref<1x128x32xf32, #tpu.memory_space<vmem>>
        %dma_start3A_2148 = tpu.memref_squeeze %dma_start3A_2147 : memref<1x128x32xf32, #tpu.memory_space<vmem>> -> memref<128x32xf32, #tpu.memory_space<vmem>>
        %dma_start3A_2149 = arith.constant 0 : i32
        %dma_start3A_2150 = tpu.memref_slice %arg6[%sub3A_2102, %dma_start3A_2143, %select_n3A_2118, %dma_start3A_2149] : memref<8x4x8x128xi32, #tpu.memory_space<vmem>> -> memref<1x1x1x128xi32, #tpu.memory_space<vmem>>
        %dma_start3A_2151 = tpu.memref_squeeze %dma_start3A_2150 : memref<1x1x1x128xi32, #tpu.memory_space<vmem>> -> memref<128xi32, #tpu.memory_space<vmem>>
        %dma_start3A_2152 = arith.constant 0 : i32
        %dma_start3A_2153 = arith.constant 0 : i32
        %dma_start3A_2154 = tpu.memref_slice %arg3[%dma_start3A_2152, %dma_start3A_2153] : memref<1000000x32xf32, #tpu.memory_space<hbm>> -> memref<1000000x32xf32, #tpu.memory_space<hbm>>
        tpu.enqueue_indirect_dma source(%dma_start3A_2154 : memref<1000000x32xf32, #tpu.memory_space<hbm>>) target(%dma_start3A_2148 : memref<128x32xf32, #tpu.memory_space<vmem>>) offsets(%dma_start3A_2151 : memref<128xi32, #tpu.memory_space<vmem>>) semaphore(%arg13 : memref<!tpu.dma_semaphore, #tpu.memory_space<semaphore_mem>>)
        %dma_start3A_2155 = arith.constant 3 : i32
        %dma_start3A_2156 = arith.constant 3 : i32
        %dma_start3A_2157 = arith.constant 0 : i32
        %dma_start3A_2158 = arith.constant 0 : i32
        %dma_start3A_2159 = tpu.memref_slice %arg8[%dma_start3A_2156, %dma_start3A_2157, %dma_start3A_2158] : memref<4x128x32xf32, #tpu.memory_space<vmem>> -> memref<1x128x32xf32, #tpu.memory_space<vmem>>
        %dma_start3A_2160 = tpu.memref_squeeze %dma_start3A_2159 : memref<1x128x32xf32, #tpu.memory_space<vmem>> -> memref<128x32xf32, #tpu.memory_space<vmem>>
        %dma_start3A_2161 = arith.constant 0 : i32
        %dma_start3A_2162 = tpu.memref_slice %arg6[%sub3A_2102, %dma_start3A_2155, %select_n3A_2118, %dma_start3A_2161] : memref<8x4x8x128xi32, #tpu.memory_space<vmem>> -> memref<1x1x1x128xi32, #tpu.memory_space<vmem>>
        %dma_start3A_2163 = tpu.memref_squeeze %dma_start3A_2162 : memref<1x1x1x128xi32, #tpu.memory_space<vmem>> -> memref<128xi32, #tpu.memory_space<vmem>>
        %dma_start3A_2164 = arith.constant 0 : i32
        %dma_start3A_2165 = arith.constant 0 : i32
        %dma_start3A_2166 = tpu.memref_slice %arg3[%dma_start3A_2164, %dma_start3A_2165] : memref<1000000x32xf32, #tpu.memory_space<hbm>> -> memref<1000000x32xf32, #tpu.memory_space<hbm>>
        tpu.enqueue_indirect_dma source(%dma_start3A_2166 : memref<1000000x32xf32, #tpu.memory_space<hbm>>) target(%dma_start3A_2160 : memref<128x32xf32, #tpu.memory_space<vmem>>) offsets(%dma_start3A_2163 : memref<128xi32, #tpu.memory_space<vmem>>) semaphore(%arg13 : memref<!tpu.dma_semaphore, #tpu.memory_space<semaphore_mem>>)
      } else {
      }
      %dma_wait3A_1745 = arith.constant 0 : i32
      %dma_wait3A_1746 = arith.constant 0 : i32
      %dma_wait3A_1747 = arith.constant 0 : i32
      %dma_wait3A_1748 = tpu.memref_slice %arg7[%dma_wait3A_1745, %dma_wait3A_1746, %dma_wait3A_1747] : memref<4x128x32xf32, #tpu.memory_space<vmem>> -> memref<1x128x32xf32, #tpu.memory_space<vmem>>
      %dma_wait3A_1749 = tpu.memref_squeeze %dma_wait3A_1748 : memref<1x128x32xf32, #tpu.memory_space<vmem>> -> memref<128x32xf32, #tpu.memory_space<vmem>>
      %dma_wait3A_1750 = arith.constant 0 : i32
      %dma_wait3A_1751 = arith.constant 0 : i32
      %dma_wait3A_1752 = tpu.memref_slice %arg3[%dma_wait3A_1750, %dma_wait3A_1751] : memref<1000000x32xf32, #tpu.memory_space<hbm>> -> memref<128x32xf32, #tpu.memory_space<hbm>>
      %dma_wait3A_1753 = arith.constant 0 : i32
      %dma_wait3A_1754 = arith.constant 0 : i32
      %dma_wait3A_1755 = tpu.memref_slice %arg7[%dma_wait3A_1745, %dma_wait3A_1753, %dma_wait3A_1754] : memref<4x128x32xf32, #tpu.memory_space<vmem>> -> memref<1x128x32xf32, #tpu.memory_space<vmem>>
      %dma_wait3A_1756 = tpu.memref_squeeze %dma_wait3A_1755 : memref<1x128x32xf32, #tpu.memory_space<vmem>> -> memref<128x32xf32, #tpu.memory_space<vmem>>
      %dma_wait3A_1757 = arith.constant 0 : i32
      %dma_wait3A_1758 = arith.constant 0 : i32
      %dma_wait3A_1759 = tpu.memref_slice %arg3[%dma_wait3A_1757, %dma_wait3A_1758] : memref<1000000x32xf32, #tpu.memory_space<hbm>> -> memref<128x32xf32, #tpu.memory_space<hbm>>
      tpu.wait_dma2 semaphore(%arg12 : memref<!tpu.dma_semaphore, #tpu.memory_space<semaphore_mem>>) src(%dma_wait3A_1759 : memref<128x32xf32, #tpu.memory_space<hbm>>) dst(%dma_wait3A_1756 : memref<128x32xf32, #tpu.memory_space<vmem>>)
      %dma_wait3A_1760 = arith.constant 1 : i32
      %dma_wait3A_1761 = arith.constant 0 : i32
      %dma_wait3A_1762 = arith.constant 0 : i32
      %dma_wait3A_1763 = tpu.memref_slice %arg7[%dma_wait3A_1760, %dma_wait3A_1761, %dma_wait3A_1762] : memref<4x128x32xf32, #tpu.memory_space<vmem>> -> memref<1x128x32xf32, #tpu.memory_space<vmem>>
      %dma_wait3A_1764 = tpu.memref_squeeze %dma_wait3A_1763 : memref<1x128x32xf32, #tpu.memory_space<vmem>> -> memref<128x32xf32, #tpu.memory_space<vmem>>
      %dma_wait3A_1765 = arith.constant 0 : i32
      %dma_wait3A_1766 = arith.constant 0 : i32
      %dma_wait3A_1767 = tpu.memref_slice %arg3[%dma_wait3A_1765, %dma_wait3A_1766] : memref<1000000x32xf32, #tpu.memory_space<hbm>> -> memref<128x32xf32, #tpu.memory_space<hbm>>
      %dma_wait3A_1768 = arith.constant 0 : i32
      %dma_wait3A_1769 = arith.constant 0 : i32
      %dma_wait3A_1770 = tpu.memref_slice %arg7[%dma_wait3A_1760, %dma_wait3A_1768, %dma_wait3A_1769] : memref<4x128x32xf32, #tpu.memory_space<vmem>> -> memref<1x128x32xf32, #tpu.memory_space<vmem>>
      %dma_wait3A_1771 = tpu.memref_squeeze %dma_wait3A_1770 : memref<1x128x32xf32, #tpu.memory_space<vmem>> -> memref<128x32xf32, #tpu.memory_space<vmem>>
      %dma_wait3A_1772 = arith.constant 0 : i32
      %dma_wait3A_1773 = arith.constant 0 : i32
      %dma_wait3A_1774 = tpu.memref_slice %arg3[%dma_wait3A_1772, %dma_wait3A_1773] : memref<1000000x32xf32, #tpu.memory_space<hbm>> -> memref<128x32xf32, #tpu.memory_space<hbm>>
      tpu.wait_dma2 semaphore(%arg12 : memref<!tpu.dma_semaphore, #tpu.memory_space<semaphore_mem>>) src(%dma_wait3A_1774 : memref<128x32xf32, #tpu.memory_space<hbm>>) dst(%dma_wait3A_1771 : memref<128x32xf32, #tpu.memory_space<vmem>>)
      %dma_wait3A_1775 = arith.constant 2 : i32
      %dma_wait3A_1776 = arith.constant 0 : i32
      %dma_wait3A_1777 = arith.constant 0 : i32
      %dma_wait3A_1778 = tpu.memref_slice %arg7[%dma_wait3A_1775, %dma_wait3A_1776, %dma_wait3A_1777] : memref<4x128x32xf32, #tpu.memory_space<vmem>> -> memref<1x128x32xf32, #tpu.memory_space<vmem>>
      %dma_wait3A_1779 = tpu.memref_squeeze %dma_wait3A_1778 : memref<1x128x32xf32, #tpu.memory_space<vmem>> -> memref<128x32xf32, #tpu.memory_space<vmem>>
      %dma_wait3A_1780 = arith.constant 0 : i32
      %dma_wait3A_1781 = arith.constant 0 : i32
      %dma_wait3A_1782 = tpu.memref_slice %arg3[%dma_wait3A_1780, %dma_wait3A_1781] : memref<1000000x32xf32, #tpu.memory_space<hbm>> -> memref<128x32xf32, #tpu.memory_space<hbm>>
      %dma_wait3A_1783 = arith.constant 0 : i32
      %dma_wait3A_1784 = arith.constant 0 : i32
      %dma_wait3A_1785 = tpu.memref_slice %arg7[%dma_wait3A_1775, %dma_wait3A_1783, %dma_wait3A_1784] : memref<4x128x32xf32, #tpu.memory_space<vmem>> -> memref<1x128x32xf32, #tpu.memory_space<vmem>>
      %dma_wait3A_1786 = tpu.memref_squeeze %dma_wait3A_1785 : memref<1x128x32xf32, #tpu.memory_space<vmem>> -> memref<128x32xf32, #tpu.memory_space<vmem>>
      %dma_wait3A_1787 = arith.constant 0 : i32
      %dma_wait3A_1788 = arith.constant 0 : i32
      %dma_wait3A_1789 = tpu.memref_slice %arg3[%dma_wait3A_1787, %dma_wait3A_1788] : memref<1000000x32xf32, #tpu.memory_space<hbm>> -> memref<128x32xf32, #tpu.memory_space<hbm>>
      tpu.wait_dma2 semaphore(%arg12 : memref<!tpu.dma_semaphore, #tpu.memory_space<semaphore_mem>>) src(%dma_wait3A_1789 : memref<128x32xf32, #tpu.memory_space<hbm>>) dst(%dma_wait3A_1786 : memref<128x32xf32, #tpu.memory_space<vmem>>)
      %dma_wait3A_1790 = arith.constant 3 : i32
      %dma_wait3A_1791 = arith.constant 0 : i32
      %dma_wait3A_1792 = arith.constant 0 : i32
      %dma_wait3A_1793 = tpu.memref_slice %arg7[%dma_wait3A_1790, %dma_wait3A_1791, %dma_wait3A_1792] : memref<4x128x32xf32, #tpu.memory_space<vmem>> -> memref<1x128x32xf32, #tpu.memory_space<vmem>>
      %dma_wait3A_1794 = tpu.memref_squeeze %dma_wait3A_1793 : memref<1x128x32xf32, #tpu.memory_space<vmem>> -> memref<128x32xf32, #tpu.memory_space<vmem>>
      %dma_wait3A_1795 = arith.constant 0 : i32
      %dma_wait3A_1796 = arith.constant 0 : i32
      %dma_wait3A_1797 = tpu.memref_slice %arg3[%dma_wait3A_1795, %dma_wait3A_1796] : memref<1000000x32xf32, #tpu.memory_space<hbm>> -> memref<128x32xf32, #tpu.memory_space<hbm>>
      %dma_wait3A_1798 = arith.constant 0 : i32
      %dma_wait3A_1799 = arith.constant 0 : i32
      %dma_wait3A_1800 = tpu.memref_slice %arg7[%dma_wait3A_1790, %dma_wait3A_1798, %dma_wait3A_1799] : memref<4x128x32xf32, #tpu.memory_space<vmem>> -> memref<1x128x32xf32, #tpu.memory_space<vmem>>
      %dma_wait3A_1801 = tpu.memref_squeeze %dma_wait3A_1800 : memref<1x128x32xf32, #tpu.memory_space<vmem>> -> memref<128x32xf32, #tpu.memory_space<vmem>>
      %dma_wait3A_1802 = arith.constant 0 : i32
      %dma_wait3A_1803 = arith.constant 0 : i32
      %dma_wait3A_1804 = tpu.memref_slice %arg3[%dma_wait3A_1802, %dma_wait3A_1803] : memref<1000000x32xf32, #tpu.memory_space<hbm>> -> memref<128x32xf32, #tpu.memory_space<hbm>>
      tpu.wait_dma2 semaphore(%arg12 : memref<!tpu.dma_semaphore, #tpu.memory_space<semaphore_mem>>) src(%dma_wait3A_1804 : memref<128x32xf32, #tpu.memory_space<hbm>>) dst(%dma_wait3A_1801 : memref<128x32xf32, #tpu.memory_space<vmem>>)
      %add3A_1805 = arith.constant 0 : i32
      %add3A_1806 = arith.addi %add3A_1734, %add3A_1805 : i32
      %ge3A = arith.constant 2 : i32
      %ge3A_1807 = arith.cmpi sge, %add3A_1806, %ge3A : i32
      %convert_element_type3A_1808 = arith.extui %ge3A_1807 : i1 to i32
      %cond3A_1809 = arith.constant 0 : i32
      %cond3A_1810 = arith.cmpi ne, %convert_element_type3A_1808, %cond3A_1809 : i32
      scf.if %cond3A_1810 {
        %dma_wait3A_2076 = arith.constant 0 : i32
        %dma_wait3A_2077 = arith.constant 0 : i32
        %dma_wait3A_2078 = arith.constant 0 : i32
        %dma_wait3A_2079 = arith.constant 0 : i32
        %dma_wait3A_2080 = arith.constant 0 : i32
        %dma_wait3A_2081 = arith.constant 0 : i32
        %dma_wait3A_2082 = tpu.memref_slice %arg9[%dma_wait3A_2079, %dma_wait3A_2080, %dma_wait3A_2081] : memref<4x32x129xf32, #tpu.memory_space<vmem>> -> memref<4x8x128xf32, #tpu.memory_space<vmem>>
        %dma_wait3A_2083 = arith.constant 0 : i32
        %dma_wait3A_2084 = arith.constant 0 : i32
        %dma_wait3A_2085 = arith.constant 0 : i32
        %dma_wait3A_2086 = tpu.memref_slice %arg5[%dma_wait3A_2076, %dma_wait3A_2077, %dma_wait3A_2078, %dma_wait3A_2083, %dma_wait3A_2084, %dma_wait3A_2085] : memref<200x4x8x4x8x128xf32, #tpu.memory_space<hbm>> -> memref<1x1x1x4x8x128xf32, #tpu.memory_space<hbm>>
        %dma_wait3A_2087 = tpu.memref_squeeze %dma_wait3A_2086 : memref<1x1x1x4x8x128xf32, #tpu.memory_space<hbm>> -> memref<4x8x128xf32, #tpu.memory_space<hbm>>
        %dma_wait3A_2088 = arith.constant 0 : i32
        %dma_wait3A_2089 = arith.constant 0 : i32
        %dma_wait3A_2090 = arith.constant 0 : i32
        %dma_wait3A_2091 = tpu.memref_slice %arg5[%dma_wait3A_2076, %dma_wait3A_2077, %dma_wait3A_2078, %dma_wait3A_2088, %dma_wait3A_2089, %dma_wait3A_2090] : memref<200x4x8x4x8x128xf32, #tpu.memory_space<hbm>> -> memref<1x1x1x4x8x128xf32, #tpu.memory_space<hbm>>
        %dma_wait3A_2092 = tpu.memref_squeeze %dma_wait3A_2091 : memref<1x1x1x4x8x128xf32, #tpu.memory_space<hbm>> -> memref<4x8x128xf32, #tpu.memory_space<hbm>>
        %dma_wait3A_2093 = arith.constant 0 : i32
        %dma_wait3A_2094 = arith.constant 0 : i32
        %dma_wait3A_2095 = arith.constant 0 : i32
        %dma_wait3A_2096 = tpu.memref_slice %arg9[%dma_wait3A_2093, %dma_wait3A_2094, %dma_wait3A_2095] : memref<4x32x129xf32, #tpu.memory_space<vmem>> -> memref<4x8x128xf32, #tpu.memory_space<vmem>>
        tpu.wait_dma2 semaphore(%arg14 : memref<!tpu.dma_semaphore, #tpu.memory_space<semaphore_mem>>) src(%dma_wait3A_2096 : memref<4x8x128xf32, #tpu.memory_space<vmem>>) dst(%dma_wait3A_2092 : memref<4x8x128xf32, #tpu.memory_space<hbm>>)
        %dma_wait3A_2097 = arith.constant 0 : i32
        %dma_wait3A_2098 = arith.constant 0 : i32
        %dma_wait3A_2099 = arith.constant 0 : i32
        %dma_wait3A_2100 = arith.constant 0 : i32
        %dma_wait3A_2101 = arith.constant 0 : i32
        %dma_wait3A_2102 = arith.constant 0 : i32
        %dma_wait3A_2103 = tpu.memref_slice %arg9[%dma_wait3A_2100, %dma_wait3A_2101, %dma_wait3A_2102] : memref<4x32x129xf32, #tpu.memory_space<vmem>> -> memref<4x8x128xf32, #tpu.memory_space<vmem>>
        %dma_wait3A_2104 = arith.constant 0 : i32
        %dma_wait3A_2105 = arith.constant 0 : i32
        %dma_wait3A_2106 = arith.constant 0 : i32
        %dma_wait3A_2107 = tpu.memref_slice %arg5[%dma_wait3A_2097, %dma_wait3A_2098, %dma_wait3A_2099, %dma_wait3A_2104, %dma_wait3A_2105, %dma_wait3A_2106] : memref<200x4x8x4x8x128xf32, #tpu.memory_space<hbm>> -> memref<1x1x1x4x8x128xf32, #tpu.memory_space<hbm>>
        %dma_wait3A_2108 = tpu.memref_squeeze %dma_wait3A_2107 : memref<1x1x1x4x8x128xf32, #tpu.memory_space<hbm>> -> memref<4x8x128xf32, #tpu.memory_space<hbm>>
        %dma_wait3A_2109 = arith.constant 0 : i32
        %dma_wait3A_2110 = arith.constant 0 : i32
        %dma_wait3A_2111 = arith.constant 0 : i32
        %dma_wait3A_2112 = tpu.memref_slice %arg5[%dma_wait3A_2097, %dma_wait3A_2098, %dma_wait3A_2099, %dma_wait3A_2109, %dma_wait3A_2110, %dma_wait3A_2111] : memref<200x4x8x4x8x128xf32, #tpu.memory_space<hbm>> -> memref<1x1x1x4x8x128xf32, #tpu.memory_space<hbm>>
        %dma_wait3A_2113 = tpu.memref_squeeze %dma_wait3A_2112 : memref<1x1x1x4x8x128xf32, #tpu.memory_space<hbm>> -> memref<4x8x128xf32, #tpu.memory_space<hbm>>
        %dma_wait3A_2114 = arith.constant 0 : i32
        %dma_wait3A_2115 = arith.constant 0 : i32
        %dma_wait3A_2116 = arith.constant 0 : i32
        %dma_wait3A_2117 = tpu.memref_slice %arg9[%dma_wait3A_2114, %dma_wait3A_2115, %dma_wait3A_2116] : memref<4x32x129xf32, #tpu.memory_space<vmem>> -> memref<4x8x128xf32, #tpu.memory_space<vmem>>
        tpu.wait_dma2 semaphore(%arg14 : memref<!tpu.dma_semaphore, #tpu.memory_space<semaphore_mem>>) src(%dma_wait3A_2117 : memref<4x8x128xf32, #tpu.memory_space<vmem>>) dst(%dma_wait3A_2113 : memref<4x8x128xf32, #tpu.memory_space<hbm>>)
        %dma_wait3A_2118 = arith.constant 0 : i32
        %dma_wait3A_2119 = arith.constant 0 : i32
        %dma_wait3A_2120 = arith.constant 0 : i32
        %dma_wait3A_2121 = arith.constant 0 : i32
        %dma_wait3A_2122 = arith.constant 0 : i32
        %dma_wait3A_2123 = arith.constant 0 : i32
        %dma_wait3A_2124 = tpu.memref_slice %arg9[%dma_wait3A_2121, %dma_wait3A_2122, %dma_wait3A_2123] : memref<4x32x129xf32, #tpu.memory_space<vmem>> -> memref<4x8x128xf32, #tpu.memory_space<vmem>>
        %dma_wait3A_2125 = arith.constant 0 : i32
        %dma_wait3A_2126 = arith.constant 0 : i32
        %dma_wait3A_2127 = arith.constant 0 : i32
        %dma_wait3A_2128 = tpu.memref_slice %arg5[%dma_wait3A_2118, %dma_wait3A_2119, %dma_wait3A_2120, %dma_wait3A_2125, %dma_wait3A_2126, %dma_wait3A_2127] : memref<200x4x8x4x8x128xf32, #tpu.memory_space<hbm>> -> memref<1x1x1x4x8x128xf32, #tpu.memory_space<hbm>>
        %dma_wait3A_2129 = tpu.memref_squeeze %dma_wait3A_2128 : memref<1x1x1x4x8x128xf32, #tpu.memory_space<hbm>> -> memref<4x8x128xf32, #tpu.memory_space<hbm>>
        %dma_wait3A_2130 = arith.constant 0 : i32
        %dma_wait3A_2131 = arith.constant 0 : i32
        %dma_wait3A_2132 = arith.constant 0 : i32
        %dma_wait3A_2133 = tpu.memref_slice %arg5[%dma_wait3A_2118, %dma_wait3A_2119, %dma_wait3A_2120, %dma_wait3A_2130, %dma_wait3A_2131, %dma_wait3A_2132] : memref<200x4x8x4x8x128xf32, #tpu.memory_space<hbm>> -> memref<1x1x1x4x8x128xf32, #tpu.memory_space<hbm>>
        %dma_wait3A_2134 = tpu.memref_squeeze %dma_wait3A_2133 : memref<1x1x1x4x8x128xf32, #tpu.memory_space<hbm>> -> memref<4x8x128xf32, #tpu.memory_space<hbm>>
        %dma_wait3A_2135 = arith.constant 0 : i32
        %dma_wait3A_2136 = arith.constant 0 : i32
        %dma_wait3A_2137 = arith.constant 0 : i32
        %dma_wait3A_2138 = tpu.memref_slice %arg9[%dma_wait3A_2135, %dma_wait3A_2136, %dma_wait3A_2137] : memref<4x32x129xf32, #tpu.memory_space<vmem>> -> memref<4x8x128xf32, #tpu.memory_space<vmem>>
        tpu.wait_dma2 semaphore(%arg14 : memref<!tpu.dma_semaphore, #tpu.memory_space<semaphore_mem>>) src(%dma_wait3A_2138 : memref<4x8x128xf32, #tpu.memory_space<vmem>>) dst(%dma_wait3A_2134 : memref<4x8x128xf32, #tpu.memory_space<hbm>>)
        %dma_wait3A_2139 = arith.constant 0 : i32
        %dma_wait3A_2140 = arith.constant 0 : i32
        %dma_wait3A_2141 = arith.constant 0 : i32
        %dma_wait3A_2142 = arith.constant 0 : i32
        %dma_wait3A_2143 = arith.constant 0 : i32
        %dma_wait3A_2144 = arith.constant 0 : i32
        %dma_wait3A_2145 = tpu.memref_slice %arg9[%dma_wait3A_2142, %dma_wait3A_2143, %dma_wait3A_2144] : memref<4x32x129xf32, #tpu.memory_space<vmem>> -> memref<4x8x128xf32, #tpu.memory_space<vmem>>
        %dma_wait3A_2146 = arith.constant 0 : i32
        %dma_wait3A_2147 = arith.constant 0 : i32
        %dma_wait3A_2148 = arith.constant 0 : i32
        %dma_wait3A_2149 = tpu.memref_slice %arg5[%dma_wait3A_2139, %dma_wait3A_2140, %dma_wait3A_2141, %dma_wait3A_2146, %dma_wait3A_2147, %dma_wait3A_2148] : memref<200x4x8x4x8x128xf32, #tpu.memory_space<hbm>> -> memref<1x1x1x4x8x128xf32, #tpu.memory_space<hbm>>
        %dma_wait3A_2150 = tpu.memref_squeeze %dma_wait3A_2149 : memref<1x1x1x4x8x128xf32, #tpu.memory_space<hbm>> -> memref<4x8x128xf32, #tpu.memory_space<hbm>>
        %dma_wait3A_2151 = arith.constant 0 : i32
        %dma_wait3A_2152 = arith.constant 0 : i32
        %dma_wait3A_2153 = arith.constant 0 : i32
        %dma_wait3A_2154 = tpu.memref_slice %arg5[%dma_wait3A_2139, %dma_wait3A_2140, %dma_wait3A_2141, %dma_wait3A_2151, %dma_wait3A_2152, %dma_wait3A_2153] : memref<200x4x8x4x8x128xf32, #tpu.memory_space<hbm>> -> memref<1x1x1x4x8x128xf32, #tpu.memory_space<hbm>>
        %dma_wait3A_2155 = tpu.memref_squeeze %dma_wait3A_2154 : memref<1x1x1x4x8x128xf32, #tpu.memory_space<hbm>> -> memref<4x8x128xf32, #tpu.memory_space<hbm>>
        %dma_wait3A_2156 = arith.constant 0 : i32
        %dma_wait3A_2157 = arith.constant 0 : i32
        %dma_wait3A_2158 = arith.constant 0 : i32
        %dma_wait3A_2159 = tpu.memref_slice %arg9[%dma_wait3A_2156, %dma_wait3A_2157, %dma_wait3A_2158] : memref<4x32x129xf32, #tpu.memory_space<vmem>> -> memref<4x8x128xf32, #tpu.memory_space<vmem>>
        tpu.wait_dma2 semaphore(%arg14 : memref<!tpu.dma_semaphore, #tpu.memory_space<semaphore_mem>>) src(%dma_wait3A_2159 : memref<4x8x128xf32, #tpu.memory_space<vmem>>) dst(%dma_wait3A_2155 : memref<4x8x128xf32, #tpu.memory_space<hbm>>)
      } else {
      }
      %get3A = arith.index_cast %add3A_1737 : i32 to index
      %get3A_1811 = arith.constant 0 : index
      %get3A_1812 = tpu.vector_load %arg11[%get3A, %get3A_1811] {strides = array<i32>} : memref<200x32xf32, #tpu.memory_space<vmem>>, vector<16xf32>,
      %get3A_1813 = arith.index_cast %add3A_1737 : i32 to index
      %get3A_1814 = arith.constant 16 : index
      %get3A_1815 = tpu.vector_load %arg11[%get3A_1813, %get3A_1814] {strides = array<i32>} : memref<200x32xf32, #tpu.memory_space<vmem>>, vector<16xf32>,
      %parallel_loop3A = arith.constant 0 : i32
      %parallel_loop3A_1816 = arith.constant 128 : i32
      %parallel_loop3A_1817 = arith.constant 1 : i32
      scf.for %parallel_loop3A_2076 = %parallel_loop3A to %parallel_loop3A_1816 step %parallel_loop3A_1817  : i32 {
        %parallel_loop3A_2077 = vector.broadcast %parallel_loop3A_2076 : i32 to vector<16xi32>
        %parallel_loop3A_2078 = arith.addi %mul3A_1468, %parallel_loop3A_2077 : vector<16xi32>
        %parallel_loop3A_2079 = arith.constant 0 : i32
        %parallel_loop3A_2080 = arith.index_cast %parallel_loop3A_2079 : i32 to index
        %parallel_loop3A_2081 = arith.index_cast %parallel_loop3A_2076 : i32 to index
        %parallel_loop3A_2082 = arith.constant 0 : index
        %parallel_loop3A_2083 = tpu.vector_load %arg7[%parallel_loop3A_2080, %parallel_loop3A_2081, %parallel_loop3A_2082] {strides = array<i32>} : memref<4x128x32xf32, #tpu.memory_space<vmem>>, vector<16xf32>,
        %parallel_loop3A_2084 = arith.addf %parallel_loop3A_2083, %get3A_1812 : vector<16xf32>
        %parallel_loop3A_2085 = arith.constant 0 : i32
        %parallel_loop3A_2086 = vector.broadcast %parallel_loop3A_2085 : i32 to vector<16xi32>
        %parallel_loop3A_2087 = arith.addi %mul3A_1468, %parallel_loop3A_2086 : vector<16xi32>
        tpu.vector_store_idx %arg9[%parallel_loop3A_2087, %iota3A, %parallel_loop3A_2078], %parallel_loop3A_2084 : memref<4x32x129xf32, #tpu.memory_space<vmem>>[vector<16xi32>, vector<16xi32>, vector<16xi32>], vector<16xf32>,
        %parallel_loop3A_2088 = arith.constant 0 : i32
        %parallel_loop3A_2089 = arith.index_cast %parallel_loop3A_2088 : i32 to index
        %parallel_loop3A_2090 = arith.index_cast %parallel_loop3A_2076 : i32 to index
        %parallel_loop3A_2091 = arith.constant 16 : index
        %parallel_loop3A_2092 = tpu.vector_load %arg7[%parallel_loop3A_2089, %parallel_loop3A_2090, %parallel_loop3A_2091] {strides = array<i32>} : memref<4x128x32xf32, #tpu.memory_space<vmem>>, vector<16xf32>,
        %parallel_loop3A_2093 = arith.addf %parallel_loop3A_2092, %get3A_1815 : vector<16xf32>
        %parallel_loop3A_2094 = arith.constant 0 : i32
        %parallel_loop3A_2095 = vector.broadcast %parallel_loop3A_2094 : i32 to vector<16xi32>
        %parallel_loop3A_2096 = arith.addi %mul3A_1468, %parallel_loop3A_2095 : vector<16xi32>
        tpu.vector_store_idx %arg9[%parallel_loop3A_2096, %add3A_1465, %parallel_loop3A_2078], %parallel_loop3A_2093 : memref<4x32x129xf32, #tpu.memory_space<vmem>>[vector<16xi32>, vector<16xi32>, vector<16xi32>], vector<16xf32>,
      } {sc.loop_unroll_factor = 8 : i64, sc.parallel_access}
      %parallel_loop3A_1818 = arith.constant 0 : i32
      %parallel_loop3A_1819 = arith.constant 128 : i32
      %parallel_loop3A_1820 = arith.constant 1 : i32
      scf.for %parallel_loop3A_2076 = %parallel_loop3A_1818 to %parallel_loop3A_1819 step %parallel_loop3A_1820  : i32 {
        %parallel_loop3A_2077 = vector.broadcast %parallel_loop3A_2076 : i32 to vector<16xi32>
        %parallel_loop3A_2078 = arith.addi %mul3A_1468, %parallel_loop3A_2077 : vector<16xi32>
        %parallel_loop3A_2079 = arith.constant 1 : i32
        %parallel_loop3A_2080 = arith.index_cast %parallel_loop3A_2079 : i32 to index
        %parallel_loop3A_2081 = arith.index_cast %parallel_loop3A_2076 : i32 to index
        %parallel_loop3A_2082 = arith.constant 0 : index
        %parallel_loop3A_2083 = tpu.vector_load %arg7[%parallel_loop3A_2080, %parallel_loop3A_2081, %parallel_loop3A_2082] {strides = array<i32>} : memref<4x128x32xf32, #tpu.memory_space<vmem>>, vector<16xf32>,
        %parallel_loop3A_2084 = arith.addf %parallel_loop3A_2083, %get3A_1812 : vector<16xf32>
        %parallel_loop3A_2085 = arith.constant 1 : i32
        %parallel_loop3A_2086 = vector.broadcast %parallel_loop3A_2085 : i32 to vector<16xi32>
        %parallel_loop3A_2087 = arith.addi %mul3A_1468, %parallel_loop3A_2086 : vector<16xi32>
        tpu.vector_store_idx %arg9[%parallel_loop3A_2087, %iota3A, %parallel_loop3A_2078], %parallel_loop3A_2084 : memref<4x32x129xf32, #tpu.memory_space<vmem>>[vector<16xi32>, vector<16xi32>, vector<16xi32>], vector<16xf32>,
        %parallel_loop3A_2088 = arith.constant 1 : i32
        %parallel_loop3A_2089 = arith.index_cast %parallel_loop3A_2088 : i32 to index
        %parallel_loop3A_2090 = arith.index_cast %parallel_loop3A_2076 : i32 to index
        %parallel_loop3A_2091 = arith.constant 16 : index
        %parallel_loop3A_2092 = tpu.vector_load %arg7[%parallel_loop3A_2089, %parallel_loop3A_2090, %parallel_loop3A_2091] {strides = array<i32>} : memref<4x128x32xf32, #tpu.memory_space<vmem>>, vector<16xf32>,
        %parallel_loop3A_2093 = arith.addf %parallel_loop3A_2092, %get3A_1815 : vector<16xf32>
        %parallel_loop3A_2094 = arith.constant 1 : i32
        %parallel_loop3A_2095 = vector.broadcast %parallel_loop3A_2094 : i32 to vector<16xi32>
        %parallel_loop3A_2096 = arith.addi %mul3A_1468, %parallel_loop3A_2095 : vector<16xi32>
        tpu.vector_store_idx %arg9[%parallel_loop3A_2096, %add3A_1465, %parallel_loop3A_2078], %parallel_loop3A_2093 : memref<4x32x129xf32, #tpu.memory_space<vmem>>[vector<16xi32>, vector<16xi32>, vector<16xi32>], vector<16xf32>,
      } {sc.loop_unroll_factor = 8 : i64, sc.parallel_access}
      %parallel_loop3A_1821 = arith.constant 0 : i32
      %parallel_loop3A_1822 = arith.constant 128 : i32
      %parallel_loop3A_1823 = arith.constant 1 : i32
      scf.for %parallel_loop3A_2076 = %parallel_loop3A_1821 to %parallel_loop3A_1822 step %parallel_loop3A_1823  : i32 {
        %parallel_loop3A_2077 = vector.broadcast %parallel_loop3A_2076 : i32 to vector<16xi32>
        %parallel_loop3A_2078 = arith.addi %mul3A_1468, %parallel_loop3A_2077 : vector<16xi32>
        %parallel_loop3A_2079 = arith.constant 2 : i32
        %parallel_loop3A_2080 = arith.index_cast %parallel_loop3A_2079 : i32 to index
        %parallel_loop3A_2081 = arith.index_cast %parallel_loop3A_2076 : i32 to index
        %parallel_loop3A_2082 = arith.constant 0 : index
        %parallel_loop3A_2083 = tpu.vector_load %arg7[%parallel_loop3A_2080, %parallel_loop3A_2081, %parallel_loop3A_2082] {strides = array<i32>} : memref<4x128x32xf32, #tpu.memory_space<vmem>>, vector<16xf32>,
        %parallel_loop3A_2084 = arith.addf %parallel_loop3A_2083, %get3A_1812 : vector<16xf32>
        %parallel_loop3A_2085 = arith.constant 2 : i32
        %parallel_loop3A_2086 = vector.broadcast %parallel_loop3A_2085 : i32 to vector<16xi32>
        %parallel_loop3A_2087 = arith.addi %mul3A_1468, %parallel_loop3A_2086 : vector<16xi32>
        tpu.vector_store_idx %arg9[%parallel_loop3A_2087, %iota3A, %parallel_loop3A_2078], %parallel_loop3A_2084 : memref<4x32x129xf32, #tpu.memory_space<vmem>>[vector<16xi32>, vector<16xi32>, vector<16xi32>], vector<16xf32>,
        %parallel_loop3A_2088 = arith.constant 2 : i32
        %parallel_loop3A_2089 = arith.index_cast %parallel_loop3A_2088 : i32 to index
        %parallel_loop3A_2090 = arith.index_cast %parallel_loop3A_2076 : i32 to index
        %parallel_loop3A_2091 = arith.constant 16 : index
        %parallel_loop3A_2092 = tpu.vector_load %arg7[%parallel_loop3A_2089, %parallel_loop3A_2090, %parallel_loop3A_2091] {strides = array<i32>} : memref<4x128x32xf32, #tpu.memory_space<vmem>>, vector<16xf32>,
        %parallel_loop3A_2093 = arith.addf %parallel_loop3A_2092, %get3A_1815 : vector<16xf32>
        %parallel_loop3A_2094 = arith.constant 2 : i32
        %parallel_loop3A_2095 = vector.broadcast %parallel_loop3A_2094 : i32 to vector<16xi32>
        %parallel_loop3A_2096 = arith.addi %mul3A_1468, %parallel_loop3A_2095 : vector<16xi32>
        tpu.vector_store_idx %arg9[%parallel_loop3A_2096, %add3A_1465, %parallel_loop3A_2078], %parallel_loop3A_2093 : memref<4x32x129xf32, #tpu.memory_space<vmem>>[vector<16xi32>, vector<16xi32>, vector<16xi32>], vector<16xf32>,
      } {sc.loop_unroll_factor = 8 : i64, sc.parallel_access}
      %parallel_loop3A_1824 = arith.constant 0 : i32
      %parallel_loop3A_1825 = arith.constant 128 : i32
      %parallel_loop3A_1826 = arith.constant 1 : i32
      scf.for %parallel_loop3A_2076 = %parallel_loop3A_1824 to %parallel_loop3A_1825 step %parallel_loop3A_1826  : i32 {
        %parallel_loop3A_2077 = vector.broadcast %parallel_loop3A_2076 : i32 to vector<16xi32>
        %parallel_loop3A_2078 = arith.addi %mul3A_1468, %parallel_loop3A_2077 : vector<16xi32>
        %parallel_loop3A_2079 = arith.constant 3 : i32
        %parallel_loop3A_2080 = arith.index_cast %parallel_loop3A_2079 : i32 to index
        %parallel_loop3A_2081 = arith.index_cast %parallel_loop3A_2076 : i32 to index
        %parallel_loop3A_2082 = arith.constant 0 : index
        %parallel_loop3A_2083 = tpu.vector_load %arg7[%parallel_loop3A_2080, %parallel_loop3A_2081, %parallel_loop3A_2082] {strides = array<i32>} : memref<4x128x32xf32, #tpu.memory_space<vmem>>, vector<16xf32>,
        %parallel_loop3A_2084 = arith.addf %parallel_loop3A_2083, %get3A_1812 : vector<16xf32>
        %parallel_loop3A_2085 = arith.constant 3 : i32
        %parallel_loop3A_2086 = vector.broadcast %parallel_loop3A_2085 : i32 to vector<16xi32>
        %parallel_loop3A_2087 = arith.addi %mul3A_1468, %parallel_loop3A_2086 : vector<16xi32>
        tpu.vector_store_idx %arg9[%parallel_loop3A_2087, %iota3A, %parallel_loop3A_2078], %parallel_loop3A_2084 : memref<4x32x129xf32, #tpu.memory_space<vmem>>[vector<16xi32>, vector<16xi32>, vector<16xi32>], vector<16xf32>,
        %parallel_loop3A_2088 = arith.constant 3 : i32
        %parallel_loop3A_2089 = arith.index_cast %parallel_loop3A_2088 : i32 to index
        %parallel_loop3A_2090 = arith.index_cast %parallel_loop3A_2076 : i32 to index
        %parallel_loop3A_2091 = arith.constant 16 : index
        %parallel_loop3A_2092 = tpu.vector_load %arg7[%parallel_loop3A_2089, %parallel_loop3A_2090, %parallel_loop3A_2091] {strides = array<i32>} : memref<4x128x32xf32, #tpu.memory_space<vmem>>, vector<16xf32>,
        %parallel_loop3A_2093 = arith.addf %parallel_loop3A_2092, %get3A_1815 : vector<16xf32>
        %parallel_loop3A_2094 = arith.constant 3 : i32
        %parallel_loop3A_2095 = vector.broadcast %parallel_loop3A_2094 : i32 to vector<16xi32>
        %parallel_loop3A_2096 = arith.addi %mul3A_1468, %parallel_loop3A_2095 : vector<16xi32>
        tpu.vector_store_idx %arg9[%parallel_loop3A_2096, %add3A_1465, %parallel_loop3A_2078], %parallel_loop3A_2093 : memref<4x32x129xf32, #tpu.memory_space<vmem>>[vector<16xi32>, vector<16xi32>, vector<16xi32>], vector<16xf32>,
      } {sc.loop_unroll_factor = 8 : i64, sc.parallel_access}
      %dma_start3A_1827 = arith.constant 0 : i32
      %dma_start3A_1828 = arith.constant 0 : i32
      %dma_start3A_1829 = arith.constant 0 : i32
      %dma_start3A_1830 = arith.constant 0 : i32
      %dma_start3A_1831 = tpu.memref_slice %arg9[%dma_start3A_1828, %dma_start3A_1829, %dma_start3A_1830] : memref<4x32x129xf32, #tpu.memory_space<vmem>> -> memref<4x8x128xf32, #tpu.memory_space<vmem>>
      %dma_start3A_1832 = arith.constant 0 : i32
      %dma_start3A_1833 = arith.constant 0 : i32
      %dma_start3A_1834 = arith.constant 0 : i32
      %dma_start3A_1835 = tpu.memref_slice %arg5[%add3A_1737, %dma_start3A_1827, %select_n3A, %dma_start3A_1832, %dma_start3A_1833, %dma_start3A_1834] : memref<200x4x8x4x8x128xf32, #tpu.memory_space<hbm>> -> memref<1x1x1x4x8x128xf32, #tpu.memory_space<hbm>>
      %dma_start3A_1836 = tpu.memref_squeeze %dma_start3A_1835 : memref<1x1x1x4x8x128xf32, #tpu.memory_space<hbm>> -> memref<4x8x128xf32, #tpu.memory_space<hbm>>
      %dma_start3A_1837 = arith.constant 0 : i32
      %dma_start3A_1838 = arith.constant 0 : i32
      %dma_start3A_1839 = arith.constant 0 : i32
      %dma_start3A_1840 = tpu.memref_slice %arg5[%add3A_1737, %dma_start3A_1827, %select_n3A, %dma_start3A_1837, %dma_start3A_1838, %dma_start3A_1839] : memref<200x4x8x4x8x128xf32, #tpu.memory_space<hbm>> -> memref<1x1x1x4x8x128xf32, #tpu.memory_space<hbm>>
      %dma_start3A_1841 = tpu.memref_squeeze %dma_start3A_1840 : memref<1x1x1x4x8x128xf32, #tpu.memory_space<hbm>> -> memref<4x8x128xf32, #tpu.memory_space<hbm>>
      %dma_start3A_1842 = arith.constant 0 : i32
      %dma_start3A_1843 = arith.constant 0 : i32
      %dma_start3A_1844 = arith.constant 0 : i32
      %dma_start3A_1845 = tpu.memref_slice %arg9[%dma_start3A_1842, %dma_start3A_1843, %dma_start3A_1844] : memref<4x32x129xf32, #tpu.memory_space<vmem>> -> memref<4x8x128xf32, #tpu.memory_space<vmem>>
      tpu.enqueue_dma source(%dma_start3A_1845 : memref<4x8x128xf32, #tpu.memory_space<vmem>>) target(%dma_start3A_1841 : memref<4x8x128xf32, #tpu.memory_space<hbm>>) target_semaphore(%arg14 : memref<!tpu.dma_semaphore, #tpu.memory_space<semaphore_mem>>)
      %dma_start3A_1846 = arith.constant 1 : i32
      %dma_start3A_1847 = arith.constant 0 : i32
      %dma_start3A_1848 = arith.constant 8 : i32
      %dma_start3A_1849 = arith.constant 0 : i32
      %dma_start3A_1850 = tpu.memref_slice %arg9[%dma_start3A_1847, %dma_start3A_1848, %dma_start3A_1849] : memref<4x32x129xf32, #tpu.memory_space<vmem>> -> memref<4x8x128xf32, #tpu.memory_space<vmem>>
      %dma_start3A_1851 = arith.constant 0 : i32
      %dma_start3A_1852 = arith.constant 0 : i32
      %dma_start3A_1853 = arith.constant 0 : i32
      %dma_start3A_1854 = tpu.memref_slice %arg5[%add3A_1737, %dma_start3A_1846, %select_n3A, %dma_start3A_1851, %dma_start3A_1852, %dma_start3A_1853] : memref<200x4x8x4x8x128xf32, #tpu.memory_space<hbm>> -> memref<1x1x1x4x8x128xf32, #tpu.memory_space<hbm>>
      %dma_start3A_1855 = tpu.memref_squeeze %dma_start3A_1854 : memref<1x1x1x4x8x128xf32, #tpu.memory_space<hbm>> -> memref<4x8x128xf32, #tpu.memory_space<hbm>>
      %dma_start3A_1856 = arith.constant 0 : i32
      %dma_start3A_1857 = arith.constant 0 : i32
      %dma_start3A_1858 = arith.constant 0 : i32
      %dma_start3A_1859 = tpu.memref_slice %arg5[%add3A_1737, %dma_start3A_1846, %select_n3A, %dma_start3A_1856, %dma_start3A_1857, %dma_start3A_1858] : memref<200x4x8x4x8x128xf32, #tpu.memory_space<hbm>> -> memref<1x1x1x4x8x128xf32, #tpu.memory_space<hbm>>
      %dma_start3A_1860 = tpu.memref_squeeze %dma_start3A_1859 : memref<1x1x1x4x8x128xf32, #tpu.memory_space<hbm>> -> memref<4x8x128xf32, #tpu.memory_space<hbm>>
      %dma_start3A_1861 = arith.constant 0 : i32
      %dma_start3A_1862 = arith.constant 8 : i32
      %dma_start3A_1863 = arith.constant 0 : i32
      %dma_start3A_1864 = tpu.memref_slice %arg9[%dma_start3A_1861, %dma_start3A_1862, %dma_start3A_1863] : memref<4x32x129xf32, #tpu.memory_space<vmem>> -> memref<4x8x128xf32, #tpu.memory_space<vmem>>
      tpu.enqueue_dma source(%dma_start3A_1864 : memref<4x8x128xf32, #tpu.memory_space<vmem>>) target(%dma_start3A_1860 : memref<4x8x128xf32, #tpu.memory_space<hbm>>) target_semaphore(%arg14 : memref<!tpu.dma_semaphore, #tpu.memory_space<semaphore_mem>>)
      %dma_start3A_1865 = arith.constant 2 : i32
      %dma_start3A_1866 = arith.constant 0 : i32
      %dma_start3A_1867 = arith.constant 16 : i32
      %dma_start3A_1868 = arith.constant 0 : i32
      %dma_start3A_1869 = tpu.memref_slice %arg9[%dma_start3A_1866, %dma_start3A_1867, %dma_start3A_1868] : memref<4x32x129xf32, #tpu.memory_space<vmem>> -> memref<4x8x128xf32, #tpu.memory_space<vmem>>
      %dma_start3A_1870 = arith.constant 0 : i32
      %dma_start3A_1871 = arith.constant 0 : i32
      %dma_start3A_1872 = arith.constant 0 : i32
      %dma_start3A_1873 = tpu.memref_slice %arg5[%add3A_1737, %dma_start3A_1865, %select_n3A, %dma_start3A_1870, %dma_start3A_1871, %dma_start3A_1872] : memref<200x4x8x4x8x128xf32, #tpu.memory_space<hbm>> -> memref<1x1x1x4x8x128xf32, #tpu.memory_space<hbm>>
      %dma_start3A_1874 = tpu.memref_squeeze %dma_start3A_1873 : memref<1x1x1x4x8x128xf32, #tpu.memory_space<hbm>> -> memref<4x8x128xf32, #tpu.memory_space<hbm>>
      %dma_start3A_1875 = arith.constant 0 : i32
      %dma_start3A_1876 = arith.constant 0 : i32
      %dma_start3A_1877 = arith.constant 0 : i32
      %dma_start3A_1878 = tpu.memref_slice %arg5[%add3A_1737, %dma_start3A_1865, %select_n3A, %dma_start3A_1875, %dma_start3A_1876, %dma_start3A_1877] : memref<200x4x8x4x8x128xf32, #tpu.memory_space<hbm>> -> memref<1x1x1x4x8x128xf32, #tpu.memory_space<hbm>>
      %dma_start3A_1879 = tpu.memref_squeeze %dma_start3A_1878 : memref<1x1x1x4x8x128xf32, #tpu.memory_space<hbm>> -> memref<4x8x128xf32, #tpu.memory_space<hbm>>
      %dma_start3A_1880 = arith.constant 0 : i32
      %dma_start3A_1881 = arith.constant 16 : i32
      %dma_start3A_1882 = arith.constant 0 : i32
      %dma_start3A_1883 = tpu.memref_slice %arg9[%dma_start3A_1880, %dma_start3A_1881, %dma_start3A_1882] : memref<4x32x129xf32, #tpu.memory_space<vmem>> -> memref<4x8x128xf32, #tpu.memory_space<vmem>>
      tpu.enqueue_dma source(%dma_start3A_1883 : memref<4x8x128xf32, #tpu.memory_space<vmem>>) target(%dma_start3A_1879 : memref<4x8x128xf32, #tpu.memory_space<hbm>>) target_semaphore(%arg14 : memref<!tpu.dma_semaphore, #tpu.memory_space<semaphore_mem>>)
      %dma_start3A_1884 = arith.constant 3 : i32
      %dma_start3A_1885 = arith.constant 0 : i32
      %dma_start3A_1886 = arith.constant 24 : i32
      %dma_start3A_1887 = arith.constant 0 : i32
      %dma_start3A_1888 = tpu.memref_slice %arg9[%dma_start3A_1885, %dma_start3A_1886, %dma_start3A_1887] : memref<4x32x129xf32, #tpu.memory_space<vmem>> -> memref<4x8x128xf32, #tpu.memory_space<vmem>>
      %dma_start3A_1889 = arith.constant 0 : i32
      %dma_start3A_1890 = arith.constant 0 : i32
      %dma_start3A_1891 = arith.constant 0 : i32
      %dma_start3A_1892 = tpu.memref_slice %arg5[%add3A_1737, %dma_start3A_1884, %select_n3A, %dma_start3A_1889, %dma_start3A_1890, %dma_start3A_1891] : memref<200x4x8x4x8x128xf32, #tpu.memory_space<hbm>> -> memref<1x1x1x4x8x128xf32, #tpu.memory_space<hbm>>
      %dma_start3A_1893 = tpu.memref_squeeze %dma_start3A_1892 : memref<1x1x1x4x8x128xf32, #tpu.memory_space<hbm>> -> memref<4x8x128xf32, #tpu.memory_space<hbm>>
      %dma_start3A_1894 = arith.constant 0 : i32
      %dma_start3A_1895 = arith.constant 0 : i32
      %dma_start3A_1896 = arith.constant 0 : i32
      %dma_start3A_1897 = tpu.memref_slice %arg5[%add3A_1737, %dma_start3A_1884, %select_n3A, %dma_start3A_1894, %dma_start3A_1895, %dma_start3A_1896] : memref<200x4x8x4x8x128xf32, #tpu.memory_space<hbm>> -> memref<1x1x1x4x8x128xf32, #tpu.memory_space<hbm>>
      %dma_start3A_1898 = tpu.memref_squeeze %dma_start3A_1897 : memref<1x1x1x4x8x128xf32, #tpu.memory_space<hbm>> -> memref<4x8x128xf32, #tpu.memory_space<hbm>>
      %dma_start3A_1899 = arith.constant 0 : i32
      %dma_start3A_1900 = arith.constant 24 : i32
      %dma_start3A_1901 = arith.constant 0 : i32
      %dma_start3A_1902 = tpu.memref_slice %arg9[%dma_start3A_1899, %dma_start3A_1900, %dma_start3A_1901] : memref<4x32x129xf32, #tpu.memory_space<vmem>> -> memref<4x8x128xf32, #tpu.memory_space<vmem>>
      tpu.enqueue_dma source(%dma_start3A_1902 : memref<4x8x128xf32, #tpu.memory_space<vmem>>) target(%dma_start3A_1898 : memref<4x8x128xf32, #tpu.memory_space<hbm>>) target_semaphore(%arg14 : memref<!tpu.dma_semaphore, #tpu.memory_space<semaphore_mem>>)
      %add3A_1903 = arith.addi %mul3A_32, %add3A_1734 : i32
      %add3A_1904 = arith.constant 1 : i32
      %add3A_1905 = arith.addi %add3A_1903, %add3A_1904 : i32
      %add3A_1906 = arith.constant 1 : i32
      %add3A_1907 = arith.addi %add3A_1734, %add3A_1906 : i32
      %add3A_1908 = arith.constant 1 : i32
      %add3A_1909 = arith.addi %add3A_1907, %add3A_1908 : i32
      %lt3A_1910 = arith.constant 50 : i32
      %lt3A_1911 = arith.cmpi slt, %add3A_1909, %lt3A_1910 : i32
      %convert_element_type3A_1912 = arith.extui %lt3A_1911 : i1 to i32
      %cond3A_1913 = arith.constant 0 : i32
      %cond3A_1914 = arith.cmpi ne, %convert_element_type3A_1912, %cond3A_1913 : i32
      scf.if %cond3A_1914 {
        %add3A_2076 = arith.constant 1 : i32
        %add3A_2077 = arith.addi %add3A_1905, %add3A_2076 : i32
        %jit3A_2078 = arith.constant 8 : i32
        %div3A_2079 = arith.divsi %add3A_2077, %jit3A_2078 : i32
        %sign3A_2080 = arith.constant 0 : i32
        %sign3A_2081 = arith.cmpi sgt, %add3A_2077, %sign3A_2080 : i32
        %sign3A_2082 = arith.extui %sign3A_2081 : i1 to i32
        %sign3A_2083 = arith.constant 0 : i32
        %sign3A_2084 = arith.cmpi slt, %add3A_2077, %sign3A_2083 : i32
        %sign3A_2085 = arith.extui %sign3A_2084 : i1 to i32
        %sign3A_2086 = arith.subi %sign3A_2082, %sign3A_2085 : i32
        %sign3A_2087 = arith.constant 0 : i32
        %sign3A_2088 = arith.cmpi sgt, %jit3A_2078, %sign3A_2087 : i32
        %sign3A_2089 = arith.extui %sign3A_2088 : i1 to i32
        %sign3A_2090 = arith.constant 0 : i32
        %sign3A_2091 = arith.cmpi slt, %jit3A_2078, %sign3A_2090 : i32
        %sign3A_2092 = arith.extui %sign3A_2091 : i1 to i32
        %sign3A_2093 = arith.subi %sign3A_2089, %sign3A_2092 : i32
        %ne3A_2094 = arith.cmpi ne, %sign3A_2086, %sign3A_2093 : i32
        %rem3A_2095 = arith.remsi %add3A_2077, %jit3A_2078 : i32
        %ne3A_2096 = arith.constant 0 : i32
        %ne3A_2097 = arith.cmpi ne, %rem3A_2095, %ne3A_2096 : i32
        %and3A_2098 = arith.andi %ne3A_2094, %ne3A_2097 : i1
        %sub3A_2099 = arith.constant 1 : i32
        %sub3A_2100 = arith.subi %div3A_2079, %sub3A_2099 : i32
        %select_n3A_2101 = arith.select %and3A_2098, %sub3A_2100, %div3A_2079 : i32
        %sub3A_2102 = arith.subi %select_n3A_2101, %select_n3A_56 : i32
        %jit3A_2103 = arith.constant 8 : i32
        %eq3A_2104 = arith.constant 0 : i32
        %eq3A_2105 = arith.cmpi eq, %jit3A_2103, %eq3A_2104 : i32
        %jit3A_2106 = arith.constant 1 : i32
        %select_n3A_2107 = arith.select %eq3A_2105, %jit3A_2106, %jit3A_2103 : i32
        %rem3A_2108 = arith.remsi %add3A_2077, %select_n3A_2107 : i32
        %ne3A_2109 = arith.constant 0 : i32
        %ne3A_2110 = arith.cmpi ne, %rem3A_2108, %ne3A_2109 : i32
        %lt3A_2111 = arith.constant 0 : i32
        %lt3A_2112 = arith.cmpi slt, %rem3A_2108, %lt3A_2111 : i32
        %lt3A_2113 = arith.constant 0 : i32
        %lt3A_2114 = arith.cmpi slt, %select_n3A_2107, %lt3A_2113 : i32
        %ne3A_2115 = arith.xori %lt3A_2112, %lt3A_2114 : i1
        %and3A_2116 = arith.andi %ne3A_2115, %ne3A_2110 : i1
        %add3A_2117 = arith.addi %rem3A_2108, %select_n3A_2107 : i32
        %select_n3A_2118 = arith.select %and3A_2116, %add3A_2117, %rem3A_2108 : i32
        %dma_start3A_2119 = arith.constant 0 : i32
        %dma_start3A_2120 = arith.constant 0 : i32
        %dma_start3A_2121 = arith.constant 0 : i32
        %dma_start3A_2122 = arith.constant 0 : i32
        %dma_start3A_2123 = tpu.memref_slice %arg7[%dma_start3A_2120, %dma_start3A_2121, %dma_start3A_2122] : memref<4x128x32xf32, #tpu.memory_space<vmem>> -> memref<1x128x32xf32, #tpu.memory_space<vmem>>
        %dma_start3A_2124 = tpu.memref_squeeze %dma_start3A_2123 : memref<1x128x32xf32, #tpu.memory_space<vmem>> -> memref<128x32xf32, #tpu.memory_space<vmem>>
        %dma_start3A_2125 = arith.constant 0 : i32
        %dma_start3A_2126 = tpu.memref_slice %arg6[%sub3A_2102, %dma_start3A_2119, %select_n3A_2118, %dma_start3A_2125] : memref<8x4x8x128xi32, #tpu.memory_space<vmem>> -> memref<1x1x1x128xi32, #tpu.memory_space<vmem>>
        %dma_start3A_2127 = tpu.memref_squeeze %dma_start3A_2126 : memref<1x1x1x128xi32, #tpu.memory_space<vmem>> -> memref<128xi32, #tpu.memory_space<vmem>>
        %dma_start3A_2128 = arith.constant 0 : i32
        %dma_start3A_2129 = arith.constant 0 : i32
        %dma_start3A_2130 = tpu.memref_slice %arg3[%dma_start3A_2128, %dma_start3A_2129] : memref<1000000x32xf32, #tpu.memory_space<hbm>> -> memref<1000000x32xf32, #tpu.memory_space<hbm>>
        tpu.enqueue_indirect_dma source(%dma_start3A_2130 : memref<1000000x32xf32, #tpu.memory_space<hbm>>) target(%dma_start3A_2124 : memref<128x32xf32, #tpu.memory_space<vmem>>) offsets(%dma_start3A_2127 : memref<128xi32, #tpu.memory_space<vmem>>) semaphore(%arg12 : memref<!tpu.dma_semaphore, #tpu.memory_space<semaphore_mem>>)
        %dma_start3A_2131 = arith.constant 1 : i32
        %dma_start3A_2132 = arith.constant 1 : i32
        %dma_start3A_2133 = arith.constant 0 : i32
        %dma_start3A_2134 = arith.constant 0 : i32
        %dma_start3A_2135 = tpu.memref_slice %arg7[%dma_start3A_2132, %dma_start3A_2133, %dma_start3A_2134] : memref<4x128x32xf32, #tpu.memory_space<vmem>> -> memref<1x128x32xf32, #tpu.memory_space<vmem>>
        %dma_start3A_2136 = tpu.memref_squeeze %dma_start3A_2135 : memref<1x128x32xf32, #tpu.memory_space<vmem>> -> memref<128x32xf32, #tpu.memory_space<vmem>>
        %dma_start3A_2137 = arith.constant 0 : i32
        %dma_start3A_2138 = tpu.memref_slice %arg6[%sub3A_2102, %dma_start3A_2131, %select_n3A_2118, %dma_start3A_2137] : memref<8x4x8x128xi32, #tpu.memory_space<vmem>> -> memref<1x1x1x128xi32, #tpu.memory_space<vmem>>
        %dma_start3A_2139 = tpu.memref_squeeze %dma_start3A_2138 : memref<1x1x1x128xi32, #tpu.memory_space<vmem>> -> memref<128xi32, #tpu.memory_space<vmem>>
        %dma_start3A_2140 = arith.constant 0 : i32
        %dma_start3A_2141 = arith.constant 0 : i32
        %dma_start3A_2142 = tpu.memref_slice %arg3[%dma_start3A_2140, %dma_start3A_2141] : memref<1000000x32xf32, #tpu.memory_space<hbm>> -> memref<1000000x32xf32, #tpu.memory_space<hbm>>
        tpu.enqueue_indirect_dma source(%dma_start3A_2142 : memref<1000000x32xf32, #tpu.memory_space<hbm>>) target(%dma_start3A_2136 : memref<128x32xf32, #tpu.memory_space<vmem>>) offsets(%dma_start3A_2139 : memref<128xi32, #tpu.memory_space<vmem>>) semaphore(%arg12 : memref<!tpu.dma_semaphore, #tpu.memory_space<semaphore_mem>>)
        %dma_start3A_2143 = arith.constant 2 : i32
        %dma_start3A_2144 = arith.constant 2 : i32
        %dma_start3A_2145 = arith.constant 0 : i32
        %dma_start3A_2146 = arith.constant 0 : i32
        %dma_start3A_2147 = tpu.memref_slice %arg7[%dma_start3A_2144, %dma_start3A_2145, %dma_start3A_2146] : memref<4x128x32xf32, #tpu.memory_space<vmem>> -> memref<1x128x32xf32, #tpu.memory_space<vmem>>
        %dma_start3A_2148 = tpu.memref_squeeze %dma_start3A_2147 : memref<1x128x32xf32, #tpu.memory_space<vmem>> -> memref<128x32xf32, #tpu.memory_space<vmem>>
        %dma_start3A_2149 = arith.constant 0 : i32
        %dma_start3A_2150 = tpu.memref_slice %arg6[%sub3A_2102, %dma_start3A_2143, %select_n3A_2118, %dma_start3A_2149] : memref<8x4x8x128xi32, #tpu.memory_space<vmem>> -> memref<1x1x1x128xi32, #tpu.memory_space<vmem>>
        %dma_start3A_2151 = tpu.memref_squeeze %dma_start3A_2150 : memref<1x1x1x128xi32, #tpu.memory_space<vmem>> -> memref<128xi32, #tpu.memory_space<vmem>>
        %dma_start3A_2152 = arith.constant 0 : i32
        %dma_start3A_2153 = arith.constant 0 : i32
        %dma_start3A_2154 = tpu.memref_slice %arg3[%dma_start3A_2152, %dma_start3A_2153] : memref<1000000x32xf32, #tpu.memory_space<hbm>> -> memref<1000000x32xf32, #tpu.memory_space<hbm>>
        tpu.enqueue_indirect_dma source(%dma_start3A_2154 : memref<1000000x32xf32, #tpu.memory_space<hbm>>) target(%dma_start3A_2148 : memref<128x32xf32, #tpu.memory_space<vmem>>) offsets(%dma_start3A_2151 : memref<128xi32, #tpu.memory_space<vmem>>) semaphore(%arg12 : memref<!tpu.dma_semaphore, #tpu.memory_space<semaphore_mem>>)
        %dma_start3A_2155 = arith.constant 3 : i32
        %dma_start3A_2156 = arith.constant 3 : i32
        %dma_start3A_2157 = arith.constant 0 : i32
        %dma_start3A_2158 = arith.constant 0 : i32
        %dma_start3A_2159 = tpu.memref_slice %arg7[%dma_start3A_2156, %dma_start3A_2157, %dma_start3A_2158] : memref<4x128x32xf32, #tpu.memory_space<vmem>> -> memref<1x128x32xf32, #tpu.memory_space<vmem>>
        %dma_start3A_2160 = tpu.memref_squeeze %dma_start3A_2159 : memref<1x128x32xf32, #tpu.memory_space<vmem>> -> memref<128x32xf32, #tpu.memory_space<vmem>>
        %dma_start3A_2161 = arith.constant 0 : i32
        %dma_start3A_2162 = tpu.memref_slice %arg6[%sub3A_2102, %dma_start3A_2155, %select_n3A_2118, %dma_start3A_2161] : memref<8x4x8x128xi32, #tpu.memory_space<vmem>> -> memref<1x1x1x128xi32, #tpu.memory_space<vmem>>
        %dma_start3A_2163 = tpu.memref_squeeze %dma_start3A_2162 : memref<1x1x1x128xi32, #tpu.memory_space<vmem>> -> memref<128xi32, #tpu.memory_space<vmem>>
        %dma_start3A_2164 = arith.constant 0 : i32
        %dma_start3A_2165 = arith.constant 0 : i32
        %dma_start3A_2166 = tpu.memref_slice %arg3[%dma_start3A_2164, %dma_start3A_2165] : memref<1000000x32xf32, #tpu.memory_space<hbm>> -> memref<1000000x32xf32, #tpu.memory_space<hbm>>
        tpu.enqueue_indirect_dma source(%dma_start3A_2166 : memref<1000000x32xf32, #tpu.memory_space<hbm>>) target(%dma_start3A_2160 : memref<128x32xf32, #tpu.memory_space<vmem>>) offsets(%dma_start3A_2163 : memref<128xi32, #tpu.memory_space<vmem>>) semaphore(%arg12 : memref<!tpu.dma_semaphore, #tpu.memory_space<semaphore_mem>>)
      } else {
      }
      %dma_wait3A_1915 = arith.constant 0 : i32
      %dma_wait3A_1916 = arith.constant 0 : i32
      %dma_wait3A_1917 = arith.constant 0 : i32
      %dma_wait3A_1918 = tpu.memref_slice %arg8[%dma_wait3A_1915, %dma_wait3A_1916, %dma_wait3A_1917] : memref<4x128x32xf32, #tpu.memory_space<vmem>> -> memref<1x128x32xf32, #tpu.memory_space<vmem>>
      %dma_wait3A_1919 = tpu.memref_squeeze %dma_wait3A_1918 : memref<1x128x32xf32, #tpu.memory_space<vmem>> -> memref<128x32xf32, #tpu.memory_space<vmem>>
      %dma_wait3A_1920 = arith.constant 0 : i32
      %dma_wait3A_1921 = arith.constant 0 : i32
      %dma_wait3A_1922 = tpu.memref_slice %arg3[%dma_wait3A_1920, %dma_wait3A_1921] : memref<1000000x32xf32, #tpu.memory_space<hbm>> -> memref<128x32xf32, #tpu.memory_space<hbm>>
      %dma_wait3A_1923 = arith.constant 0 : i32
      %dma_wait3A_1924 = arith.constant 0 : i32
      %dma_wait3A_1925 = tpu.memref_slice %arg8[%dma_wait3A_1915, %dma_wait3A_1923, %dma_wait3A_1924] : memref<4x128x32xf32, #tpu.memory_space<vmem>> -> memref<1x128x32xf32, #tpu.memory_space<vmem>>
      %dma_wait3A_1926 = tpu.memref_squeeze %dma_wait3A_1925 : memref<1x128x32xf32, #tpu.memory_space<vmem>> -> memref<128x32xf32, #tpu.memory_space<vmem>>
      %dma_wait3A_1927 = arith.constant 0 : i32
      %dma_wait3A_1928 = arith.constant 0 : i32
      %dma_wait3A_1929 = tpu.memref_slice %arg3[%dma_wait3A_1927, %dma_wait3A_1928] : memref<1000000x32xf32, #tpu.memory_space<hbm>> -> memref<128x32xf32, #tpu.memory_space<hbm>>
      tpu.wait_dma2 semaphore(%arg13 : memref<!tpu.dma_semaphore, #tpu.memory_space<semaphore_mem>>) src(%dma_wait3A_1929 : memref<128x32xf32, #tpu.memory_space<hbm>>) dst(%dma_wait3A_1926 : memref<128x32xf32, #tpu.memory_space<vmem>>)
      %dma_wait3A_1930 = arith.constant 1 : i32
      %dma_wait3A_1931 = arith.constant 0 : i32
      %dma_wait3A_1932 = arith.constant 0 : i32
      %dma_wait3A_1933 = tpu.memref_slice %arg8[%dma_wait3A_1930, %dma_wait3A_1931, %dma_wait3A_1932] : memref<4x128x32xf32, #tpu.memory_space<vmem>> -> memref<1x128x32xf32, #tpu.memory_space<vmem>>
      %dma_wait3A_1934 = tpu.memref_squeeze %dma_wait3A_1933 : memref<1x128x32xf32, #tpu.memory_space<vmem>> -> memref<128x32xf32, #tpu.memory_space<vmem>>
      %dma_wait3A_1935 = arith.constant 0 : i32
      %dma_wait3A_1936 = arith.constant 0 : i32
      %dma_wait3A_1937 = tpu.memref_slice %arg3[%dma_wait3A_1935, %dma_wait3A_1936] : memref<1000000x32xf32, #tpu.memory_space<hbm>> -> memref<128x32xf32, #tpu.memory_space<hbm>>
      %dma_wait3A_1938 = arith.constant 0 : i32
      %dma_wait3A_1939 = arith.constant 0 : i32
      %dma_wait3A_1940 = tpu.memref_slice %arg8[%dma_wait3A_1930, %dma_wait3A_1938, %dma_wait3A_1939] : memref<4x128x32xf32, #tpu.memory_space<vmem>> -> memref<1x128x32xf32, #tpu.memory_space<vmem>>
      %dma_wait3A_1941 = tpu.memref_squeeze %dma_wait3A_1940 : memref<1x128x32xf32, #tpu.memory_space<vmem>> -> memref<128x32xf32, #tpu.memory_space<vmem>>
      %dma_wait3A_1942 = arith.constant 0 : i32
      %dma_wait3A_1943 = arith.constant 0 : i32
      %dma_wait3A_1944 = tpu.memref_slice %arg3[%dma_wait3A_1942, %dma_wait3A_1943] : memref<1000000x32xf32, #tpu.memory_space<hbm>> -> memref<128x32xf32, #tpu.memory_space<hbm>>
      tpu.wait_dma2 semaphore(%arg13 : memref<!tpu.dma_semaphore, #tpu.memory_space<semaphore_mem>>) src(%dma_wait3A_1944 : memref<128x32xf32, #tpu.memory_space<hbm>>) dst(%dma_wait3A_1941 : memref<128x32xf32, #tpu.memory_space<vmem>>)
      %dma_wait3A_1945 = arith.constant 2 : i32
      %dma_wait3A_1946 = arith.constant 0 : i32
      %dma_wait3A_1947 = arith.constant 0 : i32
      %dma_wait3A_1948 = tpu.memref_slice %arg8[%dma_wait3A_1945, %dma_wait3A_1946, %dma_wait3A_1947] : memref<4x128x32xf32, #tpu.memory_space<vmem>> -> memref<1x128x32xf32, #tpu.memory_space<vmem>>
      %dma_wait3A_1949 = tpu.memref_squeeze %dma_wait3A_1948 : memref<1x128x32xf32, #tpu.memory_space<vmem>> -> memref<128x32xf32, #tpu.memory_space<vmem>>
      %dma_wait3A_1950 = arith.constant 0 : i32
      %dma_wait3A_1951 = arith.constant 0 : i32
      %dma_wait3A_1952 = tpu.memref_slice %arg3[%dma_wait3A_1950, %dma_wait3A_1951] : memref<1000000x32xf32, #tpu.memory_space<hbm>> -> memref<128x32xf32, #tpu.memory_space<hbm>>
      %dma_wait3A_1953 = arith.constant 0 : i32
      %dma_wait3A_1954 = arith.constant 0 : i32
      %dma_wait3A_1955 = tpu.memref_slice %arg8[%dma_wait3A_1945, %dma_wait3A_1953, %dma_wait3A_1954] : memref<4x128x32xf32, #tpu.memory_space<vmem>> -> memref<1x128x32xf32, #tpu.memory_space<vmem>>
      %dma_wait3A_1956 = tpu.memref_squeeze %dma_wait3A_1955 : memref<1x128x32xf32, #tpu.memory_space<vmem>> -> memref<128x32xf32, #tpu.memory_space<vmem>>
      %dma_wait3A_1957 = arith.constant 0 : i32
      %dma_wait3A_1958 = arith.constant 0 : i32
      %dma_wait3A_1959 = tpu.memref_slice %arg3[%dma_wait3A_1957, %dma_wait3A_1958] : memref<1000000x32xf32, #tpu.memory_space<hbm>> -> memref<128x32xf32, #tpu.memory_space<hbm>>
      tpu.wait_dma2 semaphore(%arg13 : memref<!tpu.dma_semaphore, #tpu.memory_space<semaphore_mem>>) src(%dma_wait3A_1959 : memref<128x32xf32, #tpu.memory_space<hbm>>) dst(%dma_wait3A_1956 : memref<128x32xf32, #tpu.memory_space<vmem>>)
      %dma_wait3A_1960 = arith.constant 3 : i32
      %dma_wait3A_1961 = arith.constant 0 : i32
      %dma_wait3A_1962 = arith.constant 0 : i32
      %dma_wait3A_1963 = tpu.memref_slice %arg8[%dma_wait3A_1960, %dma_wait3A_1961, %dma_wait3A_1962] : memref<4x128x32xf32, #tpu.memory_space<vmem>> -> memref<1x128x32xf32, #tpu.memory_space<vmem>>
      %dma_wait3A_1964 = tpu.memref_squeeze %dma_wait3A_1963 : memref<1x128x32xf32, #tpu.memory_space<vmem>> -> memref<128x32xf32, #tpu.memory_space<vmem>>
      %dma_wait3A_1965 = arith.constant 0 : i32
      %dma_wait3A_1966 = arith.constant 0 : i32
      %dma_wait3A_1967 = tpu.memref_slice %arg3[%dma_wait3A_1965, %dma_wait3A_1966] : memref<1000000x32xf32, #tpu.memory_space<hbm>> -> memref<128x32xf32, #tpu.memory_space<hbm>>
      %dma_wait3A_1968 = arith.constant 0 : i32
      %dma_wait3A_1969 = arith.constant 0 : i32
      %dma_wait3A_1970 = tpu.memref_slice %arg8[%dma_wait3A_1960, %dma_wait3A_1968, %dma_wait3A_1969] : memref<4x128x32xf32, #tpu.memory_space<vmem>> -> memref<1x128x32xf32, #tpu.memory_space<vmem>>
      %dma_wait3A_1971 = tpu.memref_squeeze %dma_wait3A_1970 : memref<1x128x32xf32, #tpu.memory_space<vmem>> -> memref<128x32xf32, #tpu.memory_space<vmem>>
      %dma_wait3A_1972 = arith.constant 0 : i32
      %dma_wait3A_1973 = arith.constant 0 : i32
      %dma_wait3A_1974 = tpu.memref_slice %arg3[%dma_wait3A_1972, %dma_wait3A_1973] : memref<1000000x32xf32, #tpu.memory_space<hbm>> -> memref<128x32xf32, #tpu.memory_space<hbm>>
      tpu.wait_dma2 semaphore(%arg13 : memref<!tpu.dma_semaphore, #tpu.memory_space<semaphore_mem>>) src(%dma_wait3A_1974 : memref<128x32xf32, #tpu.memory_space<hbm>>) dst(%dma_wait3A_1971 : memref<128x32xf32, #tpu.memory_space<vmem>>)
      %add3A_1975 = arith.constant 1 : i32
      %add3A_1976 = arith.addi %add3A_1734, %add3A_1975 : i32
      %ge3A_1977 = arith.constant 2 : i32
      %ge3A_1978 = arith.cmpi sge, %add3A_1976, %ge3A_1977 : i32
      %convert_element_type3A_1979 = arith.extui %ge3A_1978 : i1 to i32
      %cond3A_1980 = arith.constant 0 : i32
      %cond3A_1981 = arith.cmpi ne, %convert_element_type3A_1979, %cond3A_1980 : i32
      scf.if %cond3A_1981 {
        %dma_wait3A_2076 = arith.constant 0 : i32
        %dma_wait3A_2077 = arith.constant 0 : i32
        %dma_wait3A_2078 = arith.constant 0 : i32
        %dma_wait3A_2079 = arith.constant 0 : i32
        %dma_wait3A_2080 = arith.constant 0 : i32
        %dma_wait3A_2081 = arith.constant 0 : i32
        %dma_wait3A_2082 = tpu.memref_slice %arg10[%dma_wait3A_2079, %dma_wait3A_2080, %dma_wait3A_2081] : memref<4x32x129xf32, #tpu.memory_space<vmem>> -> memref<4x8x128xf32, #tpu.memory_space<vmem>>
        %dma_wait3A_2083 = arith.constant 0 : i32
        %dma_wait3A_2084 = arith.constant 0 : i32
        %dma_wait3A_2085 = arith.constant 0 : i32
        %dma_wait3A_2086 = tpu.memref_slice %arg5[%dma_wait3A_2076, %dma_wait3A_2077, %dma_wait3A_2078, %dma_wait3A_2083, %dma_wait3A_2084, %dma_wait3A_2085] : memref<200x4x8x4x8x128xf32, #tpu.memory_space<hbm>> -> memref<1x1x1x4x8x128xf32, #tpu.memory_space<hbm>>
        %dma_wait3A_2087 = tpu.memref_squeeze %dma_wait3A_2086 : memref<1x1x1x4x8x128xf32, #tpu.memory_space<hbm>> -> memref<4x8x128xf32, #tpu.memory_space<hbm>>
        %dma_wait3A_2088 = arith.constant 0 : i32
        %dma_wait3A_2089 = arith.constant 0 : i32
        %dma_wait3A_2090 = arith.constant 0 : i32
        %dma_wait3A_2091 = tpu.memref_slice %arg5[%dma_wait3A_2076, %dma_wait3A_2077, %dma_wait3A_2078, %dma_wait3A_2088, %dma_wait3A_2089, %dma_wait3A_2090] : memref<200x4x8x4x8x128xf32, #tpu.memory_space<hbm>> -> memref<1x1x1x4x8x128xf32, #tpu.memory_space<hbm>>
        %dma_wait3A_2092 = tpu.memref_squeeze %dma_wait3A_2091 : memref<1x1x1x4x8x128xf32, #tpu.memory_space<hbm>> -> memref<4x8x128xf32, #tpu.memory_space<hbm>>
        %dma_wait3A_2093 = arith.constant 0 : i32
        %dma_wait3A_2094 = arith.constant 0 : i32
        %dma_wait3A_2095 = arith.constant 0 : i32
        %dma_wait3A_2096 = tpu.memref_slice %arg10[%dma_wait3A_2093, %dma_wait3A_2094, %dma_wait3A_2095] : memref<4x32x129xf32, #tpu.memory_space<vmem>> -> memref<4x8x128xf32, #tpu.memory_space<vmem>>
        tpu.wait_dma2 semaphore(%arg15 : memref<!tpu.dma_semaphore, #tpu.memory_space<semaphore_mem>>) src(%dma_wait3A_2096 : memref<4x8x128xf32, #tpu.memory_space<vmem>>) dst(%dma_wait3A_2092 : memref<4x8x128xf32, #tpu.memory_space<hbm>>)
        %dma_wait3A_2097 = arith.constant 0 : i32
        %dma_wait3A_2098 = arith.constant 0 : i32
        %dma_wait3A_2099 = arith.constant 0 : i32
        %dma_wait3A_2100 = arith.constant 0 : i32
        %dma_wait3A_2101 = arith.constant 0 : i32
        %dma_wait3A_2102 = arith.constant 0 : i32
        %dma_wait3A_2103 = tpu.memref_slice %arg10[%dma_wait3A_2100, %dma_wait3A_2101, %dma_wait3A_2102] : memref<4x32x129xf32, #tpu.memory_space<vmem>> -> memref<4x8x128xf32, #tpu.memory_space<vmem>>
        %dma_wait3A_2104 = arith.constant 0 : i32
        %dma_wait3A_2105 = arith.constant 0 : i32
        %dma_wait3A_2106 = arith.constant 0 : i32
        %dma_wait3A_2107 = tpu.memref_slice %arg5[%dma_wait3A_2097, %dma_wait3A_2098, %dma_wait3A_2099, %dma_wait3A_2104, %dma_wait3A_2105, %dma_wait3A_2106] : memref<200x4x8x4x8x128xf32, #tpu.memory_space<hbm>> -> memref<1x1x1x4x8x128xf32, #tpu.memory_space<hbm>>
        %dma_wait3A_2108 = tpu.memref_squeeze %dma_wait3A_2107 : memref<1x1x1x4x8x128xf32, #tpu.memory_space<hbm>> -> memref<4x8x128xf32, #tpu.memory_space<hbm>>
        %dma_wait3A_2109 = arith.constant 0 : i32
        %dma_wait3A_2110 = arith.constant 0 : i32
        %dma_wait3A_2111 = arith.constant 0 : i32
        %dma_wait3A_2112 = tpu.memref_slice %arg5[%dma_wait3A_2097, %dma_wait3A_2098, %dma_wait3A_2099, %dma_wait3A_2109, %dma_wait3A_2110, %dma_wait3A_2111] : memref<200x4x8x4x8x128xf32, #tpu.memory_space<hbm>> -> memref<1x1x1x4x8x128xf32, #tpu.memory_space<hbm>>
        %dma_wait3A_2113 = tpu.memref_squeeze %dma_wait3A_2112 : memref<1x1x1x4x8x128xf32, #tpu.memory_space<hbm>> -> memref<4x8x128xf32, #tpu.memory_space<hbm>>
        %dma_wait3A_2114 = arith.constant 0 : i32
        %dma_wait3A_2115 = arith.constant 0 : i32
        %dma_wait3A_2116 = arith.constant 0 : i32
        %dma_wait3A_2117 = tpu.memref_slice %arg10[%dma_wait3A_2114, %dma_wait3A_2115, %dma_wait3A_2116] : memref<4x32x129xf32, #tpu.memory_space<vmem>> -> memref<4x8x128xf32, #tpu.memory_space<vmem>>
        tpu.wait_dma2 semaphore(%arg15 : memref<!tpu.dma_semaphore, #tpu.memory_space<semaphore_mem>>) src(%dma_wait3A_2117 : memref<4x8x128xf32, #tpu.memory_space<vmem>>) dst(%dma_wait3A_2113 : memref<4x8x128xf32, #tpu.memory_space<hbm>>)
        %dma_wait3A_2118 = arith.constant 0 : i32
        %dma_wait3A_2119 = arith.constant 0 : i32
        %dma_wait3A_2120 = arith.constant 0 : i32
        %dma_wait3A_2121 = arith.constant 0 : i32
        %dma_wait3A_2122 = arith.constant 0 : i32
        %dma_wait3A_2123 = arith.constant 0 : i32
        %dma_wait3A_2124 = tpu.memref_slice %arg10[%dma_wait3A_2121, %dma_wait3A_2122, %dma_wait3A_2123] : memref<4x32x129xf32, #tpu.memory_space<vmem>> -> memref<4x8x128xf32, #tpu.memory_space<vmem>>
        %dma_wait3A_2125 = arith.constant 0 : i32
        %dma_wait3A_2126 = arith.constant 0 : i32
        %dma_wait3A_2127 = arith.constant 0 : i32
        %dma_wait3A_2128 = tpu.memref_slice %arg5[%dma_wait3A_2118, %dma_wait3A_2119, %dma_wait3A_2120, %dma_wait3A_2125, %dma_wait3A_2126, %dma_wait3A_2127] : memref<200x4x8x4x8x128xf32, #tpu.memory_space<hbm>> -> memref<1x1x1x4x8x128xf32, #tpu.memory_space<hbm>>
        %dma_wait3A_2129 = tpu.memref_squeeze %dma_wait3A_2128 : memref<1x1x1x4x8x128xf32, #tpu.memory_space<hbm>> -> memref<4x8x128xf32, #tpu.memory_space<hbm>>
        %dma_wait3A_2130 = arith.constant 0 : i32
        %dma_wait3A_2131 = arith.constant 0 : i32
        %dma_wait3A_2132 = arith.constant 0 : i32
        %dma_wait3A_2133 = tpu.memref_slice %arg5[%dma_wait3A_2118, %dma_wait3A_2119, %dma_wait3A_2120, %dma_wait3A_2130, %dma_wait3A_2131, %dma_wait3A_2132] : memref<200x4x8x4x8x128xf32, #tpu.memory_space<hbm>> -> memref<1x1x1x4x8x128xf32, #tpu.memory_space<hbm>>
        %dma_wait3A_2134 = tpu.memref_squeeze %dma_wait3A_2133 : memref<1x1x1x4x8x128xf32, #tpu.memory_space<hbm>> -> memref<4x8x128xf32, #tpu.memory_space<hbm>>
        %dma_wait3A_2135 = arith.constant 0 : i32
        %dma_wait3A_2136 = arith.constant 0 : i32
        %dma_wait3A_2137 = arith.constant 0 : i32
        %dma_wait3A_2138 = tpu.memref_slice %arg10[%dma_wait3A_2135, %dma_wait3A_2136, %dma_wait3A_2137] : memref<4x32x129xf32, #tpu.memory_space<vmem>> -> memref<4x8x128xf32, #tpu.memory_space<vmem>>
        tpu.wait_dma2 semaphore(%arg15 : memref<!tpu.dma_semaphore, #tpu.memory_space<semaphore_mem>>) src(%dma_wait3A_2138 : memref<4x8x128xf32, #tpu.memory_space<vmem>>) dst(%dma_wait3A_2134 : memref<4x8x128xf32, #tpu.memory_space<hbm>>)
        %dma_wait3A_2139 = arith.constant 0 : i32
        %dma_wait3A_2140 = arith.constant 0 : i32
        %dma_wait3A_2141 = arith.constant 0 : i32
        %dma_wait3A_2142 = arith.constant 0 : i32
        %dma_wait3A_2143 = arith.constant 0 : i32
        %dma_wait3A_2144 = arith.constant 0 : i32
        %dma_wait3A_2145 = tpu.memref_slice %arg10[%dma_wait3A_2142, %dma_wait3A_2143, %dma_wait3A_2144] : memref<4x32x129xf32, #tpu.memory_space<vmem>> -> memref<4x8x128xf32, #tpu.memory_space<vmem>>
        %dma_wait3A_2146 = arith.constant 0 : i32
        %dma_wait3A_2147 = arith.constant 0 : i32
        %dma_wait3A_2148 = arith.constant 0 : i32
        %dma_wait3A_2149 = tpu.memref_slice %arg5[%dma_wait3A_2139, %dma_wait3A_2140, %dma_wait3A_2141, %dma_wait3A_2146, %dma_wait3A_2147, %dma_wait3A_2148] : memref<200x4x8x4x8x128xf32, #tpu.memory_space<hbm>> -> memref<1x1x1x4x8x128xf32, #tpu.memory_space<hbm>>
        %dma_wait3A_2150 = tpu.memref_squeeze %dma_wait3A_2149 : memref<1x1x1x4x8x128xf32, #tpu.memory_space<hbm>> -> memref<4x8x128xf32, #tpu.memory_space<hbm>>
        %dma_wait3A_2151 = arith.constant 0 : i32
        %dma_wait3A_2152 = arith.constant 0 : i32
        %dma_wait3A_2153 = arith.constant 0 : i32
        %dma_wait3A_2154 = tpu.memref_slice %arg5[%dma_wait3A_2139, %dma_wait3A_2140, %dma_wait3A_2141, %dma_wait3A_2151, %dma_wait3A_2152, %dma_wait3A_2153] : memref<200x4x8x4x8x128xf32, #tpu.memory_space<hbm>> -> memref<1x1x1x4x8x128xf32, #tpu.memory_space<hbm>>
        %dma_wait3A_2155 = tpu.memref_squeeze %dma_wait3A_2154 : memref<1x1x1x4x8x128xf32, #tpu.memory_space<hbm>> -> memref<4x8x128xf32, #tpu.memory_space<hbm>>
        %dma_wait3A_2156 = arith.constant 0 : i32
        %dma_wait3A_2157 = arith.constant 0 : i32
        %dma_wait3A_2158 = arith.constant 0 : i32
        %dma_wait3A_2159 = tpu.memref_slice %arg10[%dma_wait3A_2156, %dma_wait3A_2157, %dma_wait3A_2158] : memref<4x32x129xf32, #tpu.memory_space<vmem>> -> memref<4x8x128xf32, #tpu.memory_space<vmem>>
        tpu.wait_dma2 semaphore(%arg15 : memref<!tpu.dma_semaphore, #tpu.memory_space<semaphore_mem>>) src(%dma_wait3A_2159 : memref<4x8x128xf32, #tpu.memory_space<vmem>>) dst(%dma_wait3A_2155 : memref<4x8x128xf32, #tpu.memory_space<hbm>>)
      } else {
      }
      %get3A_1982 = arith.index_cast %add3A_1905 : i32 to index
      %get3A_1983 = arith.constant 0 : index
      %get3A_1984 = tpu.vector_load %arg11[%get3A_1982, %get3A_1983] {strides = array<i32>} : memref<200x32xf32, #tpu.memory_space<vmem>>, vector<16xf32>,
      %get3A_1985 = arith.index_cast %add3A_1905 : i32 to index
      %get3A_1986 = arith.constant 16 : index
      %get3A_1987 = tpu.vector_load %arg11[%get3A_1985, %get3A_1986] {strides = array<i32>} : memref<200x32xf32, #tpu.memory_space<vmem>>, vector<16xf32>,
      %parallel_loop3A_1988 = arith.constant 0 : i32
      %parallel_loop3A_1989 = arith.constant 128 : i32
      %parallel_loop3A_1990 = arith.constant 1 : i32
      scf.for %parallel_loop3A_2076 = %parallel_loop3A_1988 to %parallel_loop3A_1989 step %parallel_loop3A_1990  : i32 {
        %parallel_loop3A_2077 = vector.broadcast %parallel_loop3A_2076 : i32 to vector<16xi32>
        %parallel_loop3A_2078 = arith.addi %mul3A_1468, %parallel_loop3A_2077 : vector<16xi32>
        %parallel_loop3A_2079 = arith.constant 0 : i32
        %parallel_loop3A_2080 = arith.index_cast %parallel_loop3A_2079 : i32 to index
        %parallel_loop3A_2081 = arith.index_cast %parallel_loop3A_2076 : i32 to index
        %parallel_loop3A_2082 = arith.constant 0 : index
        %parallel_loop3A_2083 = tpu.vector_load %arg8[%parallel_loop3A_2080, %parallel_loop3A_2081, %parallel_loop3A_2082] {strides = array<i32>} : memref<4x128x32xf32, #tpu.memory_space<vmem>>, vector<16xf32>,
        %parallel_loop3A_2084 = arith.addf %parallel_loop3A_2083, %get3A_1984 : vector<16xf32>
        %parallel_loop3A_2085 = arith.constant 0 : i32
        %parallel_loop3A_2086 = vector.broadcast %parallel_loop3A_2085 : i32 to vector<16xi32>
        %parallel_loop3A_2087 = arith.addi %mul3A_1468, %parallel_loop3A_2086 : vector<16xi32>
        tpu.vector_store_idx %arg10[%parallel_loop3A_2087, %iota3A, %parallel_loop3A_2078], %parallel_loop3A_2084 : memref<4x32x129xf32, #tpu.memory_space<vmem>>[vector<16xi32>, vector<16xi32>, vector<16xi32>], vector<16xf32>,
        %parallel_loop3A_2088 = arith.constant 0 : i32
        %parallel_loop3A_2089 = arith.index_cast %parallel_loop3A_2088 : i32 to index
        %parallel_loop3A_2090 = arith.index_cast %parallel_loop3A_2076 : i32 to index
        %parallel_loop3A_2091 = arith.constant 16 : index
        %parallel_loop3A_2092 = tpu.vector_load %arg8[%parallel_loop3A_2089, %parallel_loop3A_2090, %parallel_loop3A_2091] {strides = array<i32>} : memref<4x128x32xf32, #tpu.memory_space<vmem>>, vector<16xf32>,
        %parallel_loop3A_2093 = arith.addf %parallel_loop3A_2092, %get3A_1987 : vector<16xf32>
        %parallel_loop3A_2094 = arith.constant 0 : i32
        %parallel_loop3A_2095 = vector.broadcast %parallel_loop3A_2094 : i32 to vector<16xi32>
        %parallel_loop3A_2096 = arith.addi %mul3A_1468, %parallel_loop3A_2095 : vector<16xi32>
        tpu.vector_store_idx %arg10[%parallel_loop3A_2096, %add3A_1465, %parallel_loop3A_2078], %parallel_loop3A_2093 : memref<4x32x129xf32, #tpu.memory_space<vmem>>[vector<16xi32>, vector<16xi32>, vector<16xi32>], vector<16xf32>,
      } {sc.loop_unroll_factor = 8 : i64, sc.parallel_access}
      %parallel_loop3A_1991 = arith.constant 0 : i32
      %parallel_loop3A_1992 = arith.constant 128 : i32
      %parallel_loop3A_1993 = arith.constant 1 : i32
      scf.for %parallel_loop3A_2076 = %parallel_loop3A_1991 to %parallel_loop3A_1992 step %parallel_loop3A_1993  : i32 {
        %parallel_loop3A_2077 = vector.broadcast %parallel_loop3A_2076 : i32 to vector<16xi32>
        %parallel_loop3A_2078 = arith.addi %mul3A_1468, %parallel_loop3A_2077 : vector<16xi32>
        %parallel_loop3A_2079 = arith.constant 1 : i32
        %parallel_loop3A_2080 = arith.index_cast %parallel_loop3A_2079 : i32 to index
        %parallel_loop3A_2081 = arith.index_cast %parallel_loop3A_2076 : i32 to index
        %parallel_loop3A_2082 = arith.constant 0 : index
        %parallel_loop3A_2083 = tpu.vector_load %arg8[%parallel_loop3A_2080, %parallel_loop3A_2081, %parallel_loop3A_2082] {strides = array<i32>} : memref<4x128x32xf32, #tpu.memory_space<vmem>>, vector<16xf32>,
        %parallel_loop3A_2084 = arith.addf %parallel_loop3A_2083, %get3A_1984 : vector<16xf32>
        %parallel_loop3A_2085 = arith.constant 1 : i32
        %parallel_loop3A_2086 = vector.broadcast %parallel_loop3A_2085 : i32 to vector<16xi32>
        %parallel_loop3A_2087 = arith.addi %mul3A_1468, %parallel_loop3A_2086 : vector<16xi32>
        tpu.vector_store_idx %arg10[%parallel_loop3A_2087, %iota3A, %parallel_loop3A_2078], %parallel_loop3A_2084 : memref<4x32x129xf32, #tpu.memory_space<vmem>>[vector<16xi32>, vector<16xi32>, vector<16xi32>], vector<16xf32>,
        %parallel_loop3A_2088 = arith.constant 1 : i32
        %parallel_loop3A_2089 = arith.index_cast %parallel_loop3A_2088 : i32 to index
        %parallel_loop3A_2090 = arith.index_cast %parallel_loop3A_2076 : i32 to index
        %parallel_loop3A_2091 = arith.constant 16 : index
        %parallel_loop3A_2092 = tpu.vector_load %arg8[%parallel_loop3A_2089, %parallel_loop3A_2090, %parallel_loop3A_2091] {strides = array<i32>} : memref<4x128x32xf32, #tpu.memory_space<vmem>>, vector<16xf32>,
        %parallel_loop3A_2093 = arith.addf %parallel_loop3A_2092, %get3A_1987 : vector<16xf32>
        %parallel_loop3A_2094 = arith.constant 1 : i32
        %parallel_loop3A_2095 = vector.broadcast %parallel_loop3A_2094 : i32 to vector<16xi32>
        %parallel_loop3A_2096 = arith.addi %mul3A_1468, %parallel_loop3A_2095 : vector<16xi32>
        tpu.vector_store_idx %arg10[%parallel_loop3A_2096, %add3A_1465, %parallel_loop3A_2078], %parallel_loop3A_2093 : memref<4x32x129xf32, #tpu.memory_space<vmem>>[vector<16xi32>, vector<16xi32>, vector<16xi32>], vector<16xf32>,
      } {sc.loop_unroll_factor = 8 : i64, sc.parallel_access}
      %parallel_loop3A_1994 = arith.constant 0 : i32
      %parallel_loop3A_1995 = arith.constant 128 : i32
      %parallel_loop3A_1996 = arith.constant 1 : i32
      scf.for %parallel_loop3A_2076 = %parallel_loop3A_1994 to %parallel_loop3A_1995 step %parallel_loop3A_1996  : i32 {
        %parallel_loop3A_2077 = vector.broadcast %parallel_loop3A_2076 : i32 to vector<16xi32>
        %parallel_loop3A_2078 = arith.addi %mul3A_1468, %parallel_loop3A_2077 : vector<16xi32>
        %parallel_loop3A_2079 = arith.constant 2 : i32
        %parallel_loop3A_2080 = arith.index_cast %parallel_loop3A_2079 : i32 to index
        %parallel_loop3A_2081 = arith.index_cast %parallel_loop3A_2076 : i32 to index
        %parallel_loop3A_2082 = arith.constant 0 : index
        %parallel_loop3A_2083 = tpu.vector_load %arg8[%parallel_loop3A_2080, %parallel_loop3A_2081, %parallel_loop3A_2082] {strides = array<i32>} : memref<4x128x32xf32, #tpu.memory_space<vmem>>, vector<16xf32>,
        %parallel_loop3A_2084 = arith.addf %parallel_loop3A_2083, %get3A_1984 : vector<16xf32>
        %parallel_loop3A_2085 = arith.constant 2 : i32
        %parallel_loop3A_2086 = vector.broadcast %parallel_loop3A_2085 : i32 to vector<16xi32>
        %parallel_loop3A_2087 = arith.addi %mul3A_1468, %parallel_loop3A_2086 : vector<16xi32>
        tpu.vector_store_idx %arg10[%parallel_loop3A_2087, %iota3A, %parallel_loop3A_2078], %parallel_loop3A_2084 : memref<4x32x129xf32, #tpu.memory_space<vmem>>[vector<16xi32>, vector<16xi32>, vector<16xi32>], vector<16xf32>,
        %parallel_loop3A_2088 = arith.constant 2 : i32
        %parallel_loop3A_2089 = arith.index_cast %parallel_loop3A_2088 : i32 to index
        %parallel_loop3A_2090 = arith.index_cast %parallel_loop3A_2076 : i32 to index
        %parallel_loop3A_2091 = arith.constant 16 : index
        %parallel_loop3A_2092 = tpu.vector_load %arg8[%parallel_loop3A_2089, %parallel_loop3A_2090, %parallel_loop3A_2091] {strides = array<i32>} : memref<4x128x32xf32, #tpu.memory_space<vmem>>, vector<16xf32>,
        %parallel_loop3A_2093 = arith.addf %parallel_loop3A_2092, %get3A_1987 : vector<16xf32>
        %parallel_loop3A_2094 = arith.constant 2 : i32
        %parallel_loop3A_2095 = vector.broadcast %parallel_loop3A_2094 : i32 to vector<16xi32>
        %parallel_loop3A_2096 = arith.addi %mul3A_1468, %parallel_loop3A_2095 : vector<16xi32>
        tpu.vector_store_idx %arg10[%parallel_loop3A_2096, %add3A_1465, %parallel_loop3A_2078], %parallel_loop3A_2093 : memref<4x32x129xf32, #tpu.memory_space<vmem>>[vector<16xi32>, vector<16xi32>, vector<16xi32>], vector<16xf32>,
      } {sc.loop_unroll_factor = 8 : i64, sc.parallel_access}
      %parallel_loop3A_1997 = arith.constant 0 : i32
      %parallel_loop3A_1998 = arith.constant 128 : i32
      %parallel_loop3A_1999 = arith.constant 1 : i32
      scf.for %parallel_loop3A_2076 = %parallel_loop3A_1997 to %parallel_loop3A_1998 step %parallel_loop3A_1999  : i32 {
        %parallel_loop3A_2077 = vector.broadcast %parallel_loop3A_2076 : i32 to vector<16xi32>
        %parallel_loop3A_2078 = arith.addi %mul3A_1468, %parallel_loop3A_2077 : vector<16xi32>
        %parallel_loop3A_2079 = arith.constant 3 : i32
        %parallel_loop3A_2080 = arith.index_cast %parallel_loop3A_2079 : i32 to index
        %parallel_loop3A_2081 = arith.index_cast %parallel_loop3A_2076 : i32 to index
        %parallel_loop3A_2082 = arith.constant 0 : index
        %parallel_loop3A_2083 = tpu.vector_load %arg8[%parallel_loop3A_2080, %parallel_loop3A_2081, %parallel_loop3A_2082] {strides = array<i32>} : memref<4x128x32xf32, #tpu.memory_space<vmem>>, vector<16xf32>,
        %parallel_loop3A_2084 = arith.addf %parallel_loop3A_2083, %get3A_1984 : vector<16xf32>
        %parallel_loop3A_2085 = arith.constant 3 : i32
        %parallel_loop3A_2086 = vector.broadcast %parallel_loop3A_2085 : i32 to vector<16xi32>
        %parallel_loop3A_2087 = arith.addi %mul3A_1468, %parallel_loop3A_2086 : vector<16xi32>
        tpu.vector_store_idx %arg10[%parallel_loop3A_2087, %iota3A, %parallel_loop3A_2078], %parallel_loop3A_2084 : memref<4x32x129xf32, #tpu.memory_space<vmem>>[vector<16xi32>, vector<16xi32>, vector<16xi32>], vector<16xf32>,
        %parallel_loop3A_2088 = arith.constant 3 : i32
        %parallel_loop3A_2089 = arith.index_cast %parallel_loop3A_2088 : i32 to index
        %parallel_loop3A_2090 = arith.index_cast %parallel_loop3A_2076 : i32 to index
        %parallel_loop3A_2091 = arith.constant 16 : index
        %parallel_loop3A_2092 = tpu.vector_load %arg8[%parallel_loop3A_2089, %parallel_loop3A_2090, %parallel_loop3A_2091] {strides = array<i32>} : memref<4x128x32xf32, #tpu.memory_space<vmem>>, vector<16xf32>,
        %parallel_loop3A_2093 = arith.addf %parallel_loop3A_2092, %get3A_1987 : vector<16xf32>
        %parallel_loop3A_2094 = arith.constant 3 : i32
        %parallel_loop3A_2095 = vector.broadcast %parallel_loop3A_2094 : i32 to vector<16xi32>
        %parallel_loop3A_2096 = arith.addi %mul3A_1468, %parallel_loop3A_2095 : vector<16xi32>
        tpu.vector_store_idx %arg10[%parallel_loop3A_2096, %add3A_1465, %parallel_loop3A_2078], %parallel_loop3A_2093 : memref<4x32x129xf32, #tpu.memory_space<vmem>>[vector<16xi32>, vector<16xi32>, vector<16xi32>], vector<16xf32>,
      } {sc.loop_unroll_factor = 8 : i64, sc.parallel_access}
      %dma_start3A_2000 = arith.constant 0 : i32
      %dma_start3A_2001 = arith.constant 0 : i32
      %dma_start3A_2002 = arith.constant 0 : i32
      %dma_start3A_2003 = arith.constant 0 : i32
      %dma_start3A_2004 = tpu.memref_slice %arg10[%dma_start3A_2001, %dma_start3A_2002, %dma_start3A_2003] : memref<4x32x129xf32, #tpu.memory_space<vmem>> -> memref<4x8x128xf32, #tpu.memory_space<vmem>>
      %dma_start3A_2005 = arith.constant 0 : i32
      %dma_start3A_2006 = arith.constant 0 : i32
      %dma_start3A_2007 = arith.constant 0 : i32
      %dma_start3A_2008 = tpu.memref_slice %arg5[%add3A_1905, %dma_start3A_2000, %select_n3A, %dma_start3A_2005, %dma_start3A_2006, %dma_start3A_2007] : memref<200x4x8x4x8x128xf32, #tpu.memory_space<hbm>> -> memref<1x1x1x4x8x128xf32, #tpu.memory_space<hbm>>
      %dma_start3A_2009 = tpu.memref_squeeze %dma_start3A_2008 : memref<1x1x1x4x8x128xf32, #tpu.memory_space<hbm>> -> memref<4x8x128xf32, #tpu.memory_space<hbm>>
      %dma_start3A_2010 = arith.constant 0 : i32
      %dma_start3A_2011 = arith.constant 0 : i32
      %dma_start3A_2012 = arith.constant 0 : i32
      %dma_start3A_2013 = tpu.memref_slice %arg5[%add3A_1905, %dma_start3A_2000, %select_n3A, %dma_start3A_2010, %dma_start3A_2011, %dma_start3A_2012] : memref<200x4x8x4x8x128xf32, #tpu.memory_space<hbm>> -> memref<1x1x1x4x8x128xf32, #tpu.memory_space<hbm>>
      %dma_start3A_2014 = tpu.memref_squeeze %dma_start3A_2013 : memref<1x1x1x4x8x128xf32, #tpu.memory_space<hbm>> -> memref<4x8x128xf32, #tpu.memory_space<hbm>>
      %dma_start3A_2015 = arith.constant 0 : i32
      %dma_start3A_2016 = arith.constant 0 : i32
      %dma_start3A_2017 = arith.constant 0 : i32
      %dma_start3A_2018 = tpu.memref_slice %arg10[%dma_start3A_2015, %dma_start3A_2016, %dma_start3A_2017] : memref<4x32x129xf32, #tpu.memory_space<vmem>> -> memref<4x8x128xf32, #tpu.memory_space<vmem>>
      tpu.enqueue_dma source(%dma_start3A_2018 : memref<4x8x128xf32, #tpu.memory_space<vmem>>) target(%dma_start3A_2014 : memref<4x8x128xf32, #tpu.memory_space<hbm>>) target_semaphore(%arg15 : memref<!tpu.dma_semaphore, #tpu.memory_space<semaphore_mem>>)
      %dma_start3A_2019 = arith.constant 1 : i32
      %dma_start3A_2020 = arith.constant 0 : i32
      %dma_start3A_2021 = arith.constant 8 : i32
      %dma_start3A_2022 = arith.constant 0 : i32
      %dma_start3A_2023 = tpu.memref_slice %arg10[%dma_start3A_2020, %dma_start3A_2021, %dma_start3A_2022] : memref<4x32x129xf32, #tpu.memory_space<vmem>> -> memref<4x8x128xf32, #tpu.memory_space<vmem>>
      %dma_start3A_2024 = arith.constant 0 : i32
      %dma_start3A_2025 = arith.constant 0 : i32
      %dma_start3A_2026 = arith.constant 0 : i32
      %dma_start3A_2027 = tpu.memref_slice %arg5[%add3A_1905, %dma_start3A_2019, %select_n3A, %dma_start3A_2024, %dma_start3A_2025, %dma_start3A_2026] : memref<200x4x8x4x8x128xf32, #tpu.memory_space<hbm>> -> memref<1x1x1x4x8x128xf32, #tpu.memory_space<hbm>>
      %dma_start3A_2028 = tpu.memref_squeeze %dma_start3A_2027 : memref<1x1x1x4x8x128xf32, #tpu.memory_space<hbm>> -> memref<4x8x128xf32, #tpu.memory_space<hbm>>
      %dma_start3A_2029 = arith.constant 0 : i32
      %dma_start3A_2030 = arith.constant 0 : i32
      %dma_start3A_2031 = arith.constant 0 : i32
      %dma_start3A_2032 = tpu.memref_slice %arg5[%add3A_1905, %dma_start3A_2019, %select_n3A, %dma_start3A_2029, %dma_start3A_2030, %dma_start3A_2031] : memref<200x4x8x4x8x128xf32, #tpu.memory_space<hbm>> -> memref<1x1x1x4x8x128xf32, #tpu.memory_space<hbm>>
      %dma_start3A_2033 = tpu.memref_squeeze %dma_start3A_2032 : memref<1x1x1x4x8x128xf32, #tpu.memory_space<hbm>> -> memref<4x8x128xf32, #tpu.memory_space<hbm>>
      %dma_start3A_2034 = arith.constant 0 : i32
      %dma_start3A_2035 = arith.constant 8 : i32
      %dma_start3A_2036 = arith.constant 0 : i32
      %dma_start3A_2037 = tpu.memref_slice %arg10[%dma_start3A_2034, %dma_start3A_2035, %dma_start3A_2036] : memref<4x32x129xf32, #tpu.memory_space<vmem>> -> memref<4x8x128xf32, #tpu.memory_space<vmem>>
      tpu.enqueue_dma source(%dma_start3A_2037 : memref<4x8x128xf32, #tpu.memory_space<vmem>>) target(%dma_start3A_2033 : memref<4x8x128xf32, #tpu.memory_space<hbm>>) target_semaphore(%arg15 : memref<!tpu.dma_semaphore, #tpu.memory_space<semaphore_mem>>)
      %dma_start3A_2038 = arith.constant 2 : i32
      %dma_start3A_2039 = arith.constant 0 : i32
      %dma_start3A_2040 = arith.constant 16 : i32
      %dma_start3A_2041 = arith.constant 0 : i32
      %dma_start3A_2042 = tpu.memref_slice %arg10[%dma_start3A_2039, %dma_start3A_2040, %dma_start3A_2041] : memref<4x32x129xf32, #tpu.memory_space<vmem>> -> memref<4x8x128xf32, #tpu.memory_space<vmem>>
      %dma_start3A_2043 = arith.constant 0 : i32
      %dma_start3A_2044 = arith.constant 0 : i32
      %dma_start3A_2045 = arith.constant 0 : i32
      %dma_start3A_2046 = tpu.memref_slice %arg5[%add3A_1905, %dma_start3A_2038, %select_n3A, %dma_start3A_2043, %dma_start3A_2044, %dma_start3A_2045] : memref<200x4x8x4x8x128xf32, #tpu.memory_space<hbm>> -> memref<1x1x1x4x8x128xf32, #tpu.memory_space<hbm>>
      %dma_start3A_2047 = tpu.memref_squeeze %dma_start3A_2046 : memref<1x1x1x4x8x128xf32, #tpu.memory_space<hbm>> -> memref<4x8x128xf32, #tpu.memory_space<hbm>>
      %dma_start3A_2048 = arith.constant 0 : i32
      %dma_start3A_2049 = arith.constant 0 : i32
      %dma_start3A_2050 = arith.constant 0 : i32
      %dma_start3A_2051 = tpu.memref_slice %arg5[%add3A_1905, %dma_start3A_2038, %select_n3A, %dma_start3A_2048, %dma_start3A_2049, %dma_start3A_2050] : memref<200x4x8x4x8x128xf32, #tpu.memory_space<hbm>> -> memref<1x1x1x4x8x128xf32, #tpu.memory_space<hbm>>
      %dma_start3A_2052 = tpu.memref_squeeze %dma_start3A_2051 : memref<1x1x1x4x8x128xf32, #tpu.memory_space<hbm>> -> memref<4x8x128xf32, #tpu.memory_space<hbm>>
      %dma_start3A_2053 = arith.constant 0 : i32
      %dma_start3A_2054 = arith.constant 16 : i32
      %dma_start3A_2055 = arith.constant 0 : i32
      %dma_start3A_2056 = tpu.memref_slice %arg10[%dma_start3A_2053, %dma_start3A_2054, %dma_start3A_2055] : memref<4x32x129xf32, #tpu.memory_space<vmem>> -> memref<4x8x128xf32, #tpu.memory_space<vmem>>
      tpu.enqueue_dma source(%dma_start3A_2056 : memref<4x8x128xf32, #tpu.memory_space<vmem>>) target(%dma_start3A_2052 : memref<4x8x128xf32, #tpu.memory_space<hbm>>) target_semaphore(%arg15 : memref<!tpu.dma_semaphore, #tpu.memory_space<semaphore_mem>>)
      %dma_start3A_2057 = arith.constant 3 : i32
      %dma_start3A_2058 = arith.constant 0 : i32
      %dma_start3A_2059 = arith.constant 24 : i32
      %dma_start3A_2060 = arith.constant 0 : i32
      %dma_start3A_2061 = tpu.memref_slice %arg10[%dma_start3A_2058, %dma_start3A_2059, %dma_start3A_2060] : memref<4x32x129xf32, #tpu.memory_space<vmem>> -> memref<4x8x128xf32, #tpu.memory_space<vmem>>
      %dma_start3A_2062 = arith.constant 0 : i32
      %dma_start3A_2063 = arith.constant 0 : i32
      %dma_start3A_2064 = arith.constant 0 : i32
      %dma_start3A_2065 = tpu.memref_slice %arg5[%add3A_1905, %dma_start3A_2057, %select_n3A, %dma_start3A_2062, %dma_start3A_2063, %dma_start3A_2064] : memref<200x4x8x4x8x128xf32, #tpu.memory_space<hbm>> -> memref<1x1x1x4x8x128xf32, #tpu.memory_space<hbm>>
      %dma_start3A_2066 = tpu.memref_squeeze %dma_start3A_2065 : memref<1x1x1x4x8x128xf32, #tpu.memory_space<hbm>> -> memref<4x8x128xf32, #tpu.memory_space<hbm>>
      %dma_start3A_2067 = arith.constant 0 : i32
      %dma_start3A_2068 = arith.constant 0 : i32
      %dma_start3A_2069 = arith.constant 0 : i32
      %dma_start3A_2070 = tpu.memref_slice %arg5[%add3A_1905, %dma_start3A_2057, %select_n3A, %dma_start3A_2067, %dma_start3A_2068, %dma_start3A_2069] : memref<200x4x8x4x8x128xf32, #tpu.memory_space<hbm>> -> memref<1x1x1x4x8x128xf32, #tpu.memory_space<hbm>>
      %dma_start3A_2071 = tpu.memref_squeeze %dma_start3A_2070 : memref<1x1x1x4x8x128xf32, #tpu.memory_space<hbm>> -> memref<4x8x128xf32, #tpu.memory_space<hbm>>
      %dma_start3A_2072 = arith.constant 0 : i32
      %dma_start3A_2073 = arith.constant 24 : i32
      %dma_start3A_2074 = arith.constant 0 : i32
      %dma_start3A_2075 = tpu.memref_slice %arg10[%dma_start3A_2072, %dma_start3A_2073, %dma_start3A_2074] : memref<4x32x129xf32, #tpu.memory_space<vmem>> -> memref<4x8x128xf32, #tpu.memory_space<vmem>>
      tpu.enqueue_dma source(%dma_start3A_2075 : memref<4x8x128xf32, #tpu.memory_space<vmem>>) target(%dma_start3A_2071 : memref<4x8x128xf32, #tpu.memory_space<hbm>>) target_semaphore(%arg15 : memref<!tpu.dma_semaphore, #tpu.memory_space<semaphore_mem>>)
    }
    %scan3A_1561 = arith.constant 25 : i32
    %dma_wait3A_1562 = arith.constant 0 : i32
    %dma_wait3A_1563 = arith.constant 0 : i32
    %dma_wait3A_1564 = arith.constant 0 : i32
    %dma_wait3A_1565 = arith.constant 0 : i32
    %dma_wait3A_1566 = arith.constant 0 : i32
    %dma_wait3A_1567 = arith.constant 0 : i32
    %dma_wait3A_1568 = tpu.memref_slice %arg9[%dma_wait3A_1565, %dma_wait3A_1566, %dma_wait3A_1567] : memref<4x32x129xf32, #tpu.memory_space<vmem>> -> memref<4x8x128xf32, #tpu.memory_space<vmem>>
    %dma_wait3A_1569 = arith.constant 0 : i32
    %dma_wait3A_1570 = arith.constant 0 : i32
    %dma_wait3A_1571 = arith.constant 0 : i32
    %dma_wait3A_1572 = tpu.memref_slice %arg5[%dma_wait3A_1562, %dma_wait3A_1563, %dma_wait3A_1564, %dma_wait3A_1569, %dma_wait3A_1570, %dma_wait3A_1571] : memref<200x4x8x4x8x128xf32, #tpu.memory_space<hbm>> -> memref<1x1x1x4x8x128xf32, #tpu.memory_space<hbm>>
    %dma_wait3A_1573 = tpu.memref_squeeze %dma_wait3A_1572 : memref<1x1x1x4x8x128xf32, #tpu.memory_space<hbm>> -> memref<4x8x128xf32, #tpu.memory_space<hbm>>
    %dma_wait3A_1574 = arith.constant 0 : i32
    %dma_wait3A_1575 = arith.constant 0 : i32
    %dma_wait3A_1576 = arith.constant 0 : i32
    %dma_wait3A_1577 = tpu.memref_slice %arg5[%dma_wait3A_1562, %dma_wait3A_1563, %dma_wait3A_1564, %dma_wait3A_1574, %dma_wait3A_1575, %dma_wait3A_1576] : memref<200x4x8x4x8x128xf32, #tpu.memory_space<hbm>> -> memref<1x1x1x4x8x128xf32, #tpu.memory_space<hbm>>
    %dma_wait3A_1578 = tpu.memref_squeeze %dma_wait3A_1577 : memref<1x1x1x4x8x128xf32, #tpu.memory_space<hbm>> -> memref<4x8x128xf32, #tpu.memory_space<hbm>>
    %dma_wait3A_1579 = arith.constant 0 : i32
    %dma_wait3A_1580 = arith.constant 0 : i32
    %dma_wait3A_1581 = arith.constant 0 : i32
    %dma_wait3A_1582 = tpu.memref_slice %arg9[%dma_wait3A_1579, %dma_wait3A_1580, %dma_wait3A_1581] : memref<4x32x129xf32, #tpu.memory_space<vmem>> -> memref<4x8x128xf32, #tpu.memory_space<vmem>>
    tpu.wait_dma2 semaphore(%arg14 : memref<!tpu.dma_semaphore, #tpu.memory_space<semaphore_mem>>) src(%dma_wait3A_1582 : memref<4x8x128xf32, #tpu.memory_space<vmem>>) dst(%dma_wait3A_1578 : memref<4x8x128xf32, #tpu.memory_space<hbm>>)
    %dma_wait3A_1583 = arith.constant 0 : i32
    %dma_wait3A_1584 = arith.constant 0 : i32
    %dma_wait3A_1585 = arith.constant 0 : i32
    %dma_wait3A_1586 = arith.constant 0 : i32
    %dma_wait3A_1587 = arith.constant 0 : i32
    %dma_wait3A_1588 = arith.constant 0 : i32
    %dma_wait3A_1589 = tpu.memref_slice %arg9[%dma_wait3A_1586, %dma_wait3A_1587, %dma_wait3A_1588] : memref<4x32x129xf32, #tpu.memory_space<vmem>> -> memref<4x8x128xf32, #tpu.memory_space<vmem>>
    %dma_wait3A_1590 = arith.constant 0 : i32
    %dma_wait3A_1591 = arith.constant 0 : i32
    %dma_wait3A_1592 = arith.constant 0 : i32
    %dma_wait3A_1593 = tpu.memref_slice %arg5[%dma_wait3A_1583, %dma_wait3A_1584, %dma_wait3A_1585, %dma_wait3A_1590, %dma_wait3A_1591, %dma_wait3A_1592] : memref<200x4x8x4x8x128xf32, #tpu.memory_space<hbm>> -> memref<1x1x1x4x8x128xf32, #tpu.memory_space<hbm>>
    %dma_wait3A_1594 = tpu.memref_squeeze %dma_wait3A_1593 : memref<1x1x1x4x8x128xf32, #tpu.memory_space<hbm>> -> memref<4x8x128xf32, #tpu.memory_space<hbm>>
    %dma_wait3A_1595 = arith.constant 0 : i32
    %dma_wait3A_1596 = arith.constant 0 : i32
    %dma_wait3A_1597 = arith.constant 0 : i32
    %dma_wait3A_1598 = tpu.memref_slice %arg5[%dma_wait3A_1583, %dma_wait3A_1584, %dma_wait3A_1585, %dma_wait3A_1595, %dma_wait3A_1596, %dma_wait3A_1597] : memref<200x4x8x4x8x128xf32, #tpu.memory_space<hbm>> -> memref<1x1x1x4x8x128xf32, #tpu.memory_space<hbm>>
    %dma_wait3A_1599 = tpu.memref_squeeze %dma_wait3A_1598 : memref<1x1x1x4x8x128xf32, #tpu.memory_space<hbm>> -> memref<4x8x128xf32, #tpu.memory_space<hbm>>
    %dma_wait3A_1600 = arith.constant 0 : i32
    %dma_wait3A_1601 = arith.constant 0 : i32
    %dma_wait3A_1602 = arith.constant 0 : i32
    %dma_wait3A_1603 = tpu.memref_slice %arg9[%dma_wait3A_1600, %dma_wait3A_1601, %dma_wait3A_1602] : memref<4x32x129xf32, #tpu.memory_space<vmem>> -> memref<4x8x128xf32, #tpu.memory_space<vmem>>
    tpu.wait_dma2 semaphore(%arg14 : memref<!tpu.dma_semaphore, #tpu.memory_space<semaphore_mem>>) src(%dma_wait3A_1603 : memref<4x8x128xf32, #tpu.memory_space<vmem>>) dst(%dma_wait3A_1599 : memref<4x8x128xf32, #tpu.memory_space<hbm>>)
    %dma_wait3A_1604 = arith.constant 0 : i32
    %dma_wait3A_1605 = arith.constant 0 : i32
    %dma_wait3A_1606 = arith.constant 0 : i32
    %dma_wait3A_1607 = arith.constant 0 : i32
    %dma_wait3A_1608 = arith.constant 0 : i32
    %dma_wait3A_1609 = arith.constant 0 : i32
    %dma_wait3A_1610 = tpu.memref_slice %arg9[%dma_wait3A_1607, %dma_wait3A_1608, %dma_wait3A_1609] : memref<4x32x129xf32, #tpu.memory_space<vmem>> -> memref<4x8x128xf32, #tpu.memory_space<vmem>>
    %dma_wait3A_1611 = arith.constant 0 : i32
    %dma_wait3A_1612 = arith.constant 0 : i32
    %dma_wait3A_1613 = arith.constant 0 : i32
    %dma_wait3A_1614 = tpu.memref_slice %arg5[%dma_wait3A_1604, %dma_wait3A_1605, %dma_wait3A_1606, %dma_wait3A_1611, %dma_wait3A_1612, %dma_wait3A_1613] : memref<200x4x8x4x8x128xf32, #tpu.memory_space<hbm>> -> memref<1x1x1x4x8x128xf32, #tpu.memory_space<hbm>>
    %dma_wait3A_1615 = tpu.memref_squeeze %dma_wait3A_1614 : memref<1x1x1x4x8x128xf32, #tpu.memory_space<hbm>> -> memref<4x8x128xf32, #tpu.memory_space<hbm>>
    %dma_wait3A_1616 = arith.constant 0 : i32
    %dma_wait3A_1617 = arith.constant 0 : i32
    %dma_wait3A_1618 = arith.constant 0 : i32
    %dma_wait3A_1619 = tpu.memref_slice %arg5[%dma_wait3A_1604, %dma_wait3A_1605, %dma_wait3A_1606, %dma_wait3A_1616, %dma_wait3A_1617, %dma_wait3A_1618] : memref<200x4x8x4x8x128xf32, #tpu.memory_space<hbm>> -> memref<1x1x1x4x8x128xf32, #tpu.memory_space<hbm>>
    %dma_wait3A_1620 = tpu.memref_squeeze %dma_wait3A_1619 : memref<1x1x1x4x8x128xf32, #tpu.memory_space<hbm>> -> memref<4x8x128xf32, #tpu.memory_space<hbm>>
    %dma_wait3A_1621 = arith.constant 0 : i32
    %dma_wait3A_1622 = arith.constant 0 : i32
    %dma_wait3A_1623 = arith.constant 0 : i32
    %dma_wait3A_1624 = tpu.memref_slice %arg9[%dma_wait3A_1621, %dma_wait3A_1622, %dma_wait3A_1623] : memref<4x32x129xf32, #tpu.memory_space<vmem>> -> memref<4x8x128xf32, #tpu.memory_space<vmem>>
    tpu.wait_dma2 semaphore(%arg14 : memref<!tpu.dma_semaphore, #tpu.memory_space<semaphore_mem>>) src(%dma_wait3A_1624 : memref<4x8x128xf32, #tpu.memory_space<vmem>>) dst(%dma_wait3A_1620 : memref<4x8x128xf32, #tpu.memory_space<hbm>>)
    %dma_wait3A_1625 = arith.constant 0 : i32
    %dma_wait3A_1626 = arith.constant 0 : i32
    %dma_wait3A_1627 = arith.constant 0 : i32
    %dma_wait3A_1628 = arith.constant 0 : i32
    %dma_wait3A_1629 = arith.constant 0 : i32
    %dma_wait3A_1630 = arith.constant 0 : i32
    %dma_wait3A_1631 = tpu.memref_slice %arg9[%dma_wait3A_1628, %dma_wait3A_1629, %dma_wait3A_1630] : memref<4x32x129xf32, #tpu.memory_space<vmem>> -> memref<4x8x128xf32, #tpu.memory_space<vmem>>
    %dma_wait3A_1632 = arith.constant 0 : i32
    %dma_wait3A_1633 = arith.constant 0 : i32
    %dma_wait3A_1634 = arith.constant 0 : i32
    %dma_wait3A_1635 = tpu.memref_slice %arg5[%dma_wait3A_1625, %dma_wait3A_1626, %dma_wait3A_1627, %dma_wait3A_1632, %dma_wait3A_1633, %dma_wait3A_1634] : memref<200x4x8x4x8x128xf32, #tpu.memory_space<hbm>> -> memref<1x1x1x4x8x128xf32, #tpu.memory_space<hbm>>
    %dma_wait3A_1636 = tpu.memref_squeeze %dma_wait3A_1635 : memref<1x1x1x4x8x128xf32, #tpu.memory_space<hbm>> -> memref<4x8x128xf32, #tpu.memory_space<hbm>>
    %dma_wait3A_1637 = arith.constant 0 : i32
    %dma_wait3A_1638 = arith.constant 0 : i32
    %dma_wait3A_1639 = arith.constant 0 : i32
    %dma_wait3A_1640 = tpu.memref_slice %arg5[%dma_wait3A_1625, %dma_wait3A_1626, %dma_wait3A_1627, %dma_wait3A_1637, %dma_wait3A_1638, %dma_wait3A_1639] : memref<200x4x8x4x8x128xf32, #tpu.memory_space<hbm>> -> memref<1x1x1x4x8x128xf32, #tpu.memory_space<hbm>>
    %dma_wait3A_1641 = tpu.memref_squeeze %dma_wait3A_1640 : memref<1x1x1x4x8x128xf32, #tpu.memory_space<hbm>> -> memref<4x8x128xf32, #tpu.memory_space<hbm>>
    %dma_wait3A_1642 = arith.constant 0 : i32
    %dma_wait3A_1643 = arith.constant 0 : i32
    %dma_wait3A_1644 = arith.constant 0 : i32
    %dma_wait3A_1645 = tpu.memref_slice %arg9[%dma_wait3A_1642, %dma_wait3A_1643, %dma_wait3A_1644] : memref<4x32x129xf32, #tpu.memory_space<vmem>> -> memref<4x8x128xf32, #tpu.memory_space<vmem>>
    tpu.wait_dma2 semaphore(%arg14 : memref<!tpu.dma_semaphore, #tpu.memory_space<semaphore_mem>>) src(%dma_wait3A_1645 : memref<4x8x128xf32, #tpu.memory_space<vmem>>) dst(%dma_wait3A_1641 : memref<4x8x128xf32, #tpu.memory_space<hbm>>)
    %dma_wait3A_1646 = arith.constant 0 : i32
    %dma_wait3A_1647 = arith.constant 0 : i32
    %dma_wait3A_1648 = arith.constant 0 : i32
    %dma_wait3A_1649 = arith.constant 0 : i32
    %dma_wait3A_1650 = arith.constant 0 : i32
    %dma_wait3A_1651 = arith.constant 0 : i32
    %dma_wait3A_1652 = tpu.memref_slice %arg10[%dma_wait3A_1649, %dma_wait3A_1650, %dma_wait3A_1651] : memref<4x32x129xf32, #tpu.memory_space<vmem>> -> memref<4x8x128xf32, #tpu.memory_space<vmem>>
    %dma_wait3A_1653 = arith.constant 0 : i32
    %dma_wait3A_1654 = arith.constant 0 : i32
    %dma_wait3A_1655 = arith.constant 0 : i32
    %dma_wait3A_1656 = tpu.memref_slice %arg5[%dma_wait3A_1646, %dma_wait3A_1647, %dma_wait3A_1648, %dma_wait3A_1653, %dma_wait3A_1654, %dma_wait3A_1655] : memref<200x4x8x4x8x128xf32, #tpu.memory_space<hbm>> -> memref<1x1x1x4x8x128xf32, #tpu.memory_space<hbm>>
    %dma_wait3A_1657 = tpu.memref_squeeze %dma_wait3A_1656 : memref<1x1x1x4x8x128xf32, #tpu.memory_space<hbm>> -> memref<4x8x128xf32, #tpu.memory_space<hbm>>
    %dma_wait3A_1658 = arith.constant 0 : i32
    %dma_wait3A_1659 = arith.constant 0 : i32
    %dma_wait3A_1660 = arith.constant 0 : i32
    %dma_wait3A_1661 = tpu.memref_slice %arg5[%dma_wait3A_1646, %dma_wait3A_1647, %dma_wait3A_1648, %dma_wait3A_1658, %dma_wait3A_1659, %dma_wait3A_1660] : memref<200x4x8x4x8x128xf32, #tpu.memory_space<hbm>> -> memref<1x1x1x4x8x128xf32, #tpu.memory_space<hbm>>
    %dma_wait3A_1662 = tpu.memref_squeeze %dma_wait3A_1661 : memref<1x1x1x4x8x128xf32, #tpu.memory_space<hbm>> -> memref<4x8x128xf32, #tpu.memory_space<hbm>>
    %dma_wait3A_1663 = arith.constant 0 : i32
    %dma_wait3A_1664 = arith.constant 0 : i32
    %dma_wait3A_1665 = arith.constant 0 : i32
    %dma_wait3A_1666 = tpu.memref_slice %arg10[%dma_wait3A_1663, %dma_wait3A_1664, %dma_wait3A_1665] : memref<4x32x129xf32, #tpu.memory_space<vmem>> -> memref<4x8x128xf32, #tpu.memory_space<vmem>>
    tpu.wait_dma2 semaphore(%arg15 : memref<!tpu.dma_semaphore, #tpu.memory_space<semaphore_mem>>) src(%dma_wait3A_1666 : memref<4x8x128xf32, #tpu.memory_space<vmem>>) dst(%dma_wait3A_1662 : memref<4x8x128xf32, #tpu.memory_space<hbm>>)
    %dma_wait3A_1667 = arith.constant 0 : i32
    %dma_wait3A_1668 = arith.constant 0 : i32
    %dma_wait3A_1669 = arith.constant 0 : i32
    %dma_wait3A_1670 = arith.constant 0 : i32
    %dma_wait3A_1671 = arith.constant 0 : i32
    %dma_wait3A_1672 = arith.constant 0 : i32
    %dma_wait3A_1673 = tpu.memref_slice %arg10[%dma_wait3A_1670, %dma_wait3A_1671, %dma_wait3A_1672] : memref<4x32x129xf32, #tpu.memory_space<vmem>> -> memref<4x8x128xf32, #tpu.memory_space<vmem>>
    %dma_wait3A_1674 = arith.constant 0 : i32
    %dma_wait3A_1675 = arith.constant 0 : i32
    %dma_wait3A_1676 = arith.constant 0 : i32
    %dma_wait3A_1677 = tpu.memref_slice %arg5[%dma_wait3A_1667, %dma_wait3A_1668, %dma_wait3A_1669, %dma_wait3A_1674, %dma_wait3A_1675, %dma_wait3A_1676] : memref<200x4x8x4x8x128xf32, #tpu.memory_space<hbm>> -> memref<1x1x1x4x8x128xf32, #tpu.memory_space<hbm>>
    %dma_wait3A_1678 = tpu.memref_squeeze %dma_wait3A_1677 : memref<1x1x1x4x8x128xf32, #tpu.memory_space<hbm>> -> memref<4x8x128xf32, #tpu.memory_space<hbm>>
    %dma_wait3A_1679 = arith.constant 0 : i32
    %dma_wait3A_1680 = arith.constant 0 : i32
    %dma_wait3A_1681 = arith.constant 0 : i32
    %dma_wait3A_1682 = tpu.memref_slice %arg5[%dma_wait3A_1667, %dma_wait3A_1668, %dma_wait3A_1669, %dma_wait3A_1679, %dma_wait3A_1680, %dma_wait3A_1681] : memref<200x4x8x4x8x128xf32, #tpu.memory_space<hbm>> -> memref<1x1x1x4x8x128xf32, #tpu.memory_space<hbm>>
    %dma_wait3A_1683 = tpu.memref_squeeze %dma_wait3A_1682 : memref<1x1x1x4x8x128xf32, #tpu.memory_space<hbm>> -> memref<4x8x128xf32, #tpu.memory_space<hbm>>
    %dma_wait3A_1684 = arith.constant 0 : i32
    %dma_wait3A_1685 = arith.constant 0 : i32
    %dma_wait3A_1686 = arith.constant 0 : i32
    %dma_wait3A_1687 = tpu.memref_slice %arg10[%dma_wait3A_1684, %dma_wait3A_1685, %dma_wait3A_1686] : memref<4x32x129xf32, #tpu.memory_space<vmem>> -> memref<4x8x128xf32, #tpu.memory_space<vmem>>
    tpu.wait_dma2 semaphore(%arg15 : memref<!tpu.dma_semaphore, #tpu.memory_space<semaphore_mem>>) src(%dma_wait3A_1687 : memref<4x8x128xf32, #tpu.memory_space<vmem>>) dst(%dma_wait3A_1683 : memref<4x8x128xf32, #tpu.memory_space<hbm>>)
    %dma_wait3A_1688 = arith.constant 0 : i32
    %dma_wait3A_1689 = arith.constant 0 : i32
    %dma_wait3A_1690 = arith.constant 0 : i32
    %dma_wait3A_1691 = arith.constant 0 : i32
    %dma_wait3A_1692 = arith.constant 0 : i32
    %dma_wait3A_1693 = arith.constant 0 : i32
    %dma_wait3A_1694 = tpu.memref_slice %arg10[%dma_wait3A_1691, %dma_wait3A_1692, %dma_wait3A_1693] : memref<4x32x129xf32, #tpu.memory_space<vmem>> -> memref<4x8x128xf32, #tpu.memory_space<vmem>>
    %dma_wait3A_1695 = arith.constant 0 : i32
    %dma_wait3A_1696 = arith.constant 0 : i32
    %dma_wait3A_1697 = arith.constant 0 : i32
    %dma_wait3A_1698 = tpu.memref_slice %arg5[%dma_wait3A_1688, %dma_wait3A_1689, %dma_wait3A_1690, %dma_wait3A_1695, %dma_wait3A_1696, %dma_wait3A_1697] : memref<200x4x8x4x8x128xf32, #tpu.memory_space<hbm>> -> memref<1x1x1x4x8x128xf32, #tpu.memory_space<hbm>>
    %dma_wait3A_1699 = tpu.memref_squeeze %dma_wait3A_1698 : memref<1x1x1x4x8x128xf32, #tpu.memory_space<hbm>> -> memref<4x8x128xf32, #tpu.memory_space<hbm>>
    %dma_wait3A_1700 = arith.constant 0 : i32
    %dma_wait3A_1701 = arith.constant 0 : i32
    %dma_wait3A_1702 = arith.constant 0 : i32
    %dma_wait3A_1703 = tpu.memref_slice %arg5[%dma_wait3A_1688, %dma_wait3A_1689, %dma_wait3A_1690, %dma_wait3A_1700, %dma_wait3A_1701, %dma_wait3A_1702] : memref<200x4x8x4x8x128xf32, #tpu.memory_space<hbm>> -> memref<1x1x1x4x8x128xf32, #tpu.memory_space<hbm>>
    %dma_wait3A_1704 = tpu.memref_squeeze %dma_wait3A_1703 : memref<1x1x1x4x8x128xf32, #tpu.memory_space<hbm>> -> memref<4x8x128xf32, #tpu.memory_space<hbm>>
    %dma_wait3A_1705 = arith.constant 0 : i32
    %dma_wait3A_1706 = arith.constant 0 : i32
    %dma_wait3A_1707 = arith.constant 0 : i32
    %dma_wait3A_1708 = tpu.memref_slice %arg10[%dma_wait3A_1705, %dma_wait3A_1706, %dma_wait3A_1707] : memref<4x32x129xf32, #tpu.memory_space<vmem>> -> memref<4x8x128xf32, #tpu.memory_space<vmem>>
    tpu.wait_dma2 semaphore(%arg15 : memref<!tpu.dma_semaphore, #tpu.memory_space<semaphore_mem>>) src(%dma_wait3A_1708 : memref<4x8x128xf32, #tpu.memory_space<vmem>>) dst(%dma_wait3A_1704 : memref<4x8x128xf32, #tpu.memory_space<hbm>>)
    %dma_wait3A_1709 = arith.constant 0 : i32
    %dma_wait3A_1710 = arith.constant 0 : i32
    %dma_wait3A_1711 = arith.constant 0 : i32
    %dma_wait3A_1712 = arith.constant 0 : i32
    %dma_wait3A_1713 = arith.constant 0 : i32
    %dma_wait3A_1714 = arith.constant 0 : i32
    %dma_wait3A_1715 = tpu.memref_slice %arg10[%dma_wait3A_1712, %dma_wait3A_1713, %dma_wait3A_1714] : memref<4x32x129xf32, #tpu.memory_space<vmem>> -> memref<4x8x128xf32, #tpu.memory_space<vmem>>
    %dma_wait3A_1716 = arith.constant 0 : i32
    %dma_wait3A_1717 = arith.constant 0 : i32
    %dma_wait3A_1718 = arith.constant 0 : i32
    %dma_wait3A_1719 = tpu.memref_slice %arg5[%dma_wait3A_1709, %dma_wait3A_1710, %dma_wait3A_1711, %dma_wait3A_1716, %dma_wait3A_1717, %dma_wait3A_1718] : memref<200x4x8x4x8x128xf32, #tpu.memory_space<hbm>> -> memref<1x1x1x4x8x128xf32, #tpu.memory_space<hbm>>
    %dma_wait3A_1720 = tpu.memref_squeeze %dma_wait3A_1719 : memref<1x1x1x4x8x128xf32, #tpu.memory_space<hbm>> -> memref<4x8x128xf32, #tpu.memory_space<hbm>>
    %dma_wait3A_1721 = arith.constant 0 : i32
    %dma_wait3A_1722 = arith.constant 0 : i32
    %dma_wait3A_1723 = arith.constant 0 : i32
    %dma_wait3A_1724 = tpu.memref_slice %arg5[%dma_wait3A_1709, %dma_wait3A_1710, %dma_wait3A_1711, %dma_wait3A_1721, %dma_wait3A_1722, %dma_wait3A_1723] : memref<200x4x8x4x8x128xf32, #tpu.memory_space<hbm>> -> memref<1x1x1x4x8x128xf32, #tpu.memory_space<hbm>>
    %dma_wait3A_1725 = tpu.memref_squeeze %dma_wait3A_1724 : memref<1x1x1x4x8x128xf32, #tpu.memory_space<hbm>> -> memref<4x8x128xf32, #tpu.memory_space<hbm>>
    %dma_wait3A_1726 = arith.constant 0 : i32
    %dma_wait3A_1727 = arith.constant 0 : i32
    %dma_wait3A_1728 = arith.constant 0 : i32
    %dma_wait3A_1729 = tpu.memref_slice %arg10[%dma_wait3A_1726, %dma_wait3A_1727, %dma_wait3A_1728] : memref<4x32x129xf32, #tpu.memory_space<vmem>> -> memref<4x8x128xf32, #tpu.memory_space<vmem>>
    tpu.wait_dma2 semaphore(%arg15 : memref<!tpu.dma_semaphore, #tpu.memory_space<semaphore_mem>>) src(%dma_wait3A_1729 : memref<4x8x128xf32, #tpu.memory_space<vmem>>) dst(%dma_wait3A_1725 : memref<4x8x128xf32, #tpu.memory_space<hbm>>)
    return
  }
}

</mosaic_0001>

<sc_bundles>
// kernel: kernel.3.cloned.1.call-start
scs
__scs_entry_jumppad:
0x0: {  	(pc) =	sbr.rel $0x88, $3  }
0x1: {  	(tag) =	ssettag $0x0;
	lr =	simm.s32 $0x1  }
0x2: {  	[smem:$0x3F9E] =	sst lr;
	_ =	strace $0xD0000000  }
0x3: {  	_ = 	snop  }
0x4: {  	_ = 	snop  }
0x5: {  	_ = 	snop  }
0x6: {  	_ = 	snop  }
0x7: {  	_ = 	snop  }
__scs_overlays_trampoline_lowered:
0x8: {  	[smem:$0x3FAD] =	sst s0  }
0x9: {  	[smem:$0x3FAE] =	sst s1  }
0xa: {  	[smem:$0x3FAF] =	sst s2  }
0xb: {  	[smem:$0x3FB0] =	sst s3  }
0xc: {  	[smem:$0x3FB1] =	sst s4  }
0xd: {  	[smem:$0x3FB2] =	sst s5  }
0xe: {  	[smem:$0x3FB3] =	sst s6  }
0xf: {  	[smem:$0x3FB4] =	sst s7  }
0x10: {  	[smem:$0x3FB5] =	sst s8  }
0x11: {  	[smem:$0x3FB6] =	sst s9;
	s0 =	simm.s32 @!p0 $0x0  }
0x12: {  	s1 =	sld [smem:$0x3F9C];
	s0 =	simm.s32 @p0 $0x1  }
0x13: {  	[smem:$0x3FB7] =	sst s0;
	s0 =	simm.s32 @!p1 $0x0  }
0x14: {  	s2 =	sld [smem:$0x3F9B];
	s0 =	simm.s32 @p1 $0x1  }
0x15: {  	[smem:$0x3FB8] =	sst s0;
	s0 =	simm.s32 @!p2 $0x0  }
0x16: {  	s3 =	sld [smem:$0x3FDB];
	s0 =	simm.s32 @p2 $0x1  }
0x17: {  	s4 =	simm.s32 $0x1BF5;
	[smem:$0x3FBA] =	sst s0  }
0x18: {  	s0 =	sld [smem:$0x3F9D];
	_ =	swait.ge [sflag:s4], $0x0  }
0x19: {  	s7 =	sld [smem:$0x3F9E]  }
0x1a: {  	s8 =	sadd.s32 $0xFFFFE003, lr  }
0x1b: {  	s9 =	sadd.s32 $0xFFFFFEF7, lr;
	s5 =	simm.s32 $0xFFFFFFFF;
	p2 =	slt.u32 s8, $0xFFFFF086  }
0x1c: {  	p1 =	slt.u32 s9, $0xF7A;
	s5 =	simm.s32 @!p2 $0x0  }
0x1d: {  	s5 =	simm.s32 @p1 $0x1;
	p0 =	seq.s32 s7, s2  }
0x1e: {  	s7 =	smul.u32 @!p0 $0xF7A, s2;
	p2 =	seq.s32 @!p0 s5, $0x0  }
0x1f: {  	s9 =	smul.u32 $0xF7A, s1;
	s8 =	simm.s32 @!p0 $0x1BF5;
	p2 =	por !p2, p0  }
0x20: {  	[sflag:s8] =	ssyncset.s32 @!p0 $0xFFFFF086;
	s6 =	sadd.s32 @!p0 s3, s7;
	s7 =	simm.s32 @!p0 $0x108  }
0x21: {  	s3 =	sadd.s32 s3, s9;
	s6 =	sadd.s32 @!p0 $0x88, s6;
	s7 =	simm.s32 @p2 $0x1082  }
0x22: {  	[simem:s7], [sflag:s8] =	dma.local @!p0 [hbm:s6], $0xF7A  }
0x23: {  	s9 =	sor.u32 $0xD0000000, s2;
	s6 =	simm.s32 $0x108;
	_ =	swait.ge @!p0 [sflag:s8], $0x0  }
0x24: {  	s3 =	sadd.s32 $0x88, s3;
	s6 =	simm.s32 @!p1 $0x1082;
	[sflag:s4] =	ssyncset.s32 $0xFFFFF086  }
0x25: {  	[simem:s6], [sflag:s4] =	dma.local [hbm:s3], $0xF7A  }
0x26: {  	[smem:$0x3F9E] =	sst s1;
	(tag) =	ssettag s2;
	_ =	strace s9  }
0x27: {  	s1 =	sld [smem:$0x3FAE]  }
0x28: {  	s2 =	sld [smem:$0x3FAF]  }
0x29: {  	s4 =	sld [smem:$0x3FB1]  }
0x2a: {  	p0 =	seq.s32 s5, $0x0;
	s5 =	sld [smem:$0x3FB2]  }
0x2b: {  	s6 =	sld [smem:$0x3FB3]  }
0x2c: {  	s7 =	sld [smem:$0x3FB4]  }
0x2d: {  	s3 =	simm.s32 $0x108;
	s8 =	sld [smem:$0x3FB5]  }
0x2e: {  	s3 =	simm.s32 @!p0 $0x1082;
	s9 =	sld [smem:$0x3FB6]  }
0x2f: {  	lr =	sadd.s32 s0, s3;
	s0 =	sld [smem:$0x3FAD]  }
0x30: {  	s3 =	sld [smem:$0x3FB0]  }
0x31: {  	[smem:$0x3FB9] =	sst s10  }
0x32: {  	s10 =	sld [smem:$0x3FB7];
	_ =	sdelay $0x3  }
0x33: {  	p0 =	seq.s32 s10, $0x1;
	s10 =	sld [smem:$0x3FB9];
	_ =	sdelay $0x3  }
0x34: {  	[smem:$0x3FB9] =	sst s10  }
0x35: {  	s10 =	sld [smem:$0x3FB8];
	_ =	sdelay $0x3  }
0x36: {  	p1 =	seq.s32 s10, $0x1;
	s10 =	sld [smem:$0x3FB9];
	_ =	sdelay $0x3  }
0x37: {  	[smem:$0x3FB9] =	sst s10  }
0x38: {  	s10 =	sld [smem:$0x3FBA]  }
0x39: {  	_ = 	snop;
	(pc) =	sbr.ind lr, $3  }
0x3a: {  	_ = 	snop  }
0x3b: {  	_ = 	snop  }
0x3c: {  	p2 =	seq.s32 s10, $0x1;
	s10 =	sld [smem:$0x3FB9]  }
0x3d: {  	_ =	shalt  }
0x3e: {  	_ =	shalt  }
0x3f: {  	_ =	shalt  }
0x40: {  	_ =	shalt  }
0x41: {  	_ =	shalt  }
0x42: {  	_ =	shalt  }
0x43: {  	_ =	shalt  }
0x44: {  	_ =	shalt  }
0x45: {  	_ =	shalt  }
0x46: {  	_ =	shalt  }
0x47: {  	_ =	shalt  }
0x48: {  	_ =	shalt  }
0x49: {  	_ =	shalt  }
0x4a: {  	_ =	shalt  }
0x4b: {  	_ =	shalt  }
0x4c: {  	_ =	shalt  }
0x4d: {  	_ =	shalt  }
0x4e: {  	_ =	shalt  }
0x4f: {  	_ =	shalt  }
0x50: {  	_ =	shalt  }
0x51: {  	_ =	shalt  }
0x52: {  	_ =	shalt  }
0x53: {  	_ =	shalt  }
0x54: {  	_ =	shalt  }
0x55: {  	_ =	shalt  }
0x56: {  	_ =	shalt  }
0x57: {  	_ =	shalt  }
0x58: {  	_ =	shalt  }
0x59: {  	_ =	shalt  }
0x5a: {  	_ =	shalt  }
0x5b: {  	_ =	shalt  }
0x5c: {  	_ =	shalt  }
0x5d: {  	_ =	shalt  }
0x5e: {  	_ =	shalt  }
0x5f: {  	_ =	shalt  }
0x60: {  	_ =	shalt  }
0x61: {  	_ =	shalt  }
0x62: {  	_ =	shalt  }
0x63: {  	_ =	shalt  }
0x64: {  	_ =	shalt  }
0x65: {  	_ =	shalt  }
0x66: {  	_ =	shalt  }
0x67: {  	_ =	shalt  }
0x68: {  	_ =	shalt  }
0x69: {  	_ =	shalt  }
0x6a: {  	_ =	shalt  }
0x6b: {  	_ =	shalt  }
0x6c: {  	_ =	shalt  }
0x6d: {  	_ =	shalt  }
0x6e: {  	_ =	shalt  }
0x6f: {  	_ =	shalt  }
0x70: {  	_ =	shalt  }
0x71: {  	_ =	shalt  }
0x72: {  	_ =	shalt  }
0x73: {  	_ =	shalt  }
0x74: {  	_ =	shalt  }
0x75: {  	_ =	shalt  }
0x76: {  	_ =	shalt  }
0x77: {  	_ =	shalt  }
0x78: {  	_ =	shalt  }
0x79: {  	_ =	shalt  }
0x7a: {  	_ =	shalt  }
0x7b: {  	_ =	shalt  }
0x7c: {  	_ =	shalt  }
0x7d: {  	_ =	shalt  }
0x7e: {  	_ =	shalt  }
0x7f: {  	_ =	shalt  }
0x80: {  	_ =	shalt  }
0x81: {  	_ =	shalt  }
0x82: {  	_ =	shalt  }
0x83: {  	_ =	shalt  }
0x84: {  	_ =	shalt  }
0x85: {  	_ =	shalt  }
0x86: {  	_ =	shalt  }
0x87: {  	_ =	shalt  }
.Lfunc_end0:
.L_simem_size_0:
called_computation_lowered:
.L_overlay_start_0:
0x88: {  	s2 =	sld [smem:$0x3FD9]  }
0x89: {  	s3 =	sld [smem:$0x3FFE];
	_ =	sdelay $0x1  }
0x8a: {  	s1 =	srdreg.scid  }
0x8b: {  	s0 =	sand.u32 $0x1, s1  }
0x8c: {  	s17 =	sshll.u32 s0, $0xA;
	s2 =	sadd.s32 s3, s2  }
0x8d: {  	s2 =	sadd.s32 s2, s17  }
0x8e: {  	[smem:$0x3FC5] =	sst s2  }
0x8f: {  	_ = 	snop  }
0x90: {  	s2 =	sld [smem:$0x3FC9]  }
0x91: {  	s18 =	sld [smem:$0x3FD0];
	(tm) =	ssettm $0x1  }
0x92: {  	s4 =	sld [smem:$0x3FFB];
	_ =	sdelay $0x3  }
0x93: {  	_ =	strace s4  }
0x94: {  	s4 =	sld [smem:$0x3FFC];
	_ =	sdelay $0x3  }
0x95: {  	_ =	strace s4  }
0x96: {  	s4 =	sld [smem:$0x3FFD];
	_ =	sdelay $0x3  }
0x97: {  	_ =	strace s4  }
0x98: {  	_ =	strace $0x8FFFFFFF  }
0x99: {  	s19 =	sld [smem:$0x3FDB];
	_ =	sdelay $0x1  }
0x9a: {  	s5 =	simm.s32 $_scs_section_size  }
0x9b: {  	s6 =	simm.s32 $_size__tile_overlayer_lowered;
	s7 =	simm.s32 $_tile_overlayer_lowered  }
0x9c: {  	s22 =	simm.s32 $0x1BFF;
	s21 =	sshll.u32 s7, $0x1;
	s4 =	sadd.s32 s5, s19  }
0x9d: {  	s8 =	simm.s32 $0x0;
	s20 =	sshll.u32 s6, $0x1;
	s6 =	sadd.s32 s21, s4  }
0x9e: {  	[timem:s8], [sflag:s22] =	dma.local [hbm:s6], s20  }
0x9f: {  	_ =	swait.ge [sflag:s22], s20  }
0xa0: {  	s5 =	ssub.s32 $0x0, s20;
	[sflag:s22] =	ssyncset.done $0x0  }
0xa1: {  	[sflag:s22] =	ssyncadd.s32 s5;
	_ =	sdelay $0x1  }
0xa2: {  	s23 =	simm.s32 $0x1B8B  }
0xa3: {  	_ =	swait.ge [sflag:s23], $0x1  }
0xa4: {  	[sflag:s23] =	ssyncset.done $0x0  }
0xa5: {  	s25 =	simm.s32 $0x1B8E;
	s24 =	sld [smem:$0x3FFE];
	[sflag:s23] =	ssyncadd.s32 $0xFFFFFFFF  }
0xa6: {  	s26 =	simm.s32 $execute0_lowered;
	[smem:$0x3FD2] =	sst s25  }
0xa7: {  	s6 =	sshll.u32 s26, $0x1;
	_ =	strace $0x80000046;
	[dreg:$0x1] =	wrdreg $0xFFFFFFFF  }
0xa8: {  	s28 =	simm.s32 $_size_execute0_lowered;
	s4 =	sadd.s32 s4, s6;
	[dreg:$0x0] =	wrdreg $0x0  }
0xa9: {  	s6 =	sshll.u32 s28, $0x1;
	[dreg:$0x2] =	wrdreg s4  }
0xaa: {  	[dreg:$0x3] =	wrdreg s6  }
0xab: {  	[dreg:$0x4] =	wrdreg $0xC0  }
0xac: {  	_ =	task [dreg:s8], $0x5FFFF  }
0xad: {  	[dreg:$0x1] =	wrdreg $0xFFFFFFFF  }
0xae: {  	[dreg:$0x0] =	wrdreg $0x60  }
0xaf: {  	[dreg:$0x2] =	wrdreg s2  }
0xb0: {  	[dreg:$0x3] =	wrdreg s24  }
0xb1: {  	[dreg:$0x4] =	wrdreg s18  }
0xb2: {  	[dreg:$0x5] =	wrdreg $0x9  }
0xb3: {  	_ =	task.clear_ibuf [dreg:s8], $0x6FFFF;
	_ =	strace $0x90000046  }
0xb4: {  	s29 =	simm.s32 $0x9;
	_ =	strace $0x80000048  }
0xb5: {  	_ =	swait.ge [sflag:s29], $0x1  }
0xb6: {  	[sflag:s29] =	ssyncadd.s32 $0xFFFFFFFF  }
0xb7: {  	_ =	strace $0x90000048  }
0xb8: {  	_ =	sfence  }
0xb9: {  	s30 =	sld [smem:$0x0];
	_ =	sdelay $0x2  }
0xba: {  	s31 =	sshll.u32 s1, $0xD;
	s1 =	sshrl.u32 s1, $0x2  }
0xbb: {  	s3 =	sand.u32 $0x4000, s31;
	s1 =	sadd.s32 s1, s30  }
0xbc: {  	s0 =	sor.u32 s3, s0;
	s1 =	sshll.u32 s1, $0x11  }
0xbd: {  	s0 =	sor.u32 s1, s0  }
0xbe: {  	s0 =	sadd.s32 $0x8F2B, s0  }
0xbf: {  	[sflag:s0] =	ssyncadd.remote.s32 $0x1  }
0xc0: {  	_ =	sfence.sel $0xFFFF  }
0xc1: {  	[dreg:$0x0] =	wrdreg $0xFFFFFFFF;
	(pc) =	sbr.abs _section_cstart, $3  }
0xc2: {  	[dreg:$0x1] =	wrdreg $0xFFFFFFFF  }
0xc3: {  	_ =	task.clear_ibuf [dreg:s8], $0x2FFFF;
	_ =	strace $0x9FFFFFFF  }
0xc4: {  	(tm) =	ssettm $0x7FFFFFFF  }
0xc5: {  	_ =	shalt  }
tec
execute0_lowered:
.L_overlay_start_1:
0x0: {  	(tag) =	ssettag $0x1  }
0x1: {  	s6 =	stileid.u32  }
0x2: {  	s0 =	srdreg.scid;
	s1 =	sshll.u32 s6, $0x1  }
0x3: {  	s4 =	sand.u32 $0x1, s0;
	s13 =	sand.u32 $0x2, s1  }
0x4: {  	s0 =	sor.u32 s4, s13  }
0x5: {  	s5 =	rddreg [dreg:$0x0];
	s2 =	simm.s32 $0x0;
	s1 =	smul.u32 $0x32, s0  }
0x6: {  	[smem:$0x7FF] =	sst s2;
	s10 =	sshll.u32 s6, $0xB;
	s14 =	ssub.s32 $0x2, s4  }
0x7: {  	s4 =	sand.u32 $0x7000, s10;
	s9 =	sshrl.u32 s14, $0x1;
	s3 =	sshrl.u32 s1, $0x3  }
0x8: {  	s8 =	sor.u32 $0x400, s4;
	s6 =	ssub.s32 s14, s9;
	s7 =	sshll.u32 s3, $0xF  }
0x9: {  	s11 =	sor.u32 s4, s7;
	s16 =	sor.u32 s8, s7;
	s13 =	sadd.s32 $0x8000, s7  }
0xa: {  	s31 =	sadd.s32 $0x10000, s7;
	s15 =	sshrl.u32 s11, $0x3;
	s11 =	sshrl.u32 s16, $0x3  }
0xb: {  	s19 =	sor.u32 s4, s13;
	s21 =	sor.u32 s8, s13;
	s14 =	sor.u32 s8, s31  }
0xc: {  	s9 =	sadd.s32 s5, s15;
	s11 =	sadd.s32 s5, s11;
	s20 =	sshrl.u32 s19, $0x3  }
0xd: {  	s22 =	sshrl.u32 s21, $0x3;
	[dreg:$0x4] =	wrdreg s9;
	s9 =	sor.u32 $0x800, s10  }
0xe: {  	[dreg:$0x5] =	wrdreg s11;
	s10 =	sor.u32 $0xC00, s10;
	s17 =	sor.u32 s9, s7  }
0xf: {  	s12 =	sor.u32 s10, s7;
	s23 =	sor.u32 s9, s13;
	s25 =	sor.u32 s10, s13  }
0x10: {  	s13 =	sor.u32 s4, s31;
	s11 =	sshrl.u32 s17, $0x3;
	s18 =	sshrl.u32 s12, $0x3  }
0x11: {  	s24 =	sshrl.u32 s23, $0x3;
	s26 =	sshrl.u32 s25, $0x3;
	s11 =	sadd.s32 s5, s11  }
0x12: {  	s17 =	sor.u32 s10, s31;
	[dreg:$0x6] =	wrdreg s11;
	s11 =	sadd.s32 s5, s18  }
0x13: {  	s25 =	sadd.s32 $0x20000, s7;
	s18 =	sadd.s32 $0x18000, s7;
	[dreg:$0x7] =	wrdreg s11  }
0x14: {  	s11 =	sadd.s32 s5, s20;
	s19 =	sor.u32 s4, s18;
	s20 =	sor.u32 s8, s18  }
0x15: {  	s12 =	sor.u32 s10, s18;
	[dreg:$0x8] =	wrdreg s11;
	s11 =	sadd.s32 s5, s22  }
0x16: {  	s21 =	sshrl.u32 s19, $0x3;
	s22 =	sshrl.u32 s20, $0x3;
	s20 =	sadd.s32 $0x28000, s7  }
0x17: {  	[dreg:$0x9] =	wrdreg s11;
	s11 =	sadd.s32 s5, s24;
	s23 =	sadd.s32 s5, s22  }
0x18: {  	s24 =	sor.u32 s9, s18;
	s18 =	sor.u32 s10, s25;
	[dreg:$0xa] =	wrdreg s11  }
0x19: {  	s22 =	sor.u32 s8, s20;
	s11 =	sadd.s32 s5, s26;
	[dreg:$0x11] =	wrdreg s23  }
0x1a: {  	s26 =	sshrl.u32 s12, $0x3;
	s19 =	sshrl.u32 s18, $0x3;
	s23 =	sor.u32 s9, s20  }
0x1b: {  	[dreg:$0xb] =	wrdreg s11;
	s11 =	sshrl.u32 s13, $0x3;
	s13 =	sshrl.u32 s14, $0x3  }
0x1c: {  	s14 =	sor.u32 s9, s31;
	s31 =	sor.u32 s4, s25;
	s11 =	sadd.s32 s5, s11  }
0x1d: {  	s15 =	sadd.s32 s5, s13;
	s16 =	sshrl.u32 s14, $0x3;
	s12 =	sshrl.u32 s31, $0x3  }
0x1e: {  	s14 =	sor.u32 s8, s25;
	s31 =	sadd.s32 $0x30000, s7;
	[dreg:$0xc] =	wrdreg s11  }
0x1f: {  	s7 =	sadd.s32 $0x38000, s7;
	[dreg:$0xd] =	wrdreg s15;
	s11 =	sadd.s32 s5, s16  }
0x20: {  	s16 =	sor.u32 s9, s25;
	s25 =	sshrl.u32 s23, $0x3;
	s23 =	rddreg [dreg:$0x1]  }
0x21: {  	[dreg:$0xe] =	wrdreg s11;
	s11 =	sshrl.u32 s17, $0x3;
	s17 =	sshrl.u32 s16, $0x3  }
0x22: {  	s16 =	sor.u32 s8, s31;
	s8 =	sor.u32 s8, s7;
	s11 =	sadd.s32 s5, s11  }
0x23: {  	s8 =	sshrl.u32 s8, $0x3;
	[dreg:$0xf] =	wrdreg s11;
	s11 =	sadd.s32 s5, s21  }
0x24: {  	s13 =	sshrl.u32 s22, $0x3;
	s22 =	sadd.s32 s5, s8;
	[dreg:$0x10] =	wrdreg s11  }
0x25: {  	s11 =	sshrl.u32 s24, $0x3;
	s24 =	sadd.s32 s5, s13;
	[smem:$0x7F5] =	sst s22  }
0x26: {  	s15 =	sshrl.u32 s14, $0x3;
	s11 =	sadd.s32 s5, s11;
	[dreg:$0x19] =	wrdreg s24  }
0x27: {  	s21 =	sor.u32 s4, s20;
	[dreg:$0x12] =	wrdreg s11;
	s11 =	sadd.s32 s5, s26  }
0x28: {  	s26 =	sor.u32 s10, s20;
	s20 =	sor.u32 s9, s31;
	s9 =	sor.u32 s9, s7  }
0x29: {  	[dreg:$0x13] =	wrdreg s11;
	s11 =	sadd.s32 s5, s12;
	s12 =	sor.u32 s10, s31  }
0x2a: {  	s10 =	sor.u32 s10, s7;
	[dreg:$0x14] =	wrdreg s11;
	s11 =	sadd.s32 s5, s15  }
0x2b: {  	s7 =	sor.u32 s4, s7;
	[dreg:$0x15] =	wrdreg s11;
	s11 =	sadd.s32 s5, s17  }
0x2c: {  	s9 =	sshrl.u32 s9, $0x3;
	[dreg:$0x16] =	wrdreg s11;
	s11 =	sadd.s32 s5, s19  }
0x2d: {  	s9 =	sadd.s32 s5, s9;
	[dreg:$0x17] =	wrdreg s11;
	s11 =	sshrl.u32 s21, $0x3  }
0x2e: {  	s15 =	sor.u32 s4, s31;
	[smem:$0x7F6] =	sst s9;
	s11 =	sadd.s32 s5, s11  }
0x2f: {  	s7 =	sshrl.u32 s7, $0x3;
	[dreg:$0x18] =	wrdreg s11;
	s11 =	sadd.s32 s5, s25  }
0x30: {  	s7 =	sadd.s32 s5, s7;
	[dreg:$0x1a] =	wrdreg s11;
	s11 =	sshrl.u32 s26, $0x3  }
0x31: {  	s17 =	sshrl.u32 s15, $0x3;
	[smem:$0x7F4] =	sst s7;
	s11 =	sadd.s32 s5, s11  }
0x32: {  	s18 =	sshrl.u32 s16, $0x3;
	[dreg:$0x1b] =	wrdreg s11;
	s11 =	sadd.s32 s5, s17  }
0x33: {  	s19 =	sadd.s32 s5, s18;
	[dreg:$0x1c] =	wrdreg s11;
	s11 =	sshrl.u32 s20, $0x3  }
0x34: {  	v0 =	vlaneseq.u32;
	[dreg:$0x1d] =	wrdreg s19;
	s21 =	sshrl.u32 s12, $0x3;
	s11 =	sadd.s32 s5, s11  }
0x35: {  	v35 =	vmul.u32 $0x88, v0;
	s10 =	sshrl.u32 s10, $0x3;
	[dreg:$0x1e] =	wrdreg s11;
	s11 =	sadd.s32 s5, s21  }
0x36: {  	s5 =	sadd.s32 s5, s10;
	[dreg:$0x1f] =	wrdreg s11  }
0x37: {  	v0 =	vor.u32 $0x4, v35;
	[smem:$0x7F7] =	sst s5  }
0x38: {  	v34 =	vor.u32 $0x2, v35;
	s8 =	rddreg [dreg:$0x2];
	_ =	strace $0x80000047;
	[tilespmem:$0x1FD00] =	vst v0  }
0x39: {  	v39 =	vadd.s32 $0x1100, v35;
	[tilespmem:$0x1FE80] =	vst v34  }
0x3a: {  	[tilespmem:$0x1FE90] =	vst v39  }
0x3b: {  	v36 =	vadd.s32 $0x880, v35;
	[tilespmem:$0x1FEA0] =	vst v35  }
0x3c: {  	v44 =	vor.u32 $0x1, v35;
	[tilespmem:$0x1FEB0] =	vst v36  }
0x3d: {  	v31 =	vadd.s32 $0x881, v35;
	[tilespmem:$0x1FEC0] =	vst v44  }
0x3e: {  	v26 =	vadd.s32 $0x882, v35;
	[tilespmem:$0x1FED0] =	vst v31  }
0x3f: {  	v27 =	vor.u32 $0x3, v35;
	[tilespmem:$0x1FEE0] =	vst v26  }
0x40: {  	v28 =	vadd.s32 $0x883, v35;
	[tilespmem:$0x1FEF0] =	vst v27  }
0x41: {  	v30 =	vadd.s32 $0x885, v35;
	[tilespmem:$0x1FF00] =	vst v28  }
0x42: {  	v29 =	vadd.s32 $0x1102, v35;
	[tilespmem:$0x1FF10] =	vst v30  }
0x43: {  	v33 =	vadd.s32 $0x1982, v35;
	[tilespmem:$0x1FF20] =	vst v29  }
0x44: {  	v37 =	vadd.s32 $0x1983, v35;
	[tilespmem:$0x1FF30] =	vst v33  }
0x45: {  	v38 =	vadd.s32 $0x1105, v35;
	[tilespmem:$0x1FF40] =	vst v37  }
0x46: {  	v45 =	vadd.s32 $0x1107, v35;
	[tilespmem:$0x1FF50] =	vst v38  }
0x47: {  	v46 =	vadd.s32 $0x1987, v35;
	[tilespmem:$0x1FF60] =	vst v45  }
0x48: {  	v32 =	vadd.s32 $0x2200, v35;
	[tilespmem:$0x1FF70] =	vst v46  }
0x49: {  	v40 =	vadd.s32 $0x2A80, v35;
	[tilespmem:$0x1FF80] =	vst v32  }
0x4a: {  	v43 =	vadd.s32 $0x2201, v35;
	[tilespmem:$0x1FF90] =	vst v40  }
0x4b: {  	v54 =	vadd.s32 $0x3300, v35;
	[tilespmem:$0x1FFA0] =	vst v43  }
0x4c: {  	v41 =	vadd.s32 $0x3B80, v35;
	[tilespmem:$0x1FFB0] =	vst v54  }
0x4d: {  	v42 =	vadd.s32 $0x3301, v35;
	[tilespmem:$0x1FFC0] =	vst v41  }
0x4e: {  	v25 =	vadd.s32 $0x887, v35;
	[tilespmem:$0x1FFD0] =	vst v42  }
0x4f: {  	v48 =	vadd.s32 $0x2A84, v35;
	[tilespmem:$0x1FFE0] =	vst v25  }
0x50: {  	v0 =	vadd.s32 $0x884, v35;
	[tilespmem:$0x1FFF0] =	vst v48  }
0x51: {  	[tilespmem:$0x1FD10] =	vst v0;
	v0 =	vor.u32 $0x5, v35  }
0x52: {  	[tilespmem:$0x1FD20] =	vst v0;
	v0 =	vor.u32 $0x6, v35  }
0x53: {  	[tilespmem:$0x1FD30] =	vst v0;
	v0 =	vadd.s32 $0x886, v35  }
0x54: {  	[tilespmem:$0x1FD40] =	vst v0;
	v0 =	vor.u32 $0x7, v35  }
0x55: {  	[tilespmem:$0x1FD50] =	vst v0;
	v0 =	vadd.s32 $0x1980, v35  }
0x56: {  	[tilespmem:$0x1FD60] =	vst v0;
	v0 =	vadd.s32 $0x1101, v35  }
0x57: {  	[tilespmem:$0x1FD70] =	vst v0;
	v0 =	vadd.s32 $0x1981, v35  }
0x58: {  	[tilespmem:$0x1FD80] =	vst v0;
	v0 =	vadd.s32 $0x1103, v35  }
0x59: {  	[tilespmem:$0x1FD90] =	vst v0;
	v0 =	vadd.s32 $0x1104, v35  }
0x5a: {  	[tilespmem:$0x1FDA0] =	vst v0;
	v0 =	vadd.s32 $0x1984, v35  }
0x5b: {  	[tilespmem:$0x1FDB0] =	vst v0;
	v0 =	vadd.s32 $0x1985, v35  }
0x5c: {  	[tilespmem:$0x1FDC0] =	vst v0;
	v0 =	vadd.s32 $0x1106, v35  }
0x5d: {  	[tilespmem:$0x1FDD0] =	vst v0;
	v0 =	vadd.s32 $0x1986, v35  }
0x5e: {  	s29 =	simm.s32 $0x1;
	s30 =	simm.s32 $0x10000;
	s28 =	simm.s32 $0x14EA0;
	[tilespmem:$0x1FDE0] =	vst v0;
	v0 =	vadd.s32 $0x2A81, v35  }
0x5f: {  	vm0 =	vcmask $0x300;
	v49 =	vadd.s32 $0x2205, v35;
	s0 =	sshll.u32 s0, $0x8;
	s22 =	simm.s32 $0x5;
	s24 =	sadd.s32 $0x600, s23;
	[tilespmem:$0x1FDF0] =	vst v0;
	v0 =	vadd.s32 $0x2202, v35  }
0x60: {  	v47 =	vadd.s32 $0x2A85, v35;
	v50 =	vadd.s32 $0x2206, v35;
	s31 =	sor.u32 $0x800, s0;
	s9 =	simm.s32 $0x0;
	s18 =	sadd.s32 $0x1000, s8;
	[tilespmem:$0x1FE00] =	vst v0;
	v0 =	vadd.s32 $0x2A82, v35  }
0x61: {  	v51 =	vadd.s32 $0x2A86, v35;
	s12 =	sadd.s32 $0xF42A00, s23;
	s25 =	smax.u32 s6, $0x1;
	[smem:$0x7F8] =	sst s24;
	[tilespmem:$0x1FE10] =	vst v0;
	v0 =	vadd.s32 $0x2203, v35  }
0x62: {  	v52 =	vadd.s32 $0x2207, v35;
	s19 =	sadd.s32 $0x2000, s8;
	s26 =	sor.u32 $0x400, s0;
	[smem:$0x7F9] =	sst s25;
	[tilespmem:$0x1FE20] =	vst v0;
	v0 =	vadd.s32 $0x2A83, v35  }
.Ltmp0:
0x63: {  	v53 =	vadd.s32 $0x2A87, v35;
	v55 =	vadd.s32 $0x3303, v35;
	s23 =	simm.s32 $0x80;
	[smem:$0x7FA] =	sst s26;
	[tilespmem:$0x1FE30] =	vst v0;
	v0 =	vadd.s32 $0x2204, v35;
	(pc) =	sbr.rel .LBB2_1-.Ltmp0, $4  }
0x64: {  	v56 =	vadd.s32 $0x3B83, v35;
	s20 =	sadd.s32 $0x3000, s8;
	s21 =	simm.s32 $0x14C80;
	[smem:$0x7FB] =	sst s31;
	[tilespmem:$0x1FE40] =	vst v0;
	v0 =	vadd.s32 $0x3B81, v35  }
0x65: {  	v1 =	vimm.s32 $0x0;
	v57 =	vadd.s32 $0x3304, v35;
	s5 =	simm.s32 $0x14400;
	s11 =	simm.s32 $0x17EF8;
	[smem:$0x7FC] =	sst s0;
	[tilespmem:$0x1FE50] =	vst v0;
	v0 =	vadd.s32 $0x3302, v35  }
0x66: {  	v1 =	vsel vm0, $0x3, v1;
	v58 =	vadd.s32 $0x3B84, v35;
	s0 =	sor.u32 $0xC00, s0;
	s24 =	simm.s32 $0x14D08;
	s25 =	simm.s32 $0x14D90;
	[tilespmem:$0x1FE60] =	vst v0;
	v0 =	vadd.s32 $0x3B82, v35  }
0x67: {  	v59 =	vadd.s32 $0x3305, v35;
	v60 =	vadd.s32 $0x3B85, v35;
	v61 =	vadd.s32 $0x3306, v35;
	s26 =	simm.s32 $0x14E18;
	[smem:$0x7FD] =	sst s0;
	s0 =	simm.s32 $0x2;
	[tilespmem:$0x1FE70] =	vst v0  }
.LBB2_32:
0x68: {  	s6 =	simm.s32 $0x3  }
0x69: {  	_ =	swait.ge [sflag:s6], $0x1000  }
0x6a: {  	[sflag:s6] =	ssyncset.done $0x0  }
0x6b: {  	[sflag:s6] =	ssyncadd.s32 $0xFFFFF000  }
0x6c: {  	_ =	swait.ge [sflag:s6], $0x1000  }
0x6d: {  	[sflag:s6] =	ssyncset.done $0x0  }
0x6e: {  	[sflag:s6] =	ssyncadd.s32 $0xFFFFF000  }
0x6f: {  	_ =	swait.ge [sflag:s6], $0x1000  }
0x70: {  	[sflag:s6] =	ssyncset.done $0x0  }
0x71: {  	[sflag:s6] =	ssyncadd.s32 $0xFFFFF000  }
0x72: {  	_ =	swait.ge [sflag:s6], $0x1000  }
0x73: {  	[sflag:s6] =	ssyncset.done $0x0  }
0x74: {  	s7 =	simm.s32 $0x4;
	[sflag:s6] =	ssyncadd.s32 $0xFFFFF000  }
0x75: {  	_ =	swait.ge [sflag:s7], $0x1000  }
0x76: {  	[sflag:s7] =	ssyncset.done $0x0  }
0x77: {  	[sflag:s7] =	ssyncadd.s32 $0xFFFFF000  }
0x78: {  	_ =	swait.ge [sflag:s7], $0x1000  }
0x79: {  	[sflag:s7] =	ssyncset.done $0x0  }
0x7a: {  	[sflag:s7] =	ssyncadd.s32 $0xFFFFF000  }
0x7b: {  	_ =	swait.ge [sflag:s7], $0x1000  }
0x7c: {  	[sflag:s7] =	ssyncset.done $0x0  }
0x7d: {  	[sflag:s7] =	ssyncadd.s32 $0xFFFFF000  }
0x7e: {  	_ =	swait.ge [sflag:s7], $0x1000  }
0x7f: {  	s9 =	sld [smem:$0x7F3]  }
0x80: {  	s31 =	sld [smem:$0x7F9];
	_ =	sdelay $0x1  }
0x81: {  	s9 =	sadd.s32 $0x1, s9  }
0x82: {  	p0 =	sne.s32 s9, s31  }
.Ltmp1:
0x83: {  	_ = 	snop;
	(pc) =	sbr.rel @!p0 .LBB2_33-.Ltmp1, $3  }
0x84: {  	_ =	sdelay $0x1  }
0x85: {  	[sflag:s7] =	ssyncset.done $0x0  }
0x86: {  	[sflag:s7] =	ssyncadd.s32 $0xFFFFF000  }
.LBB2_1:
0x87: {  	s6 =	sld [smem:$0x7F8];
	_ =	sdelay $0x1  }
0x88: {  	s7 =	simm.s32 $0x18800  }
0x89: {  	[tilespmem:s7], [sflag:$0x6] =	stream.linear.gather [hbm4b:s6+s2], $0x1900, $0x38;
	[tilespmem:$0x1A100] =	vst v63  }
0x8a: {  	[smem:$0x7F3] =	sst s9;
	s7 =	simm.s32 $0x6  }
0x8b: {  	_ =	swait.ge [sflag:s7], $0x1900  }
0x8c: {  	[sflag:s7] =	ssyncset.done $0x0;
	s9 =	rddreg [dreg:$0x4]  }
0x8d: {  	s10 =	rddreg [dreg:$0x5];
	[sflag:s7] =	ssyncadd.s32 $0xFFFFE700  }
0x8e: {  	[tilespmem:s2], [sflag:$0x5] =	stream.linear.gather [hbm4b:s9+s2], $0x400, $0x38;
	[tilespmem:$0x1A100] =	vst v63  }
0x8f: {  	s13 =	simm.s32 $0x400;
	s14 =	rddreg [dreg:$0x6]  }
0x90: {  	[tilespmem:s13], [sflag:$0x5] =	stream.linear.gather [hbm4b:s10+s2], $0x400, $0x38;
	[tilespmem:$0x1A100] =	vst v63  }
0x91: {  	s15 =	simm.s32 $0x800;
	s16 =	rddreg [dreg:$0x7]  }
0x92: {  	[tilespmem:s15], [sflag:$0x5] =	stream.linear.gather [hbm4b:s14+s2], $0x400, $0x38;
	[tilespmem:$0x1A100] =	vst v63  }
0x93: {  	s17 =	simm.s32 $0xC00;
	s7 =	rddreg [dreg:$0x8]  }
0x94: {  	[tilespmem:s17], [sflag:$0x5] =	stream.linear.gather [hbm4b:s16+s2], $0x400, $0x38;
	[tilespmem:$0x1A100] =	vst v63  }
0x95: {  	s9 =	simm.s32 $0x1000;
	s10 =	rddreg [dreg:$0x9]  }
0x96: {  	[tilespmem:s9], [sflag:$0x5] =	stream.linear.gather [hbm4b:s7+s2], $0x400, $0x38;
	[tilespmem:$0x1A100] =	vst v63  }
0x97: {  	s13 =	simm.s32 $0x1400;
	s14 =	rddreg [dreg:$0xa]  }
0x98: {  	[tilespmem:s13], [sflag:$0x5] =	stream.linear.gather [hbm4b:s10+s2], $0x400, $0x38;
	[tilespmem:$0x1A100] =	vst v63  }
0x99: {  	s15 =	simm.s32 $0x1800;
	s16 =	rddreg [dreg:$0xb]  }
0x9a: {  	[tilespmem:s15], [sflag:$0x5] =	stream.linear.gather [hbm4b:s14+s2], $0x400, $0x38;
	[tilespmem:$0x1A100] =	vst v63  }
0x9b: {  	s17 =	simm.s32 $0x1C00;
	s7 =	rddreg [dreg:$0xc]  }
0x9c: {  	[tilespmem:s17], [sflag:$0x5] =	stream.linear.gather [hbm4b:s16+s2], $0x400, $0x38;
	[tilespmem:$0x1A100] =	vst v63  }
0x9d: {  	s9 =	simm.s32 $0x2000;
	s10 =	rddreg [dreg:$0xd]  }
0x9e: {  	[tilespmem:s9], [sflag:$0x5] =	stream.linear.gather [hbm4b:s7+s2], $0x400, $0x38;
	[tilespmem:$0x1A100] =	vst v63  }
0x9f: {  	s13 =	simm.s32 $0x2400;
	s14 =	rddreg [dreg:$0xe]  }
0xa0: {  	[tilespmem:s13], [sflag:$0x5] =	stream.linear.gather [hbm4b:s10+s2], $0x400, $0x38;
	[tilespmem:$0x1A100] =	vst v63  }
0xa1: {  	s15 =	simm.s32 $0x2800;
	s16 =	rddreg [dreg:$0xf]  }
0xa2: {  	[tilespmem:s15], [sflag:$0x5] =	stream.linear.gather [hbm4b:s14+s2], $0x400, $0x38;
	[tilespmem:$0x1A100] =	vst v63  }
0xa3: {  	s17 =	simm.s32 $0x2C00;
	s7 =	rddreg [dreg:$0x10]  }
0xa4: {  	[tilespmem:s17], [sflag:$0x5] =	stream.linear.gather [hbm4b:s16+s2], $0x400, $0x38;
	[tilespmem:$0x1A100] =	vst v63  }
0xa5: {  	s9 =	simm.s32 $0x3000;
	s10 =	rddreg [dreg:$0x11]  }
0xa6: {  	[tilespmem:s9], [sflag:$0x5] =	stream.linear.gather [hbm4b:s7+s2], $0x400, $0x38;
	[tilespmem:$0x1A100] =	vst v63  }
0xa7: {  	s13 =	simm.s32 $0x3400;
	s14 =	rddreg [dreg:$0x12]  }
0xa8: {  	[tilespmem:s13], [sflag:$0x5] =	stream.linear.gather [hbm4b:s10+s2], $0x400, $0x38;
	[tilespmem:$0x1A100] =	vst v63  }
0xa9: {  	s15 =	simm.s32 $0x3800;
	s16 =	rddreg [dreg:$0x13]  }
0xaa: {  	[tilespmem:s15], [sflag:$0x5] =	stream.linear.gather [hbm4b:s14+s2], $0x400, $0x38;
	[tilespmem:$0x1A100] =	vst v63  }
0xab: {  	s17 =	simm.s32 $0x3C00;
	s7 =	rddreg [dreg:$0x14]  }
0xac: {  	[tilespmem:s17], [sflag:$0x5] =	stream.linear.gather [hbm4b:s16+s2], $0x400, $0x38;
	[tilespmem:$0x1A100] =	vst v63  }
0xad: {  	s9 =	simm.s32 $0x4000;
	s10 =	rddreg [dreg:$0x15]  }
0xae: {  	[tilespmem:s9], [sflag:$0x5] =	stream.linear.gather [hbm4b:s7+s2], $0x400, $0x38;
	[tilespmem:$0x1A100] =	vst v63  }
0xaf: {  	s13 =	simm.s32 $0x4400;
	s14 =	rddreg [dreg:$0x16]  }
0xb0: {  	[tilespmem:s13], [sflag:$0x5] =	stream.linear.gather [hbm4b:s10+s2], $0x400, $0x38;
	[tilespmem:$0x1A100] =	vst v63  }
0xb1: {  	s15 =	simm.s32 $0x4800;
	s16 =	rddreg [dreg:$0x17]  }
0xb2: {  	[tilespmem:s15], [sflag:$0x5] =	stream.linear.gather [hbm4b:s14+s2], $0x400, $0x38;
	[tilespmem:$0x1A100] =	vst v63  }
0xb3: {  	s17 =	simm.s32 $0x4C00;
	s7 =	rddreg [dreg:$0x18]  }
0xb4: {  	[tilespmem:s17], [sflag:$0x5] =	stream.linear.gather [hbm4b:s16+s2], $0x400, $0x38;
	[tilespmem:$0x1A100] =	vst v63  }
0xb5: {  	s9 =	simm.s32 $0x5000;
	s10 =	rddreg [dreg:$0x19]  }
0xb6: {  	[tilespmem:s9], [sflag:$0x5] =	stream.linear.gather [hbm4b:s7+s2], $0x400, $0x38;
	[tilespmem:$0x1A100] =	vst v63  }
0xb7: {  	s13 =	simm.s32 $0x5400;
	s14 =	rddreg [dreg:$0x1a]  }
0xb8: {  	[tilespmem:s13], [sflag:$0x5] =	stream.linear.gather [hbm4b:s10+s2], $0x400, $0x38;
	[tilespmem:$0x1A100] =	vst v63  }
0xb9: {  	s15 =	simm.s32 $0x5800;
	s16 =	rddreg [dreg:$0x1b]  }
0xba: {  	[tilespmem:s15], [sflag:$0x5] =	stream.linear.gather [hbm4b:s14+s2], $0x400, $0x38;
	[tilespmem:$0x1A100] =	vst v63  }
0xbb: {  	s17 =	simm.s32 $0x5C00;
	s7 =	rddreg [dreg:$0x1c]  }
0xbc: {  	[tilespmem:s17], [sflag:$0x5] =	stream.linear.gather [hbm4b:s16+s2], $0x400, $0x38;
	[tilespmem:$0x1A100] =	vst v63  }
0xbd: {  	s9 =	simm.s32 $0x6000;
	s10 =	rddreg [dreg:$0x1d]  }
0xbe: {  	[tilespmem:s9], [sflag:$0x5] =	stream.linear.gather [hbm4b:s7+s2], $0x400, $0x38;
	[tilespmem:$0x1A100] =	vst v63  }
0xbf: {  	s13 =	simm.s32 $0x6400;
	s14 =	rddreg [dreg:$0x1e]  }
0xc0: {  	[tilespmem:s13], [sflag:$0x5] =	stream.linear.gather [hbm4b:s10+s2], $0x400, $0x38;
	[tilespmem:$0x1A100] =	vst v63  }
0xc1: {  	s15 =	simm.s32 $0x6800;
	s16 =	rddreg [dreg:$0x1f]  }
0xc2: {  	[tilespmem:s15], [sflag:$0x5] =	stream.linear.gather [hbm4b:s14+s2], $0x400, $0x38;
	[tilespmem:$0x1A100] =	vst v63  }
0xc3: {  	s17 =	simm.s32 $0x6C00;
	s7 =	sld [smem:$0x7F4]  }
0xc4: {  	[tilespmem:s17], [sflag:$0x5] =	stream.linear.gather [hbm4b:s16+s2], $0x400, $0x38;
	[tilespmem:$0x1A100] =	vst v63  }
0xc5: {  	s9 =	simm.s32 $0x7000;
	s10 =	sld [smem:$0x7F5]  }
0xc6: {  	[tilespmem:s9], [sflag:$0x5] =	stream.linear.gather [hbm4b:s7+s2], $0x400, $0x38;
	[tilespmem:$0x1A100] =	vst v63  }
0xc7: {  	s13 =	simm.s32 $0x7400;
	s14 =	sld [smem:$0x7F6]  }
0xc8: {  	[tilespmem:s13], [sflag:$0x5] =	stream.linear.gather [hbm4b:s10+s2], $0x400, $0x38;
	[tilespmem:$0x1A100] =	vst v63  }
0xc9: {  	s15 =	simm.s32 $0x7800;
	s16 =	sld [smem:$0x7F7]  }
0xca: {  	[tilespmem:s15], [sflag:$0x5] =	stream.linear.gather [hbm4b:s14+s2], $0x400, $0x38;
	[tilespmem:$0x1A100] =	vst v63  }
0xcb: {  	s17 =	simm.s32 $0x7C00  }
0xcc: {  	[tilespmem:s17], [sflag:$0x5] =	stream.linear.gather [hbm4b:s16+s2], $0x400, $0x38;
	[tilespmem:$0x1A100] =	vst v63  }
0xcd: {  	_ =	swait.ge [sflag:s22], $0x400  }
0xce: {  	[sflag:s22] =	ssyncset.done $0x0  }
0xcf: {  	[sflag:s22] =	ssyncadd.s32 $0xFFFFFC00  }
0xd0: {  	_ =	swait.ge [sflag:s22], $0x400  }
0xd1: {  	[sflag:s22] =	ssyncset.done $0x0  }
0xd2: {  	[sflag:s22] =	ssyncadd.s32 $0xFFFFFC00  }
0xd3: {  	_ =	swait.ge [sflag:s22], $0x400  }
0xd4: {  	[sflag:s22] =	ssyncset.done $0x0  }
0xd5: {  	[sflag:s22] =	ssyncadd.s32 $0xFFFFFC00  }
0xd6: {  	_ =	swait.ge [sflag:s22], $0x400  }
0xd7: {  	[sflag:s22] =	ssyncset.done $0x0  }
0xd8: {  	[sflag:s22] =	ssyncadd.s32 $0xFFFFFC00  }
0xd9: {  	_ =	swait.ge [sflag:s22], $0x400  }
0xda: {  	[sflag:s22] =	ssyncset.done $0x0  }
0xdb: {  	[sflag:s22] =	ssyncadd.s32 $0xFFFFFC00  }
0xdc: {  	_ =	swait.ge [sflag:s22], $0x400  }
0xdd: {  	[sflag:s22] =	ssyncset.done $0x0  }
0xde: {  	[sflag:s22] =	ssyncadd.s32 $0xFFFFFC00  }
0xdf: {  	_ =	swait.ge [sflag:s22], $0x400  }
0xe0: {  	[sflag:s22] =	ssyncset.done $0x0  }
0xe1: {  	[sflag:s22] =	ssyncadd.s32 $0xFFFFFC00  }
0xe2: {  	_ =	swait.ge [sflag:s22], $0x400  }
0xe3: {  	[sflag:s22] =	ssyncset.done $0x0  }
0xe4: {  	[sflag:s22] =	ssyncadd.s32 $0xFFFFFC00  }
0xe5: {  	_ =	swait.ge [sflag:s22], $0x400  }
0xe6: {  	[sflag:s22] =	ssyncset.done $0x0  }
0xe7: {  	[sflag:s22] =	ssyncadd.s32 $0xFFFFFC00  }
0xe8: {  	_ =	swait.ge [sflag:s22], $0x400  }
0xe9: {  	[sflag:s22] =	ssyncset.done $0x0  }
0xea: {  	[sflag:s22] =	ssyncadd.s32 $0xFFFFFC00  }
0xeb: {  	_ =	swait.ge [sflag:s22], $0x400  }
0xec: {  	[sflag:s22] =	ssyncset.done $0x0  }
0xed: {  	[sflag:s22] =	ssyncadd.s32 $0xFFFFFC00  }
0xee: {  	_ =	swait.ge [sflag:s22], $0x400  }
0xef: {  	[sflag:s22] =	ssyncset.done $0x0  }
0xf0: {  	[sflag:s22] =	ssyncadd.s32 $0xFFFFFC00  }
0xf1: {  	_ =	swait.ge [sflag:s22], $0x400  }
0xf2: {  	[sflag:s22] =	ssyncset.done $0x0  }
0xf3: {  	[sflag:s22] =	ssyncadd.s32 $0xFFFFFC00  }
0xf4: {  	_ =	swait.ge [sflag:s22], $0x400  }
0xf5: {  	[sflag:s22] =	ssyncset.done $0x0  }
0xf6: {  	[sflag:s22] =	ssyncadd.s32 $0xFFFFFC00  }
0xf7: {  	_ =	swait.ge [sflag:s22], $0x400  }
0xf8: {  	[sflag:s22] =	ssyncset.done $0x0  }
0xf9: {  	[sflag:s22] =	ssyncadd.s32 $0xFFFFFC00  }
0xfa: {  	_ =	swait.ge [sflag:s22], $0x400  }
0xfb: {  	[sflag:s22] =	ssyncset.done $0x0  }
0xfc: {  	[sflag:s22] =	ssyncadd.s32 $0xFFFFFC00  }
0xfd: {  	_ =	swait.ge [sflag:s22], $0x400  }
0xfe: {  	[sflag:s22] =	ssyncset.done $0x0  }
0xff: {  	[sflag:s22] =	ssyncadd.s32 $0xFFFFFC00  }
0x100: {  	_ =	swait.ge [sflag:s22], $0x400  }
0x101: {  	[sflag:s22] =	ssyncset.done $0x0  }
0x102: {  	[sflag:s22] =	ssyncadd.s32 $0xFFFFFC00  }
0x103: {  	_ =	swait.ge [sflag:s22], $0x400  }
0x104: {  	[sflag:s22] =	ssyncset.done $0x0  }
0x105: {  	[sflag:s22] =	ssyncadd.s32 $0xFFFFFC00  }
0x106: {  	_ =	swait.ge [sflag:s22], $0x400  }
0x107: {  	[sflag:s22] =	ssyncset.done $0x0  }
0x108: {  	[sflag:s22] =	ssyncadd.s32 $0xFFFFFC00  }
0x109: {  	_ =	swait.ge [sflag:s22], $0x400  }
0x10a: {  	[sflag:s22] =	ssyncset.done $0x0  }
0x10b: {  	[sflag:s22] =	ssyncadd.s32 $0xFFFFFC00  }
0x10c: {  	_ =	swait.ge [sflag:s22], $0x400  }
0x10d: {  	[sflag:s22] =	ssyncset.done $0x0  }
0x10e: {  	[sflag:s22] =	ssyncadd.s32 $0xFFFFFC00  }
0x10f: {  	_ =	swait.ge [sflag:s22], $0x400  }
0x110: {  	[sflag:s22] =	ssyncset.done $0x0  }
0x111: {  	[sflag:s22] =	ssyncadd.s32 $0xFFFFFC00  }
0x112: {  	_ =	swait.ge [sflag:s22], $0x400  }
0x113: {  	[sflag:s22] =	ssyncset.done $0x0  }
0x114: {  	[sflag:s22] =	ssyncadd.s32 $0xFFFFFC00  }
0x115: {  	_ =	swait.ge [sflag:s22], $0x400  }
0x116: {  	[sflag:s22] =	ssyncset.done $0x0  }
0x117: {  	[sflag:s22] =	ssyncadd.s32 $0xFFFFFC00  }
0x118: {  	_ =	swait.ge [sflag:s22], $0x400  }
0x119: {  	[sflag:s22] =	ssyncset.done $0x0  }
0x11a: {  	[sflag:s22] =	ssyncadd.s32 $0xFFFFFC00  }
0x11b: {  	_ =	swait.ge [sflag:s22], $0x400  }
0x11c: {  	[sflag:s22] =	ssyncset.done $0x0  }
0x11d: {  	[sflag:s22] =	ssyncadd.s32 $0xFFFFFC00  }
0x11e: {  	_ =	swait.ge [sflag:s22], $0x400  }
0x11f: {  	[sflag:s22] =	ssyncset.done $0x0  }
0x120: {  	[sflag:s22] =	ssyncadd.s32 $0xFFFFFC00  }
0x121: {  	_ =	swait.ge [sflag:s22], $0x400  }
0x122: {  	[sflag:s22] =	ssyncset.done $0x0  }
0x123: {  	[sflag:s22] =	ssyncadd.s32 $0xFFFFFC00  }
0x124: {  	_ =	swait.ge [sflag:s22], $0x400  }
0x125: {  	[sflag:s22] =	ssyncset.done $0x0  }
0x126: {  	[sflag:s22] =	ssyncadd.s32 $0xFFFFFC00  }
0x127: {  	_ =	swait.ge [sflag:s22], $0x400  }
0x128: {  	[sflag:s22] =	ssyncset.done $0x0  }
0x129: {  	[sflag:s22] =	ssyncadd.s32 $0xFFFFFC00  }
0x12a: {  	_ =	swait.ge [sflag:s22], $0x400  }
0x12b: {  	s7 =	sld [smem:$0x7FC]  }
0x12c: {  	[sflag:s22] =	ssyncset.done $0x0  }
0x12d: {  	s9 =	simm.s32 $0x8000;
	s10 =	sld [smem:$0x7FA];
	[sflag:s22] =	ssyncadd.s32 $0xFFFFFC00  }
0x12e: {  	[tilespmem:s9], [sflag:$0x1] =	stream.indirect.gather [hbm4b:s12+s23], $0x20, s7, s23, $0xb8;
	[tilespmem:$0x1A100] =	vst v63  }
0x12f: {  	s13 =	simm.s32 $0x9000;
	s14 =	sld [smem:$0x7FB]  }
0x130: {  	[tilespmem:s13], [sflag:$0x1] =	stream.indirect.gather [hbm4b:s12+s23], $0x20, s10, s23, $0xb8;
	[tilespmem:$0x1A100] =	vst v63  }
0x131: {  	s15 =	simm.s32 $0xA000;
	s16 =	sld [smem:$0x7FD]  }
0x132: {  	[tilespmem:s15], [sflag:$0x1] =	stream.indirect.gather [hbm4b:s12+s23], $0x20, s14, s23, $0xb8;
	[tilespmem:$0x1A100] =	vst v63  }
0x133: {  	s31 =	simm.s32 $0x0;
	s17 =	simm.s32 $0xB000  }
0x134: {  	[tilespmem:s17], [sflag:$0x1] =	stream.indirect.gather [hbm4b:s12+s23], $0x20, s16, s23, $0xb8;
	[tilespmem:$0x1A100] =	vst v63  }
.LBB2_2:
0x135: {  	s6 =	sshll.u32 s31, $0x1  }
0x136: {  	s6 =	sadd.s32 s1, s6  }
0x137: {  	s7 =	sshrl.u32 s6, $0x3  }
0x138: {  	s7 =	ssub.s32 s7, s3  }
0x139: {  	s9 =	sshll.u32 s6, $0x7;
	s7 =	sshll.u32 s7, $0xE  }
0x13a: {  	s10 =	sand.u32 $0x300, s9;
	s7 =	sshra.s32 s7, $0x2  }
0x13b: {  	s7 =	sor.u32 s10, s7  }
0x13c: {  	s13 =	simm.s32 $0xC000;
	s10 =	sor.u32 $0x80, s7  }
0x13d: {  	[tilespmem:s13], [sflag:$0x2] =	stream.indirect.gather [hbm4b:s12+s23], $0x20, s10, s23, $0xb8;
	[tilespmem:$0x1A100] =	vst v63  }
0x13e: {  	s15 =	simm.s32 $0xD000;
	s14 =	sor.u32 $0x480, s7  }
0x13f: {  	[tilespmem:s15], [sflag:$0x2] =	stream.indirect.gather [hbm4b:s12+s23], $0x20, s14, s23, $0xb8;
	[tilespmem:$0x1A100] =	vst v63  }
0x140: {  	s17 =	simm.s32 $0xE000;
	s16 =	sor.u32 $0x880, s7  }
0x141: {  	[tilespmem:s17], [sflag:$0x2] =	stream.indirect.gather [hbm4b:s12+s23], $0x20, s16, s23, $0xb8;
	[tilespmem:$0x1A100] =	vst v63  }
0x142: {  	s7 =	sor.u32 $0xC80, s7;
	s14 =	simm.s32 $0xF000  }
0x143: {  	[tilespmem:s14], [sflag:$0x2] =	stream.indirect.gather [hbm4b:s12+s23], $0x20, s7, s23, $0xb8;
	[tilespmem:$0x1A100] =	vst v63  }
0x144: {  	_ =	swait.ge [sflag:s29], $0x1000  }
0x145: {  	[sflag:s29] =	ssyncset.done $0x0  }
0x146: {  	[sflag:s29] =	ssyncadd.s32 $0xFFFFF000  }
0x147: {  	_ =	swait.ge [sflag:s29], $0x1000  }
0x148: {  	[sflag:s29] =	ssyncset.done $0x0  }
0x149: {  	[sflag:s29] =	ssyncadd.s32 $0xFFFFF000  }
0x14a: {  	_ =	swait.ge [sflag:s29], $0x1000  }
0x14b: {  	[sflag:s29] =	ssyncset.done $0x0  }
0x14c: {  	[sflag:s29] =	ssyncadd.s32 $0xFFFFF000  }
0x14d: {  	_ =	swait.ge [sflag:s29], $0x1000  }
0x14e: {  	p0 =	seq.s32 s31, $0x0;
	[sflag:s29] =	ssyncset.done $0x0  }
0x14f: {  	s7 =	simm.s32 @!p0 $0x3;
	[sflag:s29] =	ssyncadd.s32 $0xFFFFF000  }
0x150: {  	_ =	swait.ge @!p0 [sflag:s7], $0x1000  }
0x151: {  	[sflag:s7] =	ssyncset.done @!p0 $0x0  }
0x152: {  	[sflag:s7] =	ssyncadd.s32 @!p0 $0xFFFFF000  }
0x153: {  	_ =	swait.ge @!p0 [sflag:s7], $0x1000  }
0x154: {  	[sflag:s7] =	ssyncset.done @!p0 $0x0  }
0x155: {  	[sflag:s7] =	ssyncadd.s32 @!p0 $0xFFFFF000  }
0x156: {  	_ =	swait.ge @!p0 [sflag:s7], $0x1000  }
0x157: {  	[sflag:s7] =	ssyncset.done @!p0 $0x0  }
0x158: {  	[sflag:s7] =	ssyncadd.s32 @!p0 $0xFFFFF000  }
0x159: {  	s15 =	simm.s32 $0x0;
	s14 =	simm.s32 $0x3;
	_ =	swait.ge @!p0 [sflag:s7], $0x1000  }
0x15a: {  	v0 =	vmov s15;
	s15 =	simm.s32 $0x4;
	v4 =	vmov s14;
	s14 =	simm.s32 $0x7;
	[sflag:s7] =	ssyncset.done @!p0 $0x0  }
0x15b: {  	s17 =	simm.s32 $0x2;
	v5 =	vmov s15;
	s15 =	sshrl.u32 s9, $0x2;
	v8 =	vmov s14;
	v43 =	vld [tilespmem:$0x1FD50];
	[sflag:s7] =	ssyncadd.s32 @!p0 $0xFFFFF000  }
0x15c: {  	v3 =	vmov s17;
	v8 =	vshrl.u32 v8, $0x3;
	v62 =	vld [tilespmem:s15+$0x18800]  }
0x15d: {  	v0 =	vshrl.u32 v0, $0x3;
	s16 =	simm.s32 $0x1;
	v9 =	vshrl.u32 v3, $0x3;
	v8 =	vshll.u32 v8, v1;
	v3 =	vld [tilespmem:s15+$0x18810];
	s15 =	simm.s32 $0x8080  }
0x15e: {  	v2 =	vmov s16;
	v0 =	vshll.u32 v0, v1;
	v63 =	vbroadcast v8, $0x0;
	v11 =	vld [tilespmem:s15+$0x60]  }
0x15f: {  	v2 =	vshrl.u32 v2, $0x3;
	v0 =	vbroadcast v0, $0x0;
	v12 =	vld [tilespmem:s15+$0xFFFFFF80]  }
0x160: {  	v2 =	vshll.u32 v2, v1;
	v40 =	vld [tilespmem:$0x1FD00];
	v14 =	vadd.s32 v43, v63  }
0x161: {  	s16 =	simm.s32 $0x5;
	v15 =	vadd.s32 v35, v0;
	v8 =	vbroadcast v2, $0x0;
	v13 =	vld [tilespmem:s15+$0xFFFFFFA0]  }
0x162: {  	v5 =	vshrl.u32 v5, $0x3;
	v6 =	vmov s16;
	v9 =	vshll.u32 v9, v1;
	v16 =	vld [tilespmem:s15+$0xFFFFFFC0]  }
0x163: {  	v9 =	vbroadcast v9, $0x0;
	v17 =	vadd.s32 v44, v8;
	v18 =	vld [tilespmem:s15+$0xFFFFFFE0];
	v11 =	vadd.f32 v11, v62  }
0x164: {  	s17 =	simm.s32 $0x6;
	v5 =	vshll.u32 v5, v1;
	v4 =	vshrl.u32 v4, $0x3;
	v20 =	vld [tilespmem:s15+$0x0];
	v12 =	vadd.f32 v12, v62  }
0x165: {  	v7 =	vmov s17;
	v4 =	vshll.u32 v4, v1;
	v19 =	vadd.s32 v34, v9;
	v22 =	vld [tilespmem:s15+$0x20];
	[tilespmem:v14+s30+$0x0] =	vst.idx.msk $0xffff, v11  }
0x166: {  	v10 =	vshrl.u32 v7, $0x3;
	v2 =	vbroadcast v4, $0x0;
	v24 =	vld [tilespmem:s15+$0x40];
	v13 =	vadd.f32 v13, v62;
	[tilespmem:v15+s30+$0x0] =	vst.idx.msk $0xffff, v12  }
0x167: {  	v6 =	vshrl.u32 v6, $0x3;
	v10 =	vshll.u32 v10, v1;
	v4 =	vbroadcast v5, $0x0;
	v41 =	vld [tilespmem:$0x1FD20]  }
0x168: {  	v5 =	vbroadcast v10, $0x0;
	v21 =	vadd.s32 v27, v2;
	v10 =	vadd.f32 v16, v62;
	v12 =	vld [tilespmem:s15+$0x70];
	[tilespmem:v17+s30+$0x0] =	vst.idx.msk $0xffff, v13  }
0x169: {  	v6 =	vshll.u32 v6, v1;
	v42 =	vld [tilespmem:$0x1FD30]  }
0x16a: {  	v6 =	vbroadcast v6, $0x0;
	v23 =	vadd.s32 v40, v4;
	v15 =	vld [tilespmem:s15+$0xFFFFFF90];
	[tilespmem:v19+s30+$0x0] =	vst.idx.msk $0xffff, v10  }
0x16b: {  	v13 =	vadd.f32 v18, v62;
	v18 =	vld [tilespmem:s15+$0xFFFFFFB0];
	[tilespmem:$0x1FC60] =	vst v63  }
0x16c: {  	[tilespmem:$0x1FC70] =	vst v0;
	v11 =	vadd.s32 v41, v6  }
0x16d: {  	v16 =	vadd.f32 v20, v62;
	[tilespmem:v21+s30+$0x0] =	vst.idx.msk $0xffff, v13  }
0x16e: {  	v48 =	vmov v25;
	v19 =	vadd.s32 v25, v63;
	v25 =	vld [tilespmem:s15+$0xFFFFFFD0];
	[tilespmem:$0x1FC80] =	vst v8;
	v17 =	vadd.s32 v42, v5  }
0x16f: {  	v13 =	vadd.f32 v22, v62;
	[tilespmem:v23+s30+$0x0] =	vst.idx.msk $0xffff, v16  }
0x170: {  	v10 =	vld [tilespmem:s15+$0xFFFFFFF0];
	[tilespmem:$0x1FC90] =	vst v9  }
0x171: {  	v20 =	vadd.s32 v36, v0;
	v21 =	vadd.f32 v24, v62;
	[tilespmem:v11+s30+$0x0] =	vst.idx.msk $0xffff, v13  }
0x172: {  	v22 =	vadd.s32 v31, v8;
	v8 =	vld [tilespmem:s15+$0x10];
	[tilespmem:$0x1FCA0] =	vst v2  }
0x173: {  	v13 =	vadd.f32 v12, v3;
	[tilespmem:v17+s30+$0x0] =	vst.idx.msk $0xffff, v21  }
0x174: {  	v15 =	vadd.f32 v15, v3;
	[tilespmem:$0x1FCB0] =	vst v4  }
0x175: {  	v32 =	vld [tilespmem:$0x1FD10];
	[tilespmem:v19+s30+$0x0] =	vst.idx.msk $0xffff, v13  }
0x176: {  	v23 =	vadd.f32 v18, v3;
	[tilespmem:v20+s30+$0x0] =	vst.idx.msk $0xffff, v15  }
0x177: {  	[tilespmem:$0x1FCC0] =	vst v6  }
0x178: {  	s16 =	simm.s32 $0x8;
	[tilespmem:v22+s30+$0x0] =	vst.idx.msk $0xffff, v23  }
0x179: {  	v14 =	vmov s16;
	v37 =	vld [tilespmem:$0x1FD40]  }
0x17a: {  	s17 =	simm.s32 $0x9;
	s7 =	simm.s32 $0xA;
	v7 =	vshrl.u32 v14, $0x3;
	v63 =	vadd.s32 v26, v9  }
0x17b: {  	s9 =	simm.s32 $0xB;
	v14 =	vmov s7;
	v0 =	vmov s17;
	v11 =	vadd.s32 v28, v2;
	v21 =	vld [tilespmem:s15+$0x30];
	[tilespmem:$0x1FCD0] =	vst v5  }
0x17c: {  	s13 =	simm.s32 $0xD;
	v24 =	vshll.u32 v7, v1;
	v16 =	vmov s9;
	v12 =	vadd.s32 v32, v4;
	v23 =	vld [tilespmem:s15+$0x50]  }
0x17d: {  	s10 =	simm.s32 $0xC;
	v18 =	vmov s13;
	v25 =	vadd.f32 v25, v3;
	v15 =	vadd.s32 v30, v6;
	[tilespmem:$0x1FCE0] =	vst v7  }
0x17e: {  	s14 =	simm.s32 $0xE;
	v17 =	vmov s10;
	v22 =	vadd.f32 v10, v3;
	[tilespmem:$0x1FCF0] =	vst v0;
	v13 =	vadd.s32 v37, v5  }
0x17f: {  	s16 =	simm.s32 $0x10;
	s17 =	simm.s32 $0xF;
	v19 =	vmov s14;
	v20 =	vshrl.u32 v0, $0x3;
	[tilespmem:v63+s30+$0x0] =	vst.idx.msk $0xffff, v25;
	v25 =	vadd.f32 v8, v3  }
.LBB2_3:
0x180: {  	p1 =	slt.u32 s16, $0x78;
	v0 =	vshrl.u32 v14, $0x3;
	v10 =	vmov s17;
	[tilespmem:v11+s30+$0x0] =	vst.idx.msk $0xffff, v22;
	v11 =	vadd.f32 v21, v3  }
0x181: {  	v14 =	vshrl.u32 v16, $0x3;
	v10 =	vshrl.u32 v10, $0x3;
	[tilespmem:v12+s30+$0x0] =	vst.idx.msk $0xffff, v25;
	v12 =	vadd.f32 v23, v3  }
0x182: {  	v16 =	vshrl.u32 v17, $0x3;
	v17 =	vshrl.u32 v18, $0x3;
	s15 =	sadd.s32 $0x100, s15;
	v10 =	vshll.u32 v10, v1;
	[tilespmem:v15+s30+$0x0] =	vst.idx.msk $0xffff, v11  }
0x183: {  	v11 =	vbroadcast v24, $0x0;
	v15 =	vshrl.u32 v19, $0x3;
	v18 =	vld [tilespmem:s15+$0x60];
	v10 =	vbroadcast v10, $0x0;
	[tilespmem:v13+s30+$0x0] =	vst.idx.msk $0xffff, v12  }
0x184: {  	v0 =	vshll.u32 v0, v1;
	v14 =	vshll.u32 v14, v1;
	v13 =	vshll.u32 v20, v1;
	v12 =	vld [tilespmem:s15+$0xFFFFFF80]  }
0x185: {  	v16 =	vshll.u32 v16, v1;
	v13 =	vbroadcast v13, $0x0;
	v19 =	vld [tilespmem:s15+$0xFFFFFFA0];
	v20 =	vadd.s32 v43, v10  }
0x186: {  	v17 =	vshll.u32 v17, v1;
	v0 =	vbroadcast v0, $0x0;
	v21 =	vadd.s32 v35, v11;
	v22 =	vld [tilespmem:s15+$0xFFFFFFC0]  }
0x187: {  	v25 =	vbroadcast v14, $0x0;
	v14 =	vshll.u32 v15, v1;
	v23 =	vadd.s32 v44, v13;
	v24 =	vld [tilespmem:s15+$0xFFFFFFE0]  }
0x188: {  	v2 =	vbroadcast v16, $0x0;
	v15 =	vadd.s32 v34, v0;
	v63 =	vld [tilespmem:s15+$0x0];
	v16 =	vadd.f32 v18, v62  }
0x189: {  	v5 =	vbroadcast v17, $0x0;
	v18 =	vadd.s32 v27, v25;
	v12 =	vadd.f32 v12, v62;
	v4 =	vld [tilespmem:s15+$0x20]  }
0x18a: {  	v7 =	vbroadcast v14, $0x0;
	v17 =	vadd.f32 v19, v62;
	v19 =	vadd.s32 v40, v2;
	v6 =	vld [tilespmem:s15+$0x40];
	[tilespmem:v20+s30+$0x0] =	vst.idx.msk $0xffff, v16  }
0x18b: {  	v16 =	vadd.s32 v41, v5;
	[tilespmem:v21+s30+$0x0] =	vst.idx.msk $0xffff, v12;
	v12 =	vadd.f32 v22, v62;
	v20 =	vld [tilespmem:s15+$0x70]  }
0x18c: {  	v21 =	vld [tilespmem:s15+$0xFFFFFF90];
	[tilespmem:v23+s30+$0x0] =	vst.idx.msk $0xffff, v17;
	v14 =	vadd.f32 v24, v62;
	v17 =	vadd.s32 v42, v7  }
0x18d: {  	v10 =	vadd.s32 v48, v10;
	v22 =	vmov s16;
	v23 =	vld [tilespmem:s15+$0xFFFFFFB0];
	[tilespmem:v15+s30+$0x0] =	vst.idx.msk $0xffff, v12;
	v12 =	vadd.f32 v63, v62  }
0x18e: {  	s17 =	sadd.s32 $0x1, s16;
	v24 =	vshrl.u32 v22, $0x3;
	v15 =	vadd.s32 v36, v11;
	v22 =	vld [tilespmem:s15+$0xFFFFFFD0];
	[tilespmem:v18+s30+$0x0] =	vst.idx.msk $0xffff, v14;
	v4 =	vadd.f32 v4, v62  }
0x18f: {  	v13 =	vadd.s32 v31, v13;
	v63 =	vmov s17;
	s17 =	sadd.s32 $0x2, s16;
	v8 =	vld [tilespmem:s15+$0xFFFFFFF0];
	[tilespmem:v19+s30+$0x0] =	vst.idx.msk $0xffff, v12;
	v6 =	vadd.f32 v6, v62  }
0x190: {  	v0 =	vadd.s32 v26, v0;
	v14 =	vmov s17;
	s17 =	sadd.s32 $0x3, s16;
	v9 =	vld [tilespmem:s15+$0x10];
	[tilespmem:v16+s30+$0x0] =	vst.idx.msk $0xffff, v4;
	v4 =	vadd.f32 v20, v3  }
.Ltmp2:
0x191: {  	v11 =	vadd.s32 v28, v25;
	v16 =	vmov s17;
	s17 =	sadd.s32 $0x4, s16;
	v19 =	vadd.f32 v21, v3;
	v21 =	vld [tilespmem:s15+$0x30];
	[tilespmem:v17+s30+$0x0] =	vst.idx.msk $0xffff, v6;
	(pc) =	sbr.rel @p1 .LBB2_3-.Ltmp2, $4  }
0x192: {  	v12 =	vadd.s32 v32, v2;
	v17 =	vmov s17;
	s17 =	sadd.s32 $0x5, s16;
	v6 =	vadd.f32 v23, v3;
	v23 =	vld [tilespmem:s15+$0x50];
	[tilespmem:v10+s30+$0x0] =	vst.idx.msk $0xffff, v4  }
0x193: {  	v18 =	vmov s17;
	s17 =	sadd.s32 $0x6, s16;
	[tilespmem:v15+s30+$0x0] =	vst.idx.msk $0xffff, v19;
	v2 =	vadd.f32 v22, v3;
	v15 =	vadd.s32 v30, v5  }
0x194: {  	v19 =	vmov s17;
	[tilespmem:v13+s30+$0x0] =	vst.idx.msk $0xffff, v6;
	v22 =	vadd.f32 v8, v3;
	v13 =	vadd.s32 v37, v7  }
0x195: {  	v24 =	vshll.u32 v24, v1;
	v20 =	vshrl.u32 v63, $0x3;
	s17 =	sadd.s32 $0x7, s16;
	s16 =	sadd.s32 $0x8, s16;
	[tilespmem:v0+s30+$0x0] =	vst.idx.msk $0xffff, v2;
	v25 =	vadd.f32 v9, v3  }
0x196: {  	v0 =	vshrl.u32 v14, $0x3;
	v2 =	vmov s17;
	v4 =	vadd.f32 v21, v3  }
0x197: {  	v5 =	vshrl.u32 v16, $0x3;
	v7 =	vshrl.u32 v17, $0x3;
	v2 =	vshrl.u32 v2, $0x3  }
0x198: {  	v8 =	vshrl.u32 v18, $0x3;
	s15 =	sadd.s32 $0x100, s15;
	v9 =	vbroadcast v24, $0x0;
	v2 =	vshll.u32 v2, v1  }
0x199: {  	v10 =	vshrl.u32 v19, $0x3;
	v17 =	vshll.u32 v20, v1;
	v14 =	vld [tilespmem:s15+$0x60];
	v2 =	vbroadcast v2, $0x0  }
0x19a: {  	v6 =	vadd.f32 v23, v3;
	v16 =	vld [tilespmem:s15+$0xFFFFFF80];
	v0 =	vshll.u32 v0, v1;
	v5 =	vshll.u32 v5, v1  }
0x19b: {  	v18 =	vld [tilespmem:s15+$0xFFFFFFA0];
	v17 =	vbroadcast v17, $0x0;
	v7 =	vshll.u32 v7, v1;
	v19 =	vadd.s32 v43, v2  }
0x19c: {  	[tilespmem:v11+s30+$0x0] =	vst.idx.msk $0xffff, v22;
	v8 =	vshll.u32 v8, v1;
	v11 =	vadd.s32 v35, v9;
	v0 =	vbroadcast v0, $0x0;
	v43 =	vld [tilespmem:s15+$0xFFFFFFC0]  }
0x19d: {  	[tilespmem:v12+s30+$0x0] =	vst.idx.msk $0xffff, v25;
	v63 =	vld [tilespmem:s15+$0xFFFFFFE0];
	v10 =	vshll.u32 v10, v1;
	v5 =	vbroadcast v5, $0x0;
	v12 =	vadd.s32 v44, v17  }
0x19e: {  	[tilespmem:v15+s30+$0x0] =	vst.idx.msk $0xffff, v4;
	v15 =	vld [tilespmem:s15+$0x0];
	v7 =	vbroadcast v7, $0x0;
	v4 =	vadd.s32 v34, v0;
	v14 =	vadd.f32 v14, v62  }
0x19f: {  	v8 =	vbroadcast v8, $0x0;
	[tilespmem:v13+s30+$0x0] =	vst.idx.msk $0xffff, v6;
	v13 =	vadd.s32 v27, v5;
	v6 =	vadd.f32 v16, v62;
	v16 =	vld [tilespmem:s15+$0x20]  }
0x1a0: {  	v10 =	vbroadcast v10, $0x0;
	v18 =	vadd.f32 v18, v62;
	[tilespmem:v19+s30+$0x0] =	vst.idx.msk $0xffff, v14;
	v14 =	vadd.s32 v40, v7;
	v19 =	vld [tilespmem:s15+$0x40]  }
0x1a1: {  	[tilespmem:v11+s30+$0x0] =	vst.idx.msk $0xffff, v6;
	v11 =	vadd.s32 v41, v8;
	v6 =	vadd.f32 v43, v62;
	v41 =	vld [tilespmem:s15+$0x70]  }
0x1a2: {  	[tilespmem:v12+s30+$0x0] =	vst.idx.msk $0xffff, v18;
	v18 =	vadd.f32 v63, v62;
	v12 =	vld [tilespmem:s15+$0xFFFFFF90];
	v43 =	vadd.s32 v42, v10  }
0x1a3: {  	v2 =	vadd.s32 v48, v2;
	[tilespmem:v4+s30+$0x0] =	vst.idx.msk $0xffff, v6;
	v4 =	vld [tilespmem:s15+$0xFFFFFFB0];
	v6 =	vadd.f32 v15, v62  }
0x1a4: {  	v9 =	vadd.s32 v36, v9;
	[tilespmem:v13+s30+$0x0] =	vst.idx.msk $0xffff, v18;
	v15 =	vadd.f32 v16, v62;
	v13 =	vld [tilespmem:s15+$0xFFFFFFD0]  }
0x1a5: {  	[tilespmem:v14+s30+$0x0] =	vst.idx.msk $0xffff, v6;
	v6 =	vadd.s32 v31, v17;
	v14 =	vld [tilespmem:s15+$0xFFFFFFF0];
	v16 =	vadd.f32 v19, v62  }
0x1a6: {  	v0 =	vadd.s32 v26, v0;
	[tilespmem:v11+s30+$0x0] =	vst.idx.msk $0xffff, v15;
	v11 =	vld [tilespmem:s15+$0x10];
	v15 =	vadd.f32 v41, v3  }
0x1a7: {  	v5 =	vadd.s32 v28, v5;
	v12 =	vadd.f32 v12, v3;
	[tilespmem:v43+s30+$0x0] =	vst.idx.msk $0xffff, v16;
	v16 =	vld [tilespmem:s15+$0x30]  }
0x1a8: {  	[tilespmem:v2+s30+$0x0] =	vst.idx.msk $0xffff, v15;
	v2 =	vadd.f32 v4, v3;
	v4 =	vadd.s32 v32, v7;
	v7 =	vld [tilespmem:s15+$0x50]  }
0x1a9: {  	v8 =	vadd.s32 v30, v8;
	[tilespmem:v9+s30+$0x0] =	vst.idx.msk $0xffff, v12;
	v9 =	vadd.f32 v13, v3  }
0x1aa: {  	[tilespmem:v6+s30+$0x0] =	vst.idx.msk $0xffff, v2;
	v2 =	vadd.f32 v14, v3;
	v6 =	vadd.s32 v37, v10  }
0x1ab: {  	[tilespmem:v0+s30+$0x0] =	vst.idx.msk $0xffff, v9;
	v0 =	vadd.f32 v11, v3  }
0x1ac: {  	[tilespmem:v5+s30+$0x0] =	vst.idx.msk $0xffff, v2;
	v2 =	vadd.f32 v16, v3  }
0x1ad: {  	[tilespmem:v4+s30+$0x0] =	vst.idx.msk $0xffff, v0;
	v0 =	vadd.f32 v7, v3  }
0x1ae: {  	[tilespmem:v8+s30+$0x0] =	vst.idx.msk $0xffff, v2  }
0x1af: {  	[tilespmem:v6+s30+$0x0] =	vst.idx.msk $0xffff, v0  }
0x1b0: {  	v16 =	vld [tilespmem:$0x1FC60]  }
0x1b1: {  	s15 =	simm.s32 $0x90F0  }
0x1b2: {  	v0 =	vld [tilespmem:s15+$0xFFFFFFF0]  }
0x1b3: {  	v2 =	vld [tilespmem:s15+$0xFFFFFF10]  }
0x1b4: {  	v4 =	vld [tilespmem:s15+$0xFFFFFF30]  }
0x1b5: {  	v14 =	vld [tilespmem:$0x1FC70];
	v5 =	vadd.s32 v45, v16  }
0x1b6: {  	v27 =	vld [tilespmem:$0x1FD70]  }
0x1b7: {  	v17 =	vld [tilespmem:$0x1FC80]  }
0x1b8: {  	v21 =	vld [tilespmem:$0x1FC90];
	v0 =	vadd.f32 v0, v62  }
0x1b9: {  	v37 =	vld [tilespmem:$0x1FD90]  }
0x1ba: {  	v15 =	vld [tilespmem:$0x1FCA0];
	[tilespmem:v5+s30+$0x0] =	vst.idx.msk $0xffff, v0  }
0x1bb: {  	v41 =	vld [tilespmem:$0x1FDA0]  }
0x1bc: {  	v6 =	vadd.s32 v39, v14;
	v18 =	vld [tilespmem:$0x1FCB0]  }
0x1bd: {  	v7 =	vld [tilespmem:s15+$0xFFFFFF50];
	v8 =	vadd.s32 v27, v17  }
0x1be: {  	v9 =	vld [tilespmem:s15+$0xFFFFFF70]  }
0x1bf: {  	v11 =	vld [tilespmem:s15+$0xFFFFFF90];
	v10 =	vadd.s32 v29, v21;
	v2 =	vadd.f32 v2, v62  }
0x1c0: {  	v12 =	vadd.s32 v37, v15;
	v4 =	vadd.f32 v4, v62  }
0x1c1: {  	v13 =	vld [tilespmem:s15+$0xFFFFFFB0];
	[tilespmem:v6+s30+$0x0] =	vst.idx.msk $0xffff, v2;
	v0 =	vadd.s32 v41, v18  }
0x1c2: {  	v2 =	vadd.f32 v7, v62;
	v63 =	vld [tilespmem:$0x1FCC0];
	[tilespmem:v8+s30+$0x0] =	vst.idx.msk $0xffff, v4  }
0x1c3: {  	v8 =	vadd.f32 v9, v62;
	v40 =	vld [tilespmem:$0x1FDD0]  }
0x1c4: {  	v19 =	vld [tilespmem:$0x1FCD0];
	[tilespmem:v10+s30+$0x0] =	vst.idx.msk $0xffff, v2;
	v10 =	vadd.f32 v11, v62  }
0x1c5: {  	v5 =	vld [tilespmem:s15+$0xFFFFFFD0];
	[tilespmem:v12+s30+$0x0] =	vst.idx.msk $0xffff, v8  }
0x1c6: {  	v26 =	vld [tilespmem:$0x1FD60];
	[tilespmem:v0+s30+$0x0] =	vst.idx.msk $0xffff, v10  }
0x1c7: {  	v28 =	vld [tilespmem:$0x1FD80]  }
0x1c8: {  	v7 =	vld [tilespmem:s15+$0x0];
	v6 =	vadd.s32 v38, v63  }
0x1c9: {  	v4 =	vld [tilespmem:s15+$0xFFFFFF20];
	v9 =	vadd.s32 v40, v19  }
0x1ca: {  	v2 =	vld [tilespmem:s15+$0xFFFFFF40];
	v11 =	vadd.s32 v46, v16  }
0x1cb: {  	v8 =	vadd.f32 v13, v62;
	v12 =	vadd.s32 v26, v14;
	v14 =	vld [tilespmem:s15+$0xFFFFFF60]  }
0x1cc: {  	v5 =	vadd.f32 v5, v62;
	v0 =	vadd.s32 v28, v17  }
0x1cd: {  	v16 =	vadd.s32 v33, v21;
	[tilespmem:v6+s30+$0x0] =	vst.idx.msk $0xffff, v8;
	v6 =	vadd.f32 v7, v3  }
0x1ce: {  	[tilespmem:v9+s30+$0x0] =	vst.idx.msk $0xffff, v5;
	v5 =	vadd.f32 v4, v3  }
0x1cf: {  	v2 =	vadd.f32 v2, v3;
	v32 =	vld [tilespmem:$0x1FF40];
	[tilespmem:v11+s30+$0x0] =	vst.idx.msk $0xffff, v6  }
0x1d0: {  	v43 =	vld [tilespmem:$0x1FDB0];
	[tilespmem:v12+s30+$0x0] =	vst.idx.msk $0xffff, v5;
	v5 =	vadd.f32 v14, v3  }
0x1d1: {  	v42 =	vld [tilespmem:$0x1FDC0];
	[tilespmem:v0+s30+$0x0] =	vst.idx.msk $0xffff, v2  }
0x1d2: {  	v0 =	vld [tilespmem:$0x1FDE0];
	[tilespmem:v16+s30+$0x0] =	vst.idx.msk $0xffff, v5  }
0x1d3: {  	v5 =	vld [tilespmem:$0x1FCE0];
	_ =	sdelay $0x2  }
0x1d4: {  	v10 =	vld [tilespmem:s15+$0xFFFFFF80]  }
0x1d5: {  	v17 =	vld [tilespmem:s15+$0xFFFFFFA0]  }
0x1d6: {  	v16 =	vshll.u32 v5, v1;
	v5 =	vld [tilespmem:$0x1FCF0];
	_ =	sdelay $0x1  }
0x1d7: {  	v13 =	vmov s14;
	v8 =	vmov s7;
	v9 =	vmov s9  }
0x1d8: {  	v11 =	vmov s10;
	v12 =	vmov s13;
	v7 =	vadd.s32 v32, v15;
	v15 =	vld [tilespmem:s15+$0xFFFFFFC0]  }
0x1d9: {  	v14 =	vadd.f32 v10, v3;
	v4 =	vadd.s32 v43, v18;
	v6 =	vadd.s32 v42, v63;
	v2 =	vld [tilespmem:s15+$0xFFFFFFE0]  }
0x1da: {  	s7 =	simm.s32 $0x10;
	s9 =	simm.s32 $0xF;
	v10 =	vadd.f32 v17, v3;
	v0 =	vadd.s32 v0, v19;
	v5 =	vshrl.u32 v5, $0x3  }
.LBB2_5:
0x1db: {  	_ =	sdelay $0x1  }
0x1dc: {  	[tilespmem:v7+s30+$0x0] =	vst.idx.msk $0xffff, v14;
	v7 =	vadd.f32 v15, v3  }
0x1dd: {  	v8 =	vshrl.u32 v8, $0x3;
	v17 =	vmov s9;
	[tilespmem:v4+s30+$0x0] =	vst.idx.msk $0xffff, v10;
	v2 =	vadd.f32 v2, v3  }
0x1de: {  	v9 =	vshrl.u32 v9, $0x3;
	s15 =	sadd.s32 $0x100, s15;
	v14 =	vshrl.u32 v17, $0x3;
	v4 =	vshrl.u32 v11, $0x3;
	[tilespmem:v6+s30+$0x0] =	vst.idx.msk $0xffff, v7  }
0x1df: {  	v11 =	vshll.u32 v14, v1;
	v6 =	vbroadcast v16, $0x0;
	[tilespmem:v0+s30+$0x0] =	vst.idx.msk $0xffff, v2;
	v0 =	vld [tilespmem:s15+$0xFFFFFF10];
	v2 =	vshll.u32 v5, v1  }
0x1e0: {  	v5 =	vshll.u32 v8, v1;
	v8 =	vshll.u32 v9, v1;
	v9 =	vld [tilespmem:s15+$0xFFFFFF30];
	v2 =	vbroadcast v2, $0x0  }
0x1e1: {  	v10 =	vshrl.u32 v12, $0x3;
	v12 =	vld [tilespmem:s15+$0xFFFFFFF0];
	v11 =	vbroadcast v11, $0x0;
	v14 =	vadd.s32 v39, v6  }
0x1e2: {  	v4 =	vshll.u32 v4, v1;
	v15 =	vld [tilespmem:s15+$0xFFFFFF50];
	v5 =	vbroadcast v5, $0x0;
	v16 =	vadd.s32 v27, v2  }
0x1e3: {  	v17 =	vld [tilespmem:s15+$0xFFFFFF70];
	v7 =	vshrl.u32 v13, $0x3;
	v13 =	vadd.s32 v45, v11;
	v18 =	vbroadcast v8, $0x0  }
0x1e4: {  	v19 =	vld [tilespmem:s15+$0xFFFFFF90];
	v4 =	vbroadcast v4, $0x0;
	v8 =	vadd.s32 v29, v5;
	v0 =	vadd.f32 v0, v62  }
0x1e5: {  	v7 =	vshll.u32 v7, v1;
	v21 =	vld [tilespmem:s15+$0xFFFFFFB0];
	v20 =	vadd.s32 v37, v18;
	v9 =	vadd.f32 v9, v62  }
0x1e6: {  	v22 =	vadd.s32 v41, v4;
	v12 =	vadd.f32 v12, v62;
	v23 =	vld [tilespmem:s15+$0xFFFFFFD0];
	v24 =	vbroadcast v7, $0x0;
	[tilespmem:v14+s30+$0x0] =	vst.idx.msk $0xffff, v0  }
0x1e7: {  	v0 =	vadd.f32 v15, v62;
	[tilespmem:v16+s30+$0x0] =	vst.idx.msk $0xffff, v9  }
0x1e8: {  	[tilespmem:v13+s30+$0x0] =	vst.idx.msk $0xffff, v12;
	v14 =	vadd.s32 v40, v24;
	v9 =	vadd.f32 v17, v62;
	v16 =	vld [tilespmem:s15+$0xFFFFFF40]  }
0x1e9: {  	v10 =	vshll.u32 v10, v1;
	[tilespmem:v8+s30+$0x0] =	vst.idx.msk $0xffff, v0;
	v0 =	vadd.f32 v19, v62  }
0x1ea: {  	v10 =	vbroadcast v10, $0x0;
	v12 =	vld [tilespmem:s15+$0x0];
	[tilespmem:v20+s30+$0x0] =	vst.idx.msk $0xffff, v9;
	v9 =	vadd.f32 v21, v62;
	v21 =	vadd.s32 v28, v2  }
0x1eb: {  	v13 =	vld [tilespmem:s15+$0xFFFFFF20];
	[tilespmem:v22+s30+$0x0] =	vst.idx.msk $0xffff, v0;
	v0 =	vadd.f32 v23, v62  }
0x1ec: {  	v7 =	vadd.s32 v38, v10;
	v25 =	vld [tilespmem:s15+$0xFFFFFF60]  }
0x1ed: {  	v17 =	vadd.s32 v46, v11;
	v63 =	vld [tilespmem:s15+$0xFFFFFF80];
	[tilespmem:v14+s30+$0x0] =	vst.idx.msk $0xffff, v0;
	v0 =	vadd.f32 v16, v3  }
0x1ee: {  	s14 =	sadd.s32 $0x4, s7;
	v4 =	vadd.s32 v43, v4;
	v6 =	vadd.s32 v26, v6;
	v15 =	vmov s7;
	v48 =	vld [tilespmem:s15+$0xFFFFFFA0]  }
0x1ef: {  	p1 =	slt.u32 s7, $0x78;
	s17 =	sadd.s32 $0x1, s7;
	s10 =	sadd.s32 $0x2, s7;
	v11 =	vmov s14;
	v19 =	vshrl.u32 v15, $0x3;
	v22 =	vadd.s32 v33, v5;
	[tilespmem:v21+s30+$0x0] =	vst.idx.msk $0xffff, v0;
	v0 =	vld [tilespmem:$0x1FDE0]  }
.Ltmp3:
0x1f0: {  	s16 =	sadd.s32 $0x5, s7;
	v8 =	vmov s10;
	v20 =	vmov s17;
	v5 =	vadd.f32 v12, v3;
	(pc) =	sbr.rel @p1 .LBB2_5-.Ltmp3, $4  }
0x1f1: {  	s13 =	sadd.s32 $0x3, s7;
	v12 =	vmov s16;
	[tilespmem:v7+s30+$0x0] =	vst.idx.msk $0xffff, v9;
	v7 =	vadd.s32 v32, v18;
	v13 =	vadd.f32 v13, v3  }
0x1f2: {  	v9 =	vmov s13;
	v15 =	vld [tilespmem:s15+$0xFFFFFFC0];
	[tilespmem:v17+s30+$0x0] =	vst.idx.msk $0xffff, v5;
	v16 =	vshll.u32 v19, v1;
	v17 =	vadd.f32 v25, v3  }
0x1f3: {  	s17 =	sadd.s32 $0x6, s7;
	v5 =	vshrl.u32 v20, $0x3;
	v2 =	vld [tilespmem:s15+$0xFFFFFFE0];
	[tilespmem:v6+s30+$0x0] =	vst.idx.msk $0xffff, v13;
	v6 =	vadd.s32 v42, v10;
	v14 =	vadd.f32 v63, v3  }
0x1f4: {  	s9 =	sadd.s32 $0x7, s7;
	s7 =	sadd.s32 $0x8, s7;
	v13 =	vmov s17;
	[tilespmem:v22+s30+$0x0] =	vst.idx.msk $0xffff, v17;
	v10 =	vadd.f32 v48, v3;
	v0 =	vadd.s32 v0, v24;
	v24 =	vld [tilespmem:$0x1FDE0]  }
0x1f5: {  	v8 =	vshrl.u32 v8, $0x3;
	v17 =	vmov s9;
	v9 =	vshrl.u32 v9, $0x3  }
0x1f6: {  	v11 =	vshrl.u32 v11, $0x3;
	v12 =	vshrl.u32 v12, $0x3;
	s7 =	sadd.s32 $0x100, s15;
	v16 =	vbroadcast v16, $0x0  }
0x1f7: {  	v5 =	vshll.u32 v5, v1;
	v17 =	vshrl.u32 v17, $0x3;
	v19 =	vld [tilespmem:s7+$0xFFFFFF10];
	v8 =	vshll.u32 v8, v1  }
0x1f8: {  	v9 =	vshll.u32 v9, v1;
	v20 =	vld [tilespmem:s7+$0xFFFFFF30];
	v5 =	vbroadcast v5, $0x0;
	v17 =	vshll.u32 v17, v1  }
0x1f9: {  	v18 =	vld [tilespmem:s7+$0xFFFFFFF0];
	v11 =	vshll.u32 v11, v1;
	v22 =	vadd.s32 v39, v16;
	v17 =	vbroadcast v17, $0x0  }
0x1fa: {  	[tilespmem:v7+s30+$0x0] =	vst.idx.msk $0xffff, v14;
	v14 =	vld [tilespmem:s7+$0xFFFFFF70];
	v15 =	vadd.f32 v15, v3;
	v9 =	vbroadcast v9, $0x0;
	v7 =	vadd.s32 v27, v5  }
0x1fb: {  	v23 =	vld [tilespmem:s7+$0xFFFFFF50];
	v12 =	vshll.u32 v12, v1;
	v8 =	vbroadcast v8, $0x0;
	v21 =	vadd.s32 v45, v17  }
0x1fc: {  	v13 =	vshrl.u32 v13, $0x3;
	[tilespmem:v6+s30+$0x0] =	vst.idx.msk $0xffff, v15;
	v15 =	vadd.s32 v37, v9;
	v6 =	vadd.f32 v19, v62  }
0x1fd: {  	[tilespmem:v4+s30+$0x0] =	vst.idx.msk $0xffff, v10;
	v12 =	vbroadcast v12, $0x0;
	v4 =	vadd.s32 v29, v8;
	v19 =	vld [tilespmem:s7+$0xFFFFFFB0];
	v20 =	vadd.f32 v20, v62  }
0x1fe: {  	v13 =	vshll.u32 v13, v1;
	v10 =	vld [tilespmem:s7+$0xFFFFFF90];
	v11 =	vbroadcast v11, $0x0;
	v18 =	vadd.f32 v18, v62;
	[tilespmem:v22+s30+$0x0] =	vst.idx.msk $0xffff, v6  }
0x1ff: {  	v14 =	vadd.f32 v14, v62;
	v22 =	vadd.s32 v38, v12;
	[tilespmem:v7+s30+$0x0] =	vst.idx.msk $0xffff, v20  }
0x200: {  	v13 =	vbroadcast v13, $0x0;
	v6 =	vadd.f32 v23, v62;
	[tilespmem:v21+s30+$0x0] =	vst.idx.msk $0xffff, v18;
	v18 =	vadd.s32 v41, v11;
	v21 =	vld [tilespmem:s7+$0xFFFFFFD0]  }
0x201: {  	v7 =	vld [tilespmem:s7+$0xFFFFFF20];
	[tilespmem:v15+s30+$0x0] =	vst.idx.msk $0xffff, v14  }
0x202: {  	v20 =	vadd.s32 v40, v13;
	[tilespmem:v4+s30+$0x0] =	vst.idx.msk $0xffff, v6;
	v4 =	vld [tilespmem:s7+$0xFFFFFF40];
	v14 =	vadd.f32 v19, v62  }
0x203: {  	v2 =	vadd.f32 v2, v3;
	v15 =	vadd.s32 v26, v16;
	v6 =	vadd.f32 v10, v62;
	v23 =	vld [tilespmem:s7+$0x0]  }
0x204: {  	v5 =	vadd.s32 v28, v5;
	v10 =	vadd.s32 v46, v17;
	v17 =	vld [tilespmem:s7+$0xFFFFFF60];
	[tilespmem:v22+s30+$0x0] =	vst.idx.msk $0xffff, v14  }
0x205: {  	v16 =	vld [tilespmem:s7+$0xFFFFFF80];
	[tilespmem:v18+s30+$0x0] =	vst.idx.msk $0xffff, v6;
	v6 =	vadd.f32 v21, v62  }
0x206: {  	[tilespmem:v0+s30+$0x0] =	vst.idx.msk $0xffff, v2;
	v0 =	vadd.s32 v33, v8;
	v19 =	vld [tilespmem:s7+$0xFFFFFFC0];
	v2 =	vadd.f32 v7, v3  }
0x207: {  	v7 =	vadd.s32 v32, v9;
	v4 =	vadd.f32 v4, v3;
	v18 =	vld [tilespmem:s7+$0xFFFFFFA0];
	[tilespmem:v20+s30+$0x0] =	vst.idx.msk $0xffff, v6  }
0x208: {  	v9 =	vadd.s32 v42, v12;
	v14 =	vadd.f32 v23, v3;
	[tilespmem:v15+s30+$0x0] =	vst.idx.msk $0xffff, v2;
	v6 =	vld [tilespmem:s7+$0xFFFFFFE0]  }
0x209: {  	v8 =	vadd.s32 v43, v11;
	v2 =	vadd.f32 v17, v3;
	[tilespmem:v5+s30+$0x0] =	vst.idx.msk $0xffff, v4  }
0x20a: {  	v4 =	vadd.f32 v16, v3;
	[tilespmem:v10+s30+$0x0] =	vst.idx.msk $0xffff, v14;
	v10 =	vadd.s32 v24, v13  }
0x20b: {  	[tilespmem:v0+s30+$0x0] =	vst.idx.msk $0xffff, v2;
	v11 =	vadd.f32 v19, v3  }
0x20c: {  	[tilespmem:v7+s30+$0x0] =	vst.idx.msk $0xffff, v4;
	v5 =	vadd.f32 v18, v3  }
0x20d: {  	[tilespmem:v9+s30+$0x0] =	vst.idx.msk $0xffff, v11;
	v12 =	vadd.f32 v6, v3  }
0x20e: {  	[tilespmem:v8+s30+$0x0] =	vst.idx.msk $0xffff, v5  }
0x20f: {  	[tilespmem:v10+s30+$0x0] =	vst.idx.msk $0xffff, v12  }
0x210: {  	v32 =	vld [tilespmem:$0x1FF80]  }
0x211: {  	v37 =	vld [tilespmem:$0x1FF90]  }
0x212: {  	v38 =	vld [tilespmem:$0x1FFA0]  }
0x213: {  	v39 =	vld [tilespmem:$0x1FDF0]  }
0x214: {  	s10 =	simm.s32 $0x0;
	p2 =	por $0x1, $0x1;
	v40 =	vld [tilespmem:$0x1FE00]  }
.Ltmp4:
0x215: {  	s13 =	simm.s32 $0x1;
	s15 =	simm.s32 $0x3;
	v0 =	vmov s10;
	v41 =	vld [tilespmem:$0x1FE10];
	(pc) =	sbr.rel @!p2 .LBB2_11-.Ltmp4, $4  }
0x216: {  	s14 =	simm.s32 $0x2;
	s16 =	simm.s32 $0x4;
	v13 =	vmov s13;
	v2 =	vmov s15;
	v7 =	vshrl.u32 v0, $0x3;
	v42 =	vld [tilespmem:$0x1FE20]  }
0x217: {  	s17 =	simm.s32 $0x6;
	s9 =	simm.s32 $0x7;
	s13 =	simm.s32 $0x5;
	v0 =	vmov s14;
	v4 =	vmov s16;
	v7 =	vshll.u32 v7, v1;
	v43 =	vld [tilespmem:$0x1FE30]  }
0x218: {  	p1 =	por $0x0, $0x0;
	p3 =	por $0x0, $0x0;
	s10 =	simm.s32 $0xA0F0;
	v15 =	vmovc v4;
	v23 =	vmovc v7;
	v5 =	vmov s13;
	v6 =	vmov s17;
	v8 =	vshrl.u32 v13, $0x3;
	v29 =	vld [tilespmem:$0x1FE40]  }
0x219: {  	s7 =	simm.s32 $0x8;
	s15 =	simm.s32 $0x7;
	s13 =	simm.s32 $0xA0F0;
	v16 =	vmovc v5;
	v19 =	vmovc v6;
	v20 =	vmov v8;
	v10 =	vmov v0;
	v48 =	vld [tilespmem:$0x1FFF0];
	v12 =	vmov v2  }
0x21a: {  	v9 =	vmov s9  }
0x21b: {  	v16 =	vld [tilespmem:s10+$0xFFFFFFF0];
	v9 =	vshrl.u32 v9, $0x3  }
0x21c: {  	v14 =	vbroadcast v7, $0x0;
	v17 =	vld [tilespmem:s10+$0xFFFFFF10];
	v9 =	vshll.u32 v9, v1  }
0x21d: {  	v26 =	vld [tilespmem:s10+$0xFFFFFFD0];
	v9 =	vbroadcast v9, $0x0  }
0x21e: {  	v19 =	vld [tilespmem:s10+$0xFFFFFF30];
	v21 =	vadd.s32 v32, v14  }
0x21f: {  	v12 =	vshrl.u32 v4, $0x3;
	v22 =	vld [tilespmem:s10+$0xFFFFFF50];
	v20 =	vadd.s32 v52, v9  }
0x220: {  	v24 =	vld [tilespmem:s10+$0xFFFFFF70];
	v12 =	vshll.u32 v12, v1  }
0x221: {  	v63 =	vld [tilespmem:s10+$0xFFFFFF90];
	v28 =	vbroadcast v12, $0x0;
	v12 =	vadd.f32 v16, v62;
	v16 =	vadd.f32 v17, v62  }
0x222: {  	v10 =	vshrl.u32 v0, $0x3;
	v18 =	vshll.u32 v8, v1;
	v34 =	vld [tilespmem:s10+$0xFFFFFFB0];
	[tilespmem:$0x1FC40] =	vst v26  }
0x223: {  	v11 =	vshrl.u32 v2, $0x3;
	v10 =	vshll.u32 v10, v1;
	v18 =	vbroadcast v18, $0x0;
	[tilespmem:v21+s30+$0x0] =	vst.idx.msk $0xffff, v16  }
0x224: {  	v13 =	vshrl.u32 v5, $0x3;
	v11 =	vshll.u32 v11, v1;
	v23 =	vbroadcast v10, $0x0;
	[tilespmem:v20+s30+$0x0] =	vst.idx.msk $0xffff, v12;
	v20 =	vld [tilespmem:s10+$0xFFFFFF20]  }
0x225: {  	v10 =	vshll.u32 v13, v1;
	v11 =	vbroadcast v11, $0x0;
	v13 =	vadd.s32 v38, v18  }
0x226: {  	v25 =	vadd.s32 v40, v23  }
0x227: {  	v15 =	vshrl.u32 v6, $0x3;
	v27 =	vbroadcast v10, $0x0;
	v17 =	vadd.s32 v42, v11  }
0x228: {  	v15 =	vshll.u32 v15, v1;
	v10 =	vadd.f32 v19, v62;
	v19 =	vadd.s32 v29, v28  }
0x229: {  	v26 =	vbroadcast v15, $0x0;
	v15 =	vadd.s32 v49, v27;
	v12 =	vadd.f32 v22, v62;
	v16 =	vld [tilespmem:s10+$0x0];
	[tilespmem:$0x1FC50] =	vst v20  }
0x22a: {  	[tilespmem:v13+s30+$0x0] =	vst.idx.msk $0xffff, v10;
	v10 =	vadd.f32 v24, v62  }
0x22b: {  	[tilespmem:v25+s30+$0x0] =	vst.idx.msk $0xffff, v12;
	v12 =	vadd.f32 v63, v62  }
0x22c: {  	v24 =	vadd.s32 v53, v9;
	v9 =	vadd.f32 v34, v62;
	v22 =	vld [tilespmem:s10+$0xFFFFFF40];
	[tilespmem:v17+s30+$0x0] =	vst.idx.msk $0xffff, v10  }
0x22d: {  	v25 =	vld [tilespmem:s10+$0xFFFFFF60];
	[tilespmem:v19+s30+$0x0] =	vst.idx.msk $0xffff, v12  }
0x22e: {  	v10 =	vld [tilespmem:$0x1FC40];
	[tilespmem:v15+s30+$0x0] =	vst.idx.msk $0xffff, v9  }
0x22f: {  	v17 =	vadd.s32 v39, v18;
	v9 =	vld [tilespmem:$0x1FC50]  }
0x230: {  	v14 =	vadd.s32 v37, v14;
	v21 =	vmov s7;
	v13 =	vadd.s32 v50, v26;
	v20 =	vld [tilespmem:s10+$0xFFFFFF80]  }
0x231: {  	s13 =	simm.s32 $0x9;
	v33 =	vshrl.u32 v21, $0x3;
	v21 =	vadd.s32 v41, v23;
	v16 =	vadd.f32 v16, v3;
	v63 =	vld [tilespmem:s10+$0xFFFFFFA0]  }
0x232: {  	s14 =	simm.s32 $0xB;
	p4 =	por $0x1, $0x1;
	v23 =	vshll.u32 v33, v1;
	v34 =	vmov s13;
	v22 =	vadd.f32 v22, v3  }
.Ltmp5:
0x233: {  	s15 =	simm.s32 $0xC;
	v12 =	vmov s14;
	[tilespmem:v24+s30+$0x0] =	vst.idx.msk $0xffff, v16;
	v24 =	vadd.f32 v25, v3;
	v18 =	vadd.f32 v10, v62;
	(pc) =	sbr.rel @!p4 .LBB2_8-.Ltmp5, $4  }
0x234: {  	s17 =	simm.s32 $0xA;
	s16 =	simm.s32 $0xD;
	v15 =	vmov s15;
	[tilespmem:v17+s30+$0x0] =	vst.idx.msk $0xffff, v22;
	v19 =	vadd.f32 v9, v3;
	v9 =	vadd.s32 v43, v11  }
0x235: {  	v16 =	vmov s16;
	v10 =	vmov s17;
	v11 =	vadd.s32 v48, v28;
	[tilespmem:v13+s30+$0x0] =	vst.idx.msk $0xffff, v18;
	v18 =	vld [tilespmem:s10+$0xFFFFFFC0]  }
0x236: {  	p3 =	por $0x1, $0x1;
	s17 =	simm.s32 $0xE;
	v17 =	vadd.f32 v20, v3;
	v20 =	vshrl.u32 v34, $0x3;
	[tilespmem:v21+s30+$0x0] =	vst.idx.msk $0xffff, v24;
	v21 =	vadd.f32 v63, v3;
	v22 =	vld [tilespmem:s10+$0xFFFFFFE0]  }
0x237: {  	s13 =	simm.s32 $0xA0F0;
	s14 =	simm.s32 $0x10;
	s15 =	simm.s32 $0xF;
	v13 =	vadd.s32 v47, v27;
	[tilespmem:v14+s30+$0x0] =	vst.idx.msk $0xffff, v19;
	v19 =	vmov s17;
	v14 =	vadd.s32 v51, v26  }
.LBB2_9:
0x238: {  	v10 =	vshrl.u32 v10, $0x3  }
0x239: {  	v24 =	vmov s15;
	v12 =	vshrl.u32 v12, $0x3;
	v15 =	vshrl.u32 v15, $0x3;
	[tilespmem:v9+s30+$0x0] =	vst.idx.msk $0xffff, v17  }
0x23a: {  	v16 =	vshrl.u32 v16, $0x3;
	v17 =	vshrl.u32 v24, $0x3;
	[tilespmem:v11+s30+$0x0] =	vst.idx.msk $0xffff, v21;
	v9 =	vadd.f32 v18, v3  }
0x23b: {  	s13 =	sadd.s32 $0x100, s13;
	v10 =	vshll.u32 v10, v1;
	v17 =	vshll.u32 v17, v1;
	v11 =	vadd.f32 v22, v3  }
0x23c: {  	v12 =	vshll.u32 v12, v1;
	v15 =	vshll.u32 v15, v1;
	v17 =	vbroadcast v17, $0x0;
	v18 =	vld [tilespmem:s13+$0xFFFFFFF0];
	[tilespmem:v13+s30+$0x0] =	vst.idx.msk $0xffff, v9  }
0x23d: {  	v25 =	vbroadcast v12, $0x0;
	v9 =	vbroadcast v23, $0x0;
	[tilespmem:v14+s30+$0x0] =	vst.idx.msk $0xffff, v11;
	v11 =	vld [tilespmem:s13+$0xFFFFFF10];
	v14 =	vshll.u32 v20, v1  }
0x23e: {  	v13 =	vshrl.u32 v19, $0x3;
	v19 =	vld [tilespmem:s13+$0xFFFFFF30];
	v20 =	vadd.s32 v52, v17;
	v14 =	vbroadcast v14, $0x0  }
0x23f: {  	v26 =	vbroadcast v15, $0x0;
	v22 =	vld [tilespmem:s13+$0xFFFFFF50];
	v23 =	vbroadcast v10, $0x0;
	v21 =	vadd.s32 v32, v9  }
0x240: {  	v24 =	vld [tilespmem:s13+$0xFFFFFF70];
	v10 =	vshll.u32 v16, v1;
	v12 =	vshll.u32 v13, v1;
	v16 =	vadd.s32 v38, v14  }
0x241: {  	v63 =	vld [tilespmem:s13+$0xFFFFFF90];
	v28 =	vbroadcast v10, $0x0;
	v13 =	vadd.s32 v40, v23;
	v15 =	vadd.f32 v18, v62  }
0x242: {  	v27 =	vld [tilespmem:s13+$0xFFFFFFB0];
	v18 =	vadd.s32 v42, v25;
	v14 =	vadd.s32 v39, v14;
	v11 =	vadd.f32 v11, v62  }
0x243: {  	v33 =	vld [tilespmem:s13+$0xFFFFFFD0];
	v10 =	vadd.f32 v19, v62;
	v19 =	vadd.s32 v29, v26;
	v29 =	vbroadcast v12, $0x0;
	[tilespmem:v20+s30+$0x0] =	vst.idx.msk $0xffff, v15  }
0x244: {  	v12 =	vadd.s32 v49, v28;
	v15 =	vld [tilespmem:s13+$0x0];
	[tilespmem:v21+s30+$0x0] =	vst.idx.msk $0xffff, v11;
	v11 =	vadd.f32 v22, v62  }
0x245: {  	v20 =	vld [tilespmem:s13+$0xFFFFFF20];
	[tilespmem:v16+s30+$0x0] =	vst.idx.msk $0xffff, v10;
	v10 =	vadd.f32 v24, v62;
	v16 =	vadd.s32 v50, v29  }
0x246: {  	v22 =	vld [tilespmem:s13+$0xFFFFFF40];
	[tilespmem:v13+s30+$0x0] =	vst.idx.msk $0xffff, v11;
	v11 =	vadd.f32 v63, v62;
	v13 =	vadd.s32 v53, v17  }
0x247: {  	s16 =	sadd.s32 $0x1, s14;
	v21 =	vmov s14;
	v17 =	vadd.s32 v37, v9;
	v9 =	vadd.f32 v27, v62;
	v24 =	vld [tilespmem:s13+$0xFFFFFF60];
	[tilespmem:v18+s30+$0x0] =	vst.idx.msk $0xffff, v10  }
0x248: {  	s17 =	sadd.s32 $0x2, s14;
	v21 =	vshrl.u32 v21, $0x3;
	v27 =	vmov s16;
	v63 =	vld [tilespmem:s13+$0xFFFFFF80];
	[tilespmem:v19+s30+$0x0] =	vst.idx.msk $0xffff, v11;
	v11 =	vadd.f32 v33, v62  }
0x249: {  	p4 =	slt.u32 s14, $0x78;
	s16 =	sadd.s32 $0x3, s14;
	v10 =	vmov s17;
	v33 =	vadd.s32 v41, v23;
	[tilespmem:v12+s30+$0x0] =	vst.idx.msk $0xffff, v9;
	v19 =	vadd.f32 v15, v3;
	v34 =	vld [tilespmem:s13+$0xFFFFFFA0]  }
.Ltmp6:
0x24a: {  	s17 =	sadd.s32 $0x4, s14;
	v12 =	vmov s16;
	v9 =	vadd.s32 v43, v25;
	v20 =	vadd.f32 v20, v3;
	[tilespmem:v16+s30+$0x0] =	vst.idx.msk $0xffff, v11;
	(pc) =	sbr.rel @p4 .LBB2_9-.Ltmp6, $4  }
0x24b: {  	v15 =	vmov s17;
	s16 =	sadd.s32 $0x5, s14;
	v11 =	vadd.s32 v48, v26;
	v23 =	vadd.f32 v22, v3;
	[tilespmem:v13+s30+$0x0] =	vst.idx.msk $0xffff, v19  }
0x24c: {  	s17 =	sadd.s32 $0x6, s14;
	v18 =	vld [tilespmem:s13+$0xFFFFFFC0];
	v16 =	vmov s16;
	v13 =	vadd.s32 v47, v28;
	[tilespmem:v17+s30+$0x0] =	vst.idx.msk $0xffff, v20;
	v24 =	vadd.f32 v24, v3  }
0x24d: {  	v22 =	vld [tilespmem:s13+$0xFFFFFFE0];
	v19 =	vmov s17;
	[tilespmem:v14+s30+$0x0] =	vst.idx.msk $0xffff, v23;
	v17 =	vadd.f32 v63, v3;
	v14 =	vadd.s32 v51, v29  }
0x24e: {  	s15 =	sadd.s32 $0x7, s14;
	s14 =	sadd.s32 $0x8, s14;
	v20 =	vshrl.u32 v27, $0x3;
	v29 =	vld [tilespmem:$0x1FE40];
	v23 =	vshll.u32 v21, v1;
	[tilespmem:v33+s30+$0x0] =	vst.idx.msk $0xffff, v24;
	v21 =	vadd.f32 v34, v3  }
0x24f: {  	v34 =	vld [tilespmem:$0x1FE80]  }
.LBB2_11:
0x250: {  	v10 =	vshrl.u32 v10, $0x3;
	v24 =	vmov s15;
	v12 =	vshrl.u32 v12, $0x3  }
0x251: {  	s13 =	sadd.s32 @p3 $0x100, s13;
	v15 =	vshrl.u32 v15, $0x3;
	v16 =	vshrl.u32 v16, $0x3;
	v23 =	vbroadcast v23, $0x0  }
0x252: {  	v19 =	vshrl.u32 v19, $0x3;
	v20 =	vshll.u32 v20, v1;
	v24 =	vshrl.u32 v24, $0x3;
	s10 =	smov.u32 @p3 s13  }
0x253: {  	v18 =	vadd.f32 @p3 v18, v3;
	v10 =	vshll.u32 v10, v1;
	v24 =	vshll.u32 v24, v1;
	v26 =	vld [tilespmem:s10+$0xFFFFFF10]  }
0x254: {  	[tilespmem:v9+s30+$0x0] =	vst.idx.msk @p3 $0xffff, v17;
	v12 =	vshll.u32 v12, v1;
	v20 =	vbroadcast v20, $0x0;
	v25 =	vld [tilespmem:s10+$0xFFFFFFF0];
	v24 =	vbroadcast v24, $0x0  }
0x255: {  	v15 =	vshll.u32 v15, v1;
	v16 =	vshll.u32 v16, v1;
	v27 =	vld [tilespmem:s10+$0xFFFFFF30];
	v9 =	vadd.s32 v32, v23  }
0x256: {  	v19 =	vshll.u32 v19, v1;
	v17 =	vld [tilespmem:s10+$0xFFFFFF50];
	v10 =	vbroadcast v10, $0x0;
	v28 =	vadd.s32 v52, v24  }
0x257: {  	[tilespmem:v11+s30+$0x0] =	vst.idx.msk @p3 $0xffff, v21;
	v22 =	vadd.f32 @p3 v22, v3;
	v63 =	vld [tilespmem:s10+$0xFFFFFF70];
	v12 =	vbroadcast v12, $0x0;
	v11 =	vadd.s32 v38, v20  }
0x258: {  	v15 =	vbroadcast v15, $0x0;
	[tilespmem:v13+s30+$0x0] =	vst.idx.msk @p3 $0xffff, v18;
	v18 =	vld [tilespmem:s10+$0xFFFFFF90];
	v13 =	vadd.s32 v40, v10;
	v38 =	vadd.f32 v26, v62  }
0x259: {  	v16 =	vbroadcast v16, $0x0;
	[tilespmem:v14+s30+$0x0] =	vst.idx.msk @p3 $0xffff, v22;
	v22 =	vadd.s32 v42, v12;
	v40 =	vld [tilespmem:s10+$0xFFFFFFB0];
	v25 =	vadd.f32 v25, v62  }
0x25a: {  	v33 =	vld [tilespmem:s10+$0xFFFFFFD0];
	v19 =	vbroadcast v19, $0x0;
	v29 =	vadd.s32 v29, v15;
	v27 =	vadd.f32 v27, v62;
	[tilespmem:v9+s30+$0x0] =	vst.idx.msk $0xffff, v38  }
0x25b: {  	v14 =	vadd.s32 v49, v16;
	v9 =	vadd.f32 v17, v62;
	[tilespmem:v28+s30+$0x0] =	vst.idx.msk $0xffff, v25;
	v42 =	vld [tilespmem:s10+$0xFFFFFF20]  }
0x25c: {  	[tilespmem:v11+s30+$0x0] =	vst.idx.msk $0xffff, v27;
	v11 =	vadd.f32 v63, v62;
	v63 =	vadd.s32 v50, v19;
	v17 =	vld [tilespmem:s10+$0x0]  }
0x25d: {  	v37 =	vadd.s32 v37, v23;
	v27 =	vld [tilespmem:s10+$0xFFFFFF40];
	[tilespmem:v13+s30+$0x0] =	vst.idx.msk $0xffff, v9;
	v9 =	vadd.f32 v18, v62  }
0x25e: {  	v32 =	vadd.s32 v53, v24;
	[tilespmem:v22+s30+$0x0] =	vst.idx.msk $0xffff, v11;
	v11 =	vadd.f32 v40, v62;
	v38 =	vld [tilespmem:s10+$0xFFFFFF60]  }
0x25f: {  	v20 =	vadd.s32 v39, v20;
	v22 =	vld [tilespmem:s10+$0xFFFFFF80];
	[tilespmem:v29+s30+$0x0] =	vst.idx.msk $0xffff, v9;
	v9 =	vadd.f32 v33, v62  }
0x260: {  	v10 =	vadd.s32 v41, v10;
	[tilespmem:v14+s30+$0x0] =	vst.idx.msk $0xffff, v11;
	v40 =	vld [tilespmem:s10+$0xFFFFFFA0];
	v41 =	vadd.f32 v42, v3  }
0x261: {  	v12 =	vadd.s32 v43, v12;
	v42 =	vld [tilespmem:s10+$0xFFFFFFC0];
	[tilespmem:v63+s30+$0x0] =	vst.idx.msk $0xffff, v9;
	v11 =	vadd.f32 v17, v3  }
0x262: {  	v15 =	vadd.s32 v48, v15;
	v9 =	vadd.f32 v27, v3;
	v21 =	vld [tilespmem:s10+$0xFFFFFFE0];
	[tilespmem:v37+s30+$0x0] =	vst.idx.msk $0xffff, v41  }
0x263: {  	v43 =	vadd.s32 v47, v16;
	[tilespmem:v32+s30+$0x0] =	vst.idx.msk $0xffff, v11;
	v11 =	vadd.f32 v38, v3  }
0x264: {  	v63 =	vadd.s32 v51, v19;
	[tilespmem:v20+s30+$0x0] =	vst.idx.msk $0xffff, v9;
	v9 =	vadd.f32 v22, v3  }
.Ltmp7:
0x265: {  	[tilespmem:v10+s30+$0x0] =	vst.idx.msk $0xffff, v11;
	v10 =	vadd.f32 v40, v3;
	(pc) =	sbr.rel @!p2 .LBB2_12-.Ltmp7, $4  }
0x266: {  	[tilespmem:v12+s30+$0x0] =	vst.idx.msk $0xffff, v9;
	v9 =	vadd.f32 v42, v3  }
0x267: {  	[tilespmem:v15+s30+$0x0] =	vst.idx.msk $0xffff, v10;
	v10 =	vadd.f32 v21, v3  }
0x268: {  	[tilespmem:v43+s30+$0x0] =	vst.idx.msk $0xffff, v9  }
0x269: {  	s10 =	simm.s32 $0xB0F0;
	[tilespmem:v63+s30+$0x0] =	vst.idx.msk $0xffff, v10  }
0x26a: {  	v9 =	vmov s9;
	v12 =	vld [tilespmem:s10+$0xFFFFFF10]  }
0x26b: {  	v0 =	vshrl.u32 v0, $0x3;
	v32 =	vld [tilespmem:$0x1FFD0];
	v9 =	vshrl.u32 v9, $0x3  }
0x26c: {  	v2 =	vshrl.u32 v2, $0x3;
	v7 =	vbroadcast v7, $0x0;
	v38 =	vld [tilespmem:$0x1FE60];
	v9 =	vshll.u32 v9, v1  }
0x26d: {  	v8 =	vshll.u32 v8, v1;
	v10 =	vld [tilespmem:s10+$0xFFFFFFF0];
	v0 =	vshll.u32 v0, v1;
	v11 =	vbroadcast v9, $0x0  }
0x26e: {  	v13 =	vld [tilespmem:s10+$0xFFFFFF30];
	v8 =	vbroadcast v8, $0x0;
	v15 =	vadd.s32 v54, v7;
	v9 =	vadd.s32 $0x3307, v35  }
0x26f: {  	v16 =	vld [tilespmem:s10+$0xFFFFFF50];
	v2 =	vshll.u32 v2, v1;
	v0 =	vbroadcast v0, $0x0;
	v14 =	vadd.s32 v9, v11  }
0x270: {  	v4 =	vshrl.u32 v4, $0x3;
	v18 =	vld [tilespmem:s10+$0xFFFFFF70];
	v2 =	vbroadcast v2, $0x0;
	v17 =	vadd.s32 v32, v8  }
0x271: {  	v4 =	vshll.u32 v4, v1;
	v19 =	vadd.s32 v38, v0;
	v12 =	vadd.f32 v12, v62  }
0x272: {  	v20 =	vld [tilespmem:s10+$0xFFFFFF90];
	v4 =	vbroadcast v4, $0x0;
	v21 =	vadd.s32 v55, v2;
	v10 =	vadd.f32 v10, v62  }
0x273: {  	v13 =	vadd.f32 v13, v62;
	[tilespmem:v15+s30+$0x0] =	vst.idx.msk $0xffff, v12  }
0x274: {  	v22 =	vld [tilespmem:s10+$0xFFFFFFB0];
	v23 =	vadd.s32 v57, v4;
	v12 =	vadd.f32 v16, v62;
	[tilespmem:v14+s30+$0x0] =	vst.idx.msk $0xffff, v10  }
0x275: {  	v5 =	vshrl.u32 v5, $0x3;
	v24 =	vld [tilespmem:s10+$0xFFFFFFD0];
	[tilespmem:v17+s30+$0x0] =	vst.idx.msk $0xffff, v13;
	v13 =	vadd.f32 v18, v62  }
0x276: {  	v6 =	vshrl.u32 v6, $0x3;
	v5 =	vshll.u32 v5, v1;
	[tilespmem:v19+s30+$0x0] =	vst.idx.msk $0xffff, v12;
	v15 =	vld [tilespmem:s10+$0x0]  }
0x277: {  	v6 =	vshll.u32 v6, v1;
	v5 =	vbroadcast v5, $0x0;
	v12 =	vadd.f32 v20, v62;
	v27 =	vld [tilespmem:$0x1FFC0];
	[tilespmem:v21+s30+$0x0] =	vst.idx.msk $0xffff, v13  }
0x278: {  	v6 =	vbroadcast v6, $0x0;
	v37 =	vld [tilespmem:$0x1FE50]  }
0x279: {  	v14 =	vadd.s32 v59, v5;
	v21 =	vld [tilespmem:s10+$0xFFFFFF80];
	[tilespmem:v23+s30+$0x0] =	vst.idx.msk $0xffff, v12  }
0x27a: {  	v17 =	vadd.s32 v61, v6;
	v10 =	vadd.s32 $0x3B87, v35;
	v39 =	vld [tilespmem:$0x1FE70]  }
0x27b: {  	v16 =	vld [tilespmem:s10+$0xFFFFFF20];
	v19 =	vadd.s32 v10, v11  }
0x27c: {  	v25 =	vadd.s32 v56, v2;
	v18 =	vld [tilespmem:s10+$0xFFFFFF40];
	v11 =	vadd.f32 v22, v62  }
0x27d: {  	v33 =	vld [tilespmem:s10+$0xFFFFFF60];
	v13 =	vmov s7;
	v12 =	vadd.f32 v24, v62;
	v7 =	vadd.s32 v27, v7  }
0x27e: {  	v42 =	vshrl.u32 v13, $0x3;
	[tilespmem:v14+s30+$0x0] =	vst.idx.msk $0xffff, v11;
	v13 =	vadd.f32 v15, v3;
	v8 =	vadd.s32 v37, v8  }
0x27f: {  	[tilespmem:v17+s30+$0x0] =	vst.idx.msk $0xffff, v12;
	v17 =	vadd.f32 v21, v3;
	v43 =	vadd.s32 v39, v0  }
0x280: {  	v14 =	vadd.f32 v16, v3;
	[tilespmem:v19+s30+$0x0] =	vst.idx.msk $0xffff, v13  }
0x281: {  	v16 =	vadd.f32 v18, v3;
	[tilespmem:v25+s30+$0x0] =	vst.idx.msk $0xffff, v17  }
0x282: {  	v24 =	vld [tilespmem:s10+$0xFFFFFFA0];
	[tilespmem:v7+s30+$0x0] =	vst.idx.msk $0xffff, v14;
	v7 =	vadd.f32 v33, v3  }
0x283: {  	v26 =	vld [tilespmem:s10+$0xFFFFFFC0];
	[tilespmem:v8+s30+$0x0] =	vst.idx.msk $0xffff, v16  }
0x284: {  	v16 =	vld [tilespmem:s10+$0xFFFFFFE0];
	[tilespmem:v43+s30+$0x0] =	vst.idx.msk $0xffff, v7  }
0x285: {  	p2 =	por $0x1, $0x1;
	v28 =	vld [tilespmem:$0x1FEE0]  }
.Ltmp8:
0x286: {  	v63 =	vadd.s32 $0x3B86, v35;
	s14 =	simm.s32 $0xB;
	s15 =	simm.s32 $0xC;
	v11 =	vadd.s32 v58, v4;
	v33 =	vld [tilespmem:$0x1FEF0];
	(pc) =	sbr.rel @!p2 .LBB2_14-.Ltmp8, $4  }
0x287: {  	s9 =	simm.s32 $0x9;
	s16 =	simm.s32 $0xD;
	v2 =	vmov s14;
	v12 =	vadd.s32 v60, v5;
	v4 =	vmov s15;
	v29 =	vld [tilespmem:$0x1FF00]  }
0x288: {  	s13 =	simm.s32 $0xA;
	s17 =	simm.s32 $0xE;
	v5 =	vmov s16;
	v15 =	vmov s9;
	v13 =	vadd.s32 v63, v6;
	v43 =	vld [tilespmem:$0x1FD40]  }
0x289: {  	p1 =	por $0x1, $0x1;
	v6 =	vmov s17;
	v0 =	vmov s13;
	v14 =	vadd.f32 v24, v3;
	v40 =	vld [tilespmem:$0x1FD00]  }
0x28a: {  	s7 =	simm.s32 $0xB0F0;
	s9 =	simm.s32 $0xF;
	s13 =	simm.s32 $0x10;
	v8 =	vshrl.u32 v15, $0x3;
	v15 =	vadd.f32 v26, v3;
	v7 =	vshll.u32 v42, v1;
	v41 =	vld [tilespmem:$0x1FD30]  }
.LBB2_15:
0x28b: {  	p2 =	slt.u32 s13, $0x78;
	v0 =	vshrl.u32 v0, $0x3;
	v17 =	vmov s9;
	[tilespmem:v11+s30+$0x0] =	vst.idx.msk $0xffff, v14;
	v11 =	vadd.f32 v16, v3  }
0x28c: {  	v2 =	vshrl.u32 v2, $0x3;
	v4 =	vshrl.u32 v4, $0x3;
	v14 =	vshrl.u32 v17, $0x3;
	[tilespmem:v12+s30+$0x0] =	vst.idx.msk $0xffff, v15  }
0x28d: {  	v5 =	vshrl.u32 v5, $0x3;
	v6 =	vshrl.u32 v6, $0x3;
	s7 =	sadd.s32 $0x100, s7;
	v12 =	vshll.u32 v14, v1;
	[tilespmem:v13+s30+$0x0] =	vst.idx.msk $0xffff, v11  }
0x28e: {  	v7 =	vbroadcast v7, $0x0;
	v8 =	vshll.u32 v8, v1;
	v11 =	vld [tilespmem:s7+$0xFFFFFFF0];
	v12 =	vbroadcast v12, $0x0  }
0x28f: {  	v0 =	vshll.u32 v0, v1;
	v2 =	vshll.u32 v2, v1;
	v13 =	vld [tilespmem:s7+$0xFFFFFF10]  }
0x290: {  	v8 =	vbroadcast v8, $0x0;
	v4 =	vshll.u32 v4, v1;
	v14 =	vld [tilespmem:s7+$0xFFFFFF30];
	v15 =	vadd.s32 v9, v12  }
0x291: {  	v5 =	vshll.u32 v5, v1;
	v16 =	vadd.s32 v54, v7;
	v0 =	vbroadcast v0, $0x0;
	v17 =	vld [tilespmem:s7+$0xFFFFFF50]  }
0x292: {  	v6 =	vshll.u32 v6, v1;
	v2 =	vbroadcast v2, $0x0;
	v18 =	vadd.s32 v32, v8;
	v19 =	vld [tilespmem:s7+$0xFFFFFF70]  }
0x293: {  	v4 =	vbroadcast v4, $0x0;
	v20 =	vadd.s32 v38, v0;
	v21 =	vld [tilespmem:s7+$0xFFFFFF90];
	v11 =	vadd.f32 v11, v62  }
0x294: {  	v5 =	vbroadcast v5, $0x0;
	v22 =	vadd.s32 v55, v2;
	v13 =	vadd.f32 v13, v62;
	v23 =	vld [tilespmem:s7+$0xFFFFFFB0]  }
0x295: {  	v6 =	vbroadcast v6, $0x0;
	v24 =	vadd.s32 v57, v4;
	v14 =	vadd.f32 v14, v62;
	v25 =	vld [tilespmem:s7+$0xFFFFFFD0];
	[tilespmem:v15+s30+$0x0] =	vst.idx.msk $0xffff, v11  }
0x296: {  	[tilespmem:v16+s30+$0x0] =	vst.idx.msk $0xffff, v13;
	v11 =	vadd.f32 v17, v62;
	v13 =	vadd.s32 v59, v5;
	v15 =	vld [tilespmem:s7+$0x0]  }
0x297: {  	v17 =	vadd.s32 v61, v6;
	v16 =	vld [tilespmem:s7+$0xFFFFFF20];
	[tilespmem:v18+s30+$0x0] =	vst.idx.msk $0xffff, v14;
	v14 =	vadd.f32 v19, v62  }
0x298: {  	v12 =	vadd.s32 v10, v12;
	v18 =	vld [tilespmem:s7+$0xFFFFFF40];
	[tilespmem:v20+s30+$0x0] =	vst.idx.msk $0xffff, v11;
	v11 =	vadd.f32 v21, v62  }
0x299: {  	v7 =	vadd.s32 v27, v7;
	v19 =	vld [tilespmem:s7+$0xFFFFFF60];
	[tilespmem:v22+s30+$0x0] =	vst.idx.msk $0xffff, v14;
	v14 =	vadd.f32 v23, v62  }
0x29a: {  	v8 =	vadd.s32 v37, v8;
	v20 =	vmov s13;
	v21 =	vld [tilespmem:s7+$0xFFFFFF80];
	[tilespmem:v24+s30+$0x0] =	vst.idx.msk $0xffff, v11;
	v11 =	vadd.f32 v25, v62  }
0x29b: {  	s9 =	sadd.s32 $0x1, s13;
	v20 =	vshrl.u32 v20, $0x3;
	v22 =	vadd.s32 v39, v0;
	v23 =	vld [tilespmem:s7+$0xFFFFFFA0];
	[tilespmem:v13+s30+$0x0] =	vst.idx.msk $0xffff, v14;
	v13 =	vadd.f32 v15, v3  }
0x29c: {  	v24 =	vadd.s32 v56, v2;
	v15 =	vmov s9;
	s9 =	sadd.s32 $0x2, s13;
	v14 =	vadd.f32 v16, v3;
	v25 =	vld [tilespmem:s7+$0xFFFFFFC0];
	[tilespmem:v17+s30+$0x0] =	vst.idx.msk $0xffff, v11  }
.Ltmp9:
0x29d: {  	v0 =	vmov s9;
	s9 =	sadd.s32 $0x3, s13;
	v11 =	vadd.s32 v58, v4;
	v17 =	vadd.f32 v18, v3;
	v16 =	vld [tilespmem:s7+$0xFFFFFFE0];
	[tilespmem:v12+s30+$0x0] =	vst.idx.msk $0xffff, v13;
	(pc) =	sbr.rel @p2 .LBB2_15-.Ltmp9, $4  }
0x29e: {  	v2 =	vmov s9;
	s9 =	sadd.s32 $0x4, s13;
	v12 =	vadd.s32 v60, v5;
	[tilespmem:v7+s30+$0x0] =	vst.idx.msk $0xffff, v14;
	v7 =	vadd.f32 v19, v3  }
0x29f: {  	s14 =	sadd.s32 $0x6, s13;
	v13 =	vadd.s32 v63, v6;
	v4 =	vmov s9;
	s9 =	sadd.s32 $0x5, s13;
	[tilespmem:v8+s30+$0x0] =	vst.idx.msk $0xffff, v17;
	v17 =	vadd.f32 v21, v3  }
0x2a0: {  	v6 =	vmov s14;
	v5 =	vmov s9;
	[tilespmem:v22+s30+$0x0] =	vst.idx.msk $0xffff, v7;
	v14 =	vadd.f32 v23, v3  }
0x2a1: {  	v8 =	vshrl.u32 v15, $0x3;
	s9 =	sadd.s32 $0x7, s13;
	s13 =	sadd.s32 $0x8, s13;
	v7 =	vshll.u32 v20, v1;
	[tilespmem:v24+s30+$0x0] =	vst.idx.msk $0xffff, v17;
	v15 =	vadd.f32 v25, v3  }
.LBB2_16:
0x2a2: {  	v0 =	vshrl.u32 v0, $0x3  }
0x2a3: {  	v9 =	vmov s9;
	v10 =	vadd.f32 @p1 v16, v3;
	v2 =	vshrl.u32 v2, $0x3;
	s7 =	sadd.s32 @p1 $0x100, s7  }
0x2a4: {  	v4 =	vshrl.u32 v4, $0x3;
	v5 =	vshrl.u32 v5, $0x3;
	v6 =	vshrl.u32 v6, $0x3;
	s10 =	smov.u32 @p1 s7  }
0x2a5: {  	v7 =	vbroadcast v7, $0x0;
	v8 =	vshll.u32 v8, v1;
	v9 =	vshrl.u32 v9, $0x3;
	v17 =	vld [tilespmem:s10+$0xFFFFFF10]  }
0x2a6: {  	v63 =	vadd.s32 $0x3307, v35;
	v8 =	vbroadcast v8, $0x0;
	v9 =	vshll.u32 v9, v1;
	v18 =	vld [tilespmem:s10+$0xFFFFFF30]  }
0x2a7: {  	[tilespmem:v11+s30+$0x0] =	vst.idx.msk @p1 $0xffff, v14;
	v0 =	vshll.u32 v0, v1;
	v16 =	vld [tilespmem:s10+$0xFFFFFFF0];
	v20 =	vadd.s32 v54, v7;
	v9 =	vbroadcast v9, $0x0  }
0x2a8: {  	v2 =	vshll.u32 v2, v1;
	v4 =	vshll.u32 v4, v1;
	v11 =	vadd.s32 v32, v8  }
0x2a9: {  	v5 =	vshll.u32 v5, v1;
	v21 =	vld [tilespmem:s10+$0xFFFFFF50];
	v0 =	vbroadcast v0, $0x0;
	v19 =	vadd.s32 v63, v9  }
0x2aa: {  	v14 =	vld [tilespmem:s10+$0xFFFFFF70];
	v22 =	vbroadcast v2, $0x0;
	v2 =	vshll.u32 v6, v1;
	[tilespmem:v13+s30+$0x0] =	vst.idx.msk @p1 $0xffff, v10;
	v10 =	vadd.f32 v17, v62  }
0x2ab: {  	[tilespmem:v12+s30+$0x0] =	vst.idx.msk @p1 $0xffff, v15;
	v12 =	vld [tilespmem:s10+$0xFFFFFF90];
	v4 =	vbroadcast v4, $0x0;
	v6 =	vadd.s32 v38, v0;
	v17 =	vadd.f32 v18, v62  }
0x2ac: {  	v5 =	vbroadcast v5, $0x0;
	v13 =	vadd.s32 v55, v22;
	v15 =	vadd.f32 v16, v62;
	v16 =	vld [tilespmem:s10+$0xFFFFFFB0];
	[tilespmem:v20+s30+$0x0] =	vst.idx.msk $0xffff, v10  }
0x2ad: {  	v23 =	vld [tilespmem:s10+$0xFFFFFFD0];
	v24 =	vbroadcast v2, $0x0;
	v18 =	vadd.s32 v57, v4;
	[tilespmem:v11+s30+$0x0] =	vst.idx.msk $0xffff, v17  }
0x2ae: {  	v10 =	vadd.f32 v21, v62;
	[tilespmem:v19+s30+$0x0] =	vst.idx.msk $0xffff, v15;
	v15 =	vadd.s32 v59, v5;
	v20 =	vld [tilespmem:s10+$0xFFFFFF20]  }
0x2af: {  	v11 =	vadd.f32 v14, v62;
	v14 =	vadd.s32 v61, v24;
	v17 =	vld [tilespmem:s10+$0xFFFFFF40]  }
0x2b0: {  	v7 =	vadd.s32 v27, v7;
	v19 =	vld [tilespmem:s10+$0x0];
	[tilespmem:v6+s30+$0x0] =	vst.idx.msk $0xffff, v10;
	v6 =	vadd.f32 v12, v62  }
0x2b1: {  	v2 =	vadd.s32 $0x3B87, v35;
	v8 =	vadd.s32 v37, v8;
	[tilespmem:v13+s30+$0x0] =	vst.idx.msk $0xffff, v11;
	v10 =	vld [tilespmem:s10+$0xFFFFFF60];
	v11 =	vadd.f32 v16, v62  }
0x2b2: {  	v9 =	vadd.s32 v2, v9;
	v12 =	vld [tilespmem:s10+$0xFFFFFF80];
	[tilespmem:v18+s30+$0x0] =	vst.idx.msk $0xffff, v6;
	v6 =	vadd.f32 v23, v62  }
0x2b3: {  	v0 =	vadd.s32 v39, v0;
	v13 =	vld [tilespmem:s10+$0xFFFFFFA0];
	[tilespmem:v15+s30+$0x0] =	vst.idx.msk $0xffff, v11;
	v15 =	vadd.f32 v20, v3  }
0x2b4: {  	v16 =	vadd.s32 v56, v22;
	[tilespmem:v14+s30+$0x0] =	vst.idx.msk $0xffff, v6;
	v6 =	vadd.f32 v17, v3;
	v18 =	vld [tilespmem:s10+$0xFFFFFFC0]  }
0x2b5: {  	v4 =	vadd.s32 v58, v4;
	v11 =	vadd.f32 v19, v3;
	v14 =	vld [tilespmem:s10+$0xFFFFFFE0];
	[tilespmem:v7+s30+$0x0] =	vst.idx.msk $0xffff, v15  }
0x2b6: {  	v5 =	vadd.s32 v60, v5;
	v62 =	vadd.s32 $0x3B86, v35;
	v7 =	vadd.f32 v10, v3;
	[tilespmem:v8+s30+$0x0] =	vst.idx.msk $0xffff, v6  }
0x2b7: {  	v6 =	vadd.f32 v12, v3;
	v8 =	vadd.s32 v62, v24;
	[tilespmem:v9+s30+$0x0] =	vst.idx.msk $0xffff, v11  }
0x2b8: {  	[tilespmem:v0+s30+$0x0] =	vst.idx.msk $0xffff, v7;
	v0 =	vadd.f32 v13, v3  }
0x2b9: {  	s14 =	sshll.u32 s6, $0x11;
	[tilespmem:v16+s30+$0x0] =	vst.idx.msk $0xffff, v6;
	v6 =	vadd.f32 v18, v3  }
0x2ba: {  	s7 =	sor.u32 s4, s14;
	[tilespmem:v4+s30+$0x0] =	vst.idx.msk $0xffff, v0;
	v0 =	vadd.f32 v14, v3  }
0x2bb: {  	s7 =	sshrl.u32 s7, $0x3;
	[tilespmem:v5+s30+$0x0] =	vst.idx.msk $0xffff, v6  }
0x2bc: {  	s9 =	sadd.s32 s8, s7;
	[tilespmem:v8+s30+$0x0] =	vst.idx.msk $0xffff, v0  }
0x2bd: {  	[hbm4b:s9+s2] =	stream.linear.scatter [tilespmem:s30], [sflag:$0x3], $0x80, $0x38;
	[tilespmem:$0x1A100] =	vst v63  }
0x2be: {  	s13 =	simm.s32 $0x10088;
	s15 =	sadd.s32 $0x10, s9  }
0x2bf: {  	[hbm4b:s15+s2] =	stream.linear.scatter [tilespmem:s13], [sflag:$0x3], $0x80, $0x38;
	[tilespmem:$0x1A100] =	vst v63  }
0x2c0: {  	s17 =	simm.s32 $0x10110;
	s16 =	sadd.s32 $0x20, s9  }
0x2c1: {  	[hbm4b:s16+s2] =	stream.linear.scatter [tilespmem:s17], [sflag:$0x3], $0x80, $0x38;
	[tilespmem:$0x1A100] =	vst v63  }
0x2c2: {  	s14 =	sadd.s32 $0x30, s9;
	s15 =	simm.s32 $0x10198  }
0x2c3: {  	[hbm4b:s14+s2] =	stream.linear.scatter [tilespmem:s15], [sflag:$0x3], $0x80, $0x38;
	[tilespmem:$0x1A100] =	vst v63  }
0x2c4: {  	s16 =	sadd.s32 $0x40, s9;
	s17 =	simm.s32 $0x10220  }
0x2c5: {  	[hbm4b:s16+s2] =	stream.linear.scatter [tilespmem:s17], [sflag:$0x3], $0x80, $0x38;
	[tilespmem:$0x1A100] =	vst v63  }
0x2c6: {  	s14 =	sadd.s32 $0x50, s9;
	s15 =	simm.s32 $0x102A8  }
0x2c7: {  	[hbm4b:s14+s2] =	stream.linear.scatter [tilespmem:s15], [sflag:$0x3], $0x80, $0x38;
	[tilespmem:$0x1A100] =	vst v63  }
0x2c8: {  	s16 =	sadd.s32 $0x60, s9;
	s17 =	simm.s32 $0x10330  }
0x2c9: {  	[hbm4b:s16+s2] =	stream.linear.scatter [tilespmem:s17], [sflag:$0x3], $0x80, $0x38;
	[tilespmem:$0x1A100] =	vst v63  }
0x2ca: {  	s14 =	sadd.s32 $0x70, s9;
	s15 =	simm.s32 $0x103B8  }
0x2cb: {  	[hbm4b:s14+s2] =	stream.linear.scatter [tilespmem:s15], [sflag:$0x3], $0x80, $0x38;
	[tilespmem:$0x1A100] =	vst v63  }
0x2cc: {  	s16 =	sadd.s32 $0x80, s9;
	s17 =	simm.s32 $0x11100  }
0x2cd: {  	[hbm4b:s16+s2] =	stream.linear.scatter [tilespmem:s17], [sflag:$0x3], $0x80, $0x38;
	[tilespmem:$0x1A100] =	vst v63  }
0x2ce: {  	s14 =	sadd.s32 $0x90, s9;
	s15 =	simm.s32 $0x11188  }
0x2cf: {  	[hbm4b:s14+s2] =	stream.linear.scatter [tilespmem:s15], [sflag:$0x3], $0x80, $0x38;
	[tilespmem:$0x1A100] =	vst v63  }
0x2d0: {  	s16 =	sadd.s32 $0xA0, s9;
	s17 =	simm.s32 $0x11210  }
0x2d1: {  	[hbm4b:s16+s2] =	stream.linear.scatter [tilespmem:s17], [sflag:$0x3], $0x80, $0x38;
	[tilespmem:$0x1A100] =	vst v63  }
0x2d2: {  	s14 =	sadd.s32 $0xB0, s9;
	s15 =	simm.s32 $0x11298  }
0x2d3: {  	[hbm4b:s14+s2] =	stream.linear.scatter [tilespmem:s15], [sflag:$0x3], $0x80, $0x38;
	[tilespmem:$0x1A100] =	vst v63  }
0x2d4: {  	s16 =	sadd.s32 $0xC0, s9;
	s17 =	simm.s32 $0x11320  }
0x2d5: {  	[hbm4b:s16+s2] =	stream.linear.scatter [tilespmem:s17], [sflag:$0x3], $0x80, $0x38;
	[tilespmem:$0x1A100] =	vst v63  }
0x2d6: {  	s14 =	sadd.s32 $0xD0, s9;
	s15 =	simm.s32 $0x113A8  }
0x2d7: {  	[hbm4b:s14+s2] =	stream.linear.scatter [tilespmem:s15], [sflag:$0x3], $0x80, $0x38;
	[tilespmem:$0x1A100] =	vst v63  }
0x2d8: {  	s16 =	sadd.s32 $0xE0, s9;
	s17 =	simm.s32 $0x11430  }
0x2d9: {  	[hbm4b:s16+s2] =	stream.linear.scatter [tilespmem:s17], [sflag:$0x3], $0x80, $0x38;
	[tilespmem:$0x1A100] =	vst v63  }
0x2da: {  	s14 =	sadd.s32 $0xF0, s9;
	s15 =	simm.s32 $0x114B8  }
0x2db: {  	[hbm4b:s14+s2] =	stream.linear.scatter [tilespmem:s15], [sflag:$0x3], $0x80, $0x38;
	[tilespmem:$0x1A100] =	vst v63  }
0x2dc: {  	s16 =	sadd.s32 $0x100, s9;
	s17 =	simm.s32 $0x12200  }
0x2dd: {  	[hbm4b:s16+s2] =	stream.linear.scatter [tilespmem:s17], [sflag:$0x3], $0x80, $0x38;
	[tilespmem:$0x1A100] =	vst v63  }
0x2de: {  	s14 =	sadd.s32 $0x110, s9;
	s15 =	simm.s32 $0x12288  }
0x2df: {  	[hbm4b:s14+s2] =	stream.linear.scatter [tilespmem:s15], [sflag:$0x3], $0x80, $0x38;
	[tilespmem:$0x1A100] =	vst v63  }
0x2e0: {  	s16 =	sadd.s32 $0x120, s9;
	s17 =	simm.s32 $0x12310  }
0x2e1: {  	[hbm4b:s16+s2] =	stream.linear.scatter [tilespmem:s17], [sflag:$0x3], $0x80, $0x38;
	[tilespmem:$0x1A100] =	vst v63  }
0x2e2: {  	s14 =	sadd.s32 $0x130, s9;
	s15 =	simm.s32 $0x12398  }
0x2e3: {  	[hbm4b:s14+s2] =	stream.linear.scatter [tilespmem:s15], [sflag:$0x3], $0x80, $0x38;
	[tilespmem:$0x1A100] =	vst v63  }
0x2e4: {  	s16 =	sadd.s32 $0x140, s9;
	s17 =	simm.s32 $0x12420  }
0x2e5: {  	[hbm4b:s16+s2] =	stream.linear.scatter [tilespmem:s17], [sflag:$0x3], $0x80, $0x38;
	[tilespmem:$0x1A100] =	vst v63  }
0x2e6: {  	s14 =	sadd.s32 $0x150, s9;
	s15 =	simm.s32 $0x124A8  }
0x2e7: {  	[hbm4b:s14+s2] =	stream.linear.scatter [tilespmem:s15], [sflag:$0x3], $0x80, $0x38;
	[tilespmem:$0x1A100] =	vst v63  }
0x2e8: {  	s16 =	sadd.s32 $0x160, s9;
	s17 =	simm.s32 $0x12530  }
0x2e9: {  	[hbm4b:s16+s2] =	stream.linear.scatter [tilespmem:s17], [sflag:$0x3], $0x80, $0x38;
	[tilespmem:$0x1A100] =	vst v63  }
0x2ea: {  	s14 =	sadd.s32 $0x170, s9;
	s15 =	simm.s32 $0x125B8  }
0x2eb: {  	[hbm4b:s14+s2] =	stream.linear.scatter [tilespmem:s15], [sflag:$0x3], $0x80, $0x38;
	[tilespmem:$0x1A100] =	vst v63  }
0x2ec: {  	s16 =	sadd.s32 $0x180, s9;
	s17 =	simm.s32 $0x13300  }
0x2ed: {  	[hbm4b:s16+s2] =	stream.linear.scatter [tilespmem:s17], [sflag:$0x3], $0x80, $0x38;
	[tilespmem:$0x1A100] =	vst v63  }
0x2ee: {  	s14 =	sadd.s32 $0x190, s9;
	s15 =	simm.s32 $0x13388  }
0x2ef: {  	[hbm4b:s14+s2] =	stream.linear.scatter [tilespmem:s15], [sflag:$0x3], $0x80, $0x38;
	[tilespmem:$0x1A100] =	vst v63  }
0x2f0: {  	s16 =	sadd.s32 $0x1A0, s9;
	s17 =	simm.s32 $0x13410  }
0x2f1: {  	[hbm4b:s16+s2] =	stream.linear.scatter [tilespmem:s17], [sflag:$0x3], $0x80, $0x38;
	[tilespmem:$0x1A100] =	vst v63  }
0x2f2: {  	s14 =	sadd.s32 $0x1B0, s9;
	s15 =	simm.s32 $0x13498  }
0x2f3: {  	[hbm4b:s14+s2] =	stream.linear.scatter [tilespmem:s15], [sflag:$0x3], $0x80, $0x38;
	[tilespmem:$0x1A100] =	vst v63  }
0x2f4: {  	s16 =	sadd.s32 $0x1C0, s9;
	s17 =	simm.s32 $0x13520  }
0x2f5: {  	[hbm4b:s16+s2] =	stream.linear.scatter [tilespmem:s17], [sflag:$0x3], $0x80, $0x38;
	[tilespmem:$0x1A100] =	vst v63  }
0x2f6: {  	s13 =	sadd.s32 $0x1D0, s9;
	s14 =	simm.s32 $0x135A8  }
0x2f7: {  	[hbm4b:s13+s2] =	stream.linear.scatter [tilespmem:s14], [sflag:$0x3], $0x80, $0x38;
	[tilespmem:$0x1A100] =	vst v63  }
0x2f8: {  	s15 =	sadd.s32 $0x1E0, s9;
	s16 =	simm.s32 $0x13630  }
0x2f9: {  	[hbm4b:s15+s2] =	stream.linear.scatter [tilespmem:s16], [sflag:$0x3], $0x80, $0x38;
	[tilespmem:$0x1A100] =	vst v63  }
0x2fa: {  	s9 =	sadd.s32 $0x1F0, s9;
	s17 =	simm.s32 $0x136B8  }
0x2fb: {  	[hbm4b:s9+s2] =	stream.linear.scatter [tilespmem:s17], [sflag:$0x3], $0x80, $0x38;
	[tilespmem:$0x1A100] =	vst v63  }
0x2fc: {  	s13 =	simm.s32 $0x10440;
	s9 =	sadd.s32 s7, s18  }
0x2fd: {  	[hbm4b:s9+s2] =	stream.linear.scatter [tilespmem:s13], [sflag:$0x3], $0x80, $0x38;
	[tilespmem:$0x1A100] =	vst v63  }
0x2fe: {  	s15 =	simm.s32 $0x104C8;
	s14 =	sadd.s32 $0x10, s9  }
0x2ff: {  	[hbm4b:s14+s2] =	stream.linear.scatter [tilespmem:s15], [sflag:$0x3], $0x80, $0x38;
	[tilespmem:$0x1A100] =	vst v63  }
0x300: {  	s17 =	simm.s32 $0x10550;
	s16 =	sadd.s32 $0x20, s9  }
0x301: {  	[hbm4b:s16+s2] =	stream.linear.scatter [tilespmem:s17], [sflag:$0x3], $0x80, $0x38;
	[tilespmem:$0x1A100] =	vst v63  }
0x302: {  	s14 =	sadd.s32 $0x30, s9;
	s15 =	simm.s32 $0x105D8  }
0x303: {  	[hbm4b:s14+s2] =	stream.linear.scatter [tilespmem:s15], [sflag:$0x3], $0x80, $0x38;
	[tilespmem:$0x1A100] =	vst v63  }
0x304: {  	s16 =	sadd.s32 $0x40, s9;
	s17 =	simm.s32 $0x10660  }
0x305: {  	[hbm4b:s16+s2] =	stream.linear.scatter [tilespmem:s17], [sflag:$0x3], $0x80, $0x38;
	[tilespmem:$0x1A100] =	vst v63  }
0x306: {  	s14 =	sadd.s32 $0x50, s9;
	s15 =	simm.s32 $0x106E8  }
0x307: {  	[hbm4b:s14+s2] =	stream.linear.scatter [tilespmem:s15], [sflag:$0x3], $0x80, $0x38;
	[tilespmem:$0x1A100] =	vst v63  }
0x308: {  	s16 =	sadd.s32 $0x60, s9;
	s17 =	simm.s32 $0x10770  }
0x309: {  	[hbm4b:s16+s2] =	stream.linear.scatter [tilespmem:s17], [sflag:$0x3], $0x80, $0x38;
	[tilespmem:$0x1A100] =	vst v63  }
0x30a: {  	s14 =	sadd.s32 $0x70, s9;
	s15 =	simm.s32 $0x107F8  }
0x30b: {  	[hbm4b:s14+s2] =	stream.linear.scatter [tilespmem:s15], [sflag:$0x3], $0x80, $0x38;
	[tilespmem:$0x1A100] =	vst v63  }
0x30c: {  	s16 =	sadd.s32 $0x80, s9;
	s17 =	simm.s32 $0x11540  }
0x30d: {  	[hbm4b:s16+s2] =	stream.linear.scatter [tilespmem:s17], [sflag:$0x3], $0x80, $0x38;
	[tilespmem:$0x1A100] =	vst v63  }
0x30e: {  	s14 =	sadd.s32 $0x90, s9;
	s15 =	simm.s32 $0x115C8  }
0x30f: {  	[hbm4b:s14+s2] =	stream.linear.scatter [tilespmem:s15], [sflag:$0x3], $0x80, $0x38;
	[tilespmem:$0x1A100] =	vst v63  }
0x310: {  	s16 =	sadd.s32 $0xA0, s9;
	s17 =	simm.s32 $0x11650  }
0x311: {  	[hbm4b:s16+s2] =	stream.linear.scatter [tilespmem:s17], [sflag:$0x3], $0x80, $0x38;
	[tilespmem:$0x1A100] =	vst v63  }
0x312: {  	s14 =	sadd.s32 $0xB0, s9;
	s15 =	simm.s32 $0x116D8  }
0x313: {  	[hbm4b:s14+s2] =	stream.linear.scatter [tilespmem:s15], [sflag:$0x3], $0x80, $0x38;
	[tilespmem:$0x1A100] =	vst v63  }
0x314: {  	s16 =	sadd.s32 $0xC0, s9;
	s17 =	simm.s32 $0x11760  }
0x315: {  	[hbm4b:s16+s2] =	stream.linear.scatter [tilespmem:s17], [sflag:$0x3], $0x80, $0x38;
	[tilespmem:$0x1A100] =	vst v63  }
0x316: {  	s14 =	sadd.s32 $0xD0, s9;
	s15 =	simm.s32 $0x117E8  }
0x317: {  	[hbm4b:s14+s2] =	stream.linear.scatter [tilespmem:s15], [sflag:$0x3], $0x80, $0x38;
	[tilespmem:$0x1A100] =	vst v63  }
0x318: {  	s16 =	sadd.s32 $0xE0, s9;
	s17 =	simm.s32 $0x11870  }
0x319: {  	[hbm4b:s16+s2] =	stream.linear.scatter [tilespmem:s17], [sflag:$0x3], $0x80, $0x38;
	[tilespmem:$0x1A100] =	vst v63  }
0x31a: {  	s14 =	sadd.s32 $0xF0, s9;
	s15 =	simm.s32 $0x118F8  }
0x31b: {  	[hbm4b:s14+s2] =	stream.linear.scatter [tilespmem:s15], [sflag:$0x3], $0x80, $0x38;
	[tilespmem:$0x1A100] =	vst v63  }
0x31c: {  	s16 =	sadd.s32 $0x100, s9;
	s17 =	simm.s32 $0x12640  }
0x31d: {  	[hbm4b:s16+s2] =	stream.linear.scatter [tilespmem:s17], [sflag:$0x3], $0x80, $0x38;
	[tilespmem:$0x1A100] =	vst v63  }
0x31e: {  	s14 =	sadd.s32 $0x110, s9;
	s15 =	simm.s32 $0x126C8  }
0x31f: {  	[hbm4b:s14+s2] =	stream.linear.scatter [tilespmem:s15], [sflag:$0x3], $0x80, $0x38;
	[tilespmem:$0x1A100] =	vst v63  }
0x320: {  	s16 =	sadd.s32 $0x120, s9;
	s17 =	simm.s32 $0x12750  }
0x321: {  	[hbm4b:s16+s2] =	stream.linear.scatter [tilespmem:s17], [sflag:$0x3], $0x80, $0x38;
	[tilespmem:$0x1A100] =	vst v63  }
0x322: {  	s14 =	sadd.s32 $0x130, s9;
	s15 =	simm.s32 $0x127D8  }
0x323: {  	[hbm4b:s14+s2] =	stream.linear.scatter [tilespmem:s15], [sflag:$0x3], $0x80, $0x38;
	[tilespmem:$0x1A100] =	vst v63  }
0x324: {  	s16 =	sadd.s32 $0x140, s9;
	s17 =	simm.s32 $0x12860  }
0x325: {  	[hbm4b:s16+s2] =	stream.linear.scatter [tilespmem:s17], [sflag:$0x3], $0x80, $0x38;
	[tilespmem:$0x1A100] =	vst v63  }
0x326: {  	s14 =	sadd.s32 $0x150, s9;
	s15 =	simm.s32 $0x128E8  }
0x327: {  	[hbm4b:s14+s2] =	stream.linear.scatter [tilespmem:s15], [sflag:$0x3], $0x80, $0x38;
	[tilespmem:$0x1A100] =	vst v63  }
0x328: {  	s16 =	sadd.s32 $0x160, s9;
	s17 =	simm.s32 $0x12970  }
0x329: {  	[hbm4b:s16+s2] =	stream.linear.scatter [tilespmem:s17], [sflag:$0x3], $0x80, $0x38;
	[tilespmem:$0x1A100] =	vst v63  }
0x32a: {  	s14 =	sadd.s32 $0x170, s9;
	s15 =	simm.s32 $0x129F8  }
0x32b: {  	[hbm4b:s14+s2] =	stream.linear.scatter [tilespmem:s15], [sflag:$0x3], $0x80, $0x38;
	[tilespmem:$0x1A100] =	vst v63  }
0x32c: {  	s16 =	sadd.s32 $0x180, s9;
	s17 =	simm.s32 $0x13740  }
0x32d: {  	[hbm4b:s16+s2] =	stream.linear.scatter [tilespmem:s17], [sflag:$0x3], $0x80, $0x38;
	[tilespmem:$0x1A100] =	vst v63  }
0x32e: {  	s14 =	sadd.s32 $0x190, s9;
	s15 =	simm.s32 $0x137C8  }
0x32f: {  	[hbm4b:s14+s2] =	stream.linear.scatter [tilespmem:s15], [sflag:$0x3], $0x80, $0x38;
	[tilespmem:$0x1A100] =	vst v63  }
0x330: {  	s16 =	sadd.s32 $0x1A0, s9;
	s17 =	simm.s32 $0x13850  }
0x331: {  	[hbm4b:s16+s2] =	stream.linear.scatter [tilespmem:s17], [sflag:$0x3], $0x80, $0x38;
	[tilespmem:$0x1A100] =	vst v63  }
0x332: {  	s14 =	sadd.s32 $0x1B0, s9;
	s15 =	simm.s32 $0x138D8  }
0x333: {  	[hbm4b:s14+s2] =	stream.linear.scatter [tilespmem:s15], [sflag:$0x3], $0x80, $0x38;
	[tilespmem:$0x1A100] =	vst v63  }
0x334: {  	s16 =	sadd.s32 $0x1C0, s9;
	s17 =	simm.s32 $0x13960  }
0x335: {  	[hbm4b:s16+s2] =	stream.linear.scatter [tilespmem:s17], [sflag:$0x3], $0x80, $0x38;
	[tilespmem:$0x1A100] =	vst v63  }
0x336: {  	s13 =	sadd.s32 $0x1D0, s9;
	s14 =	simm.s32 $0x139E8  }
0x337: {  	[hbm4b:s13+s2] =	stream.linear.scatter [tilespmem:s14], [sflag:$0x3], $0x80, $0x38;
	[tilespmem:$0x1A100] =	vst v63  }
0x338: {  	s15 =	sadd.s32 $0x1E0, s9;
	s16 =	simm.s32 $0x13A70  }
0x339: {  	[hbm4b:s15+s2] =	stream.linear.scatter [tilespmem:s16], [sflag:$0x3], $0x80, $0x38;
	[tilespmem:$0x1A100] =	vst v63  }
0x33a: {  	s9 =	sadd.s32 $0x1F0, s9;
	s17 =	simm.s32 $0x13AF8  }
0x33b: {  	[hbm4b:s9+s2] =	stream.linear.scatter [tilespmem:s17], [sflag:$0x3], $0x80, $0x38;
	[tilespmem:$0x1A100] =	vst v63  }
0x33c: {  	s13 =	simm.s32 $0x10880;
	s9 =	sadd.s32 s7, s19  }
0x33d: {  	[hbm4b:s9+s2] =	stream.linear.scatter [tilespmem:s13], [sflag:$0x3], $0x80, $0x38;
	[tilespmem:$0x1A100] =	vst v63  }
0x33e: {  	s15 =	simm.s32 $0x10908;
	s14 =	sadd.s32 $0x10, s9  }
0x33f: {  	[hbm4b:s14+s2] =	stream.linear.scatter [tilespmem:s15], [sflag:$0x3], $0x80, $0x38;
	[tilespmem:$0x1A100] =	vst v63  }
0x340: {  	s17 =	simm.s32 $0x10990;
	s16 =	sadd.s32 $0x20, s9  }
0x341: {  	[hbm4b:s16+s2] =	stream.linear.scatter [tilespmem:s17], [sflag:$0x3], $0x80, $0x38;
	[tilespmem:$0x1A100] =	vst v63  }
0x342: {  	s14 =	sadd.s32 $0x30, s9;
	s15 =	simm.s32 $0x10A18  }
0x343: {  	[hbm4b:s14+s2] =	stream.linear.scatter [tilespmem:s15], [sflag:$0x3], $0x80, $0x38;
	[tilespmem:$0x1A100] =	vst v63  }
0x344: {  	s16 =	sadd.s32 $0x40, s9;
	s17 =	simm.s32 $0x10AA0  }
0x345: {  	[hbm4b:s16+s2] =	stream.linear.scatter [tilespmem:s17], [sflag:$0x3], $0x80, $0x38;
	[tilespmem:$0x1A100] =	vst v63  }
0x346: {  	s14 =	sadd.s32 $0x50, s9;
	s15 =	simm.s32 $0x10B28  }
0x347: {  	[hbm4b:s14+s2] =	stream.linear.scatter [tilespmem:s15], [sflag:$0x3], $0x80, $0x38;
	[tilespmem:$0x1A100] =	vst v63  }
0x348: {  	s16 =	sadd.s32 $0x60, s9;
	s17 =	simm.s32 $0x10BB0  }
0x349: {  	[hbm4b:s16+s2] =	stream.linear.scatter [tilespmem:s17], [sflag:$0x3], $0x80, $0x38;
	[tilespmem:$0x1A100] =	vst v63  }
0x34a: {  	s14 =	sadd.s32 $0x70, s9;
	s15 =	simm.s32 $0x10C38  }
0x34b: {  	[hbm4b:s14+s2] =	stream.linear.scatter [tilespmem:s15], [sflag:$0x3], $0x80, $0x38;
	[tilespmem:$0x1A100] =	vst v63  }
0x34c: {  	s16 =	sadd.s32 $0x80, s9;
	s17 =	simm.s32 $0x11980  }
0x34d: {  	[hbm4b:s16+s2] =	stream.linear.scatter [tilespmem:s17], [sflag:$0x3], $0x80, $0x38;
	[tilespmem:$0x1A100] =	vst v63  }
0x34e: {  	s14 =	sadd.s32 $0x90, s9;
	s15 =	simm.s32 $0x11A08  }
0x34f: {  	[hbm4b:s14+s2] =	stream.linear.scatter [tilespmem:s15], [sflag:$0x3], $0x80, $0x38;
	[tilespmem:$0x1A100] =	vst v63  }
0x350: {  	s16 =	sadd.s32 $0xA0, s9;
	s17 =	simm.s32 $0x11A90  }
0x351: {  	[hbm4b:s16+s2] =	stream.linear.scatter [tilespmem:s17], [sflag:$0x3], $0x80, $0x38;
	[tilespmem:$0x1A100] =	vst v63  }
0x352: {  	s14 =	sadd.s32 $0xB0, s9;
	s15 =	simm.s32 $0x11B18  }
0x353: {  	[hbm4b:s14+s2] =	stream.linear.scatter [tilespmem:s15], [sflag:$0x3], $0x80, $0x38;
	[tilespmem:$0x1A100] =	vst v63  }
0x354: {  	s16 =	sadd.s32 $0xC0, s9;
	s17 =	simm.s32 $0x11BA0  }
0x355: {  	[hbm4b:s16+s2] =	stream.linear.scatter [tilespmem:s17], [sflag:$0x3], $0x80, $0x38;
	[tilespmem:$0x1A100] =	vst v63  }
0x356: {  	s14 =	sadd.s32 $0xD0, s9;
	s15 =	simm.s32 $0x11C28  }
0x357: {  	[hbm4b:s14+s2] =	stream.linear.scatter [tilespmem:s15], [sflag:$0x3], $0x80, $0x38;
	[tilespmem:$0x1A100] =	vst v63  }
0x358: {  	s16 =	sadd.s32 $0xE0, s9;
	s17 =	simm.s32 $0x11CB0  }
0x359: {  	[hbm4b:s16+s2] =	stream.linear.scatter [tilespmem:s17], [sflag:$0x3], $0x80, $0x38;
	[tilespmem:$0x1A100] =	vst v63  }
0x35a: {  	s14 =	sadd.s32 $0xF0, s9;
	s15 =	simm.s32 $0x11D38  }
0x35b: {  	[hbm4b:s14+s2] =	stream.linear.scatter [tilespmem:s15], [sflag:$0x3], $0x80, $0x38;
	[tilespmem:$0x1A100] =	vst v63  }
0x35c: {  	s16 =	sadd.s32 $0x100, s9;
	s17 =	simm.s32 $0x12A80  }
0x35d: {  	[hbm4b:s16+s2] =	stream.linear.scatter [tilespmem:s17], [sflag:$0x3], $0x80, $0x38;
	[tilespmem:$0x1A100] =	vst v63  }
0x35e: {  	s14 =	sadd.s32 $0x110, s9;
	s15 =	simm.s32 $0x12B08  }
0x35f: {  	[hbm4b:s14+s2] =	stream.linear.scatter [tilespmem:s15], [sflag:$0x3], $0x80, $0x38;
	[tilespmem:$0x1A100] =	vst v63  }
0x360: {  	s16 =	sadd.s32 $0x120, s9;
	s17 =	simm.s32 $0x12B90  }
0x361: {  	[hbm4b:s16+s2] =	stream.linear.scatter [tilespmem:s17], [sflag:$0x3], $0x80, $0x38;
	[tilespmem:$0x1A100] =	vst v63  }
0x362: {  	s14 =	sadd.s32 $0x130, s9;
	s15 =	simm.s32 $0x12C18  }
0x363: {  	[hbm4b:s14+s2] =	stream.linear.scatter [tilespmem:s15], [sflag:$0x3], $0x80, $0x38;
	[tilespmem:$0x1A100] =	vst v63  }
0x364: {  	s16 =	sadd.s32 $0x140, s9;
	s17 =	simm.s32 $0x12CA0  }
0x365: {  	[hbm4b:s16+s2] =	stream.linear.scatter [tilespmem:s17], [sflag:$0x3], $0x80, $0x38;
	[tilespmem:$0x1A100] =	vst v63  }
0x366: {  	s14 =	sadd.s32 $0x150, s9;
	s15 =	simm.s32 $0x12D28  }
0x367: {  	[hbm4b:s14+s2] =	stream.linear.scatter [tilespmem:s15], [sflag:$0x3], $0x80, $0x38;
	[tilespmem:$0x1A100] =	vst v63  }
0x368: {  	s16 =	sadd.s32 $0x160, s9;
	s17 =	simm.s32 $0x12DB0  }
0x369: {  	[hbm4b:s16+s2] =	stream.linear.scatter [tilespmem:s17], [sflag:$0x3], $0x80, $0x38;
	[tilespmem:$0x1A100] =	vst v63  }
0x36a: {  	s14 =	sadd.s32 $0x170, s9;
	s15 =	simm.s32 $0x12E38  }
0x36b: {  	[hbm4b:s14+s2] =	stream.linear.scatter [tilespmem:s15], [sflag:$0x3], $0x80, $0x38;
	[tilespmem:$0x1A100] =	vst v63  }
0x36c: {  	s16 =	sadd.s32 $0x180, s9;
	s17 =	simm.s32 $0x13B80  }
0x36d: {  	[hbm4b:s16+s2] =	stream.linear.scatter [tilespmem:s17], [sflag:$0x3], $0x80, $0x38;
	[tilespmem:$0x1A100] =	vst v63  }
0x36e: {  	s14 =	sadd.s32 $0x190, s9;
	s15 =	simm.s32 $0x13C08  }
0x36f: {  	[hbm4b:s14+s2] =	stream.linear.scatter [tilespmem:s15], [sflag:$0x3], $0x80, $0x38;
	[tilespmem:$0x1A100] =	vst v63  }
0x370: {  	s16 =	sadd.s32 $0x1A0, s9;
	s17 =	simm.s32 $0x13C90  }
0x371: {  	[hbm4b:s16+s2] =	stream.linear.scatter [tilespmem:s17], [sflag:$0x3], $0x80, $0x38;
	[tilespmem:$0x1A100] =	vst v63  }
0x372: {  	s14 =	sadd.s32 $0x1B0, s9;
	s15 =	simm.s32 $0x13D18  }
0x373: {  	[hbm4b:s14+s2] =	stream.linear.scatter [tilespmem:s15], [sflag:$0x3], $0x80, $0x38;
	[tilespmem:$0x1A100] =	vst v63  }
0x374: {  	s16 =	sadd.s32 $0x1C0, s9;
	s17 =	simm.s32 $0x13DA0  }
0x375: {  	[hbm4b:s16+s2] =	stream.linear.scatter [tilespmem:s17], [sflag:$0x3], $0x80, $0x38;
	[tilespmem:$0x1A100] =	vst v63  }
0x376: {  	s14 =	sadd.s32 $0x1D0, s9;
	s15 =	simm.s32 $0x13E28  }
0x377: {  	[hbm4b:s14+s2] =	stream.linear.scatter [tilespmem:s15], [sflag:$0x3], $0x80, $0x38;
	[tilespmem:$0x1A100] =	vst v63  }
0x378: {  	s16 =	sadd.s32 $0x1E0, s9;
	s17 =	simm.s32 $0x13EB0  }
0x379: {  	[hbm4b:s16+s2] =	stream.linear.scatter [tilespmem:s17], [sflag:$0x3], $0x80, $0x38;
	[tilespmem:$0x1A100] =	vst v63  }
0x37a: {  	s9 =	sadd.s32 $0x1F0, s9;
	s14 =	simm.s32 $0x13F38  }
0x37b: {  	[hbm4b:s9+s2] =	stream.linear.scatter [tilespmem:s14], [sflag:$0x3], $0x80, $0x38;
	[tilespmem:$0x1A100] =	vst v63  }
0x37c: {  	s7 =	sadd.s32 s7, s20;
	s15 =	simm.s32 $0x10CC0  }
0x37d: {  	[hbm4b:s7+s2] =	stream.linear.scatter [tilespmem:s15], [sflag:$0x3], $0x80, $0x38;
	[tilespmem:$0x1A100] =	vst v63  }
0x37e: {  	s16 =	sadd.s32 $0x10, s7;
	s17 =	simm.s32 $0x10D48  }
0x37f: {  	[hbm4b:s16+s2] =	stream.linear.scatter [tilespmem:s17], [sflag:$0x3], $0x80, $0x38;
	[tilespmem:$0x1A100] =	vst v63  }
0x380: {  	s10 =	sadd.s32 $0x20, s7;
	s13 =	simm.s32 $0x10DD0  }
0x381: {  	[hbm4b:s10+s2] =	stream.linear.scatter [tilespmem:s13], [sflag:$0x3], $0x80, $0x38;
	[tilespmem:$0x1A100] =	vst v63  }
0x382: {  	s14 =	sadd.s32 $0x30, s7;
	s15 =	simm.s32 $0x10E58  }
0x383: {  	[hbm4b:s14+s2] =	stream.linear.scatter [tilespmem:s15], [sflag:$0x3], $0x80, $0x38;
	[tilespmem:$0x1A100] =	vst v63  }
0x384: {  	s16 =	sadd.s32 $0x40, s7;
	s17 =	simm.s32 $0x10EE0  }
0x385: {  	[hbm4b:s16+s2] =	stream.linear.scatter [tilespmem:s17], [sflag:$0x3], $0x80, $0x38;
	[tilespmem:$0x1A100] =	vst v63  }
0x386: {  	s10 =	sadd.s32 $0x50, s7;
	s13 =	simm.s32 $0x10F68  }
0x387: {  	[hbm4b:s10+s2] =	stream.linear.scatter [tilespmem:s13], [sflag:$0x3], $0x80, $0x38;
	[tilespmem:$0x1A100] =	vst v63  }
0x388: {  	s14 =	sadd.s32 $0x60, s7;
	s15 =	simm.s32 $0x10FF0  }
0x389: {  	[hbm4b:s14+s2] =	stream.linear.scatter [tilespmem:s15], [sflag:$0x3], $0x80, $0x38;
	[tilespmem:$0x1A100] =	vst v63  }
0x38a: {  	s16 =	sadd.s32 $0x70, s7;
	s17 =	simm.s32 $0x11078  }
0x38b: {  	[hbm4b:s16+s2] =	stream.linear.scatter [tilespmem:s17], [sflag:$0x3], $0x80, $0x38;
	[tilespmem:$0x1A100] =	vst v63  }
0x38c: {  	s10 =	sadd.s32 $0x80, s7;
	s13 =	simm.s32 $0x11DC0  }
0x38d: {  	[hbm4b:s10+s2] =	stream.linear.scatter [tilespmem:s13], [sflag:$0x3], $0x80, $0x38;
	[tilespmem:$0x1A100] =	vst v63  }
0x38e: {  	s14 =	sadd.s32 $0x90, s7;
	s15 =	simm.s32 $0x11E48  }
0x38f: {  	[hbm4b:s14+s2] =	stream.linear.scatter [tilespmem:s15], [sflag:$0x3], $0x80, $0x38;
	[tilespmem:$0x1A100] =	vst v63  }
0x390: {  	s16 =	sadd.s32 $0xA0, s7;
	s17 =	simm.s32 $0x11ED0  }
0x391: {  	[hbm4b:s16+s2] =	stream.linear.scatter [tilespmem:s17], [sflag:$0x3], $0x80, $0x38;
	[tilespmem:$0x1A100] =	vst v63  }
0x392: {  	s10 =	sadd.s32 $0xB0, s7;
	s13 =	simm.s32 $0x11F58  }
0x393: {  	[hbm4b:s10+s2] =	stream.linear.scatter [tilespmem:s13], [sflag:$0x3], $0x80, $0x38;
	[tilespmem:$0x1A100] =	vst v63  }
0x394: {  	s14 =	sadd.s32 $0xC0, s7;
	s15 =	simm.s32 $0x11FE0  }
0x395: {  	[hbm4b:s14+s2] =	stream.linear.scatter [tilespmem:s15], [sflag:$0x3], $0x80, $0x38;
	[tilespmem:$0x1A100] =	vst v63  }
0x396: {  	s16 =	sadd.s32 $0xD0, s7;
	s17 =	simm.s32 $0x12068  }
0x397: {  	[hbm4b:s16+s2] =	stream.linear.scatter [tilespmem:s17], [sflag:$0x3], $0x80, $0x38;
	[tilespmem:$0x1A100] =	vst v63  }
0x398: {  	s10 =	sadd.s32 $0xE0, s7;
	s13 =	simm.s32 $0x120F0  }
0x399: {  	[hbm4b:s10+s2] =	stream.linear.scatter [tilespmem:s13], [sflag:$0x3], $0x80, $0x38;
	[tilespmem:$0x1A100] =	vst v63  }
0x39a: {  	s14 =	sadd.s32 $0xF0, s7;
	s15 =	simm.s32 $0x12178  }
0x39b: {  	[hbm4b:s14+s2] =	stream.linear.scatter [tilespmem:s15], [sflag:$0x3], $0x80, $0x38;
	[tilespmem:$0x1A100] =	vst v63  }
0x39c: {  	s16 =	sadd.s32 $0x100, s7;
	s17 =	simm.s32 $0x12EC0  }
0x39d: {  	[hbm4b:s16+s2] =	stream.linear.scatter [tilespmem:s17], [sflag:$0x3], $0x80, $0x38;
	[tilespmem:$0x1A100] =	vst v63  }
0x39e: {  	s10 =	sadd.s32 $0x110, s7;
	s13 =	simm.s32 $0x12F48  }
0x39f: {  	[hbm4b:s10+s2] =	stream.linear.scatter [tilespmem:s13], [sflag:$0x3], $0x80, $0x38;
	[tilespmem:$0x1A100] =	vst v63  }
0x3a0: {  	s14 =	sadd.s32 $0x120, s7;
	s15 =	simm.s32 $0x12FD0  }
0x3a1: {  	[hbm4b:s14+s2] =	stream.linear.scatter [tilespmem:s15], [sflag:$0x3], $0x80, $0x38;
	[tilespmem:$0x1A100] =	vst v63  }
0x3a2: {  	s16 =	sadd.s32 $0x130, s7;
	s17 =	simm.s32 $0x13058  }
0x3a3: {  	[hbm4b:s16+s2] =	stream.linear.scatter [tilespmem:s17], [sflag:$0x3], $0x80, $0x38;
	[tilespmem:$0x1A100] =	vst v63  }
0x3a4: {  	s10 =	sadd.s32 $0x140, s7;
	s13 =	simm.s32 $0x130E0  }
0x3a5: {  	[hbm4b:s10+s2] =	stream.linear.scatter [tilespmem:s13], [sflag:$0x3], $0x80, $0x38;
	[tilespmem:$0x1A100] =	vst v63  }
0x3a6: {  	s14 =	sadd.s32 $0x150, s7;
	s15 =	simm.s32 $0x13168  }
0x3a7: {  	[hbm4b:s14+s2] =	stream.linear.scatter [tilespmem:s15], [sflag:$0x3], $0x80, $0x38;
	[tilespmem:$0x1A100] =	vst v63  }
0x3a8: {  	s16 =	sadd.s32 $0x160, s7;
	s17 =	simm.s32 $0x131F0  }
0x3a9: {  	[hbm4b:s16+s2] =	stream.linear.scatter [tilespmem:s17], [sflag:$0x3], $0x80, $0x38;
	[tilespmem:$0x1A100] =	vst v63  }
0x3aa: {  	s10 =	sadd.s32 $0x170, s7;
	s13 =	simm.s32 $0x13278  }
0x3ab: {  	[hbm4b:s10+s2] =	stream.linear.scatter [tilespmem:s13], [sflag:$0x3], $0x80, $0x38;
	[tilespmem:$0x1A100] =	vst v63  }
0x3ac: {  	s14 =	sadd.s32 $0x180, s7;
	s15 =	simm.s32 $0x13FC0  }
0x3ad: {  	[hbm4b:s14+s2] =	stream.linear.scatter [tilespmem:s15], [sflag:$0x3], $0x80, $0x38;
	[tilespmem:$0x1A100] =	vst v63  }
0x3ae: {  	s16 =	sadd.s32 $0x190, s7;
	s17 =	simm.s32 $0x14048  }
0x3af: {  	[hbm4b:s16+s2] =	stream.linear.scatter [tilespmem:s17], [sflag:$0x3], $0x80, $0x38;
	[tilespmem:$0x1A100] =	vst v63  }
0x3b0: {  	s10 =	sadd.s32 $0x1A0, s7;
	s13 =	simm.s32 $0x140D0  }
0x3b1: {  	[hbm4b:s10+s2] =	stream.linear.scatter [tilespmem:s13], [sflag:$0x3], $0x80, $0x38;
	[tilespmem:$0x1A100] =	vst v63  }
0x3b2: {  	s14 =	sadd.s32 $0x1B0, s7;
	s15 =	simm.s32 $0x14158  }
0x3b3: {  	[hbm4b:s14+s2] =	stream.linear.scatter [tilespmem:s15], [sflag:$0x3], $0x80, $0x38;
	[tilespmem:$0x1A100] =	vst v63  }
0x3b4: {  	s16 =	sadd.s32 $0x1C0, s7;
	s17 =	simm.s32 $0x141E0  }
0x3b5: {  	[hbm4b:s16+s2] =	stream.linear.scatter [tilespmem:s17], [sflag:$0x3], $0x80, $0x38;
	[tilespmem:$0x1A100] =	vst v63  }
0x3b6: {  	s10 =	sadd.s32 $0x1D0, s7;
	s13 =	simm.s32 $0x14268  }
0x3b7: {  	[hbm4b:s10+s2] =	stream.linear.scatter [tilespmem:s13], [sflag:$0x3], $0x80, $0x38;
	[tilespmem:$0x1A100] =	vst v63  }
0x3b8: {  	s14 =	sadd.s32 $0x1E0, s7;
	s15 =	simm.s32 $0x142F0  }
0x3b9: {  	[hbm4b:s14+s2] =	stream.linear.scatter [tilespmem:s15], [sflag:$0x3], $0x80, $0x38;
	[tilespmem:$0x1A100] =	vst v63  }
0x3ba: {  	p1 =	seq.s32 s31, $0x18;
	s7 =	sadd.s32 $0x1F0, s7;
	s16 =	simm.s32 $0x14378  }
0x3bb: {  	[hbm4b:s7+s2] =	stream.linear.scatter [tilespmem:s16], [sflag:$0x3], $0x80, $0x38;
	[tilespmem:$0x1A100] =	vst v63  }
0x3bc: {  	s7 =	sadd.s32 @!p1 $0x2, s6  }
0x3bd: {  	s9 =	sshrl.u32 @!p1 s7, $0x3  }
0x3be: {  	s9 =	ssub.s32 @!p1 s9, s3  }
0x3bf: {  	s7 =	sshll.u32 @!p1 s7, $0x7;
	s9 =	sshll.u32 @!p1 s9, $0xE  }
0x3c0: {  	s7 =	sand.u32 @!p1 $0x300, s7;
	s9 =	sshra.s32 @!p1 s9, $0x2  }
0x3c1: {  	s10 =	simm.s32 @!p1 $0x8000;
	s7 =	sor.u32 @!p1 s7, s9;
	s9 =	simm.s32 @!p1 $0x80  }
0x3c2: {  	[tilespmem:s10], [sflag:$0x1] =	stream.indirect.gather @!p1 [hbm4b:s12+s9], $0x20, s7, s9, $0xb8;
	[tilespmem:$0x1A100] =	vst v63  }
0x3c3: {  	s13 =	simm.s32 @!p1 $0x9000;
	s10 =	sor.u32 @!p1 $0x400, s7  }
0x3c4: {  	[tilespmem:s13], [sflag:$0x1] =	stream.indirect.gather @!p1 [hbm4b:s12+s9], $0x20, s10, s9, $0xb8;
	[tilespmem:$0x1A100] =	vst v63  }
0x3c5: {  	s10 =	sor.u32 @!p1 $0x800, s7;
	s13 =	simm.s32 @!p1 $0xA000  }
0x3c6: {  	[tilespmem:s13], [sflag:$0x1] =	stream.indirect.gather @!p1 [hbm4b:s12+s9], $0x20, s10, s9, $0xb8;
	[tilespmem:$0x1A100] =	vst v63  }
0x3c7: {  	s7 =	sor.u32 @!p1 $0xC00, s7;
	s10 =	simm.s32 @!p1 $0xB000  }
0x3c8: {  	[tilespmem:s10], [sflag:$0x1] =	stream.indirect.gather @!p1 [hbm4b:s12+s9], $0x20, s7, s9, $0xb8;
	[tilespmem:$0x1A100] =	vst v63  }
0x3c9: {  	_ =	swait.ge [sflag:s0], $0x1000  }
0x3ca: {  	[sflag:s0] =	ssyncset.done $0x0  }
0x3cb: {  	[sflag:s0] =	ssyncadd.s32 $0xFFFFF000  }
0x3cc: {  	_ =	swait.ge [sflag:s0], $0x1000  }
0x3cd: {  	[sflag:s0] =	ssyncset.done $0x0  }
0x3ce: {  	[sflag:s0] =	ssyncadd.s32 $0xFFFFF000  }
0x3cf: {  	_ =	swait.ge [sflag:s0], $0x1000  }
0x3d0: {  	[sflag:s0] =	ssyncset.done $0x0  }
0x3d1: {  	[sflag:s0] =	ssyncadd.s32 $0xFFFFF000  }
0x3d2: {  	_ =	swait.ge [sflag:s0], $0x1000  }
0x3d3: {  	[sflag:s0] =	ssyncset.done $0x0  }
0x3d4: {  	s7 =	simm.s32 @!p0 $0x4;
	[sflag:s0] =	ssyncadd.s32 $0xFFFFF000  }
0x3d5: {  	_ =	swait.ge @!p0 [sflag:s7], $0x1000  }
0x3d6: {  	[sflag:s7] =	ssyncset.done @!p0 $0x0  }
0x3d7: {  	[sflag:s7] =	ssyncadd.s32 @!p0 $0xFFFFF000  }
0x3d8: {  	_ =	swait.ge @!p0 [sflag:s7], $0x1000  }
0x3d9: {  	[sflag:s7] =	ssyncset.done @!p0 $0x0  }
0x3da: {  	[sflag:s7] =	ssyncadd.s32 @!p0 $0xFFFFF000  }
0x3db: {  	_ =	swait.ge @!p0 [sflag:s7], $0x1000  }
0x3dc: {  	s14 =	simm.s32 $0x3;
	[sflag:s7] =	ssyncset.done @!p0 $0x0  }
0x3dd: {  	s15 =	simm.s32 $0x4;
	s6 =	sor.u32 $0x1, s6;
	[sflag:s7] =	ssyncadd.s32 @!p0 $0xFFFFF000  }
0x3de: {  	s13 =	simm.s32 $0x2;
	s10 =	simm.s32 $0x1;
	_ =	swait.ge @!p0 [sflag:s7], $0x1000  }
0x3df: {  	v6 =	vmov s14;
	s14 =	sshll.u32 s6, $0x5;
	v5 =	vmov s13;
	s13 =	simm.s32 $0x7;
	v3 =	vmov s10;
	[sflag:s7] =	ssyncset.done @!p0 $0x0  }
0x3e0: {  	s17 =	simm.s32 $0x0;
	v7 =	vmov s15;
	s15 =	sand.u32 $0x3FFFFFE0, s14;
	v10 =	vshrl.u32 v3, $0x3;
	v3 =	vmov s13;
	v42 =	vld [tilespmem:$0x1FD50];
	[sflag:s7] =	ssyncadd.s32 @!p0 $0xFFFFF000  }
0x3e1: {  	v0 =	vmov s17;
	s17 =	simm.s32 $0x6;
	v11 =	vshrl.u32 v3, $0x3;
	v4 =	vld [tilespmem:s15+$0x18800]  }
0x3e2: {  	v0 =	vshrl.u32 v0, $0x3;
	v9 =	vmov s17;
	v11 =	vshll.u32 v11, v1;
	v3 =	vld [tilespmem:s15+$0x18810];
	s15 =	simm.s32 $0xC080  }
0x3e3: {  	v0 =	vshll.u32 v0, v1;
	v12 =	vshrl.u32 v9, $0x3;
	v9 =	vbroadcast v11, $0x0;
	v13 =	vld [tilespmem:s15+$0x60]  }
0x3e4: {  	v26 =	vbroadcast v0, $0x0;
	v11 =	vld [tilespmem:s15+$0xFFFFFF80]  }
0x3e5: {  	v5 =	vshrl.u32 v5, $0x3;
	v0 =	vshll.u32 v10, v1;
	v15 =	vadd.s32 v42, v9  }
0x3e6: {  	v16 =	vadd.s32 v35, v26;
	v5 =	vshll.u32 v5, v1;
	v10 =	vbroadcast v0, $0x0;
	v14 =	vld [tilespmem:s15+$0xFFFFFFA0]  }
0x3e7: {  	v27 =	vbroadcast v5, $0x0;
	v17 =	vld [tilespmem:s15+$0xFFFFFFC0]  }
0x3e8: {  	v18 =	vadd.s32 v44, v10;
	v19 =	vld [tilespmem:s15+$0xFFFFFFE0];
	v13 =	vadd.f32 v13, v4  }
0x3e9: {  	v6 =	vshrl.u32 v6, $0x3;
	v20 =	vadd.s32 v34, v27;
	v21 =	vld [tilespmem:s15+$0x0];
	v11 =	vadd.f32 v11, v4  }
0x3ea: {  	v6 =	vshll.u32 v6, v1;
	v23 =	vld [tilespmem:s15+$0x20];
	[tilespmem:v15+s5+$0x0] =	vst.idx.msk $0xffff, v13  }
0x3eb: {  	s16 =	simm.s32 $0x5;
	v7 =	vshrl.u32 v7, $0x3;
	v5 =	vbroadcast v6, $0x0;
	v25 =	vld [tilespmem:s15+$0x40];
	v14 =	vadd.f32 v14, v4;
	[tilespmem:v16+s5+$0x0] =	vst.idx.msk $0xffff, v11  }
0x3ec: {  	v8 =	vmov s16;
	v7 =	vshll.u32 v7, v1;
	v11 =	vadd.f32 v17, v4;
	v0 =	vld [tilespmem:$0x1FD20]  }
0x3ed: {  	v8 =	vshrl.u32 v8, $0x3;
	v6 =	vbroadcast v7, $0x0;
	v22 =	vadd.s32 v33, v5;
	v13 =	vld [tilespmem:s15+$0x70];
	[tilespmem:v18+s5+$0x0] =	vst.idx.msk $0xffff, v14  }
0x3ee: {  	v8 =	vshll.u32 v8, v1;
	v15 =	vld [tilespmem:s15+$0xFFFFFF90];
	[tilespmem:v20+s5+$0x0] =	vst.idx.msk $0xffff, v11  }
0x3ef: {  	v8 =	vbroadcast v8, $0x0;
	v24 =	vadd.s32 v40, v6;
	v39 =	vld [tilespmem:$0x1FFE0]  }
0x3f0: {  	v12 =	vshll.u32 v12, v1;
	v14 =	vadd.f32 v19, v4;
	v18 =	vld [tilespmem:s15+$0xFFFFFFB0];
	[tilespmem:$0x1FBA0] =	vst v9  }
0x3f1: {  	v7 =	vbroadcast v12, $0x0;
	[tilespmem:$0x1FBB0] =	vst v26;
	v12 =	vadd.s32 v0, v8  }
0x3f2: {  	s16 =	simm.s32 $0x8;
	v11 =	vadd.f32 v21, v4;
	[tilespmem:v22+s5+$0x0] =	vst.idx.msk $0xffff, v14  }
0x3f3: {  	v17 =	vadd.s32 v41, v7;
	v16 =	vmov s16;
	v21 =	vld [tilespmem:s15+$0xFFFFFFD0];
	[tilespmem:$0x1FBC0] =	vst v10  }
0x3f4: {  	[tilespmem:v24+s5+$0x0] =	vst.idx.msk $0xffff, v11;
	v19 =	vadd.s32 v39, v9;
	v9 =	vshrl.u32 v16, $0x3;
	v16 =	vadd.f32 v23, v4  }
0x3f5: {  	v23 =	vld [tilespmem:s15+$0xFFFFFFF0];
	[tilespmem:$0x1FBD0] =	vst v27  }
0x3f6: {  	v20 =	vadd.s32 v36, v26;
	v24 =	vadd.f32 v25, v4;
	[tilespmem:v12+s5+$0x0] =	vst.idx.msk $0xffff, v16  }
0x3f7: {  	v26 =	vld [tilespmem:s15+$0x10];
	[tilespmem:$0x1FBE0] =	vst v5  }
0x3f8: {  	v22 =	vadd.s32 v31, v10;
	v13 =	vadd.f32 v13, v3;
	[tilespmem:v17+s5+$0x0] =	vst.idx.msk $0xffff, v24  }
0x3f9: {  	v15 =	vadd.f32 v15, v3;
	[tilespmem:$0x1FBF0] =	vst v6  }
0x3fa: {  	v38 =	vld [tilespmem:$0x1FD10];
	[tilespmem:v19+s5+$0x0] =	vst.idx.msk $0xffff, v13  }
0x3fb: {  	s17 =	simm.s32 $0x9;
	v24 =	vadd.f32 v18, v3;
	[tilespmem:v20+s5+$0x0] =	vst.idx.msk $0xffff, v15  }
0x3fc: {  	v32 =	vmov s17;
	s7 =	simm.s32 $0xA;
	v25 =	vadd.s32 v28, v27;
	[tilespmem:$0x1FC00] =	vst v8  }
0x3fd: {  	s9 =	simm.s32 $0xB;
	s10 =	simm.s32 $0xC;
	s13 =	simm.s32 $0xD;
	v14 =	vmov s7;
	v11 =	vadd.s32 v29, v5;
	v27 =	vadd.f32 v21, v3;
	[tilespmem:v22+s5+$0x0] =	vst.idx.msk $0xffff, v24  }
0x3fe: {  	v37 =	vmovc v29;
	v10 =	vmovc v28;
	v16 =	vmov s9;
	v17 =	vmov s10;
	v18 =	vmov s13;
	v21 =	vld [tilespmem:s15+$0x30];
	[tilespmem:$0x1FC10] =	vst v7  }
0x3ff: {  	v15 =	vadd.s32 v30, v8;
	v22 =	vadd.f32 v23, v3;
	v12 =	vadd.s32 v38, v6;
	v23 =	vld [tilespmem:s15+$0x50];
	[tilespmem:$0x1FC20] =	vst v9  }
0x400: {  	s14 =	simm.s32 $0xE;
	v13 =	vadd.s32 v43, v7;
	v20 =	vshrl.u32 v32, $0x3;
	v24 =	vshll.u32 v9, v1;
	[tilespmem:$0x1FC30] =	vst v32;
	v32 =	vmovc v40  }
0x401: {  	s17 =	simm.s32 $0xF;
	s16 =	simm.s32 $0x10;
	v19 =	vmov s14;
	v40 =	vmovc v41;
	v41 =	vmovc v30;
	v30 =	vmov v0;
	[tilespmem:v25+s5+$0x0] =	vst.idx.msk $0xffff, v27;
	v25 =	vadd.f32 v26, v3  }
.LBB2_17:
0x402: {  	v14 =	vshrl.u32 v14, $0x3;
	v26 =	vmov s17;
	v16 =	vshrl.u32 v16, $0x3  }
0x403: {  	v17 =	vshrl.u32 v17, $0x3;
	v18 =	vshrl.u32 v18, $0x3;
	[tilespmem:v11+s5+$0x0] =	vst.idx.msk $0xffff, v22;
	v14 =	vshll.u32 v14, v1  }
0x404: {  	[tilespmem:v12+s5+$0x0] =	vst.idx.msk $0xffff, v25;
	v16 =	vshll.u32 v16, v1;
	v11 =	vadd.f32 v21, v3;
	v21 =	vshrl.u32 v26, $0x3  }
0x405: {  	s15 =	sadd.s32 $0x100, s15;
	v17 =	vshll.u32 v17, v1;
	v12 =	vadd.f32 v23, v3;
	v21 =	vshll.u32 v21, v1  }
0x406: {  	v25 =	vbroadcast v14, $0x0;
	[tilespmem:v15+s5+$0x0] =	vst.idx.msk $0xffff, v11;
	v15 =	vshrl.u32 v19, $0x3;
	v19 =	vld [tilespmem:s15+$0x60];
	v21 =	vbroadcast v21, $0x0  }
0x407: {  	v14 =	vshll.u32 v18, v1;
	v11 =	vbroadcast v24, $0x0;
	[tilespmem:v13+s5+$0x0] =	vst.idx.msk $0xffff, v12;
	v12 =	vld [tilespmem:s15+$0xFFFFFF80];
	v13 =	vshll.u32 v20, v1  }
0x408: {  	v27 =	vbroadcast v16, $0x0;
	v20 =	vld [tilespmem:s15+$0xFFFFFFA0];
	v13 =	vbroadcast v13, $0x0;
	v22 =	vadd.s32 v42, v21  }
0x409: {  	v29 =	vbroadcast v17, $0x0;
	v16 =	vadd.s32 v34, v25;
	v24 =	vld [tilespmem:s15+$0xFFFFFFC0];
	v23 =	vadd.s32 v35, v11  }
0x40a: {  	v26 =	vld [tilespmem:s15+$0xFFFFFFE0];
	v34 =	vbroadcast v14, $0x0;
	v15 =	vshll.u32 v15, v1;
	v18 =	vadd.s32 v44, v13  }
0x40b: {  	v28 =	vld [tilespmem:s15+$0x0];
	v25 =	vadd.s32 v10, v25;
	v6 =	vbroadcast v15, $0x0;
	v17 =	vadd.f32 v19, v4  }
0x40c: {  	v15 =	vadd.s32 v30, v34;
	v12 =	vadd.f32 v12, v4;
	v19 =	vadd.s32 v33, v27;
	v33 =	vld [tilespmem:s15+$0x20]  }
0x40d: {  	v5 =	vld [tilespmem:s15+$0x40];
	v14 =	vadd.f32 v20, v4;
	v20 =	vadd.s32 v32, v29;
	[tilespmem:v22+s5+$0x0] =	vst.idx.msk $0xffff, v17  }
0x40e: {  	v7 =	vadd.s32 v36, v11;
	[tilespmem:v23+s5+$0x0] =	vst.idx.msk $0xffff, v12;
	v12 =	vadd.f32 v24, v4;
	v17 =	vld [tilespmem:s15+$0x70]  }
0x40f: {  	v22 =	vld [tilespmem:s15+$0xFFFFFF90];
	[tilespmem:v18+s5+$0x0] =	vst.idx.msk $0xffff, v14;
	v14 =	vadd.f32 v26, v4;
	v18 =	vadd.s32 v40, v6  }
0x410: {  	v26 =	vadd.s32 v39, v21;
	v24 =	vld [tilespmem:s15+$0xFFFFFFB0];
	[tilespmem:v16+s5+$0x0] =	vst.idx.msk $0xffff, v12;
	v12 =	vadd.f32 v28, v4  }
0x411: {  	s17 =	sadd.s32 $0x1, s16;
	v13 =	vadd.s32 v31, v13;
	v8 =	vld [tilespmem:s15+$0xFFFFFFD0];
	[tilespmem:v19+s5+$0x0] =	vst.idx.msk $0xffff, v14;
	v11 =	vadd.f32 v33, v4  }
0x412: {  	v5 =	vadd.f32 v5, v4;
	v23 =	vmov s16;
	v33 =	vmov s17;
	s17 =	sadd.s32 $0x2, s16;
	v0 =	vld [tilespmem:s15+$0xFFFFFFF0];
	[tilespmem:v20+s5+$0x0] =	vst.idx.msk $0xffff, v12  }
0x413: {  	p0 =	slt.u32 s16, $0x78;
	v28 =	vshrl.u32 v23, $0x3;
	v14 =	vmov s17;
	v9 =	vld [tilespmem:s15+$0x10];
	[tilespmem:v15+s5+$0x0] =	vst.idx.msk $0xffff, v11;
	v15 =	vadd.f32 v17, v3  }
.Ltmp10:
0x414: {  	s17 =	sadd.s32 $0x3, s16;
	v12 =	vadd.s32 v38, v29;
	v20 =	vshrl.u32 v33, $0x3;
	v19 =	vadd.f32 v22, v3;
	[tilespmem:v18+s5+$0x0] =	vst.idx.msk $0xffff, v5;
	(pc) =	sbr.rel @p0 .LBB2_17-.Ltmp10, $4  }
0x415: {  	v33 =	vld [tilespmem:$0x1FEF0];
	v16 =	vmov s17;
	s17 =	sadd.s32 $0x4, s16;
	v11 =	vadd.s32 v37, v27;
	v5 =	vadd.f32 v24, v3;
	[tilespmem:v26+s5+$0x0] =	vst.idx.msk $0xffff, v15  }
0x416: {  	v21 =	vld [tilespmem:s15+$0x30];
	v17 =	vmov s17;
	s17 =	sadd.s32 $0x5, s16;
	v24 =	vshll.u32 v28, v1;
	[tilespmem:v7+s5+$0x0] =	vst.idx.msk $0xffff, v19;
	v7 =	vadd.f32 v8, v3  }
0x417: {  	v23 =	vld [tilespmem:s15+$0x50];
	v18 =	vmov s17;
	s17 =	sadd.s32 $0x6, s16;
	v15 =	vadd.s32 v41, v34;
	[tilespmem:v13+s5+$0x0] =	vst.idx.msk $0xffff, v5;
	v22 =	vadd.f32 v0, v3  }
0x418: {  	v34 =	vld [tilespmem:$0x1FE80];
	v19 =	vmov s17;
	s17 =	sadd.s32 $0x7, s16;
	s16 =	sadd.s32 $0x8, s16;
	v13 =	vadd.s32 v43, v6;
	[tilespmem:v25+s5+$0x0] =	vst.idx.msk $0xffff, v7;
	v25 =	vadd.f32 v9, v3  }
0x419: {  	v0 =	vshrl.u32 v14, $0x3;
	v5 =	vmov s17;
	v7 =	vshrl.u32 v16, $0x3  }
0x41a: {  	v9 =	vshrl.u32 v17, $0x3;
	v14 =	vshrl.u32 v18, $0x3;
	v5 =	vshrl.u32 v5, $0x3  }
0x41b: {  	s15 =	sadd.s32 $0x100, s15;
	v16 =	vbroadcast v24, $0x0;
	v17 =	vshrl.u32 v19, $0x3;
	v5 =	vshll.u32 v5, v1  }
0x41c: {  	v20 =	vshll.u32 v20, v1;
	v18 =	vld [tilespmem:s15+$0x60];
	v0 =	vshll.u32 v0, v1;
	v5 =	vbroadcast v5, $0x0  }
0x41d: {  	v19 =	vld [tilespmem:s15+$0xFFFFFF80];
	v7 =	vshll.u32 v7, v1;
	v20 =	vbroadcast v20, $0x0;
	v9 =	vshll.u32 v9, v1  }
0x41e: {  	v6 =	vadd.f32 v21, v3;
	v21 =	vld [tilespmem:s15+$0xFFFFFFA0];
	v8 =	vadd.f32 v23, v3;
	v23 =	vadd.s32 v42, v5  }
0x41f: {  	[tilespmem:v11+s5+$0x0] =	vst.idx.msk $0xffff, v22;
	v14 =	vshll.u32 v14, v1;
	v11 =	vadd.s32 v35, v16;
	v0 =	vbroadcast v0, $0x0;
	v42 =	vld [tilespmem:s15+$0xFFFFFFC0]  }
0x420: {  	[tilespmem:v12+s5+$0x0] =	vst.idx.msk $0xffff, v25;
	v24 =	vld [tilespmem:s15+$0xFFFFFFE0];
	v17 =	vshll.u32 v17, v1;
	v7 =	vbroadcast v7, $0x0;
	v12 =	vadd.s32 v44, v20  }
0x421: {  	v9 =	vbroadcast v9, $0x0;
	[tilespmem:v15+s5+$0x0] =	vst.idx.msk $0xffff, v6;
	v6 =	vadd.s32 v34, v0;
	v15 =	vld [tilespmem:s15+$0x0];
	v18 =	vadd.f32 v18, v4  }
0x422: {  	v14 =	vbroadcast v14, $0x0;
	[tilespmem:v13+s5+$0x0] =	vst.idx.msk $0xffff, v8;
	v13 =	vadd.s32 v33, v7;
	v8 =	vadd.f32 v19, v4;
	v19 =	vld [tilespmem:s15+$0x20]  }
0x423: {  	v17 =	vbroadcast v17, $0x0;
	v33 =	vld [tilespmem:s15+$0x40];
	v21 =	vadd.f32 v21, v4;
	[tilespmem:v23+s5+$0x0] =	vst.idx.msk $0xffff, v18;
	v18 =	vadd.s32 v32, v9  }
0x424: {  	[tilespmem:v11+s5+$0x0] =	vst.idx.msk $0xffff, v8;
	v11 =	vadd.s32 v30, v14;
	v8 =	vadd.f32 v42, v4;
	v42 =	vld [tilespmem:s15+$0x70]  }
0x425: {  	v44 =	vadd.f32 v24, v4;
	v24 =	vadd.s32 v40, v17;
	[tilespmem:v12+s5+$0x0] =	vst.idx.msk $0xffff, v21;
	v12 =	vld [tilespmem:s15+$0xFFFFFF90]  }
0x426: {  	v5 =	vadd.s32 v39, v5;
	[tilespmem:v6+s5+$0x0] =	vst.idx.msk $0xffff, v8;
	v6 =	vld [tilespmem:s15+$0xFFFFFFB0];
	v8 =	vadd.f32 v15, v4  }
0x427: {  	[tilespmem:v13+s5+$0x0] =	vst.idx.msk $0xffff, v44;
	v13 =	vadd.s32 v36, v16;
	v16 =	vadd.f32 v19, v4;
	v15 =	vld [tilespmem:s15+$0xFFFFFFD0]  }
0x428: {  	v19 =	vadd.f32 v33, v4;
	[tilespmem:v18+s5+$0x0] =	vst.idx.msk $0xffff, v8;
	v8 =	vadd.s32 v31, v20;
	v18 =	vld [tilespmem:s15+$0xFFFFFFF0]  }
0x429: {  	v0 =	vadd.s32 v10, v0;
	[tilespmem:v11+s5+$0x0] =	vst.idx.msk $0xffff, v16;
	v11 =	vld [tilespmem:s15+$0x10];
	v16 =	vadd.f32 v42, v3  }
0x42a: {  	v7 =	vadd.s32 v37, v7;
	[tilespmem:v24+s5+$0x0] =	vst.idx.msk $0xffff, v19;
	v12 =	vadd.f32 v12, v3;
	v19 =	vld [tilespmem:s15+$0x30]  }
0x42b: {  	[tilespmem:v5+s5+$0x0] =	vst.idx.msk $0xffff, v16;
	v5 =	vadd.f32 v6, v3;
	v6 =	vadd.s32 v38, v9;
	v9 =	vld [tilespmem:s15+$0x50]  }
0x42c: {  	[tilespmem:v13+s5+$0x0] =	vst.idx.msk $0xffff, v12;
	v13 =	vadd.s32 v41, v14;
	v12 =	vadd.f32 v15, v3  }
0x42d: {  	[tilespmem:v8+s5+$0x0] =	vst.idx.msk $0xffff, v5;
	v5 =	vadd.f32 v18, v3;
	v8 =	vadd.s32 v43, v17  }
0x42e: {  	[tilespmem:v0+s5+$0x0] =	vst.idx.msk $0xffff, v12;
	v0 =	vadd.f32 v11, v3  }
0x42f: {  	[tilespmem:v7+s5+$0x0] =	vst.idx.msk $0xffff, v5;
	v5 =	vadd.f32 v19, v3  }
0x430: {  	[tilespmem:v6+s5+$0x0] =	vst.idx.msk $0xffff, v0;
	v0 =	vadd.f32 v9, v3  }
0x431: {  	[tilespmem:v13+s5+$0x0] =	vst.idx.msk $0xffff, v5  }
0x432: {  	s15 =	simm.s32 $0xD0F0;
	[tilespmem:v8+s5+$0x0] =	vst.idx.msk $0xffff, v0  }
0x433: {  	v0 =	vld [tilespmem:s15+$0xFFFFFFF0]  }
0x434: {  	v5 =	vld [tilespmem:s15+$0xFFFFFF10]  }
0x435: {  	v6 =	vld [tilespmem:s15+$0xFFFFFF30]  }
0x436: {  	v17 =	vld [tilespmem:$0x1FBA0]  }
0x437: {  	v39 =	vld [tilespmem:$0x1FE90]  }
0x438: {  	v10 =	vld [tilespmem:$0x1FBB0]  }
0x439: {  	v9 =	vld [tilespmem:s15+$0xFFFFFF50]  }
0x43a: {  	v26 =	vld [tilespmem:$0x1FD70]  }
0x43b: {  	v18 =	vld [tilespmem:$0x1FBC0];
	v7 =	vadd.s32 v45, v17  }
0x43c: {  	v12 =	vld [tilespmem:s15+$0xFFFFFF70]  }
0x43d: {  	v31 =	vld [tilespmem:$0x1FF20];
	v8 =	vadd.s32 v39, v10  }
0x43e: {  	v19 =	vld [tilespmem:$0x1FBD0];
	v0 =	vadd.f32 v0, v4  }
0x43f: {  	v33 =	vld [tilespmem:$0x1FD90]  }
0x440: {  	v22 =	vld [tilespmem:$0x1FBE0];
	v5 =	vadd.f32 v5, v4;
	[tilespmem:v7+s5+$0x0] =	vst.idx.msk $0xffff, v0  }
0x441: {  	v41 =	vld [tilespmem:$0x1FDA0]  }
0x442: {  	v23 =	vld [tilespmem:$0x1FBF0];
	[tilespmem:v8+s5+$0x0] =	vst.idx.msk $0xffff, v5  }
0x443: {  	v11 =	vadd.s32 v26, v18;
	v38 =	vld [tilespmem:$0x1FF50]  }
0x444: {  	v25 =	vld [tilespmem:$0x1FC00]  }
0x445: {  	v13 =	vadd.s32 v31, v19  }
0x446: {  	v14 =	vld [tilespmem:s15+$0xFFFFFF90];
	v15 =	vadd.s32 v33, v22;
	v6 =	vadd.f32 v6, v4  }
0x447: {  	v16 =	vld [tilespmem:s15+$0xFFFFFFB0]  }
0x448: {  	v7 =	vld [tilespmem:s15+$0xFFFFFFD0];
	v5 =	vadd.f32 v9, v4;
	[tilespmem:v11+s5+$0x0] =	vst.idx.msk $0xffff, v6;
	v0 =	vadd.s32 v41, v23  }
0x449: {  	v11 =	vadd.f32 v12, v4;
	v42 =	vld [tilespmem:$0x1FDD0];
	v8 =	vadd.s32 v38, v25  }
0x44a: {  	v24 =	vld [tilespmem:$0x1FC10];
	[tilespmem:v13+s5+$0x0] =	vst.idx.msk $0xffff, v5  }
0x44b: {  	v9 =	vld [tilespmem:s15+$0x0];
	v13 =	vadd.f32 v14, v4;
	[tilespmem:v15+s5+$0x0] =	vst.idx.msk $0xffff, v11  }
0x44c: {  	v11 =	vadd.f32 v16, v4;
	v27 =	vld [tilespmem:$0x1FD60]  }
0x44d: {  	v6 =	vld [tilespmem:s15+$0xFFFFFF20];
	[tilespmem:v0+s5+$0x0] =	vst.idx.msk $0xffff, v13  }
0x44e: {  	v28 =	vld [tilespmem:$0x1FD80];
	[tilespmem:v8+s5+$0x0] =	vst.idx.msk $0xffff, v11  }
0x44f: {  	v12 =	vadd.s32 v42, v24;
	v32 =	vld [tilespmem:$0x1FF30]  }
0x450: {  	v14 =	vadd.s32 v46, v17  }
0x451: {  	v5 =	vld [tilespmem:s15+$0xFFFFFF40];
	v15 =	vadd.s32 v27, v10  }
0x452: {  	v17 =	vld [tilespmem:s15+$0xFFFFFF60];
	v7 =	vadd.f32 v7, v4  }
0x453: {  	v8 =	vadd.f32 v9, v3;
	v0 =	vadd.s32 v28, v18  }
0x454: {  	[tilespmem:v12+s5+$0x0] =	vst.idx.msk $0xffff, v7;
	v7 =	vadd.f32 v6, v3;
	v19 =	vadd.s32 v32, v19  }
0x455: {  	v37 =	vld [tilespmem:$0x1FF40];
	[tilespmem:v14+s5+$0x0] =	vst.idx.msk $0xffff, v8  }
0x456: {  	v5 =	vadd.f32 v5, v3;
	v44 =	vld [tilespmem:$0x1FDB0];
	[tilespmem:v15+s5+$0x0] =	vst.idx.msk $0xffff, v7  }
0x457: {  	v7 =	vadd.f32 v17, v3;
	v43 =	vld [tilespmem:$0x1FDC0]  }
0x458: {  	v18 =	vld [tilespmem:s15+$0xFFFFFF80];
	[tilespmem:v0+s5+$0x0] =	vst.idx.msk $0xffff, v5  }
0x459: {  	v40 =	vmov v46;
	v46 =	vld [tilespmem:$0x1FDE0];
	[tilespmem:v19+s5+$0x0] =	vst.idx.msk $0xffff, v7  }
0x45a: {  	v7 =	vld [tilespmem:$0x1FC20];
	_ =	sdelay $0x3  }
0x45b: {  	v20 =	vld [tilespmem:s15+$0xFFFFFFA0]  }
0x45c: {  	v15 =	vadd.f32 v18, v3;
	v18 =	vshll.u32 v7, v1;
	v7 =	vld [tilespmem:$0x1FC30]  }
0x45d: {  	v9 =	vadd.s32 v37, v22  }
0x45e: {  	v6 =	vadd.s32 v44, v23  }
0x45f: {  	v10 =	vmov s7;
	v13 =	vmov s13;
	v11 =	vmov s9;
	v16 =	vld [tilespmem:s15+$0xFFFFFFC0]  }
0x460: {  	v12 =	vmov s10;
	v14 =	vmov s14;
	v17 =	vadd.f32 v20, v3;
	v5 =	vld [tilespmem:s15+$0xFFFFFFE0]  }
0x461: {  	s7 =	simm.s32 $0x10;
	s9 =	simm.s32 $0xF;
	v8 =	vadd.s32 v43, v25;
	v0 =	vadd.s32 v46, v24;
	v7 =	vshrl.u32 v7, $0x3  }
.LBB2_19:
0x462: {  	v19 =	vmov s9;
	[tilespmem:v9+s5+$0x0] =	vst.idx.msk $0xffff, v15  }
0x463: {  	v15 =	vshrl.u32 v19, $0x3;
	[tilespmem:v6+s5+$0x0] =	vst.idx.msk $0xffff, v17;
	v6 =	vshrl.u32 v12, $0x3  }
0x464: {  	v12 =	vshrl.u32 v13, $0x3;
	v13 =	vshll.u32 v15, v1;
	v9 =	vadd.f32 v16, v3  }
0x465: {  	s15 =	sadd.s32 $0x100, s15;
	v13 =	vbroadcast v13, $0x0;
	v5 =	vadd.f32 v5, v3  }
0x466: {  	v10 =	vshrl.u32 v10, $0x3;
	v11 =	vshrl.u32 v11, $0x3;
	[tilespmem:v8+s5+$0x0] =	vst.idx.msk $0xffff, v9;
	v9 =	vshrl.u32 v14, $0x3;
	v14 =	vld [tilespmem:s15+$0xFFFFFFF0]  }
0x467: {  	v15 =	vadd.s32 v45, v13;
	v8 =	vbroadcast v18, $0x0;
	[tilespmem:v0+s5+$0x0] =	vst.idx.msk $0xffff, v5;
	v0 =	vld [tilespmem:s15+$0xFFFFFF10];
	v5 =	vshll.u32 v7, v1  }
0x468: {  	v7 =	vshll.u32 v10, v1;
	v10 =	vshll.u32 v11, v1;
	v11 =	vld [tilespmem:s15+$0xFFFFFF30];
	v5 =	vbroadcast v5, $0x0  }
0x469: {  	v17 =	vld [tilespmem:s15+$0xFFFFFF50];
	v7 =	vbroadcast v7, $0x0;
	v16 =	vadd.s32 v39, v8  }
0x46a: {  	v6 =	vshll.u32 v6, v1;
	v19 =	vld [tilespmem:s15+$0xFFFFFF70];
	v20 =	vbroadcast v10, $0x0;
	v18 =	vadd.s32 v26, v5  }
0x46b: {  	v12 =	vshll.u32 v12, v1;
	v21 =	vld [tilespmem:s15+$0xFFFFFF90];
	v10 =	vadd.s32 v31, v7;
	v14 =	vadd.f32 v14, v4  }
0x46c: {  	v6 =	vbroadcast v6, $0x0;
	v23 =	vld [tilespmem:s15+$0xFFFFFFB0];
	v22 =	vadd.s32 v33, v20;
	v0 =	vadd.f32 v0, v4  }
0x46d: {  	v24 =	vbroadcast v12, $0x0;
	v9 =	vshll.u32 v9, v1;
	v25 =	vld [tilespmem:s15+$0xFFFFFFD0];
	v11 =	vadd.f32 v11, v4;
	[tilespmem:v15+s5+$0x0] =	vst.idx.msk $0xffff, v14  }
0x46e: {  	v12 =	vadd.s32 v41, v6;
	v26 =	vbroadcast v9, $0x0;
	[tilespmem:v16+s5+$0x0] =	vst.idx.msk $0xffff, v0;
	v0 =	vadd.f32 v17, v4;
	v14 =	vld [tilespmem:s15+$0x0]  }
0x46f: {  	v9 =	vadd.s32 v38, v24;
	v15 =	vld [tilespmem:s15+$0xFFFFFF20];
	[tilespmem:v18+s5+$0x0] =	vst.idx.msk $0xffff, v11;
	v11 =	vadd.f32 v19, v4  }
0x470: {  	v13 =	vadd.s32 v40, v13;
	v17 =	vadd.s32 v42, v26;
	v18 =	vld [tilespmem:s15+$0xFFFFFF40];
	[tilespmem:v10+s5+$0x0] =	vst.idx.msk $0xffff, v0  }
0x471: {  	v6 =	vadd.s32 v44, v6;
	v0 =	vadd.f32 v21, v4;
	v21 =	vld [tilespmem:s15+$0xFFFFFF60];
	[tilespmem:v22+s5+$0x0] =	vst.idx.msk $0xffff, v11  }
0x472: {  	v8 =	vadd.s32 v27, v8;
	v16 =	vmov s7;
	v11 =	vadd.f32 v23, v4;
	v27 =	vld [tilespmem:s15+$0xFFFFFF80]  }
0x473: {  	s10 =	sadd.s32 $0x2, s7;
	v19 =	vshrl.u32 v16, $0x3;
	v23 =	vadd.s32 v28, v5;
	[tilespmem:v12+s5+$0x0] =	vst.idx.msk $0xffff, v0;
	v0 =	vadd.f32 v25, v4  }
0x474: {  	p0 =	slt.u32 s7, $0x78;
	s17 =	sadd.s32 $0x1, s7;
	v10 =	vmov s10;
	v25 =	vadd.s32 v32, v7;
	v28 =	vld [tilespmem:s15+$0xFFFFFFA0];
	[tilespmem:v9+s5+$0x0] =	vst.idx.msk $0xffff, v11;
	v7 =	vadd.f32 v14, v3  }
.Ltmp11:
0x475: {  	s14 =	sadd.s32 $0x4, s7;
	v22 =	vmov s17;
	v9 =	vadd.s32 v37, v20;
	v14 =	vadd.f32 v15, v3;
	v16 =	vld [tilespmem:s15+$0xFFFFFFC0];
	[tilespmem:v17+s5+$0x0] =	vst.idx.msk $0xffff, v0;
	(pc) =	sbr.rel @p0 .LBB2_19-.Ltmp11, $4  }
0x476: {  	s13 =	sadd.s32 $0x3, s7;
	v12 =	vmov s14;
	v0 =	vadd.f32 v18, v3;
	v5 =	vld [tilespmem:s15+$0xFFFFFFE0];
	v18 =	vshll.u32 v19, v1;
	[tilespmem:v13+s5+$0x0] =	vst.idx.msk $0xffff, v7  }
0x477: {  	s16 =	sadd.s32 $0x5, s7;
	v11 =	vmov s13;
	[tilespmem:v8+s5+$0x0] =	vst.idx.msk $0xffff, v14;
	v17 =	vadd.f32 v21, v3;
	v15 =	vadd.f32 v27, v3;
	v27 =	vld [tilespmem:$0x1FD60]  }
0x478: {  	s17 =	sadd.s32 $0x6, s7;
	v13 =	vmov s16;
	v8 =	vadd.s32 v43, v24;
	[tilespmem:v23+s5+$0x0] =	vst.idx.msk $0xffff, v0;
	v0 =	vadd.s32 v46, v26;
	v26 =	vld [tilespmem:$0x1FD70]  }
0x479: {  	s9 =	sadd.s32 $0x7, s7;
	s7 =	sadd.s32 $0x8, s7;
	v14 =	vmov s17;
	v7 =	vshrl.u32 v22, $0x3;
	[tilespmem:v25+s5+$0x0] =	vst.idx.msk $0xffff, v17;
	v17 =	vadd.f32 v28, v3;
	v28 =	vld [tilespmem:$0x1FD80]  }
0x47a: {  	v10 =	vshrl.u32 v10, $0x3;
	v19 =	vmov s9;
	v16 =	vadd.f32 v16, v3  }
0x47b: {  	v11 =	vshrl.u32 v11, $0x3;
	v12 =	vshrl.u32 v12, $0x3;
	v13 =	vshrl.u32 v13, $0x3;
	s7 =	sadd.s32 $0x100, s15  }
0x47c: {  	v18 =	vbroadcast v18, $0x0;
	v7 =	vshll.u32 v7, v1;
	v19 =	vshrl.u32 v19, $0x3;
	v21 =	vld [tilespmem:s7+$0xFFFFFF10]  }
0x47d: {  	v10 =	vshll.u32 v10, v1;
	v22 =	vld [tilespmem:s7+$0xFFFFFF30];
	v7 =	vbroadcast v7, $0x0;
	v19 =	vshll.u32 v19, v1  }
0x47e: {  	v20 =	vld [tilespmem:s7+$0xFFFFFFF0];
	v11 =	vshll.u32 v11, v1;
	v24 =	vadd.s32 v39, v18;
	v19 =	vbroadcast v19, $0x0  }
0x47f: {  	[tilespmem:v9+s5+$0x0] =	vst.idx.msk $0xffff, v15;
	v12 =	vshll.u32 v12, v1;
	v15 =	vld [tilespmem:s7+$0xFFFFFF70];
	v11 =	vbroadcast v11, $0x0;
	v9 =	vadd.s32 v26, v7  }
0x480: {  	v25 =	vld [tilespmem:s7+$0xFFFFFF50];
	v13 =	vshll.u32 v13, v1;
	v10 =	vbroadcast v10, $0x0;
	v23 =	vadd.s32 v45, v19  }
0x481: {  	v14 =	vshrl.u32 v14, $0x3;
	[tilespmem:v8+s5+$0x0] =	vst.idx.msk $0xffff, v16;
	v16 =	vadd.s32 v33, v11;
	v8 =	vadd.f32 v21, v4  }
0x482: {  	[tilespmem:v6+s5+$0x0] =	vst.idx.msk $0xffff, v17;
	v13 =	vbroadcast v13, $0x0;
	v6 =	vadd.s32 v31, v10;
	v21 =	vld [tilespmem:s7+$0xFFFFFFB0];
	v22 =	vadd.f32 v22, v4  }
0x483: {  	v14 =	vshll.u32 v14, v1;
	v17 =	vld [tilespmem:s7+$0xFFFFFF90];
	v12 =	vbroadcast v12, $0x0;
	v20 =	vadd.f32 v20, v4;
	[tilespmem:v24+s5+$0x0] =	vst.idx.msk $0xffff, v8  }
0x484: {  	v15 =	vadd.f32 v15, v4;
	v24 =	vadd.s32 v38, v13;
	[tilespmem:v9+s5+$0x0] =	vst.idx.msk $0xffff, v22  }
0x485: {  	v14 =	vbroadcast v14, $0x0;
	v8 =	vadd.f32 v25, v4;
	[tilespmem:v23+s5+$0x0] =	vst.idx.msk $0xffff, v20;
	v20 =	vadd.s32 v41, v12;
	v23 =	vld [tilespmem:s7+$0xFFFFFFD0]  }
0x486: {  	v9 =	vld [tilespmem:s7+$0xFFFFFF20];
	[tilespmem:v16+s5+$0x0] =	vst.idx.msk $0xffff, v15  }
0x487: {  	v22 =	vadd.s32 v42, v14;
	[tilespmem:v6+s5+$0x0] =	vst.idx.msk $0xffff, v8;
	v6 =	vld [tilespmem:s7+$0xFFFFFF40];
	v15 =	vadd.f32 v21, v4  }
0x488: {  	v5 =	vadd.f32 v5, v3;
	v16 =	vadd.s32 v27, v18;
	v8 =	vadd.f32 v17, v4;
	v25 =	vld [tilespmem:s7+$0x0]  }
0x489: {  	v7 =	vadd.s32 v28, v7;
	v17 =	vadd.s32 v40, v19;
	v19 =	vld [tilespmem:s7+$0xFFFFFF60];
	[tilespmem:v24+s5+$0x0] =	vst.idx.msk $0xffff, v15  }
0x48a: {  	v18 =	vld [tilespmem:s7+$0xFFFFFF80];
	[tilespmem:v20+s5+$0x0] =	vst.idx.msk $0xffff, v8;
	v8 =	vadd.f32 v23, v4  }
0x48b: {  	[tilespmem:v0+s5+$0x0] =	vst.idx.msk $0xffff, v5;
	v0 =	vadd.s32 v32, v10;
	v21 =	vld [tilespmem:s7+$0xFFFFFFC0];
	v5 =	vadd.f32 v9, v3  }
0x48c: {  	v9 =	vadd.s32 v37, v11;
	v6 =	vadd.f32 v6, v3;
	v20 =	vld [tilespmem:s7+$0xFFFFFFA0];
	[tilespmem:v22+s5+$0x0] =	vst.idx.msk $0xffff, v8  }
0x48d: {  	v11 =	vadd.s32 v43, v13;
	v15 =	vadd.f32 v25, v3;
	[tilespmem:v16+s5+$0x0] =	vst.idx.msk $0xffff, v5;
	v8 =	vld [tilespmem:s7+$0xFFFFFFE0]  }
0x48e: {  	v10 =	vadd.s32 v44, v12;
	v5 =	vadd.f32 v19, v3;
	[tilespmem:v7+s5+$0x0] =	vst.idx.msk $0xffff, v6  }
0x48f: {  	v6 =	vadd.f32 v18, v3;
	v7 =	vadd.s32 v46, v14;
	[tilespmem:v17+s5+$0x0] =	vst.idx.msk $0xffff, v15  }
0x490: {  	[tilespmem:v0+s5+$0x0] =	vst.idx.msk $0xffff, v5;
	v0 =	vadd.f32 v21, v3  }
0x491: {  	[tilespmem:v9+s5+$0x0] =	vst.idx.msk $0xffff, v6;
	v13 =	vadd.f32 v20, v3  }
0x492: {  	s10 =	simm.s32 $0x0;
	p1 =	por $0x1, $0x1;
	[tilespmem:v11+s5+$0x0] =	vst.idx.msk $0xffff, v0;
	v5 =	vadd.f32 v8, v3  }
.Ltmp12:
0x493: {  	s13 =	simm.s32 $0x1;
	s14 =	simm.s32 $0x2;
	v8 =	vmov s10;
	[tilespmem:v10+s5+$0x0] =	vst.idx.msk $0xffff, v13;
	(pc) =	sbr.rel @!p1 .LBB2_25-.Ltmp12, $4  }
0x494: {  	s15 =	simm.s32 $0x3;
	s16 =	simm.s32 $0x4;
	v12 =	vmov s14;
	v6 =	vshrl.u32 v8, $0x3;
	v8 =	vmov s13;
	s13 =	simm.s32 $0x5;
	[tilespmem:v7+s5+$0x0] =	vst.idx.msk $0xffff, v5  }
0x495: {  	s17 =	simm.s32 $0x6;
	s9 =	simm.s32 $0x7;
	v14 =	vmov s15;
	v17 =	vmov s16;
	v18 =	vmov s13;
	v32 =	vld [tilespmem:$0x1FF80]  }
0x496: {  	p0 =	por $0x0, $0x0;
	p2 =	por $0x0, $0x0;
	s15 =	simm.s32 $0x7;
	v21 =	vmov s17;
	v0 =	vmovc v12;
	v25 =	vshll.u32 v6, v1;
	v22 =	vshrl.u32 v8, $0x3;
	v7 =	vmovc v18;
	v40 =	vld [tilespmem:$0x1FF90]  }
0x497: {  	s7 =	simm.s32 $0x8;
	s10 =	simm.s32 $0xE0F0;
	s13 =	simm.s32 $0xE0F0;
	v10 =	vmovc v25;
	v9 =	vmovc v22;
	v43 =	vld [tilespmem:$0x1FFA0];
	v5 =	vmov v14;
	v6 =	vmov v17;
	v8 =	vmov v21  }
0x498: {  	v0 =	vmov s9  }
0x499: {  	v11 =	vld [tilespmem:s10+$0xFFFFFFF0];
	v0 =	vshrl.u32 v0, $0x3  }
0x49a: {  	v5 =	vshrl.u32 v12, $0x3;
	v6 =	vshrl.u32 v14, $0x3;
	v13 =	vld [tilespmem:s10+$0xFFFFFF10];
	v0 =	vshll.u32 v0, v1  }
0x49b: {  	v7 =	vshrl.u32 v17, $0x3;
	v9 =	vbroadcast v25, $0x0;
	v16 =	vld [tilespmem:s10+$0xFFFFFF30];
	v0 =	vbroadcast v0, $0x0  }
0x49c: {  	v8 =	vshrl.u32 v18, $0x3;
	v15 =	vshll.u32 v22, v1;
	v45 =	vld [tilespmem:$0x1FE00];
	v5 =	vshll.u32 v5, v1  }
0x49d: {  	v42 =	vld [tilespmem:$0x1FE20];
	v54 =	vmovc v53;
	v53 =	vmovc v52;
	v15 =	vbroadcast v15, $0x0;
	v20 =	vadd.s32 v32, v9;
	v19 =	vadd.s32 v52, v0  }
0x49e: {  	v52 =	vmovc v51;
	v51 =	vmovc v50;
	v50 =	vmov v47;
	v47 =	vmov v49;
	v49 =	vmov v48;
	v48 =	vld [tilespmem:$0x1FE40]  }
0x49f: {  	v23 =	vld [tilespmem:s10+$0xFFFFFF50];
	v6 =	vshll.u32 v6, v1;
	v7 =	vshll.u32 v7, v1;
	v5 =	vbroadcast v5, $0x0  }
0x4a0: {  	v26 =	vld [tilespmem:s10+$0xFFFFFF70];
	v8 =	vshll.u32 v8, v1;
	v6 =	vbroadcast v6, $0x0;
	v24 =	vadd.s32 v43, v15  }
0x4a1: {  	v28 =	vld [tilespmem:s10+$0xFFFFFF90];
	v7 =	vbroadcast v7, $0x0;
	v27 =	vadd.s32 v45, v5;
	v13 =	vadd.f32 v13, v4  }
0x4a2: {  	v33 =	vld [tilespmem:s10+$0xFFFFFFB0];
	v8 =	vbroadcast v8, $0x0;
	v11 =	vadd.f32 v11, v4;
	v29 =	vadd.s32 v42, v6  }
0x4a3: {  	v16 =	vadd.f32 v16, v4;
	[tilespmem:v20+s5+$0x0] =	vst.idx.msk $0xffff, v13;
	v34 =	vadd.s32 v48, v7  }
0x4a4: {  	v35 =	vld [tilespmem:s10+$0xFFFFFFD0];
	v13 =	vadd.s32 v47, v8;
	[tilespmem:v19+s5+$0x0] =	vst.idx.msk $0xffff, v11;
	v11 =	vadd.f32 v23, v4  }
0x4a5: {  	v20 =	vld [tilespmem:s10+$0xFFFFFF20];
	[tilespmem:v24+s5+$0x0] =	vst.idx.msk $0xffff, v16;
	v16 =	vadd.f32 v26, v4  }
0x4a6: {  	v10 =	vshrl.u32 v21, $0x3;
	v31 =	vld [tilespmem:s10+$0xFFFFFF40];
	[tilespmem:v27+s5+$0x0] =	vst.idx.msk $0xffff, v11;
	v11 =	vadd.f32 v28, v4  }
0x4a7: {  	v10 =	vshll.u32 v10, v1;
	v19 =	vld [tilespmem:s10+$0x0];
	[tilespmem:v29+s5+$0x0] =	vst.idx.msk $0xffff, v16;
	v16 =	vadd.f32 v33, v4  }
0x4a8: {  	v10 =	vbroadcast v10, $0x0;
	v44 =	vld [tilespmem:$0x1FDF0];
	[tilespmem:v34+s5+$0x0] =	vst.idx.msk $0xffff, v11  }
0x4a9: {  	v27 =	vadd.s32 v54, v0;
	v46 =	vld [tilespmem:$0x1FE10];
	[tilespmem:v13+s5+$0x0] =	vst.idx.msk $0xffff, v16  }
0x4aa: {  	v24 =	vmov s7;
	v23 =	vadd.s32 v51, v10;
	v41 =	vld [tilespmem:$0x1FE30]  }
0x4ab: {  	v9 =	vadd.s32 v40, v9;
	v30 =	vshrl.u32 v24, $0x3;
	v24 =	vld [tilespmem:s10+$0xFFFFFF60]  }
0x4ac: {  	v26 =	vld [tilespmem:s10+$0xFFFFFF80];
	v16 =	vadd.f32 v19, v3  }
0x4ad: {  	s13 =	simm.s32 $0x9;
	v33 =	vadd.s32 v44, v15;
	v15 =	vadd.f32 v35, v4  }
0x4ae: {  	s17 =	simm.s32 $0xA;
	p3 =	por $0x1, $0x1;
	v29 =	vmov s13;
	v37 =	vld [tilespmem:s10+$0xFFFFFFA0];
	v19 =	vadd.f32 v20, v3;
	[tilespmem:v27+s5+$0x0] =	vst.idx.msk $0xffff, v16;
	v36 =	vadd.s32 v46, v5  }
.Ltmp13:
0x4af: {  	s16 =	simm.s32 $0xD;
	v0 =	vmov s17;
	v13 =	vadd.s32 v49, v7;
	v20 =	vld [tilespmem:s10+$0xFFFFFFC0];
	[tilespmem:v23+s5+$0x0] =	vst.idx.msk $0xffff, v15;
	v11 =	vadd.s32 v41, v6;
	(pc) =	sbr.rel @!p3 .LBB2_22-.Ltmp13, $4  }
0x4b0: {  	v7 =	vmov s16;
	[tilespmem:v9+s5+$0x0] =	vst.idx.msk $0xffff, v19;
	v27 =	vadd.f32 v24, v3;
	v23 =	vadd.f32 v31, v3;
	v24 =	vld [tilespmem:s10+$0xFFFFFFE0]  }
0x4b1: {  	s17 =	simm.s32 $0xE;
	v19 =	vadd.f32 v26, v3;
	v16 =	vadd.s32 v52, v10;
	v15 =	vadd.s32 v50, v8  }
0x4b2: {  	s14 =	simm.s32 $0xB;
	s15 =	simm.s32 $0xC;
	p2 =	por $0x1, $0x1;
	v10 =	vshll.u32 v30, v1;
	v9 =	vshrl.u32 v29, $0x3;
	v8 =	vmov s17;
	[tilespmem:v33+s5+$0x0] =	vst.idx.msk $0xffff, v23  }
0x4b3: {  	s13 =	simm.s32 $0xE0F0;
	v5 =	vmov s14;
	s14 =	simm.s32 $0x10;
	v6 =	vmov s15;
	s15 =	simm.s32 $0xF;
	v23 =	vadd.f32 v37, v3;
	[tilespmem:v36+s5+$0x0] =	vst.idx.msk $0xffff, v27  }
.LBB2_23:
0x4b4: {  	p3 =	slt.u32 s14, $0x78;
	v0 =	vshrl.u32 v0, $0x3;
	v26 =	vmov s15;
	[tilespmem:v11+s5+$0x0] =	vst.idx.msk $0xffff, v19;
	v11 =	vadd.f32 v20, v3  }
0x4b5: {  	v5 =	vshrl.u32 v5, $0x3;
	v19 =	vshrl.u32 v26, $0x3;
	[tilespmem:v13+s5+$0x0] =	vst.idx.msk $0xffff, v23;
	v13 =	vadd.f32 v24, v3  }
0x4b6: {  	v6 =	vshrl.u32 v6, $0x3;
	v7 =	vshrl.u32 v7, $0x3;
	s13 =	sadd.s32 $0x100, s13;
	v19 =	vshll.u32 v19, v1;
	[tilespmem:v15+s5+$0x0] =	vst.idx.msk $0xffff, v11  }
0x4b7: {  	v10 =	vbroadcast v10, $0x0;
	v8 =	vshrl.u32 v8, $0x3;
	v11 =	vld [tilespmem:s13+$0xFFFFFFF0];
	v15 =	vbroadcast v19, $0x0;
	[tilespmem:v16+s5+$0x0] =	vst.idx.msk $0xffff, v13  }
0x4b8: {  	v9 =	vshll.u32 v9, v1;
	v0 =	vshll.u32 v0, v1;
	v5 =	vshll.u32 v5, v1;
	v13 =	vld [tilespmem:s13+$0xFFFFFF10]  }
0x4b9: {  	v9 =	vbroadcast v9, $0x0;
	v6 =	vshll.u32 v6, v1;
	v16 =	vld [tilespmem:s13+$0xFFFFFF30];
	v19 =	vadd.s32 v53, v15  }
0x4ba: {  	v20 =	vadd.s32 v32, v10;
	v24 =	vbroadcast v0, $0x0;
	v0 =	vshll.u32 v7, v1;
	v23 =	vld [tilespmem:s13+$0xFFFFFF50]  }
0x4bb: {  	v27 =	vbroadcast v5, $0x0;
	v5 =	vshll.u32 v8, v1;
	v7 =	vadd.s32 v43, v9;
	v26 =	vld [tilespmem:s13+$0xFFFFFF70]  }
0x4bc: {  	v29 =	vbroadcast v6, $0x0;
	v8 =	vadd.s32 v45, v24;
	v28 =	vld [tilespmem:s13+$0xFFFFFF90];
	v6 =	vadd.f32 v11, v4  }
0x4bd: {  	v34 =	vbroadcast v0, $0x0;
	v11 =	vadd.f32 v13, v4;
	v13 =	vadd.s32 v42, v27;
	v33 =	vld [tilespmem:s13+$0xFFFFFFB0]  }
0x4be: {  	v31 =	vbroadcast v5, $0x0;
	v0 =	vadd.f32 v16, v4;
	v16 =	vadd.s32 v48, v29;
	v30 =	vld [tilespmem:s13+$0xFFFFFFD0];
	[tilespmem:v19+s5+$0x0] =	vst.idx.msk $0xffff, v6  }
0x4bf: {  	v6 =	vadd.s32 v47, v34;
	[tilespmem:v20+s5+$0x0] =	vst.idx.msk $0xffff, v11;
	v5 =	vadd.f32 v23, v4;
	v11 =	vld [tilespmem:s13+$0x0]  }
0x4c0: {  	v19 =	vld [tilespmem:s13+$0xFFFFFF20];
	[tilespmem:v7+s5+$0x0] =	vst.idx.msk $0xffff, v0;
	v0 =	vadd.f32 v26, v4;
	v7 =	vadd.s32 v51, v31  }
0x4c1: {  	v20 =	vmov s14;
	v23 =	vld [tilespmem:s13+$0xFFFFFF40];
	[tilespmem:v8+s5+$0x0] =	vst.idx.msk $0xffff, v5;
	v5 =	vadd.f32 v28, v4;
	v8 =	vadd.s32 v54, v15  }
0x4c2: {  	s15 =	sadd.s32 $0x1, s14;
	v10 =	vadd.s32 v40, v10;
	v26 =	vshrl.u32 v20, $0x3;
	v15 =	vld [tilespmem:s13+$0xFFFFFF60];
	[tilespmem:v13+s5+$0x0] =	vst.idx.msk $0xffff, v0;
	v13 =	vadd.f32 v33, v4  }
0x4c3: {  	v9 =	vadd.s32 v44, v9;
	v28 =	vmov s15;
	s15 =	sadd.s32 $0x2, s14;
	v33 =	vld [tilespmem:s13+$0xFFFFFF80];
	[tilespmem:v16+s5+$0x0] =	vst.idx.msk $0xffff, v5;
	v16 =	vadd.f32 v30, v4  }
0x4c4: {  	v0 =	vmov s15;
	s15 =	sadd.s32 $0x3, s14;
	v30 =	vadd.s32 v46, v24;
	v35 =	vld [tilespmem:s13+$0xFFFFFFA0];
	[tilespmem:v6+s5+$0x0] =	vst.idx.msk $0xffff, v13;
	v36 =	vadd.f32 v11, v3  }
.Ltmp14:
0x4c5: {  	v5 =	vmov s15;
	s15 =	sadd.s32 $0x4, s14;
	v11 =	vadd.s32 v41, v27;
	v19 =	vadd.f32 v19, v3;
	v20 =	vld [tilespmem:s13+$0xFFFFFFC0];
	[tilespmem:v7+s5+$0x0] =	vst.idx.msk $0xffff, v16;
	(pc) =	sbr.rel @p3 .LBB2_23-.Ltmp14, $4  }
0x4c6: {  	v6 =	vmov s15;
	s15 =	sadd.s32 $0x5, s14;
	v13 =	vadd.s32 v49, v29;
	v16 =	vadd.f32 v23, v3;
	v24 =	vld [tilespmem:s13+$0xFFFFFFE0];
	[tilespmem:v8+s5+$0x0] =	vst.idx.msk $0xffff, v36  }
0x4c7: {  	v7 =	vmov s15;
	s15 =	sadd.s32 $0x6, s14;
	[tilespmem:v10+s5+$0x0] =	vst.idx.msk $0xffff, v19;
	v23 =	vadd.f32 v15, v3;
	v15 =	vadd.s32 v50, v34  }
0x4c8: {  	v8 =	vmov s15;
	[tilespmem:v9+s5+$0x0] =	vst.idx.msk $0xffff, v16;
	v19 =	vadd.f32 v33, v3;
	v16 =	vadd.s32 v52, v31  }
0x4c9: {  	s15 =	sadd.s32 $0x7, s14;
	s14 =	sadd.s32 $0x8, s14;
	v10 =	vshll.u32 v26, v1;
	v9 =	vshrl.u32 v28, $0x3;
	[tilespmem:v30+s5+$0x0] =	vst.idx.msk $0xffff, v23;
	v23 =	vadd.f32 v35, v3  }
0x4ca: {  	v35 =	vld [tilespmem:$0x1FEA0]  }
0x4cb: {  	v36 =	vld [tilespmem:$0x1FEB0]  }
0x4cc: {  	v34 =	vld [tilespmem:$0x1FE80];
	v48 =	vmov v49;
	v49 =	vmov v47  }
0x4cd: {  	v47 =	vmovc v50;
	v50 =	vmovc v51;
	v51 =	vmov v52;
	v52 =	vmov v53;
	v53 =	vmov v54;
	v54 =	vld [tilespmem:$0x1FFB0]  }
.LBB2_25:
0x4ce: {  	_ =	sdelay $0x1  }
0x4cf: {  	s13 =	sadd.s32 @p2 $0x100, s13  }
0x4d0: {  	s10 =	smov.u32 @p2 s13  }
0x4d1: {  	v20 =	vadd.f32 @p2 v20, v3;
	[tilespmem:v11+s5+$0x0] =	vst.idx.msk @p2 $0xffff, v19;
	v27 =	vld [tilespmem:s10+$0xFFFFFFF0]  }
0x4d2: {  	v0 =	vshrl.u32 v0, $0x3;
	v26 =	vmov s15;
	v24 =	vadd.f32 @p2 v24, v3;
	[tilespmem:v13+s5+$0x0] =	vst.idx.msk @p2 $0xffff, v23;
	v28 =	vld [tilespmem:s10+$0xFFFFFF10]  }
0x4d3: {  	v5 =	vshrl.u32 v5, $0x3;
	v6 =	vshrl.u32 v6, $0x3;
	v26 =	vshrl.u32 v26, $0x3;
	v29 =	vld [tilespmem:s10+$0xFFFFFF30];
	[tilespmem:v15+s5+$0x0] =	vst.idx.msk @p2 $0xffff, v20  }
0x4d4: {  	v7 =	vshrl.u32 v7, $0x3;
	v10 =	vbroadcast v10, $0x0;
	v26 =	vshll.u32 v26, v1;
	v15 =	vld [tilespmem:$0x1FE00];
	[tilespmem:v16+s5+$0x0] =	vst.idx.msk @p2 $0xffff, v24  }
0x4d5: {  	v9 =	vshll.u32 v9, v1;
	v0 =	vshll.u32 v0, v1;
	v26 =	vbroadcast v26, $0x0;
	v24 =	vld [tilespmem:$0x1FE20]  }
0x4d6: {  	v5 =	vshll.u32 v5, v1;
	v9 =	vbroadcast v9, $0x0;
	v37 =	vadd.s32 v32, v10;
	v31 =	vld [tilespmem:$0x1FE40]  }
0x4d7: {  	v6 =	vshll.u32 v6, v1;
	v19 =	vld [tilespmem:s10+$0xFFFFFF50];
	v0 =	vbroadcast v0, $0x0;
	v30 =	vadd.s32 v52, v26  }
0x4d8: {  	v7 =	vshll.u32 v7, v1;
	v23 =	vld [tilespmem:s10+$0xFFFFFF70];
	v5 =	vbroadcast v5, $0x0;
	v13 =	vadd.s32 v43, v9  }
0x4d9: {  	v20 =	vld [tilespmem:s10+$0xFFFFFF90];
	v6 =	vbroadcast v6, $0x0;
	v16 =	vadd.f32 v28, v4;
	v15 =	vadd.s32 v15, v0  }
0x4da: {  	v41 =	vld [tilespmem:s10+$0xFFFFFFB0];
	v7 =	vbroadcast v7, $0x0;
	v27 =	vadd.f32 v27, v4;
	v24 =	vadd.s32 v24, v5  }
0x4db: {  	v29 =	vadd.f32 v29, v4;
	v31 =	vadd.s32 v31, v6;
	[tilespmem:v37+s5+$0x0] =	vst.idx.msk $0xffff, v16  }
0x4dc: {  	v42 =	vadd.f32 v19, v4;
	v16 =	vadd.s32 v49, v7;
	[tilespmem:v30+s5+$0x0] =	vst.idx.msk $0xffff, v27  }
0x4dd: {  	[tilespmem:v13+s5+$0x0] =	vst.idx.msk $0xffff, v29;
	v13 =	vadd.f32 v23, v4;
	v19 =	vld [tilespmem:s10+$0x0]  }
0x4de: {  	v8 =	vshrl.u32 v8, $0x3;
	v33 =	vld [tilespmem:s10+$0xFFFFFFD0];
	v43 =	vadd.f32 v20, v4;
	[tilespmem:v15+s5+$0x0] =	vst.idx.msk $0xffff, v42  }
0x4df: {  	v8 =	vshll.u32 v8, v1;
	v27 =	vld [tilespmem:s10+$0xFFFFFF20];
	[tilespmem:v24+s5+$0x0] =	vst.idx.msk $0xffff, v13;
	v13 =	vadd.f32 v41, v4  }
0x4e0: {  	v8 =	vbroadcast v8, $0x0;
	v24 =	vld [tilespmem:$0x1FDF0];
	[tilespmem:v31+s5+$0x0] =	vst.idx.msk $0xffff, v43  }
0x4e1: {  	v15 =	vadd.s32 v53, v26;
	v26 =	vld [tilespmem:$0x1FE10];
	[tilespmem:v16+s5+$0x0] =	vst.idx.msk $0xffff, v13  }
0x4e2: {  	v23 =	vadd.s32 v50, v8;
	v13 =	vadd.f32 v19, v3;
	v19 =	vld [tilespmem:$0x1FE30]  }
0x4e3: {  	v29 =	vld [tilespmem:s10+$0xFFFFFF40]  }
0x4e4: {  	v10 =	vadd.s32 v40, v10;
	v20 =	vld [tilespmem:s10+$0xFFFFFF60]  }
0x4e5: {  	v44 =	vadd.f32 v33, v4;
	v9 =	vadd.s32 v24, v9;
	v24 =	vld [tilespmem:s10+$0xFFFFFF80]  }
0x4e6: {  	v0 =	vadd.s32 v26, v0;
	v26 =	vld [tilespmem:s10+$0xFFFFFFA0]  }
0x4e7: {  	v16 =	vadd.f32 v27, v3;
	[tilespmem:v23+s5+$0x0] =	vst.idx.msk $0xffff, v44;
	v5 =	vadd.s32 v19, v5;
	v19 =	vld [tilespmem:s10+$0xFFFFFFC0]  }
0x4e8: {  	v6 =	vadd.s32 v48, v6;
	v45 =	vadd.f32 v29, v3;
	v23 =	vld [tilespmem:s10+$0xFFFFFFE0];
	[tilespmem:v15+s5+$0x0] =	vst.idx.msk $0xffff, v13  }
0x4e9: {  	v7 =	vadd.s32 v47, v7;
	[tilespmem:v10+s5+$0x0] =	vst.idx.msk $0xffff, v16;
	v46 =	vadd.f32 v20, v3  }
0x4ea: {  	v8 =	vadd.s32 v51, v8;
	[tilespmem:v9+s5+$0x0] =	vst.idx.msk $0xffff, v45;
	v48 =	vadd.f32 v24, v3  }
0x4eb: {  	[tilespmem:v0+s5+$0x0] =	vst.idx.msk $0xffff, v46;
	v0 =	vadd.f32 v26, v3  }
0x4ec: {  	[tilespmem:v5+s5+$0x0] =	vst.idx.msk $0xffff, v48;
	v5 =	vadd.f32 v19, v3  }
.Ltmp15:
0x4ed: {  	[tilespmem:v6+s5+$0x0] =	vst.idx.msk $0xffff, v0;
	v0 =	vadd.f32 v23, v3;
	(pc) =	sbr.rel @!p1 .LBB2_26-.Ltmp15, $4  }
0x4ee: {  	[tilespmem:v7+s5+$0x0] =	vst.idx.msk $0xffff, v5  }
0x4ef: {  	[tilespmem:v8+s5+$0x0] =	vst.idx.msk $0xffff, v0  }
0x4f0: {  	v45 =	vld [tilespmem:$0x1FF60]  }
0x4f1: {  	s10 =	simm.s32 $0xF0F0;
	v46 =	vld [tilespmem:$0x1FF70]  }
0x4f2: {  	v0 =	vmov s9;
	v5 =	vshrl.u32 v12, $0x3;
	v12 =	vld [tilespmem:s10+$0xFFFFFF10]  }
0x4f3: {  	v6 =	vshrl.u32 v14, $0x3;
	v7 =	vshrl.u32 v17, $0x3;
	v42 =	vld [tilespmem:$0x1FFD0];
	v0 =	vshrl.u32 v0, $0x3  }
0x4f4: {  	v8 =	vshrl.u32 v18, $0x3;
	v9 =	vbroadcast v25, $0x0;
	v31 =	vld [tilespmem:$0x1FE60];
	v0 =	vshll.u32 v0, v1  }
0x4f5: {  	v10 =	vshrl.u32 v21, $0x3;
	v11 =	vld [tilespmem:s10+$0xFFFFFFF0];
	v13 =	vshll.u32 v22, v1;
	v0 =	vbroadcast v0, $0x0  }
0x4f6: {  	v14 =	vld [tilespmem:s10+$0xFFFFFF30];
	v5 =	vshll.u32 v5, v1;
	v13 =	vbroadcast v13, $0x0;
	v16 =	vadd.s32 v54, v9  }
0x4f7: {  	v17 =	vld [tilespmem:s10+$0xFFFFFF50];
	v6 =	vshll.u32 v6, v1;
	v5 =	vbroadcast v5, $0x0;
	v15 =	vadd.s32 v63, v0  }
0x4f8: {  	v19 =	vld [tilespmem:s10+$0xFFFFFF70];
	v7 =	vshll.u32 v7, v1;
	v6 =	vbroadcast v6, $0x0;
	v18 =	vadd.s32 v42, v13  }
0x4f9: {  	v21 =	vld [tilespmem:s10+$0xFFFFFF90];
	v7 =	vbroadcast v7, $0x0;
	v20 =	vadd.s32 v31, v5;
	v12 =	vadd.f32 v12, v4  }
0x4fa: {  	v22 =	vadd.s32 v55, v6;
	v11 =	vadd.f32 v11, v4  }
0x4fb: {  	v24 =	vadd.s32 v57, v7;
	v14 =	vadd.f32 v14, v4;
	[tilespmem:v16+s5+$0x0] =	vst.idx.msk $0xffff, v12  }
0x4fc: {  	v23 =	vld [tilespmem:s10+$0xFFFFFFB0];
	[tilespmem:v15+s5+$0x0] =	vst.idx.msk $0xffff, v11;
	v11 =	vadd.f32 v17, v4  }
0x4fd: {  	v25 =	vld [tilespmem:s10+$0xFFFFFFD0];
	v12 =	vadd.f32 v19, v4;
	[tilespmem:v18+s5+$0x0] =	vst.idx.msk $0xffff, v14  }
0x4fe: {  	v8 =	vshll.u32 v8, v1;
	v16 =	vld [tilespmem:s10+$0x0];
	[tilespmem:v20+s5+$0x0] =	vst.idx.msk $0xffff, v11;
	v11 =	vadd.f32 v21, v4  }
0x4ff: {  	v10 =	vshll.u32 v10, v1;
	v8 =	vbroadcast v8, $0x0;
	v41 =	vld [tilespmem:$0x1FFC0];
	[tilespmem:v22+s5+$0x0] =	vst.idx.msk $0xffff, v12  }
0x500: {  	v10 =	vbroadcast v10, $0x0;
	v30 =	vld [tilespmem:$0x1FE50];
	[tilespmem:v24+s5+$0x0] =	vst.idx.msk $0xffff, v11  }
0x501: {  	v15 =	vadd.s32 v59, v8;
	v44 =	vld [tilespmem:$0x1FE70]  }
0x502: {  	v17 =	vld [tilespmem:s10+$0xFFFFFF20];
	v18 =	vadd.s32 v61, v10  }
0x503: {  	v19 =	vld [tilespmem:s10+$0xFFFFFF40];
	v20 =	vadd.s32 v2, v0  }
0x504: {  	v0 =	vadd.f32 v23, v4;
	v21 =	vld [tilespmem:s10+$0xFFFFFF60];
	v9 =	vadd.s32 v41, v9  }
0x505: {  	v11 =	vadd.f32 v25, v4;
	v13 =	vadd.s32 v30, v13  }
0x506: {  	[tilespmem:v15+s5+$0x0] =	vst.idx.msk $0xffff, v0;
	v15 =	vadd.f32 v16, v3;
	v24 =	vadd.s32 v44, v5  }
0x507: {  	v14 =	vmov s7;
	v23 =	vld [tilespmem:s10+$0xFFFFFF80];
	v16 =	vadd.f32 v17, v3;
	[tilespmem:v18+s5+$0x0] =	vst.idx.msk $0xffff, v11  }
0x508: {  	s14 =	simm.s32 $0xB;
	p1 =	por $0x1, $0x1;
	v26 =	vshrl.u32 v14, $0x3;
	v27 =	vld [tilespmem:s10+$0xFFFFFFA0];
	v0 =	vadd.s32 v56, v6;
	v6 =	vadd.f32 v19, v3;
	[tilespmem:v20+s5+$0x0] =	vst.idx.msk $0xffff, v15  }
.Ltmp16:
0x509: {  	s9 =	simm.s32 $0x9;
	s13 =	simm.s32 $0xA;
	v14 =	vmov s14;
	v15 =	vadd.f32 v21, v3;
	v5 =	vadd.s32 v58, v7;
	v7 =	vld [tilespmem:s10+$0xFFFFFFC0];
	[tilespmem:v9+s5+$0x0] =	vst.idx.msk $0xffff, v16;
	(pc) =	sbr.rel @!p1 .LBB2_28-.Ltmp16, $4  }
0x50a: {  	v22 =	vmov s9;
	v12 =	vmov s13;
	v9 =	vld [tilespmem:s10+$0xFFFFFFE0];
	[tilespmem:v13+s5+$0x0] =	vst.idx.msk $0xffff, v6  }
0x50b: {  	s15 =	simm.s32 $0xC;
	v25 =	vshll.u32 v26, v1;
	v22 =	vshrl.u32 v22, $0x3;
	v11 =	vadd.s32 v60, v8;
	[tilespmem:v24+s5+$0x0] =	vst.idx.msk $0xffff, v15  }
0x50c: {  	s16 =	simm.s32 $0xD;
	s17 =	simm.s32 $0xE;
	p0 =	por $0x1, $0x1;
	v17 =	vmov s15;
	v6 =	vadd.f32 v23, v3;
	v13 =	vadd.s32 v62, v10;
	v29 =	vld [tilespmem:$0x1FF20]  }
0x50d: {  	s7 =	simm.s32 $0xF0F0;
	s9 =	simm.s32 $0xF;
	s13 =	simm.s32 $0x10;
	v18 =	vmov s16;
	v21 =	vmov s17;
	v8 =	vadd.f32 v27, v3;
	v33 =	vld [tilespmem:$0x1FF30]  }
.LBB2_29:
0x50e: {  	p1 =	slt.u32 s13, $0x78;
	v10 =	vshrl.u32 v12, $0x3;
	v12 =	vmov s9;
	[tilespmem:v0+s5+$0x0] =	vst.idx.msk $0xffff, v6;
	v0 =	vadd.f32 v7, v3  }
0x50f: {  	v6 =	vshrl.u32 v14, $0x3;
	v7 =	vshrl.u32 v12, $0x3;
	[tilespmem:v5+s5+$0x0] =	vst.idx.msk $0xffff, v8;
	v5 =	vadd.f32 v9, v3  }
0x510: {  	s7 =	sadd.s32 $0x100, s7;
	v8 =	vshrl.u32 v17, $0x3;
	v9 =	vshrl.u32 v18, $0x3;
	v7 =	vshll.u32 v7, v1;
	[tilespmem:v11+s5+$0x0] =	vst.idx.msk $0xffff, v0  }
0x511: {  	v0 =	vbroadcast v25, $0x0;
	v11 =	vshrl.u32 v21, $0x3;
	v12 =	vld [tilespmem:s7+$0xFFFFFFF0];
	v7 =	vbroadcast v7, $0x0;
	[tilespmem:v13+s5+$0x0] =	vst.idx.msk $0xffff, v5  }
0x512: {  	v10 =	vshll.u32 v10, v1;
	v6 =	vshll.u32 v6, v1;
	v13 =	vshll.u32 v22, v1;
	v5 =	vld [tilespmem:s7+$0xFFFFFF10]  }
0x513: {  	v8 =	vshll.u32 v8, v1;
	v13 =	vbroadcast v13, $0x0;
	v14 =	vld [tilespmem:s7+$0xFFFFFF30];
	v15 =	vadd.s32 v63, v7  }
0x514: {  	v10 =	vbroadcast v10, $0x0;
	v9 =	vshll.u32 v9, v1;
	v16 =	vadd.s32 v54, v0;
	v17 =	vld [tilespmem:s7+$0xFFFFFF50]  }
0x515: {  	v6 =	vbroadcast v6, $0x0;
	v11 =	vshll.u32 v11, v1;
	v18 =	vadd.s32 v42, v13;
	v19 =	vld [tilespmem:s7+$0xFFFFFF70]  }
0x516: {  	v8 =	vbroadcast v8, $0x0;
	v20 =	vadd.s32 v31, v10;
	v21 =	vld [tilespmem:s7+$0xFFFFFF90];
	v12 =	vadd.f32 v12, v4  }
0x517: {  	v24 =	vbroadcast v9, $0x0;
	v22 =	vadd.s32 v55, v6;
	v5 =	vadd.f32 v5, v4;
	v23 =	vld [tilespmem:s7+$0xFFFFFFB0]  }
0x518: {  	v26 =	vbroadcast v11, $0x0;
	v9 =	vadd.f32 v14, v4;
	v14 =	vadd.s32 v57, v8;
	v25 =	vld [tilespmem:s7+$0xFFFFFFD0];
	[tilespmem:v15+s5+$0x0] =	vst.idx.msk $0xffff, v12  }
0x519: {  	v11 =	vadd.s32 v59, v24;
	[tilespmem:v16+s5+$0x0] =	vst.idx.msk $0xffff, v5;
	v5 =	vadd.f32 v17, v4;
	v15 =	vld [tilespmem:s7+$0x0]  }
0x51a: {  	v17 =	vadd.s32 v61, v26;
	v16 =	vld [tilespmem:s7+$0xFFFFFF20];
	[tilespmem:v18+s5+$0x0] =	vst.idx.msk $0xffff, v9;
	v9 =	vadd.f32 v19, v4  }
0x51b: {  	v12 =	vmov s13;
	v19 =	vadd.s32 v2, v7;
	v18 =	vld [tilespmem:s7+$0xFFFFFF40];
	[tilespmem:v20+s5+$0x0] =	vst.idx.msk $0xffff, v5;
	v5 =	vadd.f32 v21, v4  }
0x51c: {  	s9 =	sadd.s32 $0x1, s13;
	v20 =	vshrl.u32 v12, $0x3;
	v21 =	vadd.s32 v41, v0;
	v27 =	vld [tilespmem:s7+$0xFFFFFF60];
	[tilespmem:v22+s5+$0x0] =	vst.idx.msk $0xffff, v9;
	v0 =	vadd.f32 v23, v4  }
0x51d: {  	v13 =	vadd.s32 v30, v13;
	v22 =	vmov s9;
	s9 =	sadd.s32 $0x2, s13;
	v23 =	vld [tilespmem:s7+$0xFFFFFF80];
	[tilespmem:v14+s5+$0x0] =	vst.idx.msk $0xffff, v5;
	v5 =	vadd.f32 v25, v4  }
0x51e: {  	v10 =	vadd.s32 v44, v10;
	v12 =	vmov s9;
	s9 =	sadd.s32 $0x3, s13;
	v28 =	vld [tilespmem:s7+$0xFFFFFFA0];
	[tilespmem:v11+s5+$0x0] =	vst.idx.msk $0xffff, v0;
	v11 =	vadd.f32 v15, v3  }
.Ltmp17:
0x51f: {  	v14 =	vmov s9;
	s9 =	sadd.s32 $0x4, s13;
	v0 =	vadd.s32 v56, v6;
	v15 =	vadd.f32 v16, v3;
	v7 =	vld [tilespmem:s7+$0xFFFFFFC0];
	[tilespmem:v17+s5+$0x0] =	vst.idx.msk $0xffff, v5;
	(pc) =	sbr.rel @p1 .LBB2_29-.Ltmp17, $4  }
0x520: {  	v17 =	vmov s9;
	s9 =	sadd.s32 $0x5, s13;
	v5 =	vadd.s32 v58, v8;
	v6 =	vadd.f32 v18, v3;
	v9 =	vld [tilespmem:s7+$0xFFFFFFE0];
	[tilespmem:v19+s5+$0x0] =	vst.idx.msk $0xffff, v11  }
0x521: {  	v18 =	vmov s9;
	s9 =	sadd.s32 $0x6, s13;
	v11 =	vadd.s32 v60, v24;
	[tilespmem:v21+s5+$0x0] =	vst.idx.msk $0xffff, v15;
	v8 =	vadd.f32 v27, v3  }
0x522: {  	v21 =	vmov s9;
	[tilespmem:v13+s5+$0x0] =	vst.idx.msk $0xffff, v6;
	v6 =	vadd.f32 v23, v3;
	v13 =	vadd.s32 v62, v26  }
0x523: {  	v25 =	vshll.u32 v20, v1;
	v22 =	vshrl.u32 v22, $0x3;
	s9 =	sadd.s32 $0x7, s13;
	s13 =	sadd.s32 $0x8, s13;
	[tilespmem:v10+s5+$0x0] =	vst.idx.msk $0xffff, v8;
	v8 =	vadd.f32 v28, v3  }
0x524: {  	v44 =	vld [tilespmem:$0x1FEC0]  }
0x525: {  	v31 =	vld [tilespmem:$0x1FED0]  }
0x526: {  	v26 =	vld [tilespmem:$0x1FEE0]  }
0x527: {  	v27 =	vld [tilespmem:$0x1FEF0]  }
0x528: {  	v28 =	vld [tilespmem:$0x1FF00]  }
0x529: {  	v30 =	vld [tilespmem:$0x1FF10]  }
.LBB2_31:
0x52a: {  	_ =	sdelay $0x2  }
0x52b: {  	s7 =	sadd.s32 @p0 $0x100, s7  }
0x52c: {  	v10 =	vmov s9;
	v12 =	vshrl.u32 v12, $0x3;
	v7 =	vadd.f32 @p0 v7, v3;
	[tilespmem:v0+s5+$0x0] =	vst.idx.msk @p0 $0xffff, v6;
	s10 =	smov.u32 @p0 s7  }
0x52d: {  	v14 =	vshrl.u32 v14, $0x3;
	v9 =	vadd.f32 @p0 v9, v3;
	v15 =	vshrl.u32 v17, $0x3;
	[tilespmem:v5+s5+$0x0] =	vst.idx.msk @p0 $0xffff, v8;
	v20 =	vld [tilespmem:s10+$0xFFFFFF10]  }
0x52e: {  	v17 =	vbroadcast v25, $0x0;
	v32 =	vshll.u32 v22, v1;
	v10 =	vshrl.u32 v10, $0x3;
	v37 =	vld [tilespmem:s10+$0xFFFFFF30];
	[tilespmem:v11+s5+$0x0] =	vst.idx.msk @p0 $0xffff, v7  }
0x52f: {  	v48 =	vshrl.u32 v21, $0x3;
	v21 =	vbroadcast v32, $0x0;
	v10 =	vshll.u32 v10, v1;
	v7 =	vld [tilespmem:$0x1FE60]  }
0x530: {  	v14 =	vshll.u32 v14, v1;
	v19 =	vld [tilespmem:s10+$0xFFFFFFF0];
	v0 =	vadd.s32 v54, v17;
	v10 =	vbroadcast v10, $0x0  }
0x531: {  	v12 =	vshll.u32 v12, v1;
	v43 =	vld [tilespmem:s10+$0xFFFFFF70];
	v14 =	vbroadcast v14, $0x0;
	v42 =	vadd.s32 v42, v21  }
0x532: {  	v40 =	vld [tilespmem:s10+$0xFFFFFF50];
	v12 =	vbroadcast v12, $0x0;
	v23 =	vadd.s32 v63, v10  }
0x533: {  	v16 =	vshrl.u32 v18, $0x3;
	[tilespmem:v13+s5+$0x0] =	vst.idx.msk @p0 $0xffff, v9;
	v13 =	vadd.s32 v55, v14;
	v63 =	vadd.f32 v20, v4  }
0x534: {  	v18 =	vshll.u32 v48, v1;
	v48 =	vld [tilespmem:s10+$0xFFFFFF90];
	v22 =	vadd.f32 v37, v4;
	v7 =	vadd.s32 v7, v12  }
0x535: {  	v19 =	vadd.f32 v19, v4;
	v20 =	vld [tilespmem:s10+$0xFFFFFFB0];
	[tilespmem:v0+s5+$0x0] =	vst.idx.msk $0xffff, v63  }
0x536: {  	v15 =	vshll.u32 v15, v1;
	[tilespmem:v42+s5+$0x0] =	vst.idx.msk $0xffff, v22;
	v42 =	vadd.f32 v43, v4  }
0x537: {  	v15 =	vbroadcast v15, $0x0;
	v0 =	vadd.f32 v40, v4;
	[tilespmem:v23+s5+$0x0] =	vst.idx.msk $0xffff, v19  }
0x538: {  	[tilespmem:v13+s5+$0x0] =	vst.idx.msk $0xffff, v42  }
0x539: {  	v24 =	vadd.s32 v57, v15;
	[tilespmem:v7+s5+$0x0] =	vst.idx.msk $0xffff, v0  }
0x53a: {  	v0 =	vadd.f32 v48, v4;
	v48 =	vadd.s32 v41, v17;
	v17 =	vadd.f32 v20, v4;
	v20 =	vld [tilespmem:$0x1FE50];
	_ =	sdelay $0x1  }
0x53b: {  	v16 =	vshll.u32 v16, v1  }
0x53c: {  	v16 =	vbroadcast v16, $0x0;
	v25 =	vld [tilespmem:s10+$0xFFFFFFD0]  }
0x53d: {  	v18 =	vbroadcast v18, $0x0;
	v37 =	vld [tilespmem:s10+$0x0];
	[tilespmem:v24+s5+$0x0] =	vst.idx.msk $0xffff, v0  }
0x53e: {  	v32 =	vadd.s32 v59, v16;
	v11 =	vadd.s32 v20, v21;
	v21 =	vld [tilespmem:$0x1FE70]  }
0x53f: {  	v43 =	vadd.s32 v61, v18;
	v40 =	vld [tilespmem:s10+$0xFFFFFF20]  }
0x540: {  	v2 =	vadd.s32 v2, v10;
	v22 =	vld [tilespmem:s10+$0xFFFFFF40]  }
0x541: {  	v63 =	vld [tilespmem:s10+$0xFFFFFF60]  }
0x542: {  	v13 =	vld [tilespmem:s10+$0xFFFFFF80];
	v0 =	vadd.f32 v25, v4  }
0x543: {  	v23 =	vld [tilespmem:s10+$0xFFFFFFA0];
	[tilespmem:v32+s5+$0x0] =	vst.idx.msk $0xffff, v17;
	v32 =	vadd.f32 v37, v3;
	v4 =	vadd.s32 v21, v12  }
0x544: {  	v37 =	vadd.f32 v40, v3;
	v40 =	vadd.s32 v56, v14;
	[tilespmem:v43+s5+$0x0] =	vst.idx.msk $0xffff, v0;
	v41 =	vld [tilespmem:s10+$0xFFFFFFC0]  }
0x545: {  	v42 =	vadd.s32 v58, v15;
	v0 =	vadd.f32 v22, v3;
	v43 =	vld [tilespmem:s10+$0xFFFFFFE0];
	[tilespmem:v2+s5+$0x0] =	vst.idx.msk $0xffff, v32  }
0x546: {  	[tilespmem:v48+s5+$0x0] =	vst.idx.msk $0xffff, v37;
	v2 =	vadd.f32 v63, v3;
	v48 =	vadd.s32 v60, v16  }
0x547: {  	v63 =	vadd.s32 v62, v18;
	[tilespmem:v11+s5+$0x0] =	vst.idx.msk $0xffff, v0;
	v0 =	vadd.f32 v13, v3  }
0x548: {  	[tilespmem:v4+s5+$0x0] =	vst.idx.msk $0xffff, v2;
	v2 =	vadd.f32 v23, v3  }
0x549: {  	s6 =	sshll.u32 s6, $0x11;
	[tilespmem:v40+s5+$0x0] =	vst.idx.msk $0xffff, v0;
	v0 =	vadd.f32 v41, v3  }
0x54a: {  	s6 =	sor.u32 s4, s6;
	[tilespmem:v42+s5+$0x0] =	vst.idx.msk $0xffff, v2;
	v2 =	vadd.f32 v43, v3  }
0x54b: {  	s6 =	sshrl.u32 s6, $0x3;
	[tilespmem:v48+s5+$0x0] =	vst.idx.msk $0xffff, v0  }
0x54c: {  	s7 =	sadd.s32 s8, s6;
	[tilespmem:v63+s5+$0x0] =	vst.idx.msk $0xffff, v2  }
0x54d: {  	[hbm4b:s7+s2] =	stream.linear.scatter [tilespmem:s5], [sflag:$0x4], $0x80, $0x38;
	[tilespmem:$0x1A100] =	vst v63  }
0x54e: {  	s13 =	simm.s32 $0x14488;
	s10 =	sadd.s32 $0x10, s7  }
0x54f: {  	[hbm4b:s10+s2] =	stream.linear.scatter [tilespmem:s13], [sflag:$0x4], $0x80, $0x38;
	[tilespmem:$0x1A100] =	vst v63  }
0x550: {  	s15 =	simm.s32 $0x14510;
	s14 =	sadd.s32 $0x20, s7  }
0x551: {  	[hbm4b:s14+s2] =	stream.linear.scatter [tilespmem:s15], [sflag:$0x4], $0x80, $0x38;
	[tilespmem:$0x1A100] =	vst v63  }
0x552: {  	s17 =	simm.s32 $0x14598;
	s16 =	sadd.s32 $0x30, s7  }
0x553: {  	[hbm4b:s16+s2] =	stream.linear.scatter [tilespmem:s17], [sflag:$0x4], $0x80, $0x38;
	[tilespmem:$0x1A100] =	vst v63  }
0x554: {  	s10 =	sadd.s32 $0x40, s7;
	s13 =	simm.s32 $0x14620  }
0x555: {  	[hbm4b:s10+s2] =	stream.linear.scatter [tilespmem:s13], [sflag:$0x4], $0x80, $0x38;
	[tilespmem:$0x1A100] =	vst v63  }
0x556: {  	s14 =	sadd.s32 $0x50, s7;
	s15 =	simm.s32 $0x146A8  }
0x557: {  	[hbm4b:s14+s2] =	stream.linear.scatter [tilespmem:s15], [sflag:$0x4], $0x80, $0x38;
	[tilespmem:$0x1A100] =	vst v63  }
0x558: {  	s16 =	sadd.s32 $0x60, s7;
	s17 =	simm.s32 $0x14730  }
0x559: {  	[hbm4b:s16+s2] =	stream.linear.scatter [tilespmem:s17], [sflag:$0x4], $0x80, $0x38;
	[tilespmem:$0x1A100] =	vst v63  }
0x55a: {  	s10 =	sadd.s32 $0x70, s7;
	s13 =	simm.s32 $0x147B8  }
0x55b: {  	[hbm4b:s10+s2] =	stream.linear.scatter [tilespmem:s13], [sflag:$0x4], $0x80, $0x38;
	[tilespmem:$0x1A100] =	vst v63  }
0x55c: {  	s14 =	sadd.s32 $0x80, s7;
	s15 =	simm.s32 $0x15500  }
0x55d: {  	[hbm4b:s14+s2] =	stream.linear.scatter [tilespmem:s15], [sflag:$0x4], $0x80, $0x38;
	[tilespmem:$0x1A100] =	vst v63  }
0x55e: {  	s16 =	sadd.s32 $0x90, s7;
	s17 =	simm.s32 $0x15588  }
0x55f: {  	[hbm4b:s16+s2] =	stream.linear.scatter [tilespmem:s17], [sflag:$0x4], $0x80, $0x38;
	[tilespmem:$0x1A100] =	vst v63  }
0x560: {  	s10 =	sadd.s32 $0xA0, s7;
	s13 =	simm.s32 $0x15610  }
0x561: {  	[hbm4b:s10+s2] =	stream.linear.scatter [tilespmem:s13], [sflag:$0x4], $0x80, $0x38;
	[tilespmem:$0x1A100] =	vst v63  }
0x562: {  	s14 =	sadd.s32 $0xB0, s7;
	s15 =	simm.s32 $0x15698  }
0x563: {  	[hbm4b:s14+s2] =	stream.linear.scatter [tilespmem:s15], [sflag:$0x4], $0x80, $0x38;
	[tilespmem:$0x1A100] =	vst v63  }
0x564: {  	s16 =	sadd.s32 $0xC0, s7;
	s17 =	simm.s32 $0x15720  }
0x565: {  	[hbm4b:s16+s2] =	stream.linear.scatter [tilespmem:s17], [sflag:$0x4], $0x80, $0x38;
	[tilespmem:$0x1A100] =	vst v63  }
0x566: {  	s10 =	sadd.s32 $0xD0, s7;
	s13 =	simm.s32 $0x157A8  }
0x567: {  	[hbm4b:s10+s2] =	stream.linear.scatter [tilespmem:s13], [sflag:$0x4], $0x80, $0x38;
	[tilespmem:$0x1A100] =	vst v63  }
0x568: {  	s14 =	sadd.s32 $0xE0, s7;
	s15 =	simm.s32 $0x15830  }
0x569: {  	[hbm4b:s14+s2] =	stream.linear.scatter [tilespmem:s15], [sflag:$0x4], $0x80, $0x38;
	[tilespmem:$0x1A100] =	vst v63  }
0x56a: {  	s16 =	sadd.s32 $0xF0, s7;
	s17 =	simm.s32 $0x158B8  }
0x56b: {  	[hbm4b:s16+s2] =	stream.linear.scatter [tilespmem:s17], [sflag:$0x4], $0x80, $0x38;
	[tilespmem:$0x1A100] =	vst v63  }
0x56c: {  	s10 =	sadd.s32 $0x100, s7;
	s13 =	simm.s32 $0x16600  }
0x56d: {  	[hbm4b:s10+s2] =	stream.linear.scatter [tilespmem:s13], [sflag:$0x4], $0x80, $0x38;
	[tilespmem:$0x1A100] =	vst v63  }
0x56e: {  	s14 =	sadd.s32 $0x110, s7;
	s15 =	simm.s32 $0x16688  }
0x56f: {  	[hbm4b:s14+s2] =	stream.linear.scatter [tilespmem:s15], [sflag:$0x4], $0x80, $0x38;
	[tilespmem:$0x1A100] =	vst v63  }
0x570: {  	s16 =	sadd.s32 $0x120, s7;
	s17 =	simm.s32 $0x16710  }
0x571: {  	[hbm4b:s16+s2] =	stream.linear.scatter [tilespmem:s17], [sflag:$0x4], $0x80, $0x38;
	[tilespmem:$0x1A100] =	vst v63  }
0x572: {  	s10 =	sadd.s32 $0x130, s7;
	s13 =	simm.s32 $0x16798  }
0x573: {  	[hbm4b:s10+s2] =	stream.linear.scatter [tilespmem:s13], [sflag:$0x4], $0x80, $0x38;
	[tilespmem:$0x1A100] =	vst v63  }
0x574: {  	s14 =	sadd.s32 $0x140, s7;
	s15 =	simm.s32 $0x16820  }
0x575: {  	[hbm4b:s14+s2] =	stream.linear.scatter [tilespmem:s15], [sflag:$0x4], $0x80, $0x38;
	[tilespmem:$0x1A100] =	vst v63  }
0x576: {  	s16 =	sadd.s32 $0x150, s7;
	s17 =	simm.s32 $0x168A8  }
0x577: {  	[hbm4b:s16+s2] =	stream.linear.scatter [tilespmem:s17], [sflag:$0x4], $0x80, $0x38;
	[tilespmem:$0x1A100] =	vst v63  }
0x578: {  	s10 =	sadd.s32 $0x160, s7;
	s13 =	simm.s32 $0x16930  }
0x579: {  	[hbm4b:s10+s2] =	stream.linear.scatter [tilespmem:s13], [sflag:$0x4], $0x80, $0x38;
	[tilespmem:$0x1A100] =	vst v63  }
0x57a: {  	s14 =	sadd.s32 $0x170, s7;
	s15 =	simm.s32 $0x169B8  }
0x57b: {  	[hbm4b:s14+s2] =	stream.linear.scatter [tilespmem:s15], [sflag:$0x4], $0x80, $0x38;
	[tilespmem:$0x1A100] =	vst v63  }
0x57c: {  	s16 =	sadd.s32 $0x180, s7;
	s17 =	simm.s32 $0x17700  }
0x57d: {  	[hbm4b:s16+s2] =	stream.linear.scatter [tilespmem:s17], [sflag:$0x4], $0x80, $0x38;
	[tilespmem:$0x1A100] =	vst v63  }
0x57e: {  	s10 =	sadd.s32 $0x190, s7;
	s13 =	simm.s32 $0x17788  }
0x57f: {  	[hbm4b:s10+s2] =	stream.linear.scatter [tilespmem:s13], [sflag:$0x4], $0x80, $0x38;
	[tilespmem:$0x1A100] =	vst v63  }
0x580: {  	s14 =	sadd.s32 $0x1A0, s7;
	s15 =	simm.s32 $0x17810  }
0x581: {  	[hbm4b:s14+s2] =	stream.linear.scatter [tilespmem:s15], [sflag:$0x4], $0x80, $0x38;
	[tilespmem:$0x1A100] =	vst v63  }
0x582: {  	s16 =	sadd.s32 $0x1B0, s7;
	s17 =	simm.s32 $0x17898  }
0x583: {  	[hbm4b:s16+s2] =	stream.linear.scatter [tilespmem:s17], [sflag:$0x4], $0x80, $0x38;
	[tilespmem:$0x1A100] =	vst v63  }
0x584: {  	s10 =	sadd.s32 $0x1C0, s7;
	s13 =	simm.s32 $0x17920  }
0x585: {  	[hbm4b:s10+s2] =	stream.linear.scatter [tilespmem:s13], [sflag:$0x4], $0x80, $0x38;
	[tilespmem:$0x1A100] =	vst v63  }
0x586: {  	s14 =	sadd.s32 $0x1D0, s7;
	s15 =	simm.s32 $0x179A8  }
0x587: {  	[hbm4b:s14+s2] =	stream.linear.scatter [tilespmem:s15], [sflag:$0x4], $0x80, $0x38;
	[tilespmem:$0x1A100] =	vst v63  }
0x588: {  	s16 =	sadd.s32 $0x1E0, s7;
	s17 =	simm.s32 $0x17A30  }
0x589: {  	[hbm4b:s16+s2] =	stream.linear.scatter [tilespmem:s17], [sflag:$0x4], $0x80, $0x38;
	[tilespmem:$0x1A100] =	vst v63  }
0x58a: {  	s7 =	sadd.s32 $0x1F0, s7;
	s10 =	simm.s32 $0x17AB8  }
0x58b: {  	[hbm4b:s7+s2] =	stream.linear.scatter [tilespmem:s10], [sflag:$0x4], $0x80, $0x38;
	[tilespmem:$0x1A100] =	vst v63  }
0x58c: {  	s13 =	simm.s32 $0x14840;
	s7 =	sadd.s32 s6, s18  }
0x58d: {  	[hbm4b:s7+s2] =	stream.linear.scatter [tilespmem:s13], [sflag:$0x4], $0x80, $0x38;
	[tilespmem:$0x1A100] =	vst v63  }
0x58e: {  	s15 =	simm.s32 $0x148C8;
	s14 =	sadd.s32 $0x10, s7  }
0x58f: {  	[hbm4b:s14+s2] =	stream.linear.scatter [tilespmem:s15], [sflag:$0x4], $0x80, $0x38;
	[tilespmem:$0x1A100] =	vst v63  }
0x590: {  	s17 =	simm.s32 $0x14950;
	s16 =	sadd.s32 $0x20, s7  }
0x591: {  	[hbm4b:s16+s2] =	stream.linear.scatter [tilespmem:s17], [sflag:$0x4], $0x80, $0x38;
	[tilespmem:$0x1A100] =	vst v63  }
0x592: {  	s10 =	sadd.s32 $0x30, s7;
	s13 =	simm.s32 $0x149D8  }
0x593: {  	[hbm4b:s10+s2] =	stream.linear.scatter [tilespmem:s13], [sflag:$0x4], $0x80, $0x38;
	[tilespmem:$0x1A100] =	vst v63  }
0x594: {  	s14 =	sadd.s32 $0x40, s7;
	s15 =	simm.s32 $0x14A60  }
0x595: {  	[hbm4b:s14+s2] =	stream.linear.scatter [tilespmem:s15], [sflag:$0x4], $0x80, $0x38;
	[tilespmem:$0x1A100] =	vst v63  }
0x596: {  	s16 =	sadd.s32 $0x50, s7;
	s17 =	simm.s32 $0x14AE8  }
0x597: {  	[hbm4b:s16+s2] =	stream.linear.scatter [tilespmem:s17], [sflag:$0x4], $0x80, $0x38;
	[tilespmem:$0x1A100] =	vst v63  }
0x598: {  	s10 =	sadd.s32 $0x60, s7;
	s13 =	simm.s32 $0x14B70  }
0x599: {  	[hbm4b:s10+s2] =	stream.linear.scatter [tilespmem:s13], [sflag:$0x4], $0x80, $0x38;
	[tilespmem:$0x1A100] =	vst v63  }
0x59a: {  	s14 =	sadd.s32 $0x70, s7;
	s15 =	simm.s32 $0x14BF8  }
0x59b: {  	[hbm4b:s14+s2] =	stream.linear.scatter [tilespmem:s15], [sflag:$0x4], $0x80, $0x38;
	[tilespmem:$0x1A100] =	vst v63  }
0x59c: {  	s16 =	sadd.s32 $0x80, s7;
	s17 =	simm.s32 $0x15940  }
0x59d: {  	[hbm4b:s16+s2] =	stream.linear.scatter [tilespmem:s17], [sflag:$0x4], $0x80, $0x38;
	[tilespmem:$0x1A100] =	vst v63  }
0x59e: {  	s10 =	sadd.s32 $0x90, s7;
	s13 =	simm.s32 $0x159C8  }
0x59f: {  	[hbm4b:s10+s2] =	stream.linear.scatter [tilespmem:s13], [sflag:$0x4], $0x80, $0x38;
	[tilespmem:$0x1A100] =	vst v63  }
0x5a0: {  	s14 =	sadd.s32 $0xA0, s7;
	s15 =	simm.s32 $0x15A50  }
0x5a1: {  	[hbm4b:s14+s2] =	stream.linear.scatter [tilespmem:s15], [sflag:$0x4], $0x80, $0x38;
	[tilespmem:$0x1A100] =	vst v63  }
0x5a2: {  	s16 =	sadd.s32 $0xB0, s7;
	s17 =	simm.s32 $0x15AD8  }
0x5a3: {  	[hbm4b:s16+s2] =	stream.linear.scatter [tilespmem:s17], [sflag:$0x4], $0x80, $0x38;
	[tilespmem:$0x1A100] =	vst v63  }
0x5a4: {  	s10 =	sadd.s32 $0xC0, s7;
	s13 =	simm.s32 $0x15B60  }
0x5a5: {  	[hbm4b:s10+s2] =	stream.linear.scatter [tilespmem:s13], [sflag:$0x4], $0x80, $0x38;
	[tilespmem:$0x1A100] =	vst v63  }
0x5a6: {  	s14 =	sadd.s32 $0xD0, s7;
	s15 =	simm.s32 $0x15BE8  }
0x5a7: {  	[hbm4b:s14+s2] =	stream.linear.scatter [tilespmem:s15], [sflag:$0x4], $0x80, $0x38;
	[tilespmem:$0x1A100] =	vst v63  }
0x5a8: {  	s16 =	sadd.s32 $0xE0, s7;
	s17 =	simm.s32 $0x15C70  }
0x5a9: {  	[hbm4b:s16+s2] =	stream.linear.scatter [tilespmem:s17], [sflag:$0x4], $0x80, $0x38;
	[tilespmem:$0x1A100] =	vst v63  }
0x5aa: {  	s10 =	sadd.s32 $0xF0, s7;
	s13 =	simm.s32 $0x15CF8  }
0x5ab: {  	[hbm4b:s10+s2] =	stream.linear.scatter [tilespmem:s13], [sflag:$0x4], $0x80, $0x38;
	[tilespmem:$0x1A100] =	vst v63  }
0x5ac: {  	s14 =	sadd.s32 $0x100, s7;
	s15 =	simm.s32 $0x16A40  }
0x5ad: {  	[hbm4b:s14+s2] =	stream.linear.scatter [tilespmem:s15], [sflag:$0x4], $0x80, $0x38;
	[tilespmem:$0x1A100] =	vst v63  }
0x5ae: {  	s16 =	sadd.s32 $0x110, s7;
	s17 =	simm.s32 $0x16AC8  }
0x5af: {  	[hbm4b:s16+s2] =	stream.linear.scatter [tilespmem:s17], [sflag:$0x4], $0x80, $0x38;
	[tilespmem:$0x1A100] =	vst v63  }
0x5b0: {  	s10 =	sadd.s32 $0x120, s7;
	s13 =	simm.s32 $0x16B50  }
0x5b1: {  	[hbm4b:s10+s2] =	stream.linear.scatter [tilespmem:s13], [sflag:$0x4], $0x80, $0x38;
	[tilespmem:$0x1A100] =	vst v63  }
0x5b2: {  	s14 =	sadd.s32 $0x130, s7;
	s15 =	simm.s32 $0x16BD8  }
0x5b3: {  	[hbm4b:s14+s2] =	stream.linear.scatter [tilespmem:s15], [sflag:$0x4], $0x80, $0x38;
	[tilespmem:$0x1A100] =	vst v63  }
0x5b4: {  	s16 =	sadd.s32 $0x140, s7;
	s17 =	simm.s32 $0x16C60  }
0x5b5: {  	[hbm4b:s16+s2] =	stream.linear.scatter [tilespmem:s17], [sflag:$0x4], $0x80, $0x38;
	[tilespmem:$0x1A100] =	vst v63  }
0x5b6: {  	s10 =	sadd.s32 $0x150, s7;
	s13 =	simm.s32 $0x16CE8  }
0x5b7: {  	[hbm4b:s10+s2] =	stream.linear.scatter [tilespmem:s13], [sflag:$0x4], $0x80, $0x38;
	[tilespmem:$0x1A100] =	vst v63  }
0x5b8: {  	s14 =	sadd.s32 $0x160, s7;
	s15 =	simm.s32 $0x16D70  }
0x5b9: {  	[hbm4b:s14+s2] =	stream.linear.scatter [tilespmem:s15], [sflag:$0x4], $0x80, $0x38;
	[tilespmem:$0x1A100] =	vst v63  }
0x5ba: {  	s16 =	sadd.s32 $0x170, s7;
	s17 =	simm.s32 $0x16DF8  }
0x5bb: {  	[hbm4b:s16+s2] =	stream.linear.scatter [tilespmem:s17], [sflag:$0x4], $0x80, $0x38;
	[tilespmem:$0x1A100] =	vst v63  }
0x5bc: {  	s10 =	sadd.s32 $0x180, s7;
	s13 =	simm.s32 $0x17B40  }
0x5bd: {  	[hbm4b:s10+s2] =	stream.linear.scatter [tilespmem:s13], [sflag:$0x4], $0x80, $0x38;
	[tilespmem:$0x1A100] =	vst v63  }
0x5be: {  	s14 =	sadd.s32 $0x190, s7;
	s15 =	simm.s32 $0x17BC8  }
0x5bf: {  	[hbm4b:s14+s2] =	stream.linear.scatter [tilespmem:s15], [sflag:$0x4], $0x80, $0x38;
	[tilespmem:$0x1A100] =	vst v63  }
0x5c0: {  	s16 =	sadd.s32 $0x1A0, s7;
	s17 =	simm.s32 $0x17C50  }
0x5c1: {  	[hbm4b:s16+s2] =	stream.linear.scatter [tilespmem:s17], [sflag:$0x4], $0x80, $0x38;
	[tilespmem:$0x1A100] =	vst v63  }
0x5c2: {  	s10 =	sadd.s32 $0x1B0, s7;
	s13 =	simm.s32 $0x17CD8  }
0x5c3: {  	[hbm4b:s10+s2] =	stream.linear.scatter [tilespmem:s13], [sflag:$0x4], $0x80, $0x38;
	[tilespmem:$0x1A100] =	vst v63  }
0x5c4: {  	s14 =	sadd.s32 $0x1C0, s7;
	s15 =	simm.s32 $0x17D60  }
0x5c5: {  	[hbm4b:s14+s2] =	stream.linear.scatter [tilespmem:s15], [sflag:$0x4], $0x80, $0x38;
	[tilespmem:$0x1A100] =	vst v63  }
0x5c6: {  	s16 =	sadd.s32 $0x1D0, s7;
	s17 =	simm.s32 $0x17DE8  }
0x5c7: {  	[hbm4b:s16+s2] =	stream.linear.scatter [tilespmem:s17], [sflag:$0x4], $0x80, $0x38;
	[tilespmem:$0x1A100] =	vst v63  }
0x5c8: {  	s10 =	sadd.s32 $0x1E0, s7;
	s13 =	simm.s32 $0x17E70  }
0x5c9: {  	[hbm4b:s10+s2] =	stream.linear.scatter [tilespmem:s13], [sflag:$0x4], $0x80, $0x38;
	[tilespmem:$0x1A100] =	vst v63  }
0x5ca: {  	s7 =	sadd.s32 $0x1F0, s7  }
0x5cb: {  	[hbm4b:s7+s2] =	stream.linear.scatter [tilespmem:s11], [sflag:$0x4], $0x80, $0x38;
	[tilespmem:$0x1A100] =	vst v63  }
0x5cc: {  	s7 =	sadd.s32 s6, s19  }
0x5cd: {  	[hbm4b:s7+s2] =	stream.linear.scatter [tilespmem:s21], [sflag:$0x4], $0x80, $0x38;
	[tilespmem:$0x1A100] =	vst v63  }
0x5ce: {  	s14 =	sadd.s32 $0x10, s7  }
0x5cf: {  	[hbm4b:s14+s2] =	stream.linear.scatter [tilespmem:s24], [sflag:$0x4], $0x80, $0x38;
	[tilespmem:$0x1A100] =	vst v63  }
0x5d0: {  	s15 =	sadd.s32 $0x20, s7  }
0x5d1: {  	[hbm4b:s15+s2] =	stream.linear.scatter [tilespmem:s25], [sflag:$0x4], $0x80, $0x38;
	[tilespmem:$0x1A100] =	vst v63  }
0x5d2: {  	s16 =	sadd.s32 $0x30, s7  }
0x5d3: {  	[hbm4b:s16+s2] =	stream.linear.scatter [tilespmem:s26], [sflag:$0x4], $0x80, $0x38;
	[tilespmem:$0x1A100] =	vst v63  }
0x5d4: {  	s17 =	sadd.s32 $0x40, s7  }
0x5d5: {  	[hbm4b:s17+s2] =	stream.linear.scatter [tilespmem:s28], [sflag:$0x4], $0x80, $0x38;
	[tilespmem:$0x1A100] =	vst v63  }
0x5d6: {  	s13 =	simm.s32 $0x14F28;
	s10 =	sadd.s32 $0x50, s7  }
0x5d7: {  	[hbm4b:s10+s2] =	stream.linear.scatter [tilespmem:s13], [sflag:$0x4], $0x80, $0x38;
	[tilespmem:$0x1A100] =	vst v63  }
0x5d8: {  	s14 =	sadd.s32 $0x60, s7;
	s15 =	simm.s32 $0x14FB0  }
0x5d9: {  	[hbm4b:s14+s2] =	stream.linear.scatter [tilespmem:s15], [sflag:$0x4], $0x80, $0x38;
	[tilespmem:$0x1A100] =	vst v63  }
0x5da: {  	s16 =	sadd.s32 $0x70, s7;
	s17 =	simm.s32 $0x15038  }
0x5db: {  	[hbm4b:s16+s2] =	stream.linear.scatter [tilespmem:s17], [sflag:$0x4], $0x80, $0x38;
	[tilespmem:$0x1A100] =	vst v63  }
0x5dc: {  	s10 =	sadd.s32 $0x80, s7;
	s13 =	simm.s32 $0x15D80  }
0x5dd: {  	[hbm4b:s10+s2] =	stream.linear.scatter [tilespmem:s13], [sflag:$0x4], $0x80, $0x38;
	[tilespmem:$0x1A100] =	vst v63  }
0x5de: {  	s14 =	sadd.s32 $0x90, s7;
	s15 =	simm.s32 $0x15E08  }
0x5df: {  	[hbm4b:s14+s2] =	stream.linear.scatter [tilespmem:s15], [sflag:$0x4], $0x80, $0x38;
	[tilespmem:$0x1A100] =	vst v63  }
0x5e0: {  	s16 =	sadd.s32 $0xA0, s7;
	s17 =	simm.s32 $0x15E90  }
0x5e1: {  	[hbm4b:s16+s2] =	stream.linear.scatter [tilespmem:s17], [sflag:$0x4], $0x80, $0x38;
	[tilespmem:$0x1A100] =	vst v63  }
0x5e2: {  	s10 =	sadd.s32 $0xB0, s7;
	s13 =	simm.s32 $0x15F18  }
0x5e3: {  	[hbm4b:s10+s2] =	stream.linear.scatter [tilespmem:s13], [sflag:$0x4], $0x80, $0x38;
	[tilespmem:$0x1A100] =	vst v63  }
0x5e4: {  	s14 =	sadd.s32 $0xC0, s7;
	s15 =	simm.s32 $0x15FA0  }
0x5e5: {  	[hbm4b:s14+s2] =	stream.linear.scatter [tilespmem:s15], [sflag:$0x4], $0x80, $0x38;
	[tilespmem:$0x1A100] =	vst v63  }
0x5e6: {  	s16 =	sadd.s32 $0xD0, s7;
	s17 =	simm.s32 $0x16028  }
0x5e7: {  	[hbm4b:s16+s2] =	stream.linear.scatter [tilespmem:s17], [sflag:$0x4], $0x80, $0x38;
	[tilespmem:$0x1A100] =	vst v63  }
0x5e8: {  	s10 =	sadd.s32 $0xE0, s7;
	s13 =	simm.s32 $0x160B0  }
0x5e9: {  	[hbm4b:s10+s2] =	stream.linear.scatter [tilespmem:s13], [sflag:$0x4], $0x80, $0x38;
	[tilespmem:$0x1A100] =	vst v63  }
0x5ea: {  	s14 =	sadd.s32 $0xF0, s7;
	s15 =	simm.s32 $0x16138  }
0x5eb: {  	[hbm4b:s14+s2] =	stream.linear.scatter [tilespmem:s15], [sflag:$0x4], $0x80, $0x38;
	[tilespmem:$0x1A100] =	vst v63  }
0x5ec: {  	s16 =	sadd.s32 $0x100, s7;
	s17 =	simm.s32 $0x16E80  }
0x5ed: {  	[hbm4b:s16+s2] =	stream.linear.scatter [tilespmem:s17], [sflag:$0x4], $0x80, $0x38;
	[tilespmem:$0x1A100] =	vst v63  }
0x5ee: {  	s10 =	sadd.s32 $0x110, s7;
	s13 =	simm.s32 $0x16F08  }
0x5ef: {  	[hbm4b:s10+s2] =	stream.linear.scatter [tilespmem:s13], [sflag:$0x4], $0x80, $0x38;
	[tilespmem:$0x1A100] =	vst v63  }
0x5f0: {  	s14 =	sadd.s32 $0x120, s7;
	s15 =	simm.s32 $0x16F90  }
0x5f1: {  	[hbm4b:s14+s2] =	stream.linear.scatter [tilespmem:s15], [sflag:$0x4], $0x80, $0x38;
	[tilespmem:$0x1A100] =	vst v63  }
0x5f2: {  	s16 =	sadd.s32 $0x130, s7;
	s17 =	simm.s32 $0x17018  }
0x5f3: {  	[hbm4b:s16+s2] =	stream.linear.scatter [tilespmem:s17], [sflag:$0x4], $0x80, $0x38;
	[tilespmem:$0x1A100] =	vst v63  }
0x5f4: {  	s10 =	sadd.s32 $0x140, s7;
	s13 =	simm.s32 $0x170A0  }
0x5f5: {  	[hbm4b:s10+s2] =	stream.linear.scatter [tilespmem:s13], [sflag:$0x4], $0x80, $0x38;
	[tilespmem:$0x1A100] =	vst v63  }
0x5f6: {  	s14 =	sadd.s32 $0x150, s7;
	s15 =	simm.s32 $0x17128  }
0x5f7: {  	[hbm4b:s14+s2] =	stream.linear.scatter [tilespmem:s15], [sflag:$0x4], $0x80, $0x38;
	[tilespmem:$0x1A100] =	vst v63  }
0x5f8: {  	s16 =	sadd.s32 $0x160, s7;
	s17 =	simm.s32 $0x171B0  }
0x5f9: {  	[hbm4b:s16+s2] =	stream.linear.scatter [tilespmem:s17], [sflag:$0x4], $0x80, $0x38;
	[tilespmem:$0x1A100] =	vst v63  }
0x5fa: {  	s10 =	sadd.s32 $0x170, s7;
	s13 =	simm.s32 $0x17238  }
0x5fb: {  	[hbm4b:s10+s2] =	stream.linear.scatter [tilespmem:s13], [sflag:$0x4], $0x80, $0x38;
	[tilespmem:$0x1A100] =	vst v63  }
0x5fc: {  	s14 =	sadd.s32 $0x180, s7;
	s15 =	simm.s32 $0x17F80  }
0x5fd: {  	[hbm4b:s14+s2] =	stream.linear.scatter [tilespmem:s15], [sflag:$0x4], $0x80, $0x38;
	[tilespmem:$0x1A100] =	vst v63  }
0x5fe: {  	s16 =	sadd.s32 $0x190, s7;
	s17 =	simm.s32 $0x18008  }
0x5ff: {  	[hbm4b:s16+s2] =	stream.linear.scatter [tilespmem:s17], [sflag:$0x4], $0x80, $0x38;
	[tilespmem:$0x1A100] =	vst v63  }
0x600: {  	s10 =	sadd.s32 $0x1A0, s7;
	s13 =	simm.s32 $0x18090  }
0x601: {  	[hbm4b:s10+s2] =	stream.linear.scatter [tilespmem:s13], [sflag:$0x4], $0x80, $0x38;
	[tilespmem:$0x1A100] =	vst v63  }
0x602: {  	s14 =	sadd.s32 $0x1B0, s7;
	s15 =	simm.s32 $0x18118  }
0x603: {  	[hbm4b:s14+s2] =	stream.linear.scatter [tilespmem:s15], [sflag:$0x4], $0x80, $0x38;
	[tilespmem:$0x1A100] =	vst v63  }
0x604: {  	s16 =	sadd.s32 $0x1C0, s7;
	s17 =	simm.s32 $0x181A0  }
0x605: {  	[hbm4b:s16+s2] =	stream.linear.scatter [tilespmem:s17], [sflag:$0x4], $0x80, $0x38;
	[tilespmem:$0x1A100] =	vst v63  }
0x606: {  	s13 =	sadd.s32 $0x1D0, s7;
	s14 =	simm.s32 $0x18228  }
0x607: {  	[hbm4b:s13+s2] =	stream.linear.scatter [tilespmem:s14], [sflag:$0x4], $0x80, $0x38;
	[tilespmem:$0x1A100] =	vst v63  }
0x608: {  	s15 =	sadd.s32 $0x1E0, s7;
	s16 =	simm.s32 $0x182B0  }
0x609: {  	[hbm4b:s15+s2] =	stream.linear.scatter [tilespmem:s16], [sflag:$0x4], $0x80, $0x38;
	[tilespmem:$0x1A100] =	vst v63  }
0x60a: {  	s7 =	sadd.s32 $0x1F0, s7;
	s17 =	simm.s32 $0x18338  }
0x60b: {  	[hbm4b:s7+s2] =	stream.linear.scatter [tilespmem:s17], [sflag:$0x4], $0x80, $0x38;
	[tilespmem:$0x1A100] =	vst v63  }
0x60c: {  	s9 =	simm.s32 $0x150C0;
	s6 =	sadd.s32 s6, s20  }
0x60d: {  	[hbm4b:s6+s2] =	stream.linear.scatter [tilespmem:s9], [sflag:$0x4], $0x80, $0x38;
	[tilespmem:$0x1A100] =	vst v63  }
0x60e: {  	s10 =	sadd.s32 $0x10, s6;
	s13 =	simm.s32 $0x15148  }
0x60f: {  	[hbm4b:s10+s2] =	stream.linear.scatter [tilespmem:s13], [sflag:$0x4], $0x80, $0x38;
	[tilespmem:$0x1A100] =	vst v63  }
0x610: {  	s14 =	sadd.s32 $0x20, s6;
	s15 =	simm.s32 $0x151D0  }
0x611: {  	[hbm4b:s14+s2] =	stream.linear.scatter [tilespmem:s15], [sflag:$0x4], $0x80, $0x38;
	[tilespmem:$0x1A100] =	vst v63  }
0x612: {  	s16 =	sadd.s32 $0x30, s6;
	s17 =	simm.s32 $0x15258  }
0x613: {  	[hbm4b:s16+s2] =	stream.linear.scatter [tilespmem:s17], [sflag:$0x4], $0x80, $0x38;
	[tilespmem:$0x1A100] =	vst v63  }
0x614: {  	s10 =	sadd.s32 $0x40, s6;
	s13 =	simm.s32 $0x152E0  }
0x615: {  	[hbm4b:s10+s2] =	stream.linear.scatter [tilespmem:s13], [sflag:$0x4], $0x80, $0x38;
	[tilespmem:$0x1A100] =	vst v63  }
0x616: {  	s14 =	sadd.s32 $0x50, s6;
	s15 =	simm.s32 $0x15368  }
0x617: {  	[hbm4b:s14+s2] =	stream.linear.scatter [tilespmem:s15], [sflag:$0x4], $0x80, $0x38;
	[tilespmem:$0x1A100] =	vst v63  }
0x618: {  	s16 =	sadd.s32 $0x60, s6;
	s17 =	simm.s32 $0x153F0  }
0x619: {  	[hbm4b:s16+s2] =	stream.linear.scatter [tilespmem:s17], [sflag:$0x4], $0x80, $0x38;
	[tilespmem:$0x1A100] =	vst v63  }
0x61a: {  	s10 =	sadd.s32 $0x70, s6;
	s13 =	simm.s32 $0x15478  }
0x61b: {  	[hbm4b:s10+s2] =	stream.linear.scatter [tilespmem:s13], [sflag:$0x4], $0x80, $0x38;
	[tilespmem:$0x1A100] =	vst v63  }
0x61c: {  	s14 =	sadd.s32 $0x80, s6;
	s15 =	simm.s32 $0x161C0  }
0x61d: {  	[hbm4b:s14+s2] =	stream.linear.scatter [tilespmem:s15], [sflag:$0x4], $0x80, $0x38;
	[tilespmem:$0x1A100] =	vst v63  }
0x61e: {  	s16 =	sadd.s32 $0x90, s6;
	s17 =	simm.s32 $0x16248  }
0x61f: {  	[hbm4b:s16+s2] =	stream.linear.scatter [tilespmem:s17], [sflag:$0x4], $0x80, $0x38;
	[tilespmem:$0x1A100] =	vst v63  }
0x620: {  	s10 =	sadd.s32 $0xA0, s6;
	s13 =	simm.s32 $0x162D0  }
0x621: {  	[hbm4b:s10+s2] =	stream.linear.scatter [tilespmem:s13], [sflag:$0x4], $0x80, $0x38;
	[tilespmem:$0x1A100] =	vst v63  }
0x622: {  	s14 =	sadd.s32 $0xB0, s6;
	s15 =	simm.s32 $0x16358  }
0x623: {  	[hbm4b:s14+s2] =	stream.linear.scatter [tilespmem:s15], [sflag:$0x4], $0x80, $0x38;
	[tilespmem:$0x1A100] =	vst v63  }
0x624: {  	s16 =	sadd.s32 $0xC0, s6;
	s17 =	simm.s32 $0x163E0  }
0x625: {  	[hbm4b:s16+s2] =	stream.linear.scatter [tilespmem:s17], [sflag:$0x4], $0x80, $0x38;
	[tilespmem:$0x1A100] =	vst v63  }
0x626: {  	s10 =	sadd.s32 $0xD0, s6;
	s13 =	simm.s32 $0x16468  }
0x627: {  	[hbm4b:s10+s2] =	stream.linear.scatter [tilespmem:s13], [sflag:$0x4], $0x80, $0x38;
	[tilespmem:$0x1A100] =	vst v63  }
0x628: {  	s14 =	sadd.s32 $0xE0, s6;
	s15 =	simm.s32 $0x164F0  }
0x629: {  	[hbm4b:s14+s2] =	stream.linear.scatter [tilespmem:s15], [sflag:$0x4], $0x80, $0x38;
	[tilespmem:$0x1A100] =	vst v63  }
0x62a: {  	s16 =	sadd.s32 $0xF0, s6;
	s17 =	simm.s32 $0x16578  }
0x62b: {  	[hbm4b:s16+s2] =	stream.linear.scatter [tilespmem:s17], [sflag:$0x4], $0x80, $0x38;
	[tilespmem:$0x1A100] =	vst v63  }
0x62c: {  	s10 =	sadd.s32 $0x100, s6;
	s13 =	simm.s32 $0x172C0  }
0x62d: {  	[hbm4b:s10+s2] =	stream.linear.scatter [tilespmem:s13], [sflag:$0x4], $0x80, $0x38;
	[tilespmem:$0x1A100] =	vst v63  }
0x62e: {  	s14 =	sadd.s32 $0x110, s6;
	s15 =	simm.s32 $0x17348  }
0x62f: {  	[hbm4b:s14+s2] =	stream.linear.scatter [tilespmem:s15], [sflag:$0x4], $0x80, $0x38;
	[tilespmem:$0x1A100] =	vst v63  }
0x630: {  	s16 =	sadd.s32 $0x120, s6;
	s17 =	simm.s32 $0x173D0  }
0x631: {  	[hbm4b:s16+s2] =	stream.linear.scatter [tilespmem:s17], [sflag:$0x4], $0x80, $0x38;
	[tilespmem:$0x1A100] =	vst v63  }
0x632: {  	s10 =	sadd.s32 $0x130, s6;
	s13 =	simm.s32 $0x17458  }
0x633: {  	[hbm4b:s10+s2] =	stream.linear.scatter [tilespmem:s13], [sflag:$0x4], $0x80, $0x38;
	[tilespmem:$0x1A100] =	vst v63  }
0x634: {  	s14 =	sadd.s32 $0x140, s6;
	s15 =	simm.s32 $0x174E0  }
0x635: {  	[hbm4b:s14+s2] =	stream.linear.scatter [tilespmem:s15], [sflag:$0x4], $0x80, $0x38;
	[tilespmem:$0x1A100] =	vst v63  }
0x636: {  	s16 =	sadd.s32 $0x150, s6;
	s17 =	simm.s32 $0x17568  }
0x637: {  	[hbm4b:s16+s2] =	stream.linear.scatter [tilespmem:s17], [sflag:$0x4], $0x80, $0x38;
	[tilespmem:$0x1A100] =	vst v63  }
0x638: {  	s10 =	sadd.s32 $0x160, s6;
	s13 =	simm.s32 $0x175F0  }
0x639: {  	[hbm4b:s10+s2] =	stream.linear.scatter [tilespmem:s13], [sflag:$0x4], $0x80, $0x38;
	[tilespmem:$0x1A100] =	vst v63  }
0x63a: {  	s14 =	sadd.s32 $0x170, s6;
	s15 =	simm.s32 $0x17678  }
0x63b: {  	[hbm4b:s14+s2] =	stream.linear.scatter [tilespmem:s15], [sflag:$0x4], $0x80, $0x38;
	[tilespmem:$0x1A100] =	vst v63  }
0x63c: {  	s16 =	sadd.s32 $0x180, s6;
	s17 =	simm.s32 $0x183C0  }
0x63d: {  	[hbm4b:s16+s2] =	stream.linear.scatter [tilespmem:s17], [sflag:$0x4], $0x80, $0x38;
	[tilespmem:$0x1A100] =	vst v63  }
0x63e: {  	s10 =	sadd.s32 $0x190, s6;
	s13 =	simm.s32 $0x18448  }
0x63f: {  	[hbm4b:s10+s2] =	stream.linear.scatter [tilespmem:s13], [sflag:$0x4], $0x80, $0x38;
	[tilespmem:$0x1A100] =	vst v63  }
0x640: {  	s14 =	sadd.s32 $0x1A0, s6;
	s15 =	simm.s32 $0x184D0  }
0x641: {  	[hbm4b:s14+s2] =	stream.linear.scatter [tilespmem:s15], [sflag:$0x4], $0x80, $0x38;
	[tilespmem:$0x1A100] =	vst v63  }
0x642: {  	s16 =	sadd.s32 $0x1B0, s6;
	s17 =	simm.s32 $0x18558  }
0x643: {  	[hbm4b:s16+s2] =	stream.linear.scatter [tilespmem:s17], [sflag:$0x4], $0x80, $0x38;
	[tilespmem:$0x1A100] =	vst v63  }
0x644: {  	s31 =	sadd.s32 $0x1, s31;
	s9 =	sadd.s32 $0x1C0, s6;
	s10 =	simm.s32 $0x185E0  }
0x645: {  	[hbm4b:s9+s2] =	stream.linear.scatter [tilespmem:s10], [sflag:$0x4], $0x80, $0x38;
	[tilespmem:$0x1A100] =	vst v63  }
0x646: {  	p0 =	sne.s32 s31, $0x19;
	s13 =	sadd.s32 $0x1D0, s6;
	s14 =	simm.s32 $0x18668  }
0x647: {  	[hbm4b:s13+s2] =	stream.linear.scatter [tilespmem:s14], [sflag:$0x4], $0x80, $0x38;
	[tilespmem:$0x1A100] =	vst v63  }
.Ltmp18:
0x648: {  	_ = 	snop;
	(pc) =	sbr.rel @p0 .LBB2_2-.Ltmp18, $4  }
.Ltmp19:
0x649: {  	s15 =	sadd.s32 $0x1E0, s6;
	s16 =	simm.s32 $0x186F0;
	(pc) =	sbr.rel @!p0 .LBB2_32-.Ltmp19, $4  }
0x64a: {  	[hbm4b:s15+s2] =	stream.linear.scatter [tilespmem:s16], [sflag:$0x4], $0x80, $0x38;
	[tilespmem:$0x1A100] =	vst v63  }
0x64b: {  	s6 =	sadd.s32 $0x1F0, s6;
	s17 =	simm.s32 $0x18778  }
0x64c: {  	v25 =	vld [tilespmem:$0x1FFE0];
	[hbm4b:s6+s2] =	stream.linear.scatter [tilespmem:s17], [sflag:$0x4], $0x80, $0x38  }
0x64d: {  	_ = 	snop  }
.LBB2_12:
0x64e: {  	v28 =	vld [tilespmem:$0x1FEE0]  }
0x64f: {  	v33 =	vld [tilespmem:$0x1FEF0]  }
0x650: {  	v29 =	vld [tilespmem:$0x1FF00]  }
0x651: {  	v27 =	vld [tilespmem:$0x1FFC0]  }
0x652: {  	v32 =	vld [tilespmem:$0x1FFD0]  }
0x653: {  	v37 =	vld [tilespmem:$0x1FE50]  }
.Ltmp20:
0x654: {  	v38 =	vld [tilespmem:$0x1FE60];
	(pc) =	sbr.rel .LBB2_16-.Ltmp20, $4  }
0x655: {  	v39 =	vld [tilespmem:$0x1FE70]  }
0x656: {  	v43 =	vld [tilespmem:$0x1FD40]  }
0x657: {  	v40 =	vld [tilespmem:$0x1FD00]  }
0x658: {  	s7 =	simm.s32 $0xB0F0;
	v41 =	vld [tilespmem:$0x1FD30]  }
.LBB2_26:
0x659: {  	v44 =	vld [tilespmem:$0x1FEC0]  }
0x65a: {  	v31 =	vld [tilespmem:$0x1FED0]  }
0x65b: {  	v26 =	vld [tilespmem:$0x1FEE0]  }
0x65c: {  	v27 =	vld [tilespmem:$0x1FEF0]  }
0x65d: {  	v28 =	vld [tilespmem:$0x1FF00]  }
.Ltmp21:
0x65e: {  	v30 =	vld [tilespmem:$0x1FF10];
	(pc) =	sbr.rel .LBB2_31-.Ltmp21, $4  }
0x65f: {  	v29 =	vld [tilespmem:$0x1FF20]  }
0x660: {  	v33 =	vld [tilespmem:$0x1FF30]  }
0x661: {  	v41 =	vld [tilespmem:$0x1FFC0]  }
0x662: {  	s7 =	simm.s32 $0xF0F0;
	v42 =	vld [tilespmem:$0x1FFD0]  }
.LBB2_8:
.Ltmp22:
0x663: {  	(pc) =	sbr.rel .LBB2_11-.Ltmp22, $2  }
0x664: {  	_ =	sdelay $0x2  }
0x665: {  	s13 =	simm.s32 $0xA0F0;
	v34 =	vld [tilespmem:$0x1FE80]  }
.LBB2_14:
.Ltmp23:
0x666: {  	(pc) =	sbr.rel .LBB2_16-.Ltmp23, $2  }
0x667: {  	_ =	sdelay $0x2  }
0x668: {  	s7 =	simm.s32 $0xB0F0  }
.LBB2_22:
.Ltmp24:
0x669: {  	(pc) =	sbr.rel .LBB2_25-.Ltmp24, $4  }
0x66a: {  	v35 =	vld [tilespmem:$0x1FEA0]  }
0x66b: {  	v36 =	vld [tilespmem:$0x1FEB0]  }
0x66c: {  	v34 =	vld [tilespmem:$0x1FE80];
	v48 =	vmov v49;
	v49 =	vmov v47  }
0x66d: {  	s13 =	simm.s32 $0xE0F0;
	v47 =	vmovc v50;
	v50 =	vmovc v51;
	v51 =	vmov v52;
	v52 =	vmov v53;
	v53 =	vmov v54;
	v54 =	vld [tilespmem:$0x1FFB0]  }
.LBB2_28:
0x66e: {  	v44 =	vld [tilespmem:$0x1FEC0]  }
.Ltmp25:
0x66f: {  	v31 =	vld [tilespmem:$0x1FED0];
	(pc) =	sbr.rel .LBB2_31-.Ltmp25, $4  }
0x670: {  	v26 =	vld [tilespmem:$0x1FEE0]  }
0x671: {  	v27 =	vld [tilespmem:$0x1FEF0]  }
0x672: {  	v28 =	vld [tilespmem:$0x1FF00]  }
0x673: {  	s7 =	simm.s32 $0xF0F0;
	v30 =	vld [tilespmem:$0x1FF10]  }
.LBB2_33:
0x674: {  	_ =	sfence.sel $0x180000  }
0x675: {  	[bflag:$0x0] =	sbarrier.arrive $0xFFFF  }
0x676: {  	_ =	strace $0x90000047  }
0x677: {  	s0 =	stileid.u32;
	[bflag:$0x2] =	sbarrier.arrive $0xFFFF  }
0x678: {  	p0 =	sne.s32 s0, $0x0;
	s0 =	rddreg [dreg:$0x3]  }
0x679: {  	s0 =	sadd.s32 @!p0 $0x100000, s0  }
0x67a: {  	[sflag:s0] =	ssyncadd.tile.s32 @!p0 $0x1;
	_ =	shalt  }
.Lfunc_end2:
_tile_overlayer_lowered:
.L_overlay_start_2:
0x67b: {  	(tag) =	ssettag $0x2  }
0x67c: {  	s0 =	rddreg [dreg:$0x0];
	s2 =	stileid.u32  }
0x67d: {  	s1 =	rddreg [dreg:$0x1];
	p0 =	sne.s32 s2, $0x0  }
0x67e: {  	s3 =	rddreg [dreg:$0x2];
	[bflag:$0x3] =	sbarrier.arrive $0xFFFF;
	s2 =	simm.s32 @!p0 $0x1C06  }
0x67f: {  	[timem:s3], [sflag:s2] =	dma.local @!p0 [hbm:s0], s1  }
0x680: {  	s0 =	simm.s32 @!p0 $0x6  }
0x681: {  	_ =	swait.ge @!p0 [sflag:s0], s1  }
0x682: {  	s1 =	ssub.s32 @!p0 $0x0, s1;
	[sflag:s0] =	ssyncset.done @!p0 $0x0  }
0x683: {  	[sflag:s0] =	ssyncadd.s32 @!p0 s1  }
0x684: {  	[bflag:$0x3] =	sbarrier.arrive $0xFFFF  }
0x685: {  	_ =	shalt  }

</sc_bundles>
